<compile_context>
chip_gen: v7x
topology: tpu7x:2x2x1
jax: 0.10.2.dev20260603
libtpu: 0.0.44.dev20260713+nightly
codegen_flags: <defaults>
</compile_context>

<pallas_src>
import functools

import jax
import jax.numpy as jnp
from jax import lax
from jax.experimental import pallas as pl
from jax.experimental.pallas import tpu as pltpu
from jax.experimental.pallas import tpu_sc as plsc

DIM = 128
NC, NS = 2, 16
NW = NC * NS
CHUNK = 256


def _fold_kernel(emb_ref, w_ref, b_ref, out_ref):
    out_ref[...] = lax.dot_general(
        emb_ref[...], w_ref[...],
        dimension_numbers=(((1,), (1,)), ((), ())),
        preferred_element_type=jnp.float32,
    ) + b_ref[...]


def _fold_table(emb_pad, W, b):
    rows = emb_pad.shape[0]
    return pl.pallas_call(
        _fold_kernel,
        out_shape=jax.ShapeDtypeStruct((rows, DIM), jnp.float32),
    )(emb_pad, W, b.reshape(1, DIM))


@functools.lru_cache(maxsize=None)
def _make_gather(n_total, rows):
    assert n_total % (NW * CHUNK) == 0
    per_w = n_total // NW
    n_chunks = per_w // CHUNK
    assert n_chunks % 2 == 0
    mesh = plsc.VectorSubcoreMesh(
        core_axis_name="c", subcore_axis_name="s",
        num_cores=NC, num_subcores=NS)

    @functools.partial(
        pl.kernel, mesh=mesh,
        out_type=jax.ShapeDtypeStruct((n_total * DIM,), jnp.float32),
        scratch_types=[
            pltpu.VMEM((rows * DIM,), jnp.float32),
            pltpu.VMEM((per_w,), jnp.int32),
            pltpu.VMEM((CHUNK * DIM,), jnp.float32),
            pltpu.VMEM((CHUNK * DIM,), jnp.float32),
            pltpu.SemaphoreType.DMA,
            pltpu.SemaphoreType.DMA,
        ],
        compiler_params=pltpu.CompilerParams(needs_layout_passes=False),
    )
    def gather(table_hbm, idx_hbm, out_hbm, table_v, idx_v, buf_a, buf_b, sa, sb):
        wid = lax.axis_index("s") * NC + lax.axis_index("c")
        base = wid * per_w
        pltpu.sync_copy(table_hbm, table_v)
        pltpu.sync_copy(idx_hbm.at[pl.ds(base, per_w)], idx_v)
        iota = lax.iota(jnp.int32, 16)

        def build(buf, t):
            @plsc.parallel_loop(0, CHUNK // 16, unroll=2)
            def _(g):
                rowbase = g * 16
                idxv = idx_v[pl.ds(t * CHUNK + rowbase, 16)]
                for j in range(16):
                    r = idxv[j]
                    src = r * DIM
                    dst = (rowbase + j) * DIM
                    for c in range(DIM // 16):
                        buf[pl.ds(dst + c * 16, 16)] = (
                            table_v[pl.ds(src + c * 16, 16)])

        def store_start(buf, t, sem):
            off = (base + t * CHUNK) * DIM
            pltpu.async_copy(buf, out_hbm.at[pl.ds(off, CHUNK * DIM)], sem)

        def drain(buf, sem):
            pltpu.make_async_copy(
                buf, out_hbm.at[pl.ds(base * DIM, CHUNK * DIM)], sem).wait()

        @pl.loop(0, n_chunks // 2)
        def _(i):
            t0 = 2 * i

            @pl.when(i > 0)
            def _():
                drain(buf_a, sa)

            build(buf_a, t0)
            store_start(buf_a, t0, sa)

            @pl.when(i > 0)
            def _():
                drain(buf_b, sb)

            build(buf_b, t0 + 1)
            store_start(buf_b, t0 + 1, sb)

        drain(buf_a, sa)
        drain(buf_b, sb)

    return gather


def kernel(x, embed_table, W, b):
    B, C, H, W_ = x.shape
    L = C * H * W_
    idx = x.reshape(-1).astype(jnp.int32)
    vocab = embed_table.shape[0]
    rows = max(8, -(-vocab // 8) * 8)
    emb_pad = jnp.zeros((rows, DIM), embed_table.dtype).at[:vocab].set(embed_table)
    proj = _fold_table(emb_pad, W, b)
    out = _make_gather(idx.shape[0], rows)(proj.reshape(-1), idx)
    return out.reshape(B, L, DIM)

# --- scband reference (transcript-rebuilt; emitter-appended) ---
"""Pipeline reference for scband-grid-embedder-19146964206375 (READ-ONLY COPY).

The authoritative reference and input builder live on the scoring server;
editing this copy changes nothing except your own understanding.
"""

import jax, jax.numpy as jnp
import numpy as np

DIM = 128
VOCAB = 11

def setup_inputs(seed: int = 0) -> dict:
    key = jax.random.key(seed)
    k1, k2, k3, k4 = jax.random.split(key, 4)
    x = jax.random.randint(k1, (256, 1, 32, 32), 0, VOCAB, dtype=jnp.int64)
    embed_table = jax.random.normal(k2, (VOCAB, DIM), dtype=jnp.float32)
    # torch nn.Linear default init (uniform) approximated; exact dist not required for correctness
    bound = 1.0 / np.sqrt(DIM)
    W = jax.random.uniform(k3, (DIM, DIM), dtype=jnp.float32, minval=-bound, maxval=bound)
    b = jax.random.uniform(k4, (DIM,), dtype=jnp.float32, minval=-bound, maxval=bound)
    return {"x": x, "embed_table": embed_table, "W": W, "b": b}

def reference(x, embed_table, W, b):
    B, C, H, W_ = x.shape
    idx = x.reshape(B, H * W_).astype(jnp.int32)
    emb = jnp.take(embed_table, idx, axis=0)  # (B, H*W, dim)
    # torch Linear: y = x @ W.T + b
    out = jnp.einsum('bld,ed->ble', emb, W) + b
    return out

if __name__ == "__main__":
    import jax
    _d = setup_inputs()
    print(jax.jit(kernel)(*tuple(_d.values())))

</pallas_src>

<mosaic_0001>
#map = affine_map<(d0, d1) -> (0)>
module attributes {stable_mosaic.version = 14 : i64} {
  func.func @gather(%arg0: i32, %arg1: i32, %arg2: memref<2048xf32, #tpu.memory_space<hbm>>, %arg3: memref<262144xi32, #tpu.memory_space<hbm>>, %arg4: memref<33554432xf32, #tpu.memory_space<hbm>>, %arg5: memref<2048xf32, #tpu.memory_space<vmem>>, %arg6: memref<8192xi32, #tpu.memory_space<vmem>>, %arg7: memref<32768xf32, #tpu.memory_space<vmem>>, %arg8: memref<32768xf32, #tpu.memory_space<vmem>>, %arg9: memref<!tpu.dma_semaphore, #tpu.memory_space<semaphore_mem>>, %arg10: memref<!tpu.dma_semaphore, #tpu.memory_space<semaphore_mem>>) attributes {dimension_semantics = [#tpu.dimension_semantics<core_parallel>, #tpu.dimension_semantics<subcore_parallel>], iteration_bounds = array<i64: 2, 16>, scalar_prefetch = 0 : i64, scratch_operands = 6 : i64, tpu.core_type = #tpu.core_type<sc_vector_subcore>, window_params = [{transform_indices = #map}, {transform_indices = #map}, {transform_indices = #map}]} {
    %mul3A = arith.constant 2 : i32
    %mul3A_0 = arith.muli %arg1, %mul3A : i32
    %add3A = arith.addi %mul3A_0, %arg0 : i32
    %mul3A_1 = arith.constant 8192 : i32
    %mul3A_2 = arith.muli %add3A, %mul3A_1 : i32
    "tpu.region"() ({
      %run_scoped3A = tpu.sem_alloc : memref<!tpu.dma_semaphore, #tpu.memory_space<semaphore_mem>>
      tpu.enqueue_dma source(%arg2 : memref<2048xf32, #tpu.memory_space<hbm>>) target(%arg5 : memref<2048xf32, #tpu.memory_space<vmem>>) target_semaphore(%run_scoped3A : memref<!tpu.dma_semaphore, #tpu.memory_space<semaphore_mem>>)
      tpu.wait_dma2 semaphore(%run_scoped3A : memref<!tpu.dma_semaphore, #tpu.memory_space<semaphore_mem>>) src(%arg2 : memref<2048xf32, #tpu.memory_space<hbm>>) dst(%arg5 : memref<2048xf32, #tpu.memory_space<vmem>>)
      tpu.yield
    }) : () -> ()
    "tpu.region"() ({
      %run_scoped3A = tpu.sem_alloc : memref<!tpu.dma_semaphore, #tpu.memory_space<semaphore_mem>>
      %dma_start3A = tpu.memref_slice %arg3[%mul3A_2] : memref<262144xi32, #tpu.memory_space<hbm>> -> memref<8192xi32, #tpu.memory_space<hbm>>
      %dma_start3A_14 = tpu.memref_slice %arg3[%mul3A_2] : memref<262144xi32, #tpu.memory_space<hbm>> -> memref<8192xi32, #tpu.memory_space<hbm>>
      tpu.enqueue_dma source(%dma_start3A_14 : memref<8192xi32, #tpu.memory_space<hbm>>) target(%arg6 : memref<8192xi32, #tpu.memory_space<vmem>>) target_semaphore(%run_scoped3A : memref<!tpu.dma_semaphore, #tpu.memory_space<semaphore_mem>>)
      %dma_wait3A_15 = tpu.memref_slice %arg3[%mul3A_2] : memref<262144xi32, #tpu.memory_space<hbm>> -> memref<8192xi32, #tpu.memory_space<hbm>>
      %dma_wait3A_16 = tpu.memref_slice %arg3[%mul3A_2] : memref<262144xi32, #tpu.memory_space<hbm>> -> memref<8192xi32, #tpu.memory_space<hbm>>
      tpu.wait_dma2 semaphore(%run_scoped3A : memref<!tpu.dma_semaphore, #tpu.memory_space<semaphore_mem>>) src(%dma_wait3A_16 : memref<8192xi32, #tpu.memory_space<hbm>>) dst(%arg6 : memref<8192xi32, #tpu.memory_space<vmem>>)
      tpu.yield
    }) : () -> ()
    %iota3A = tpu.iota {dimensions = array<i32: 0>} : vector<16xi32>
    %scan3A = arith.constant 0 : i32
    %scan3A_3 = arith.constant 16 : i32
    %scan3A_4 = arith.addi %scan3A, %scan3A_3 : i32
    %scan3A_5 = arith.constant 1 : i32
    scf.for %scan3A_14 = %scan3A to %scan3A_4 step %scan3A_5  : i32 {
      %mul3A_15 = arith.constant 1 : i32
      %mul3A_16 = arith.muli %scan3A_14, %mul3A_15 : i32
      %add3A_17 = arith.constant 0 : i32
      %add3A_18 = arith.addi %add3A_17, %mul3A_16 : i32
      %mul3A_19 = arith.constant 2 : i32
      %mul3A_20 = arith.muli %mul3A_19, %add3A_18 : i32
      %gt3A = arith.constant 0 : i32
      %gt3A_21 = arith.cmpi sgt, %add3A_18, %gt3A : i32
      %convert_element_type3A = arith.extui %gt3A_21 : i1 to i32
      %cond3A = arith.constant 0 : i32
      %cond3A_22 = arith.cmpi ne, %convert_element_type3A, %cond3A : i32
      scf.if %cond3A_22 {
        %mul3A_50 = arith.constant 128 : i32
        %mul3A_51 = arith.muli %mul3A_2, %mul3A_50 : i32
        %dma_wait3A_52 = tpu.memref_slice %arg4[%mul3A_51] : memref<33554432xf32, #tpu.memory_space<hbm>> -> memref<32768xf32, #tpu.memory_space<hbm>>
        %dma_wait3A_53 = tpu.memref_slice %arg4[%mul3A_51] : memref<33554432xf32, #tpu.memory_space<hbm>> -> memref<32768xf32, #tpu.memory_space<hbm>>
        tpu.wait_dma2 semaphore(%arg9 : memref<!tpu.dma_semaphore, #tpu.memory_space<semaphore_mem>>) src(%arg7 : memref<32768xf32, #tpu.memory_space<vmem>>) dst(%dma_wait3A_53 : memref<32768xf32, #tpu.memory_space<hbm>>)
      } else {
      }
      %parallel_loop3A = arith.constant 0 : i32
      %parallel_loop3A_23 = arith.constant 16 : i32
      %parallel_loop3A_24 = arith.constant 1 : i32
      scf.for %parallel_loop3A_50 = %parallel_loop3A to %parallel_loop3A_23 step %parallel_loop3A_24  : i32 {
        %parallel_loop3A_51 = arith.constant 16 : i32
        %parallel_loop3A_52 = arith.muli %parallel_loop3A_50, %parallel_loop3A_51 : i32
        %parallel_loop3A_53 = arith.constant 256 : i32
        %parallel_loop3A_54 = arith.muli %mul3A_20, %parallel_loop3A_53 : i32
        %parallel_loop3A_55 = arith.addi %parallel_loop3A_54, %parallel_loop3A_52 : i32
        %parallel_loop3A_56 = arith.index_cast %parallel_loop3A_55 : i32 to index
        %parallel_loop3A_57 = tpu.vector_load %arg6[%parallel_loop3A_56] {strides = array<i32>} : memref<8192xi32, #tpu.memory_space<vmem>>, vector<16xi32>,
        %parallel_loop3A_58 = vector.extract_strided_slice %parallel_loop3A_57 {offsets = [0], sizes = [1], strides = [1]} : vector<16xi32> to vector<1xi32>
        %parallel_loop3A_59 = vector.extract %parallel_loop3A_58[0] : i32 from vector<1xi32>
        %parallel_loop3A_60 = arith.constant 128 : i32
        %parallel_loop3A_61 = arith.muli %parallel_loop3A_59, %parallel_loop3A_60 : i32
        %parallel_loop3A_62 = arith.constant 0 : i32
        %parallel_loop3A_63 = arith.addi %parallel_loop3A_52, %parallel_loop3A_62 : i32
        %parallel_loop3A_64 = arith.constant 128 : i32
        %parallel_loop3A_65 = arith.muli %parallel_loop3A_63, %parallel_loop3A_64 : i32
        %parallel_loop3A_66 = arith.constant 0 : i32
        %parallel_loop3A_67 = arith.addi %parallel_loop3A_61, %parallel_loop3A_66 : i32
        %parallel_loop3A_68 = arith.index_cast %parallel_loop3A_67 : i32 to index
        %parallel_loop3A_69 = tpu.vector_load %arg5[%parallel_loop3A_68] {strides = array<i32>} : memref<2048xf32, #tpu.memory_space<vmem>>, vector<16xf32>,
        %parallel_loop3A_70 = arith.constant 0 : i32
        %parallel_loop3A_71 = arith.addi %parallel_loop3A_65, %parallel_loop3A_70 : i32
        %parallel_loop3A_72 = arith.index_cast %parallel_loop3A_71 : i32 to index
        %parallel_loop3A_73 = tpu.vector_load %arg7[%parallel_loop3A_72] {strides = array<i32>} : memref<32768xf32, #tpu.memory_space<vmem>>, vector<16xf32>,
        tpu.vector_store %arg7[%parallel_loop3A_72], %parallel_loop3A_69 {strides = array<i32>} : memref<32768xf32, #tpu.memory_space<vmem>>, vector<16xf32>,
        %parallel_loop3A_74 = arith.constant 16 : i32
        %parallel_loop3A_75 = arith.addi %parallel_loop3A_61, %parallel_loop3A_74 : i32
        %parallel_loop3A_76 = arith.index_cast %parallel_loop3A_75 : i32 to index
        %parallel_loop3A_77 = tpu.vector_load %arg5[%parallel_loop3A_76] {strides = array<i32>} : memref<2048xf32, #tpu.memory_space<vmem>>, vector<16xf32>,
        %parallel_loop3A_78 = arith.constant 16 : i32
        %parallel_loop3A_79 = arith.addi %parallel_loop3A_65, %parallel_loop3A_78 : i32
        %parallel_loop3A_80 = arith.index_cast %parallel_loop3A_79 : i32 to index
        %parallel_loop3A_81 = tpu.vector_load %arg7[%parallel_loop3A_80] {strides = array<i32>} : memref<32768xf32, #tpu.memory_space<vmem>>, vector<16xf32>,
        tpu.vector_store %arg7[%parallel_loop3A_80], %parallel_loop3A_77 {strides = array<i32>} : memref<32768xf32, #tpu.memory_space<vmem>>, vector<16xf32>,
        %parallel_loop3A_82 = arith.constant 32 : i32
        %parallel_loop3A_83 = arith.addi %parallel_loop3A_61, %parallel_loop3A_82 : i32
        %parallel_loop3A_84 = arith.index_cast %parallel_loop3A_83 : i32 to index
        %parallel_loop3A_85 = tpu.vector_load %arg5[%parallel_loop3A_84] {strides = array<i32>} : memref<2048xf32, #tpu.memory_space<vmem>>, vector<16xf32>,
        %parallel_loop3A_86 = arith.constant 32 : i32
        %parallel_loop3A_87 = arith.addi %parallel_loop3A_65, %parallel_loop3A_86 : i32
        %parallel_loop3A_88 = arith.index_cast %parallel_loop3A_87 : i32 to index
        %parallel_loop3A_89 = tpu.vector_load %arg7[%parallel_loop3A_88] {strides = array<i32>} : memref<32768xf32, #tpu.memory_space<vmem>>, vector<16xf32>,
        tpu.vector_store %arg7[%parallel_loop3A_88], %parallel_loop3A_85 {strides = array<i32>} : memref<32768xf32, #tpu.memory_space<vmem>>, vector<16xf32>,
        %parallel_loop3A_90 = arith.constant 48 : i32
        %parallel_loop3A_91 = arith.addi %parallel_loop3A_61, %parallel_loop3A_90 : i32
        %parallel_loop3A_92 = arith.index_cast %parallel_loop3A_91 : i32 to index
        %parallel_loop3A_93 = tpu.vector_load %arg5[%parallel_loop3A_92] {strides = array<i32>} : memref<2048xf32, #tpu.memory_space<vmem>>, vector<16xf32>,
        %parallel_loop3A_94 = arith.constant 48 : i32
        %parallel_loop3A_95 = arith.addi %parallel_loop3A_65, %parallel_loop3A_94 : i32
        %parallel_loop3A_96 = arith.index_cast %parallel_loop3A_95 : i32 to index
        %parallel_loop3A_97 = tpu.vector_load %arg7[%parallel_loop3A_96] {strides = array<i32>} : memref<32768xf32, #tpu.memory_space<vmem>>, vector<16xf32>,
        tpu.vector_store %arg7[%parallel_loop3A_96], %parallel_loop3A_93 {strides = array<i32>} : memref<32768xf32, #tpu.memory_space<vmem>>, vector<16xf32>,
        %parallel_loop3A_98 = arith.constant 64 : i32
        %parallel_loop3A_99 = arith.addi %parallel_loop3A_61, %parallel_loop3A_98 : i32
        %parallel_loop3A_100 = arith.index_cast %parallel_loop3A_99 : i32 to index
        %parallel_loop3A_101 = tpu.vector_load %arg5[%parallel_loop3A_100] {strides = array<i32>} : memref<2048xf32, #tpu.memory_space<vmem>>, vector<16xf32>,
        %parallel_loop3A_102 = arith.constant 64 : i32
        %parallel_loop3A_103 = arith.addi %parallel_loop3A_65, %parallel_loop3A_102 : i32
        %parallel_loop3A_104 = arith.index_cast %parallel_loop3A_103 : i32 to index
        %parallel_loop3A_105 = tpu.vector_load %arg7[%parallel_loop3A_104] {strides = array<i32>} : memref<32768xf32, #tpu.memory_space<vmem>>, vector<16xf32>,
        tpu.vector_store %arg7[%parallel_loop3A_104], %parallel_loop3A_101 {strides = array<i32>} : memref<32768xf32, #tpu.memory_space<vmem>>, vector<16xf32>,
        %parallel_loop3A_106 = arith.constant 80 : i32
        %parallel_loop3A_107 = arith.addi %parallel_loop3A_61, %parallel_loop3A_106 : i32
        %parallel_loop3A_108 = arith.index_cast %parallel_loop3A_107 : i32 to index
        %parallel_loop3A_109 = tpu.vector_load %arg5[%parallel_loop3A_108] {strides = array<i32>} : memref<2048xf32, #tpu.memory_space<vmem>>, vector<16xf32>,
        %parallel_loop3A_110 = arith.constant 80 : i32
        %parallel_loop3A_111 = arith.addi %parallel_loop3A_65, %parallel_loop3A_110 : i32
        %parallel_loop3A_112 = arith.index_cast %parallel_loop3A_111 : i32 to index
        %parallel_loop3A_113 = tpu.vector_load %arg7[%parallel_loop3A_112] {strides = array<i32>} : memref<32768xf32, #tpu.memory_space<vmem>>, vector<16xf32>,
        tpu.vector_store %arg7[%parallel_loop3A_112], %parallel_loop3A_109 {strides = array<i32>} : memref<32768xf32, #tpu.memory_space<vmem>>, vector<16xf32>,
        %parallel_loop3A_114 = arith.constant 96 : i32
        %parallel_loop3A_115 = arith.addi %parallel_loop3A_61, %parallel_loop3A_114 : i32
        %parallel_loop3A_116 = arith.index_cast %parallel_loop3A_115 : i32 to index
        %parallel_loop3A_117 = tpu.vector_load %arg5[%parallel_loop3A_116] {strides = array<i32>} : memref<2048xf32, #tpu.memory_space<vmem>>, vector<16xf32>,
        %parallel_loop3A_118 = arith.constant 96 : i32
        %parallel_loop3A_119 = arith.addi %parallel_loop3A_65, %parallel_loop3A_118 : i32
        %parallel_loop3A_120 = arith.index_cast %parallel_loop3A_119 : i32 to index
        %parallel_loop3A_121 = tpu.vector_load %arg7[%parallel_loop3A_120] {strides = array<i32>} : memref<32768xf32, #tpu.memory_space<vmem>>, vector<16xf32>,
        tpu.vector_store %arg7[%parallel_loop3A_120], %parallel_loop3A_117 {strides = array<i32>} : memref<32768xf32, #tpu.memory_space<vmem>>, vector<16xf32>,
        %parallel_loop3A_122 = arith.constant 112 : i32
        %parallel_loop3A_123 = arith.addi %parallel_loop3A_61, %parallel_loop3A_122 : i32
        %parallel_loop3A_124 = arith.index_cast %parallel_loop3A_123 : i32 to index
        %parallel_loop3A_125 = tpu.vector_load %arg5[%parallel_loop3A_124] {strides = array<i32>} : memref<2048xf32, #tpu.memory_space<vmem>>, vector<16xf32>,
        %parallel_loop3A_126 = arith.constant 112 : i32
        %parallel_loop3A_127 = arith.addi %parallel_loop3A_65, %parallel_loop3A_126 : i32
        %parallel_loop3A_128 = arith.index_cast %parallel_loop3A_127 : i32 to index
        %parallel_loop3A_129 = tpu.vector_load %arg7[%parallel_loop3A_128] {strides = array<i32>} : memref<32768xf32, #tpu.memory_space<vmem>>, vector<16xf32>,
        tpu.vector_store %arg7[%parallel_loop3A_128], %parallel_loop3A_125 {strides = array<i32>} : memref<32768xf32, #tpu.memory_space<vmem>>, vector<16xf32>,
        %parallel_loop3A_130 = vector.extract_strided_slice %parallel_loop3A_57 {offsets = [1], sizes = [1], strides = [1]} : vector<16xi32> to vector<1xi32>
        %parallel_loop3A_131 = vector.extract %parallel_loop3A_130[0] : i32 from vector<1xi32>
        %parallel_loop3A_132 = arith.constant 128 : i32
        %parallel_loop3A_133 = arith.muli %parallel_loop3A_131, %parallel_loop3A_132 : i32
        %parallel_loop3A_134 = arith.constant 1 : i32
        %parallel_loop3A_135 = arith.addi %parallel_loop3A_52, %parallel_loop3A_134 : i32
        %parallel_loop3A_136 = arith.constant 128 : i32
        %parallel_loop3A_137 = arith.muli %parallel_loop3A_135, %parallel_loop3A_136 : i32
        %parallel_loop3A_138 = arith.constant 0 : i32
        %parallel_loop3A_139 = arith.addi %parallel_loop3A_133, %parallel_loop3A_138 : i32
        %parallel_loop3A_140 = arith.index_cast %parallel_loop3A_139 : i32 to index
        %parallel_loop3A_141 = tpu.vector_load %arg5[%parallel_loop3A_140] {strides = array<i32>} : memref<2048xf32, #tpu.memory_space<vmem>>, vector<16xf32>,
        %parallel_loop3A_142 = arith.constant 0 : i32
        %parallel_loop3A_143 = arith.addi %parallel_loop3A_137, %parallel_loop3A_142 : i32
        %parallel_loop3A_144 = arith.index_cast %parallel_loop3A_143 : i32 to index
        %parallel_loop3A_145 = tpu.vector_load %arg7[%parallel_loop3A_144] {strides = array<i32>} : memref<32768xf32, #tpu.memory_space<vmem>>, vector<16xf32>,
        tpu.vector_store %arg7[%parallel_loop3A_144], %parallel_loop3A_141 {strides = array<i32>} : memref<32768xf32, #tpu.memory_space<vmem>>, vector<16xf32>,
        %parallel_loop3A_146 = arith.constant 16 : i32
        %parallel_loop3A_147 = arith.addi %parallel_loop3A_133, %parallel_loop3A_146 : i32
        %parallel_loop3A_148 = arith.index_cast %parallel_loop3A_147 : i32 to index
        %parallel_loop3A_149 = tpu.vector_load %arg5[%parallel_loop3A_148] {strides = array<i32>} : memref<2048xf32, #tpu.memory_space<vmem>>, vector<16xf32>,
        %parallel_loop3A_150 = arith.constant 16 : i32
        %parallel_loop3A_151 = arith.addi %parallel_loop3A_137, %parallel_loop3A_150 : i32
        %parallel_loop3A_152 = arith.index_cast %parallel_loop3A_151 : i32 to index
        %parallel_loop3A_153 = tpu.vector_load %arg7[%parallel_loop3A_152] {strides = array<i32>} : memref<32768xf32, #tpu.memory_space<vmem>>, vector<16xf32>,
        tpu.vector_store %arg7[%parallel_loop3A_152], %parallel_loop3A_149 {strides = array<i32>} : memref<32768xf32, #tpu.memory_space<vmem>>, vector<16xf32>,
        %parallel_loop3A_154 = arith.constant 32 : i32
        %parallel_loop3A_155 = arith.addi %parallel_loop3A_133, %parallel_loop3A_154 : i32
        %parallel_loop3A_156 = arith.index_cast %parallel_loop3A_155 : i32 to index
        %parallel_loop3A_157 = tpu.vector_load %arg5[%parallel_loop3A_156] {strides = array<i32>} : memref<2048xf32, #tpu.memory_space<vmem>>, vector<16xf32>,
        %parallel_loop3A_158 = arith.constant 32 : i32
        %parallel_loop3A_159 = arith.addi %parallel_loop3A_137, %parallel_loop3A_158 : i32
        %parallel_loop3A_160 = arith.index_cast %parallel_loop3A_159 : i32 to index
        %parallel_loop3A_161 = tpu.vector_load %arg7[%parallel_loop3A_160] {strides = array<i32>} : memref<32768xf32, #tpu.memory_space<vmem>>, vector<16xf32>,
        tpu.vector_store %arg7[%parallel_loop3A_160], %parallel_loop3A_157 {strides = array<i32>} : memref<32768xf32, #tpu.memory_space<vmem>>, vector<16xf32>,
        %parallel_loop3A_162 = arith.constant 48 : i32
        %parallel_loop3A_163 = arith.addi %parallel_loop3A_133, %parallel_loop3A_162 : i32
        %parallel_loop3A_164 = arith.index_cast %parallel_loop3A_163 : i32 to index
        %parallel_loop3A_165 = tpu.vector_load %arg5[%parallel_loop3A_164] {strides = array<i32>} : memref<2048xf32, #tpu.memory_space<vmem>>, vector<16xf32>,
        %parallel_loop3A_166 = arith.constant 48 : i32
        %parallel_loop3A_167 = arith.addi %parallel_loop3A_137, %parallel_loop3A_166 : i32
        %parallel_loop3A_168 = arith.index_cast %parallel_loop3A_167 : i32 to index
        %parallel_loop3A_169 = tpu.vector_load %arg7[%parallel_loop3A_168] {strides = array<i32>} : memref<32768xf32, #tpu.memory_space<vmem>>, vector<16xf32>,
        tpu.vector_store %arg7[%parallel_loop3A_168], %parallel_loop3A_165 {strides = array<i32>} : memref<32768xf32, #tpu.memory_space<vmem>>, vector<16xf32>,
        %parallel_loop3A_170 = arith.constant 64 : i32
        %parallel_loop3A_171 = arith.addi %parallel_loop3A_133, %parallel_loop3A_170 : i32
        %parallel_loop3A_172 = arith.index_cast %parallel_loop3A_171 : i32 to index
        %parallel_loop3A_173 = tpu.vector_load %arg5[%parallel_loop3A_172] {strides = array<i32>} : memref<2048xf32, #tpu.memory_space<vmem>>, vector<16xf32>,
        %parallel_loop3A_174 = arith.constant 64 : i32
        %parallel_loop3A_175 = arith.addi %parallel_loop3A_137, %parallel_loop3A_174 : i32
        %parallel_loop3A_176 = arith.index_cast %parallel_loop3A_175 : i32 to index
        %parallel_loop3A_177 = tpu.vector_load %arg7[%parallel_loop3A_176] {strides = array<i32>} : memref<32768xf32, #tpu.memory_space<vmem>>, vector<16xf32>,
        tpu.vector_store %arg7[%parallel_loop3A_176], %parallel_loop3A_173 {strides = array<i32>} : memref<32768xf32, #tpu.memory_space<vmem>>, vector<16xf32>,
        %parallel_loop3A_178 = arith.constant 80 : i32
        %parallel_loop3A_179 = arith.addi %parallel_loop3A_133, %parallel_loop3A_178 : i32
        %parallel_loop3A_180 = arith.index_cast %parallel_loop3A_179 : i32 to index
        %parallel_loop3A_181 = tpu.vector_load %arg5[%parallel_loop3A_180] {strides = array<i32>} : memref<2048xf32, #tpu.memory_space<vmem>>, vector<16xf32>,
        %parallel_loop3A_182 = arith.constant 80 : i32
        %parallel_loop3A_183 = arith.addi %parallel_loop3A_137, %parallel_loop3A_182 : i32
        %parallel_loop3A_184 = arith.index_cast %parallel_loop3A_183 : i32 to index
        %parallel_loop3A_185 = tpu.vector_load %arg7[%parallel_loop3A_184] {strides = array<i32>} : memref<32768xf32, #tpu.memory_space<vmem>>, vector<16xf32>,
        tpu.vector_store %arg7[%parallel_loop3A_184], %parallel_loop3A_181 {strides = array<i32>} : memref<32768xf32, #tpu.memory_space<vmem>>, vector<16xf32>,
        %parallel_loop3A_186 = arith.constant 96 : i32
        %parallel_loop3A_187 = arith.addi %parallel_loop3A_133, %parallel_loop3A_186 : i32
        %parallel_loop3A_188 = arith.index_cast %parallel_loop3A_187 : i32 to index
        %parallel_loop3A_189 = tpu.vector_load %arg5[%parallel_loop3A_188] {strides = array<i32>} : memref<2048xf32, #tpu.memory_space<vmem>>, vector<16xf32>,
        %parallel_loop3A_190 = arith.constant 96 : i32
        %parallel_loop3A_191 = arith.addi %parallel_loop3A_137, %parallel_loop3A_190 : i32
        %parallel_loop3A_192 = arith.index_cast %parallel_loop3A_191 : i32 to index
        %parallel_loop3A_193 = tpu.vector_load %arg7[%parallel_loop3A_192] {strides = array<i32>} : memref<32768xf32, #tpu.memory_space<vmem>>, vector<16xf32>,
        tpu.vector_store %arg7[%parallel_loop3A_192], %parallel_loop3A_189 {strides = array<i32>} : memref<32768xf32, #tpu.memory_space<vmem>>, vector<16xf32>,
        %parallel_loop3A_194 = arith.constant 112 : i32
        %parallel_loop3A_195 = arith.addi %parallel_loop3A_133, %parallel_loop3A_194 : i32
        %parallel_loop3A_196 = arith.index_cast %parallel_loop3A_195 : i32 to index
        %parallel_loop3A_197 = tpu.vector_load %arg5[%parallel_loop3A_196] {strides = array<i32>} : memref<2048xf32, #tpu.memory_space<vmem>>, vector<16xf32>,
        %parallel_loop3A_198 = arith.constant 112 : i32
        %parallel_loop3A_199 = arith.addi %parallel_loop3A_137, %parallel_loop3A_198 : i32
        %parallel_loop3A_200 = arith.index_cast %parallel_loop3A_199 : i32 to index
        %parallel_loop3A_201 = tpu.vector_load %arg7[%parallel_loop3A_200] {strides = array<i32>} : memref<32768xf32, #tpu.memory_space<vmem>>, vector<16xf32>,
        tpu.vector_store %arg7[%parallel_loop3A_200], %parallel_loop3A_197 {strides = array<i32>} : memref<32768xf32, #tpu.memory_space<vmem>>, vector<16xf32>,
        %parallel_loop3A_202 = vector.extract_strided_slice %parallel_loop3A_57 {offsets = [2], sizes = [1], strides = [1]} : vector<16xi32> to vector<1xi32>
        %parallel_loop3A_203 = vector.extract %parallel_loop3A_202[0] : i32 from vector<1xi32>
        %parallel_loop3A_204 = arith.constant 128 : i32
        %parallel_loop3A_205 = arith.muli %parallel_loop3A_203, %parallel_loop3A_204 : i32
        %parallel_loop3A_206 = arith.constant 2 : i32
        %parallel_loop3A_207 = arith.addi %parallel_loop3A_52, %parallel_loop3A_206 : i32
        %parallel_loop3A_208 = arith.constant 128 : i32
        %parallel_loop3A_209 = arith.muli %parallel_loop3A_207, %parallel_loop3A_208 : i32
        %parallel_loop3A_210 = arith.constant 0 : i32
        %parallel_loop3A_211 = arith.addi %parallel_loop3A_205, %parallel_loop3A_210 : i32
        %parallel_loop3A_212 = arith.index_cast %parallel_loop3A_211 : i32 to index
        %parallel_loop3A_213 = tpu.vector_load %arg5[%parallel_loop3A_212] {strides = array<i32>} : memref<2048xf32, #tpu.memory_space<vmem>>, vector<16xf32>,
        %parallel_loop3A_214 = arith.constant 0 : i32
        %parallel_loop3A_215 = arith.addi %parallel_loop3A_209, %parallel_loop3A_214 : i32
        %parallel_loop3A_216 = arith.index_cast %parallel_loop3A_215 : i32 to index
        %parallel_loop3A_217 = tpu.vector_load %arg7[%parallel_loop3A_216] {strides = array<i32>} : memref<32768xf32, #tpu.memory_space<vmem>>, vector<16xf32>,
        tpu.vector_store %arg7[%parallel_loop3A_216], %parallel_loop3A_213 {strides = array<i32>} : memref<32768xf32, #tpu.memory_space<vmem>>, vector<16xf32>,
        %parallel_loop3A_218 = arith.constant 16 : i32
        %parallel_loop3A_219 = arith.addi %parallel_loop3A_205, %parallel_loop3A_218 : i32
        %parallel_loop3A_220 = arith.index_cast %parallel_loop3A_219 : i32 to index
        %parallel_loop3A_221 = tpu.vector_load %arg5[%parallel_loop3A_220] {strides = array<i32>} : memref<2048xf32, #tpu.memory_space<vmem>>, vector<16xf32>,
        %parallel_loop3A_222 = arith.constant 16 : i32
        %parallel_loop3A_223 = arith.addi %parallel_loop3A_209, %parallel_loop3A_222 : i32
        %parallel_loop3A_224 = arith.index_cast %parallel_loop3A_223 : i32 to index
        %parallel_loop3A_225 = tpu.vector_load %arg7[%parallel_loop3A_224] {strides = array<i32>} : memref<32768xf32, #tpu.memory_space<vmem>>, vector<16xf32>,
        tpu.vector_store %arg7[%parallel_loop3A_224], %parallel_loop3A_221 {strides = array<i32>} : memref<32768xf32, #tpu.memory_space<vmem>>, vector<16xf32>,
        %parallel_loop3A_226 = arith.constant 32 : i32
        %parallel_loop3A_227 = arith.addi %parallel_loop3A_205, %parallel_loop3A_226 : i32
        %parallel_loop3A_228 = arith.index_cast %parallel_loop3A_227 : i32 to index
        %parallel_loop3A_229 = tpu.vector_load %arg5[%parallel_loop3A_228] {strides = array<i32>} : memref<2048xf32, #tpu.memory_space<vmem>>, vector<16xf32>,
        %parallel_loop3A_230 = arith.constant 32 : i32
        %parallel_loop3A_231 = arith.addi %parallel_loop3A_209, %parallel_loop3A_230 : i32
        %parallel_loop3A_232 = arith.index_cast %parallel_loop3A_231 : i32 to index
        %parallel_loop3A_233 = tpu.vector_load %arg7[%parallel_loop3A_232] {strides = array<i32>} : memref<32768xf32, #tpu.memory_space<vmem>>, vector<16xf32>,
        tpu.vector_store %arg7[%parallel_loop3A_232], %parallel_loop3A_229 {strides = array<i32>} : memref<32768xf32, #tpu.memory_space<vmem>>, vector<16xf32>,
        %parallel_loop3A_234 = arith.constant 48 : i32
        %parallel_loop3A_235 = arith.addi %parallel_loop3A_205, %parallel_loop3A_234 : i32
        %parallel_loop3A_236 = arith.index_cast %parallel_loop3A_235 : i32 to index
        %parallel_loop3A_237 = tpu.vector_load %arg5[%parallel_loop3A_236] {strides = array<i32>} : memref<2048xf32, #tpu.memory_space<vmem>>, vector<16xf32>,
        %parallel_loop3A_238 = arith.constant 48 : i32
        %parallel_loop3A_239 = arith.addi %parallel_loop3A_209, %parallel_loop3A_238 : i32
        %parallel_loop3A_240 = arith.index_cast %parallel_loop3A_239 : i32 to index
        %parallel_loop3A_241 = tpu.vector_load %arg7[%parallel_loop3A_240] {strides = array<i32>} : memref<32768xf32, #tpu.memory_space<vmem>>, vector<16xf32>,
        tpu.vector_store %arg7[%parallel_loop3A_240], %parallel_loop3A_237 {strides = array<i32>} : memref<32768xf32, #tpu.memory_space<vmem>>, vector<16xf32>,
        %parallel_loop3A_242 = arith.constant 64 : i32
        %parallel_loop3A_243 = arith.addi %parallel_loop3A_205, %parallel_loop3A_242 : i32
        %parallel_loop3A_244 = arith.index_cast %parallel_loop3A_243 : i32 to index
        %parallel_loop3A_245 = tpu.vector_load %arg5[%parallel_loop3A_244] {strides = array<i32>} : memref<2048xf32, #tpu.memory_space<vmem>>, vector<16xf32>,
        %parallel_loop3A_246 = arith.constant 64 : i32
        %parallel_loop3A_247 = arith.addi %parallel_loop3A_209, %parallel_loop3A_246 : i32
        %parallel_loop3A_248 = arith.index_cast %parallel_loop3A_247 : i32 to index
        %parallel_loop3A_249 = tpu.vector_load %arg7[%parallel_loop3A_248] {strides = array<i32>} : memref<32768xf32, #tpu.memory_space<vmem>>, vector<16xf32>,
        tpu.vector_store %arg7[%parallel_loop3A_248], %parallel_loop3A_245 {strides = array<i32>} : memref<32768xf32, #tpu.memory_space<vmem>>, vector<16xf32>,
        %parallel_loop3A_250 = arith.constant 80 : i32
        %parallel_loop3A_251 = arith.addi %parallel_loop3A_205, %parallel_loop3A_250 : i32
        %parallel_loop3A_252 = arith.index_cast %parallel_loop3A_251 : i32 to index
        %parallel_loop3A_253 = tpu.vector_load %arg5[%parallel_loop3A_252] {strides = array<i32>} : memref<2048xf32, #tpu.memory_space<vmem>>, vector<16xf32>,
        %parallel_loop3A_254 = arith.constant 80 : i32
        %parallel_loop3A_255 = arith.addi %parallel_loop3A_209, %parallel_loop3A_254 : i32
        %parallel_loop3A_256 = arith.index_cast %parallel_loop3A_255 : i32 to index
        %parallel_loop3A_257 = tpu.vector_load %arg7[%parallel_loop3A_256] {strides = array<i32>} : memref<32768xf32, #tpu.memory_space<vmem>>, vector<16xf32>,
        tpu.vector_store %arg7[%parallel_loop3A_256], %parallel_loop3A_253 {strides = array<i32>} : memref<32768xf32, #tpu.memory_space<vmem>>, vector<16xf32>,
        %parallel_loop3A_258 = arith.constant 96 : i32
        %parallel_loop3A_259 = arith.addi %parallel_loop3A_205, %parallel_loop3A_258 : i32
        %parallel_loop3A_260 = arith.index_cast %parallel_loop3A_259 : i32 to index
        %parallel_loop3A_261 = tpu.vector_load %arg5[%parallel_loop3A_260] {strides = array<i32>} : memref<2048xf32, #tpu.memory_space<vmem>>, vector<16xf32>,
        %parallel_loop3A_262 = arith.constant 96 : i32
        %parallel_loop3A_263 = arith.addi %parallel_loop3A_209, %parallel_loop3A_262 : i32
        %parallel_loop3A_264 = arith.index_cast %parallel_loop3A_263 : i32 to index
        %parallel_loop3A_265 = tpu.vector_load %arg7[%parallel_loop3A_264] {strides = array<i32>} : memref<32768xf32, #tpu.memory_space<vmem>>, vector<16xf32>,
        tpu.vector_store %arg7[%parallel_loop3A_264], %parallel_loop3A_261 {strides = array<i32>} : memref<32768xf32, #tpu.memory_space<vmem>>, vector<16xf32>,
        %parallel_loop3A_266 = arith.constant 112 : i32
        %parallel_loop3A_267 = arith.addi %parallel_loop3A_205, %parallel_loop3A_266 : i32
        %parallel_loop3A_268 = arith.index_cast %parallel_loop3A_267 : i32 to index
        %parallel_loop3A_269 = tpu.vector_load %arg5[%parallel_loop3A_268] {strides = array<i32>} : memref<2048xf32, #tpu.memory_space<vmem>>, vector<16xf32>,
        %parallel_loop3A_270 = arith.constant 112 : i32
        %parallel_loop3A_271 = arith.addi %parallel_loop3A_209, %parallel_loop3A_270 : i32
        %parallel_loop3A_272 = arith.index_cast %parallel_loop3A_271 : i32 to index
        %parallel_loop3A_273 = tpu.vector_load %arg7[%parallel_loop3A_272] {strides = array<i32>} : memref<32768xf32, #tpu.memory_space<vmem>>, vector<16xf32>,
        tpu.vector_store %arg7[%parallel_loop3A_272], %parallel_loop3A_269 {strides = array<i32>} : memref<32768xf32, #tpu.memory_space<vmem>>, vector<16xf32>,
        %parallel_loop3A_274 = vector.extract_strided_slice %parallel_loop3A_57 {offsets = [3], sizes = [1], strides = [1]} : vector<16xi32> to vector<1xi32>
        %parallel_loop3A_275 = vector.extract %parallel_loop3A_274[0] : i32 from vector<1xi32>
        %parallel_loop3A_276 = arith.constant 128 : i32
        %parallel_loop3A_277 = arith.muli %parallel_loop3A_275, %parallel_loop3A_276 : i32
        %parallel_loop3A_278 = arith.constant 3 : i32
        %parallel_loop3A_279 = arith.addi %parallel_loop3A_52, %parallel_loop3A_278 : i32
        %parallel_loop3A_280 = arith.constant 128 : i32
        %parallel_loop3A_281 = arith.muli %parallel_loop3A_279, %parallel_loop3A_280 : i32
        %parallel_loop3A_282 = arith.constant 0 : i32
        %parallel_loop3A_283 = arith.addi %parallel_loop3A_277, %parallel_loop3A_282 : i32
        %parallel_loop3A_284 = arith.index_cast %parallel_loop3A_283 : i32 to index
        %parallel_loop3A_285 = tpu.vector_load %arg5[%parallel_loop3A_284] {strides = array<i32>} : memref<2048xf32, #tpu.memory_space<vmem>>, vector<16xf32>,
        %parallel_loop3A_286 = arith.constant 0 : i32
        %parallel_loop3A_287 = arith.addi %parallel_loop3A_281, %parallel_loop3A_286 : i32
        %parallel_loop3A_288 = arith.index_cast %parallel_loop3A_287 : i32 to index
        %parallel_loop3A_289 = tpu.vector_load %arg7[%parallel_loop3A_288] {strides = array<i32>} : memref<32768xf32, #tpu.memory_space<vmem>>, vector<16xf32>,
        tpu.vector_store %arg7[%parallel_loop3A_288], %parallel_loop3A_285 {strides = array<i32>} : memref<32768xf32, #tpu.memory_space<vmem>>, vector<16xf32>,
        %parallel_loop3A_290 = arith.constant 16 : i32
        %parallel_loop3A_291 = arith.addi %parallel_loop3A_277, %parallel_loop3A_290 : i32
        %parallel_loop3A_292 = arith.index_cast %parallel_loop3A_291 : i32 to index
        %parallel_loop3A_293 = tpu.vector_load %arg5[%parallel_loop3A_292] {strides = array<i32>} : memref<2048xf32, #tpu.memory_space<vmem>>, vector<16xf32>,
        %parallel_loop3A_294 = arith.constant 16 : i32
        %parallel_loop3A_295 = arith.addi %parallel_loop3A_281, %parallel_loop3A_294 : i32
        %parallel_loop3A_296 = arith.index_cast %parallel_loop3A_295 : i32 to index
        %parallel_loop3A_297 = tpu.vector_load %arg7[%parallel_loop3A_296] {strides = array<i32>} : memref<32768xf32, #tpu.memory_space<vmem>>, vector<16xf32>,
        tpu.vector_store %arg7[%parallel_loop3A_296], %parallel_loop3A_293 {strides = array<i32>} : memref<32768xf32, #tpu.memory_space<vmem>>, vector<16xf32>,
        %parallel_loop3A_298 = arith.constant 32 : i32
        %parallel_loop3A_299 = arith.addi %parallel_loop3A_277, %parallel_loop3A_298 : i32
        %parallel_loop3A_300 = arith.index_cast %parallel_loop3A_299 : i32 to index
        %parallel_loop3A_301 = tpu.vector_load %arg5[%parallel_loop3A_300] {strides = array<i32>} : memref<2048xf32, #tpu.memory_space<vmem>>, vector<16xf32>,
        %parallel_loop3A_302 = arith.constant 32 : i32
        %parallel_loop3A_303 = arith.addi %parallel_loop3A_281, %parallel_loop3A_302 : i32
        %parallel_loop3A_304 = arith.index_cast %parallel_loop3A_303 : i32 to index
        %parallel_loop3A_305 = tpu.vector_load %arg7[%parallel_loop3A_304] {strides = array<i32>} : memref<32768xf32, #tpu.memory_space<vmem>>, vector<16xf32>,
        tpu.vector_store %arg7[%parallel_loop3A_304], %parallel_loop3A_301 {strides = array<i32>} : memref<32768xf32, #tpu.memory_space<vmem>>, vector<16xf32>,
        %parallel_loop3A_306 = arith.constant 48 : i32
        %parallel_loop3A_307 = arith.addi %parallel_loop3A_277, %parallel_loop3A_306 : i32
        %parallel_loop3A_308 = arith.index_cast %parallel_loop3A_307 : i32 to index
        %parallel_loop3A_309 = tpu.vector_load %arg5[%parallel_loop3A_308] {strides = array<i32>} : memref<2048xf32, #tpu.memory_space<vmem>>, vector<16xf32>,
        %parallel_loop3A_310 = arith.constant 48 : i32
        %parallel_loop3A_311 = arith.addi %parallel_loop3A_281, %parallel_loop3A_310 : i32
        %parallel_loop3A_312 = arith.index_cast %parallel_loop3A_311 : i32 to index
        %parallel_loop3A_313 = tpu.vector_load %arg7[%parallel_loop3A_312] {strides = array<i32>} : memref<32768xf32, #tpu.memory_space<vmem>>, vector<16xf32>,
        tpu.vector_store %arg7[%parallel_loop3A_312], %parallel_loop3A_309 {strides = array<i32>} : memref<32768xf32, #tpu.memory_space<vmem>>, vector<16xf32>,
        %parallel_loop3A_314 = arith.constant 64 : i32
        %parallel_loop3A_315 = arith.addi %parallel_loop3A_277, %parallel_loop3A_314 : i32
        %parallel_loop3A_316 = arith.index_cast %parallel_loop3A_315 : i32 to index
        %parallel_loop3A_317 = tpu.vector_load %arg5[%parallel_loop3A_316] {strides = array<i32>} : memref<2048xf32, #tpu.memory_space<vmem>>, vector<16xf32>,
        %parallel_loop3A_318 = arith.constant 64 : i32
        %parallel_loop3A_319 = arith.addi %parallel_loop3A_281, %parallel_loop3A_318 : i32
        %parallel_loop3A_320 = arith.index_cast %parallel_loop3A_319 : i32 to index
        %parallel_loop3A_321 = tpu.vector_load %arg7[%parallel_loop3A_320] {strides = array<i32>} : memref<32768xf32, #tpu.memory_space<vmem>>, vector<16xf32>,
        tpu.vector_store %arg7[%parallel_loop3A_320], %parallel_loop3A_317 {strides = array<i32>} : memref<32768xf32, #tpu.memory_space<vmem>>, vector<16xf32>,
        %parallel_loop3A_322 = arith.constant 80 : i32
        %parallel_loop3A_323 = arith.addi %parallel_loop3A_277, %parallel_loop3A_322 : i32
        %parallel_loop3A_324 = arith.index_cast %parallel_loop3A_323 : i32 to index
        %parallel_loop3A_325 = tpu.vector_load %arg5[%parallel_loop3A_324] {strides = array<i32>} : memref<2048xf32, #tpu.memory_space<vmem>>, vector<16xf32>,
        %parallel_loop3A_326 = arith.constant 80 : i32
        %parallel_loop3A_327 = arith.addi %parallel_loop3A_281, %parallel_loop3A_326 : i32
        %parallel_loop3A_328 = arith.index_cast %parallel_loop3A_327 : i32 to index
        %parallel_loop3A_329 = tpu.vector_load %arg7[%parallel_loop3A_328] {strides = array<i32>} : memref<32768xf32, #tpu.memory_space<vmem>>, vector<16xf32>,
        tpu.vector_store %arg7[%parallel_loop3A_328], %parallel_loop3A_325 {strides = array<i32>} : memref<32768xf32, #tpu.memory_space<vmem>>, vector<16xf32>,
        %parallel_loop3A_330 = arith.constant 96 : i32
        %parallel_loop3A_331 = arith.addi %parallel_loop3A_277, %parallel_loop3A_330 : i32
        %parallel_loop3A_332 = arith.index_cast %parallel_loop3A_331 : i32 to index
        %parallel_loop3A_333 = tpu.vector_load %arg5[%parallel_loop3A_332] {strides = array<i32>} : memref<2048xf32, #tpu.memory_space<vmem>>, vector<16xf32>,
        %parallel_loop3A_334 = arith.constant 96 : i32
        %parallel_loop3A_335 = arith.addi %parallel_loop3A_281, %parallel_loop3A_334 : i32
        %parallel_loop3A_336 = arith.index_cast %parallel_loop3A_335 : i32 to index
        %parallel_loop3A_337 = tpu.vector_load %arg7[%parallel_loop3A_336] {strides = array<i32>} : memref<32768xf32, #tpu.memory_space<vmem>>, vector<16xf32>,
        tpu.vector_store %arg7[%parallel_loop3A_336], %parallel_loop3A_333 {strides = array<i32>} : memref<32768xf32, #tpu.memory_space<vmem>>, vector<16xf32>,
        %parallel_loop3A_338 = arith.constant 112 : i32
        %parallel_loop3A_339 = arith.addi %parallel_loop3A_277, %parallel_loop3A_338 : i32
        %parallel_loop3A_340 = arith.index_cast %parallel_loop3A_339 : i32 to index
        %parallel_loop3A_341 = tpu.vector_load %arg5[%parallel_loop3A_340] {strides = array<i32>} : memref<2048xf32, #tpu.memory_space<vmem>>, vector<16xf32>,
        %parallel_loop3A_342 = arith.constant 112 : i32
        %parallel_loop3A_343 = arith.addi %parallel_loop3A_281, %parallel_loop3A_342 : i32
        %parallel_loop3A_344 = arith.index_cast %parallel_loop3A_343 : i32 to index
        %parallel_loop3A_345 = tpu.vector_load %arg7[%parallel_loop3A_344] {strides = array<i32>} : memref<32768xf32, #tpu.memory_space<vmem>>, vector<16xf32>,
        tpu.vector_store %arg7[%parallel_loop3A_344], %parallel_loop3A_341 {strides = array<i32>} : memref<32768xf32, #tpu.memory_space<vmem>>, vector<16xf32>,
        %parallel_loop3A_346 = vector.extract_strided_slice %parallel_loop3A_57 {offsets = [4], sizes = [1], strides = [1]} : vector<16xi32> to vector<1xi32>
        %parallel_loop3A_347 = vector.extract %parallel_loop3A_346[0] : i32 from vector<1xi32>
        %parallel_loop3A_348 = arith.constant 128 : i32
        %parallel_loop3A_349 = arith.muli %parallel_loop3A_347, %parallel_loop3A_348 : i32
        %parallel_loop3A_350 = arith.constant 4 : i32
        %parallel_loop3A_351 = arith.addi %parallel_loop3A_52, %parallel_loop3A_350 : i32
        %parallel_loop3A_352 = arith.constant 128 : i32
        %parallel_loop3A_353 = arith.muli %parallel_loop3A_351, %parallel_loop3A_352 : i32
        %parallel_loop3A_354 = arith.constant 0 : i32
        %parallel_loop3A_355 = arith.addi %parallel_loop3A_349, %parallel_loop3A_354 : i32
        %parallel_loop3A_356 = arith.index_cast %parallel_loop3A_355 : i32 to index
        %parallel_loop3A_357 = tpu.vector_load %arg5[%parallel_loop3A_356] {strides = array<i32>} : memref<2048xf32, #tpu.memory_space<vmem>>, vector<16xf32>,
        %parallel_loop3A_358 = arith.constant 0 : i32
        %parallel_loop3A_359 = arith.addi %parallel_loop3A_353, %parallel_loop3A_358 : i32
        %parallel_loop3A_360 = arith.index_cast %parallel_loop3A_359 : i32 to index
        %parallel_loop3A_361 = tpu.vector_load %arg7[%parallel_loop3A_360] {strides = array<i32>} : memref<32768xf32, #tpu.memory_space<vmem>>, vector<16xf32>,
        tpu.vector_store %arg7[%parallel_loop3A_360], %parallel_loop3A_357 {strides = array<i32>} : memref<32768xf32, #tpu.memory_space<vmem>>, vector<16xf32>,
        %parallel_loop3A_362 = arith.constant 16 : i32
        %parallel_loop3A_363 = arith.addi %parallel_loop3A_349, %parallel_loop3A_362 : i32
        %parallel_loop3A_364 = arith.index_cast %parallel_loop3A_363 : i32 to index
        %parallel_loop3A_365 = tpu.vector_load %arg5[%parallel_loop3A_364] {strides = array<i32>} : memref<2048xf32, #tpu.memory_space<vmem>>, vector<16xf32>,
        %parallel_loop3A_366 = arith.constant 16 : i32
        %parallel_loop3A_367 = arith.addi %parallel_loop3A_353, %parallel_loop3A_366 : i32
        %parallel_loop3A_368 = arith.index_cast %parallel_loop3A_367 : i32 to index
        %parallel_loop3A_369 = tpu.vector_load %arg7[%parallel_loop3A_368] {strides = array<i32>} : memref<32768xf32, #tpu.memory_space<vmem>>, vector<16xf32>,
        tpu.vector_store %arg7[%parallel_loop3A_368], %parallel_loop3A_365 {strides = array<i32>} : memref<32768xf32, #tpu.memory_space<vmem>>, vector<16xf32>,
        %parallel_loop3A_370 = arith.constant 32 : i32
        %parallel_loop3A_371 = arith.addi %parallel_loop3A_349, %parallel_loop3A_370 : i32
        %parallel_loop3A_372 = arith.index_cast %parallel_loop3A_371 : i32 to index
        %parallel_loop3A_373 = tpu.vector_load %arg5[%parallel_loop3A_372] {strides = array<i32>} : memref<2048xf32, #tpu.memory_space<vmem>>, vector<16xf32>,
        %parallel_loop3A_374 = arith.constant 32 : i32
        %parallel_loop3A_375 = arith.addi %parallel_loop3A_353, %parallel_loop3A_374 : i32
        %parallel_loop3A_376 = arith.index_cast %parallel_loop3A_375 : i32 to index
        %parallel_loop3A_377 = tpu.vector_load %arg7[%parallel_loop3A_376] {strides = array<i32>} : memref<32768xf32, #tpu.memory_space<vmem>>, vector<16xf32>,
        tpu.vector_store %arg7[%parallel_loop3A_376], %parallel_loop3A_373 {strides = array<i32>} : memref<32768xf32, #tpu.memory_space<vmem>>, vector<16xf32>,
        %parallel_loop3A_378 = arith.constant 48 : i32
        %parallel_loop3A_379 = arith.addi %parallel_loop3A_349, %parallel_loop3A_378 : i32
        %parallel_loop3A_380 = arith.index_cast %parallel_loop3A_379 : i32 to index
        %parallel_loop3A_381 = tpu.vector_load %arg5[%parallel_loop3A_380] {strides = array<i32>} : memref<2048xf32, #tpu.memory_space<vmem>>, vector<16xf32>,
        %parallel_loop3A_382 = arith.constant 48 : i32
        %parallel_loop3A_383 = arith.addi %parallel_loop3A_353, %parallel_loop3A_382 : i32
        %parallel_loop3A_384 = arith.index_cast %parallel_loop3A_383 : i32 to index
        %parallel_loop3A_385 = tpu.vector_load %arg7[%parallel_loop3A_384] {strides = array<i32>} : memref<32768xf32, #tpu.memory_space<vmem>>, vector<16xf32>,
        tpu.vector_store %arg7[%parallel_loop3A_384], %parallel_loop3A_381 {strides = array<i32>} : memref<32768xf32, #tpu.memory_space<vmem>>, vector<16xf32>,
        %parallel_loop3A_386 = arith.constant 64 : i32
        %parallel_loop3A_387 = arith.addi %parallel_loop3A_349, %parallel_loop3A_386 : i32
        %parallel_loop3A_388 = arith.index_cast %parallel_loop3A_387 : i32 to index
        %parallel_loop3A_389 = tpu.vector_load %arg5[%parallel_loop3A_388] {strides = array<i32>} : memref<2048xf32, #tpu.memory_space<vmem>>, vector<16xf32>,
        %parallel_loop3A_390 = arith.constant 64 : i32
        %parallel_loop3A_391 = arith.addi %parallel_loop3A_353, %parallel_loop3A_390 : i32
        %parallel_loop3A_392 = arith.index_cast %parallel_loop3A_391 : i32 to index
        %parallel_loop3A_393 = tpu.vector_load %arg7[%parallel_loop3A_392] {strides = array<i32>} : memref<32768xf32, #tpu.memory_space<vmem>>, vector<16xf32>,
        tpu.vector_store %arg7[%parallel_loop3A_392], %parallel_loop3A_389 {strides = array<i32>} : memref<32768xf32, #tpu.memory_space<vmem>>, vector<16xf32>,
        %parallel_loop3A_394 = arith.constant 80 : i32
        %parallel_loop3A_395 = arith.addi %parallel_loop3A_349, %parallel_loop3A_394 : i32
        %parallel_loop3A_396 = arith.index_cast %parallel_loop3A_395 : i32 to index
        %parallel_loop3A_397 = tpu.vector_load %arg5[%parallel_loop3A_396] {strides = array<i32>} : memref<2048xf32, #tpu.memory_space<vmem>>, vector<16xf32>,
        %parallel_loop3A_398 = arith.constant 80 : i32
        %parallel_loop3A_399 = arith.addi %parallel_loop3A_353, %parallel_loop3A_398 : i32
        %parallel_loop3A_400 = arith.index_cast %parallel_loop3A_399 : i32 to index
        %parallel_loop3A_401 = tpu.vector_load %arg7[%parallel_loop3A_400] {strides = array<i32>} : memref<32768xf32, #tpu.memory_space<vmem>>, vector<16xf32>,
        tpu.vector_store %arg7[%parallel_loop3A_400], %parallel_loop3A_397 {strides = array<i32>} : memref<32768xf32, #tpu.memory_space<vmem>>, vector<16xf32>,
        %parallel_loop3A_402 = arith.constant 96 : i32
        %parallel_loop3A_403 = arith.addi %parallel_loop3A_349, %parallel_loop3A_402 : i32
        %parallel_loop3A_404 = arith.index_cast %parallel_loop3A_403 : i32 to index
        %parallel_loop3A_405 = tpu.vector_load %arg5[%parallel_loop3A_404] {strides = array<i32>} : memref<2048xf32, #tpu.memory_space<vmem>>, vector<16xf32>,
        %parallel_loop3A_406 = arith.constant 96 : i32
        %parallel_loop3A_407 = arith.addi %parallel_loop3A_353, %parallel_loop3A_406 : i32
        %parallel_loop3A_408 = arith.index_cast %parallel_loop3A_407 : i32 to index
        %parallel_loop3A_409 = tpu.vector_load %arg7[%parallel_loop3A_408] {strides = array<i32>} : memref<32768xf32, #tpu.memory_space<vmem>>, vector<16xf32>,
        tpu.vector_store %arg7[%parallel_loop3A_408], %parallel_loop3A_405 {strides = array<i32>} : memref<32768xf32, #tpu.memory_space<vmem>>, vector<16xf32>,
        %parallel_loop3A_410 = arith.constant 112 : i32
        %parallel_loop3A_411 = arith.addi %parallel_loop3A_349, %parallel_loop3A_410 : i32
        %parallel_loop3A_412 = arith.index_cast %parallel_loop3A_411 : i32 to index
        %parallel_loop3A_413 = tpu.vector_load %arg5[%parallel_loop3A_412] {strides = array<i32>} : memref<2048xf32, #tpu.memory_space<vmem>>, vector<16xf32>,
        %parallel_loop3A_414 = arith.constant 112 : i32
        %parallel_loop3A_415 = arith.addi %parallel_loop3A_353, %parallel_loop3A_414 : i32
        %parallel_loop3A_416 = arith.index_cast %parallel_loop3A_415 : i32 to index
        %parallel_loop3A_417 = tpu.vector_load %arg7[%parallel_loop3A_416] {strides = array<i32>} : memref<32768xf32, #tpu.memory_space<vmem>>, vector<16xf32>,
        tpu.vector_store %arg7[%parallel_loop3A_416], %parallel_loop3A_413 {strides = array<i32>} : memref<32768xf32, #tpu.memory_space<vmem>>, vector<16xf32>,
        %parallel_loop3A_418 = vector.extract_strided_slice %parallel_loop3A_57 {offsets = [5], sizes = [1], strides = [1]} : vector<16xi32> to vector<1xi32>
        %parallel_loop3A_419 = vector.extract %parallel_loop3A_418[0] : i32 from vector<1xi32>
        %parallel_loop3A_420 = arith.constant 128 : i32
        %parallel_loop3A_421 = arith.muli %parallel_loop3A_419, %parallel_loop3A_420 : i32
        %parallel_loop3A_422 = arith.constant 5 : i32
        %parallel_loop3A_423 = arith.addi %parallel_loop3A_52, %parallel_loop3A_422 : i32
        %parallel_loop3A_424 = arith.constant 128 : i32
        %parallel_loop3A_425 = arith.muli %parallel_loop3A_423, %parallel_loop3A_424 : i32
        %parallel_loop3A_426 = arith.constant 0 : i32
        %parallel_loop3A_427 = arith.addi %parallel_loop3A_421, %parallel_loop3A_426 : i32
        %parallel_loop3A_428 = arith.index_cast %parallel_loop3A_427 : i32 to index
        %parallel_loop3A_429 = tpu.vector_load %arg5[%parallel_loop3A_428] {strides = array<i32>} : memref<2048xf32, #tpu.memory_space<vmem>>, vector<16xf32>,
        %parallel_loop3A_430 = arith.constant 0 : i32
        %parallel_loop3A_431 = arith.addi %parallel_loop3A_425, %parallel_loop3A_430 : i32
        %parallel_loop3A_432 = arith.index_cast %parallel_loop3A_431 : i32 to index
        %parallel_loop3A_433 = tpu.vector_load %arg7[%parallel_loop3A_432] {strides = array<i32>} : memref<32768xf32, #tpu.memory_space<vmem>>, vector<16xf32>,
        tpu.vector_store %arg7[%parallel_loop3A_432], %parallel_loop3A_429 {strides = array<i32>} : memref<32768xf32, #tpu.memory_space<vmem>>, vector<16xf32>,
        %parallel_loop3A_434 = arith.constant 16 : i32
        %parallel_loop3A_435 = arith.addi %parallel_loop3A_421, %parallel_loop3A_434 : i32
        %parallel_loop3A_436 = arith.index_cast %parallel_loop3A_435 : i32 to index
        %parallel_loop3A_437 = tpu.vector_load %arg5[%parallel_loop3A_436] {strides = array<i32>} : memref<2048xf32, #tpu.memory_space<vmem>>, vector<16xf32>,
        %parallel_loop3A_438 = arith.constant 16 : i32
        %parallel_loop3A_439 = arith.addi %parallel_loop3A_425, %parallel_loop3A_438 : i32
        %parallel_loop3A_440 = arith.index_cast %parallel_loop3A_439 : i32 to index
        %parallel_loop3A_441 = tpu.vector_load %arg7[%parallel_loop3A_440] {strides = array<i32>} : memref<32768xf32, #tpu.memory_space<vmem>>, vector<16xf32>,
        tpu.vector_store %arg7[%parallel_loop3A_440], %parallel_loop3A_437 {strides = array<i32>} : memref<32768xf32, #tpu.memory_space<vmem>>, vector<16xf32>,
        %parallel_loop3A_442 = arith.constant 32 : i32
        %parallel_loop3A_443 = arith.addi %parallel_loop3A_421, %parallel_loop3A_442 : i32
        %parallel_loop3A_444 = arith.index_cast %parallel_loop3A_443 : i32 to index
        %parallel_loop3A_445 = tpu.vector_load %arg5[%parallel_loop3A_444] {strides = array<i32>} : memref<2048xf32, #tpu.memory_space<vmem>>, vector<16xf32>,
        %parallel_loop3A_446 = arith.constant 32 : i32
        %parallel_loop3A_447 = arith.addi %parallel_loop3A_425, %parallel_loop3A_446 : i32
        %parallel_loop3A_448 = arith.index_cast %parallel_loop3A_447 : i32 to index
        %parallel_loop3A_449 = tpu.vector_load %arg7[%parallel_loop3A_448] {strides = array<i32>} : memref<32768xf32, #tpu.memory_space<vmem>>, vector<16xf32>,
        tpu.vector_store %arg7[%parallel_loop3A_448], %parallel_loop3A_445 {strides = array<i32>} : memref<32768xf32, #tpu.memory_space<vmem>>, vector<16xf32>,
        %parallel_loop3A_450 = arith.constant 48 : i32
        %parallel_loop3A_451 = arith.addi %parallel_loop3A_421, %parallel_loop3A_450 : i32
        %parallel_loop3A_452 = arith.index_cast %parallel_loop3A_451 : i32 to index
        %parallel_loop3A_453 = tpu.vector_load %arg5[%parallel_loop3A_452] {strides = array<i32>} : memref<2048xf32, #tpu.memory_space<vmem>>, vector<16xf32>,
        %parallel_loop3A_454 = arith.constant 48 : i32
        %parallel_loop3A_455 = arith.addi %parallel_loop3A_425, %parallel_loop3A_454 : i32
        %parallel_loop3A_456 = arith.index_cast %parallel_loop3A_455 : i32 to index
        %parallel_loop3A_457 = tpu.vector_load %arg7[%parallel_loop3A_456] {strides = array<i32>} : memref<32768xf32, #tpu.memory_space<vmem>>, vector<16xf32>,
        tpu.vector_store %arg7[%parallel_loop3A_456], %parallel_loop3A_453 {strides = array<i32>} : memref<32768xf32, #tpu.memory_space<vmem>>, vector<16xf32>,
        %parallel_loop3A_458 = arith.constant 64 : i32
        %parallel_loop3A_459 = arith.addi %parallel_loop3A_421, %parallel_loop3A_458 : i32
        %parallel_loop3A_460 = arith.index_cast %parallel_loop3A_459 : i32 to index
        %parallel_loop3A_461 = tpu.vector_load %arg5[%parallel_loop3A_460] {strides = array<i32>} : memref<2048xf32, #tpu.memory_space<vmem>>, vector<16xf32>,
        %parallel_loop3A_462 = arith.constant 64 : i32
        %parallel_loop3A_463 = arith.addi %parallel_loop3A_425, %parallel_loop3A_462 : i32
        %parallel_loop3A_464 = arith.index_cast %parallel_loop3A_463 : i32 to index
        %parallel_loop3A_465 = tpu.vector_load %arg7[%parallel_loop3A_464] {strides = array<i32>} : memref<32768xf32, #tpu.memory_space<vmem>>, vector<16xf32>,
        tpu.vector_store %arg7[%parallel_loop3A_464], %parallel_loop3A_461 {strides = array<i32>} : memref<32768xf32, #tpu.memory_space<vmem>>, vector<16xf32>,
        %parallel_loop3A_466 = arith.constant 80 : i32
        %parallel_loop3A_467 = arith.addi %parallel_loop3A_421, %parallel_loop3A_466 : i32
        %parallel_loop3A_468 = arith.index_cast %parallel_loop3A_467 : i32 to index
        %parallel_loop3A_469 = tpu.vector_load %arg5[%parallel_loop3A_468] {strides = array<i32>} : memref<2048xf32, #tpu.memory_space<vmem>>, vector<16xf32>,
        %parallel_loop3A_470 = arith.constant 80 : i32
        %parallel_loop3A_471 = arith.addi %parallel_loop3A_425, %parallel_loop3A_470 : i32
        %parallel_loop3A_472 = arith.index_cast %parallel_loop3A_471 : i32 to index
        %parallel_loop3A_473 = tpu.vector_load %arg7[%parallel_loop3A_472] {strides = array<i32>} : memref<32768xf32, #tpu.memory_space<vmem>>, vector<16xf32>,
        tpu.vector_store %arg7[%parallel_loop3A_472], %parallel_loop3A_469 {strides = array<i32>} : memref<32768xf32, #tpu.memory_space<vmem>>, vector<16xf32>,
        %parallel_loop3A_474 = arith.constant 96 : i32
        %parallel_loop3A_475 = arith.addi %parallel_loop3A_421, %parallel_loop3A_474 : i32
        %parallel_loop3A_476 = arith.index_cast %parallel_loop3A_475 : i32 to index
        %parallel_loop3A_477 = tpu.vector_load %arg5[%parallel_loop3A_476] {strides = array<i32>} : memref<2048xf32, #tpu.memory_space<vmem>>, vector<16xf32>,
        %parallel_loop3A_478 = arith.constant 96 : i32
        %parallel_loop3A_479 = arith.addi %parallel_loop3A_425, %parallel_loop3A_478 : i32
        %parallel_loop3A_480 = arith.index_cast %parallel_loop3A_479 : i32 to index
        %parallel_loop3A_481 = tpu.vector_load %arg7[%parallel_loop3A_480] {strides = array<i32>} : memref<32768xf32, #tpu.memory_space<vmem>>, vector<16xf32>,
        tpu.vector_store %arg7[%parallel_loop3A_480], %parallel_loop3A_477 {strides = array<i32>} : memref<32768xf32, #tpu.memory_space<vmem>>, vector<16xf32>,
        %parallel_loop3A_482 = arith.constant 112 : i32
        %parallel_loop3A_483 = arith.addi %parallel_loop3A_421, %parallel_loop3A_482 : i32
        %parallel_loop3A_484 = arith.index_cast %parallel_loop3A_483 : i32 to index
        %parallel_loop3A_485 = tpu.vector_load %arg5[%parallel_loop3A_484] {strides = array<i32>} : memref<2048xf32, #tpu.memory_space<vmem>>, vector<16xf32>,
        %parallel_loop3A_486 = arith.constant 112 : i32
        %parallel_loop3A_487 = arith.addi %parallel_loop3A_425, %parallel_loop3A_486 : i32
        %parallel_loop3A_488 = arith.index_cast %parallel_loop3A_487 : i32 to index
        %parallel_loop3A_489 = tpu.vector_load %arg7[%parallel_loop3A_488] {strides = array<i32>} : memref<32768xf32, #tpu.memory_space<vmem>>, vector<16xf32>,
        tpu.vector_store %arg7[%parallel_loop3A_488], %parallel_loop3A_485 {strides = array<i32>} : memref<32768xf32, #tpu.memory_space<vmem>>, vector<16xf32>,
        %parallel_loop3A_490 = vector.extract_strided_slice %parallel_loop3A_57 {offsets = [6], sizes = [1], strides = [1]} : vector<16xi32> to vector<1xi32>
        %parallel_loop3A_491 = vector.extract %parallel_loop3A_490[0] : i32 from vector<1xi32>
        %parallel_loop3A_492 = arith.constant 128 : i32
        %parallel_loop3A_493 = arith.muli %parallel_loop3A_491, %parallel_loop3A_492 : i32
        %parallel_loop3A_494 = arith.constant 6 : i32
        %parallel_loop3A_495 = arith.addi %parallel_loop3A_52, %parallel_loop3A_494 : i32
        %parallel_loop3A_496 = arith.constant 128 : i32
        %parallel_loop3A_497 = arith.muli %parallel_loop3A_495, %parallel_loop3A_496 : i32
        %parallel_loop3A_498 = arith.constant 0 : i32
        %parallel_loop3A_499 = arith.addi %parallel_loop3A_493, %parallel_loop3A_498 : i32
        %parallel_loop3A_500 = arith.index_cast %parallel_loop3A_499 : i32 to index
        %parallel_loop3A_501 = tpu.vector_load %arg5[%parallel_loop3A_500] {strides = array<i32>} : memref<2048xf32, #tpu.memory_space<vmem>>, vector<16xf32>,
        %parallel_loop3A_502 = arith.constant 0 : i32
        %parallel_loop3A_503 = arith.addi %parallel_loop3A_497, %parallel_loop3A_502 : i32
        %parallel_loop3A_504 = arith.index_cast %parallel_loop3A_503 : i32 to index
        %parallel_loop3A_505 = tpu.vector_load %arg7[%parallel_loop3A_504] {strides = array<i32>} : memref<32768xf32, #tpu.memory_space<vmem>>, vector<16xf32>,
        tpu.vector_store %arg7[%parallel_loop3A_504], %parallel_loop3A_501 {strides = array<i32>} : memref<32768xf32, #tpu.memory_space<vmem>>, vector<16xf32>,
        %parallel_loop3A_506 = arith.constant 16 : i32
        %parallel_loop3A_507 = arith.addi %parallel_loop3A_493, %parallel_loop3A_506 : i32
        %parallel_loop3A_508 = arith.index_cast %parallel_loop3A_507 : i32 to index
        %parallel_loop3A_509 = tpu.vector_load %arg5[%parallel_loop3A_508] {strides = array<i32>} : memref<2048xf32, #tpu.memory_space<vmem>>, vector<16xf32>,
        %parallel_loop3A_510 = arith.constant 16 : i32
        %parallel_loop3A_511 = arith.addi %parallel_loop3A_497, %parallel_loop3A_510 : i32
        %parallel_loop3A_512 = arith.index_cast %parallel_loop3A_511 : i32 to index
        %parallel_loop3A_513 = tpu.vector_load %arg7[%parallel_loop3A_512] {strides = array<i32>} : memref<32768xf32, #tpu.memory_space<vmem>>, vector<16xf32>,
        tpu.vector_store %arg7[%parallel_loop3A_512], %parallel_loop3A_509 {strides = array<i32>} : memref<32768xf32, #tpu.memory_space<vmem>>, vector<16xf32>,
        %parallel_loop3A_514 = arith.constant 32 : i32
        %parallel_loop3A_515 = arith.addi %parallel_loop3A_493, %parallel_loop3A_514 : i32
        %parallel_loop3A_516 = arith.index_cast %parallel_loop3A_515 : i32 to index
        %parallel_loop3A_517 = tpu.vector_load %arg5[%parallel_loop3A_516] {strides = array<i32>} : memref<2048xf32, #tpu.memory_space<vmem>>, vector<16xf32>,
        %parallel_loop3A_518 = arith.constant 32 : i32
        %parallel_loop3A_519 = arith.addi %parallel_loop3A_497, %parallel_loop3A_518 : i32
        %parallel_loop3A_520 = arith.index_cast %parallel_loop3A_519 : i32 to index
        %parallel_loop3A_521 = tpu.vector_load %arg7[%parallel_loop3A_520] {strides = array<i32>} : memref<32768xf32, #tpu.memory_space<vmem>>, vector<16xf32>,
        tpu.vector_store %arg7[%parallel_loop3A_520], %parallel_loop3A_517 {strides = array<i32>} : memref<32768xf32, #tpu.memory_space<vmem>>, vector<16xf32>,
        %parallel_loop3A_522 = arith.constant 48 : i32
        %parallel_loop3A_523 = arith.addi %parallel_loop3A_493, %parallel_loop3A_522 : i32
        %parallel_loop3A_524 = arith.index_cast %parallel_loop3A_523 : i32 to index
        %parallel_loop3A_525 = tpu.vector_load %arg5[%parallel_loop3A_524] {strides = array<i32>} : memref<2048xf32, #tpu.memory_space<vmem>>, vector<16xf32>,
        %parallel_loop3A_526 = arith.constant 48 : i32
        %parallel_loop3A_527 = arith.addi %parallel_loop3A_497, %parallel_loop3A_526 : i32
        %parallel_loop3A_528 = arith.index_cast %parallel_loop3A_527 : i32 to index
        %parallel_loop3A_529 = tpu.vector_load %arg7[%parallel_loop3A_528] {strides = array<i32>} : memref<32768xf32, #tpu.memory_space<vmem>>, vector<16xf32>,
        tpu.vector_store %arg7[%parallel_loop3A_528], %parallel_loop3A_525 {strides = array<i32>} : memref<32768xf32, #tpu.memory_space<vmem>>, vector<16xf32>,
        %parallel_loop3A_530 = arith.constant 64 : i32
        %parallel_loop3A_531 = arith.addi %parallel_loop3A_493, %parallel_loop3A_530 : i32
        %parallel_loop3A_532 = arith.index_cast %parallel_loop3A_531 : i32 to index
        %parallel_loop3A_533 = tpu.vector_load %arg5[%parallel_loop3A_532] {strides = array<i32>} : memref<2048xf32, #tpu.memory_space<vmem>>, vector<16xf32>,
        %parallel_loop3A_534 = arith.constant 64 : i32
        %parallel_loop3A_535 = arith.addi %parallel_loop3A_497, %parallel_loop3A_534 : i32
        %parallel_loop3A_536 = arith.index_cast %parallel_loop3A_535 : i32 to index
        %parallel_loop3A_537 = tpu.vector_load %arg7[%parallel_loop3A_536] {strides = array<i32>} : memref<32768xf32, #tpu.memory_space<vmem>>, vector<16xf32>,
        tpu.vector_store %arg7[%parallel_loop3A_536], %parallel_loop3A_533 {strides = array<i32>} : memref<32768xf32, #tpu.memory_space<vmem>>, vector<16xf32>,
        %parallel_loop3A_538 = arith.constant 80 : i32
        %parallel_loop3A_539 = arith.addi %parallel_loop3A_493, %parallel_loop3A_538 : i32
        %parallel_loop3A_540 = arith.index_cast %parallel_loop3A_539 : i32 to index
        %parallel_loop3A_541 = tpu.vector_load %arg5[%parallel_loop3A_540] {strides = array<i32>} : memref<2048xf32, #tpu.memory_space<vmem>>, vector<16xf32>,
        %parallel_loop3A_542 = arith.constant 80 : i32
        %parallel_loop3A_543 = arith.addi %parallel_loop3A_497, %parallel_loop3A_542 : i32
        %parallel_loop3A_544 = arith.index_cast %parallel_loop3A_543 : i32 to index
        %parallel_loop3A_545 = tpu.vector_load %arg7[%parallel_loop3A_544] {strides = array<i32>} : memref<32768xf32, #tpu.memory_space<vmem>>, vector<16xf32>,
        tpu.vector_store %arg7[%parallel_loop3A_544], %parallel_loop3A_541 {strides = array<i32>} : memref<32768xf32, #tpu.memory_space<vmem>>, vector<16xf32>,
        %parallel_loop3A_546 = arith.constant 96 : i32
        %parallel_loop3A_547 = arith.addi %parallel_loop3A_493, %parallel_loop3A_546 : i32
        %parallel_loop3A_548 = arith.index_cast %parallel_loop3A_547 : i32 to index
        %parallel_loop3A_549 = tpu.vector_load %arg5[%parallel_loop3A_548] {strides = array<i32>} : memref<2048xf32, #tpu.memory_space<vmem>>, vector<16xf32>,
        %parallel_loop3A_550 = arith.constant 96 : i32
        %parallel_loop3A_551 = arith.addi %parallel_loop3A_497, %parallel_loop3A_550 : i32
        %parallel_loop3A_552 = arith.index_cast %parallel_loop3A_551 : i32 to index
        %parallel_loop3A_553 = tpu.vector_load %arg7[%parallel_loop3A_552] {strides = array<i32>} : memref<32768xf32, #tpu.memory_space<vmem>>, vector<16xf32>,
        tpu.vector_store %arg7[%parallel_loop3A_552], %parallel_loop3A_549 {strides = array<i32>} : memref<32768xf32, #tpu.memory_space<vmem>>, vector<16xf32>,
        %parallel_loop3A_554 = arith.constant 112 : i32
        %parallel_loop3A_555 = arith.addi %parallel_loop3A_493, %parallel_loop3A_554 : i32
        %parallel_loop3A_556 = arith.index_cast %parallel_loop3A_555 : i32 to index
        %parallel_loop3A_557 = tpu.vector_load %arg5[%parallel_loop3A_556] {strides = array<i32>} : memref<2048xf32, #tpu.memory_space<vmem>>, vector<16xf32>,
        %parallel_loop3A_558 = arith.constant 112 : i32
        %parallel_loop3A_559 = arith.addi %parallel_loop3A_497, %parallel_loop3A_558 : i32
        %parallel_loop3A_560 = arith.index_cast %parallel_loop3A_559 : i32 to index
        %parallel_loop3A_561 = tpu.vector_load %arg7[%parallel_loop3A_560] {strides = array<i32>} : memref<32768xf32, #tpu.memory_space<vmem>>, vector<16xf32>,
        tpu.vector_store %arg7[%parallel_loop3A_560], %parallel_loop3A_557 {strides = array<i32>} : memref<32768xf32, #tpu.memory_space<vmem>>, vector<16xf32>,
        %parallel_loop3A_562 = vector.extract_strided_slice %parallel_loop3A_57 {offsets = [7], sizes = [1], strides = [1]} : vector<16xi32> to vector<1xi32>
        %parallel_loop3A_563 = vector.extract %parallel_loop3A_562[0] : i32 from vector<1xi32>
        %parallel_loop3A_564 = arith.constant 128 : i32
        %parallel_loop3A_565 = arith.muli %parallel_loop3A_563, %parallel_loop3A_564 : i32
        %parallel_loop3A_566 = arith.constant 7 : i32
        %parallel_loop3A_567 = arith.addi %parallel_loop3A_52, %parallel_loop3A_566 : i32
        %parallel_loop3A_568 = arith.constant 128 : i32
        %parallel_loop3A_569 = arith.muli %parallel_loop3A_567, %parallel_loop3A_568 : i32
        %parallel_loop3A_570 = arith.constant 0 : i32
        %parallel_loop3A_571 = arith.addi %parallel_loop3A_565, %parallel_loop3A_570 : i32
        %parallel_loop3A_572 = arith.index_cast %parallel_loop3A_571 : i32 to index
        %parallel_loop3A_573 = tpu.vector_load %arg5[%parallel_loop3A_572] {strides = array<i32>} : memref<2048xf32, #tpu.memory_space<vmem>>, vector<16xf32>,
        %parallel_loop3A_574 = arith.constant 0 : i32
        %parallel_loop3A_575 = arith.addi %parallel_loop3A_569, %parallel_loop3A_574 : i32
        %parallel_loop3A_576 = arith.index_cast %parallel_loop3A_575 : i32 to index
        %parallel_loop3A_577 = tpu.vector_load %arg7[%parallel_loop3A_576] {strides = array<i32>} : memref<32768xf32, #tpu.memory_space<vmem>>, vector<16xf32>,
        tpu.vector_store %arg7[%parallel_loop3A_576], %parallel_loop3A_573 {strides = array<i32>} : memref<32768xf32, #tpu.memory_space<vmem>>, vector<16xf32>,
        %parallel_loop3A_578 = arith.constant 16 : i32
        %parallel_loop3A_579 = arith.addi %parallel_loop3A_565, %parallel_loop3A_578 : i32
        %parallel_loop3A_580 = arith.index_cast %parallel_loop3A_579 : i32 to index
        %parallel_loop3A_581 = tpu.vector_load %arg5[%parallel_loop3A_580] {strides = array<i32>} : memref<2048xf32, #tpu.memory_space<vmem>>, vector<16xf32>,
        %parallel_loop3A_582 = arith.constant 16 : i32
        %parallel_loop3A_583 = arith.addi %parallel_loop3A_569, %parallel_loop3A_582 : i32
        %parallel_loop3A_584 = arith.index_cast %parallel_loop3A_583 : i32 to index
        %parallel_loop3A_585 = tpu.vector_load %arg7[%parallel_loop3A_584] {strides = array<i32>} : memref<32768xf32, #tpu.memory_space<vmem>>, vector<16xf32>,
        tpu.vector_store %arg7[%parallel_loop3A_584], %parallel_loop3A_581 {strides = array<i32>} : memref<32768xf32, #tpu.memory_space<vmem>>, vector<16xf32>,
        %parallel_loop3A_586 = arith.constant 32 : i32
        %parallel_loop3A_587 = arith.addi %parallel_loop3A_565, %parallel_loop3A_586 : i32
        %parallel_loop3A_588 = arith.index_cast %parallel_loop3A_587 : i32 to index
        %parallel_loop3A_589 = tpu.vector_load %arg5[%parallel_loop3A_588] {strides = array<i32>} : memref<2048xf32, #tpu.memory_space<vmem>>, vector<16xf32>,
        %parallel_loop3A_590 = arith.constant 32 : i32
        %parallel_loop3A_591 = arith.addi %parallel_loop3A_569, %parallel_loop3A_590 : i32
        %parallel_loop3A_592 = arith.index_cast %parallel_loop3A_591 : i32 to index
        %parallel_loop3A_593 = tpu.vector_load %arg7[%parallel_loop3A_592] {strides = array<i32>} : memref<32768xf32, #tpu.memory_space<vmem>>, vector<16xf32>,
        tpu.vector_store %arg7[%parallel_loop3A_592], %parallel_loop3A_589 {strides = array<i32>} : memref<32768xf32, #tpu.memory_space<vmem>>, vector<16xf32>,
        %parallel_loop3A_594 = arith.constant 48 : i32
        %parallel_loop3A_595 = arith.addi %parallel_loop3A_565, %parallel_loop3A_594 : i32
        %parallel_loop3A_596 = arith.index_cast %parallel_loop3A_595 : i32 to index
        %parallel_loop3A_597 = tpu.vector_load %arg5[%parallel_loop3A_596] {strides = array<i32>} : memref<2048xf32, #tpu.memory_space<vmem>>, vector<16xf32>,
        %parallel_loop3A_598 = arith.constant 48 : i32
        %parallel_loop3A_599 = arith.addi %parallel_loop3A_569, %parallel_loop3A_598 : i32
        %parallel_loop3A_600 = arith.index_cast %parallel_loop3A_599 : i32 to index
        %parallel_loop3A_601 = tpu.vector_load %arg7[%parallel_loop3A_600] {strides = array<i32>} : memref<32768xf32, #tpu.memory_space<vmem>>, vector<16xf32>,
        tpu.vector_store %arg7[%parallel_loop3A_600], %parallel_loop3A_597 {strides = array<i32>} : memref<32768xf32, #tpu.memory_space<vmem>>, vector<16xf32>,
        %parallel_loop3A_602 = arith.constant 64 : i32
        %parallel_loop3A_603 = arith.addi %parallel_loop3A_565, %parallel_loop3A_602 : i32
        %parallel_loop3A_604 = arith.index_cast %parallel_loop3A_603 : i32 to index
        %parallel_loop3A_605 = tpu.vector_load %arg5[%parallel_loop3A_604] {strides = array<i32>} : memref<2048xf32, #tpu.memory_space<vmem>>, vector<16xf32>,
        %parallel_loop3A_606 = arith.constant 64 : i32
        %parallel_loop3A_607 = arith.addi %parallel_loop3A_569, %parallel_loop3A_606 : i32
        %parallel_loop3A_608 = arith.index_cast %parallel_loop3A_607 : i32 to index
        %parallel_loop3A_609 = tpu.vector_load %arg7[%parallel_loop3A_608] {strides = array<i32>} : memref<32768xf32, #tpu.memory_space<vmem>>, vector<16xf32>,
        tpu.vector_store %arg7[%parallel_loop3A_608], %parallel_loop3A_605 {strides = array<i32>} : memref<32768xf32, #tpu.memory_space<vmem>>, vector<16xf32>,
        %parallel_loop3A_610 = arith.constant 80 : i32
        %parallel_loop3A_611 = arith.addi %parallel_loop3A_565, %parallel_loop3A_610 : i32
        %parallel_loop3A_612 = arith.index_cast %parallel_loop3A_611 : i32 to index
        %parallel_loop3A_613 = tpu.vector_load %arg5[%parallel_loop3A_612] {strides = array<i32>} : memref<2048xf32, #tpu.memory_space<vmem>>, vector<16xf32>,
        %parallel_loop3A_614 = arith.constant 80 : i32
        %parallel_loop3A_615 = arith.addi %parallel_loop3A_569, %parallel_loop3A_614 : i32
        %parallel_loop3A_616 = arith.index_cast %parallel_loop3A_615 : i32 to index
        %parallel_loop3A_617 = tpu.vector_load %arg7[%parallel_loop3A_616] {strides = array<i32>} : memref<32768xf32, #tpu.memory_space<vmem>>, vector<16xf32>,
        tpu.vector_store %arg7[%parallel_loop3A_616], %parallel_loop3A_613 {strides = array<i32>} : memref<32768xf32, #tpu.memory_space<vmem>>, vector<16xf32>,
        %parallel_loop3A_618 = arith.constant 96 : i32
        %parallel_loop3A_619 = arith.addi %parallel_loop3A_565, %parallel_loop3A_618 : i32
        %parallel_loop3A_620 = arith.index_cast %parallel_loop3A_619 : i32 to index
        %parallel_loop3A_621 = tpu.vector_load %arg5[%parallel_loop3A_620] {strides = array<i32>} : memref<2048xf32, #tpu.memory_space<vmem>>, vector<16xf32>,
        %parallel_loop3A_622 = arith.constant 96 : i32
        %parallel_loop3A_623 = arith.addi %parallel_loop3A_569, %parallel_loop3A_622 : i32
        %parallel_loop3A_624 = arith.index_cast %parallel_loop3A_623 : i32 to index
        %parallel_loop3A_625 = tpu.vector_load %arg7[%parallel_loop3A_624] {strides = array<i32>} : memref<32768xf32, #tpu.memory_space<vmem>>, vector<16xf32>,
        tpu.vector_store %arg7[%parallel_loop3A_624], %parallel_loop3A_621 {strides = array<i32>} : memref<32768xf32, #tpu.memory_space<vmem>>, vector<16xf32>,
        %parallel_loop3A_626 = arith.constant 112 : i32
        %parallel_loop3A_627 = arith.addi %parallel_loop3A_565, %parallel_loop3A_626 : i32
        %parallel_loop3A_628 = arith.index_cast %parallel_loop3A_627 : i32 to index
        %parallel_loop3A_629 = tpu.vector_load %arg5[%parallel_loop3A_628] {strides = array<i32>} : memref<2048xf32, #tpu.memory_space<vmem>>, vector<16xf32>,
        %parallel_loop3A_630 = arith.constant 112 : i32
        %parallel_loop3A_631 = arith.addi %parallel_loop3A_569, %parallel_loop3A_630 : i32
        %parallel_loop3A_632 = arith.index_cast %parallel_loop3A_631 : i32 to index
        %parallel_loop3A_633 = tpu.vector_load %arg7[%parallel_loop3A_632] {strides = array<i32>} : memref<32768xf32, #tpu.memory_space<vmem>>, vector<16xf32>,
        tpu.vector_store %arg7[%parallel_loop3A_632], %parallel_loop3A_629 {strides = array<i32>} : memref<32768xf32, #tpu.memory_space<vmem>>, vector<16xf32>,
        %parallel_loop3A_634 = vector.extract_strided_slice %parallel_loop3A_57 {offsets = [8], sizes = [1], strides = [1]} : vector<16xi32> to vector<1xi32>
        %parallel_loop3A_635 = vector.extract %parallel_loop3A_634[0] : i32 from vector<1xi32>
        %parallel_loop3A_636 = arith.constant 128 : i32
        %parallel_loop3A_637 = arith.muli %parallel_loop3A_635, %parallel_loop3A_636 : i32
        %parallel_loop3A_638 = arith.constant 8 : i32
        %parallel_loop3A_639 = arith.addi %parallel_loop3A_52, %parallel_loop3A_638 : i32
        %parallel_loop3A_640 = arith.constant 128 : i32
        %parallel_loop3A_641 = arith.muli %parallel_loop3A_639, %parallel_loop3A_640 : i32
        %parallel_loop3A_642 = arith.constant 0 : i32
        %parallel_loop3A_643 = arith.addi %parallel_loop3A_637, %parallel_loop3A_642 : i32
        %parallel_loop3A_644 = arith.index_cast %parallel_loop3A_643 : i32 to index
        %parallel_loop3A_645 = tpu.vector_load %arg5[%parallel_loop3A_644] {strides = array<i32>} : memref<2048xf32, #tpu.memory_space<vmem>>, vector<16xf32>,
        %parallel_loop3A_646 = arith.constant 0 : i32
        %parallel_loop3A_647 = arith.addi %parallel_loop3A_641, %parallel_loop3A_646 : i32
        %parallel_loop3A_648 = arith.index_cast %parallel_loop3A_647 : i32 to index
        %parallel_loop3A_649 = tpu.vector_load %arg7[%parallel_loop3A_648] {strides = array<i32>} : memref<32768xf32, #tpu.memory_space<vmem>>, vector<16xf32>,
        tpu.vector_store %arg7[%parallel_loop3A_648], %parallel_loop3A_645 {strides = array<i32>} : memref<32768xf32, #tpu.memory_space<vmem>>, vector<16xf32>,
        %parallel_loop3A_650 = arith.constant 16 : i32
        %parallel_loop3A_651 = arith.addi %parallel_loop3A_637, %parallel_loop3A_650 : i32
        %parallel_loop3A_652 = arith.index_cast %parallel_loop3A_651 : i32 to index
        %parallel_loop3A_653 = tpu.vector_load %arg5[%parallel_loop3A_652] {strides = array<i32>} : memref<2048xf32, #tpu.memory_space<vmem>>, vector<16xf32>,
        %parallel_loop3A_654 = arith.constant 16 : i32
        %parallel_loop3A_655 = arith.addi %parallel_loop3A_641, %parallel_loop3A_654 : i32
        %parallel_loop3A_656 = arith.index_cast %parallel_loop3A_655 : i32 to index
        %parallel_loop3A_657 = tpu.vector_load %arg7[%parallel_loop3A_656] {strides = array<i32>} : memref<32768xf32, #tpu.memory_space<vmem>>, vector<16xf32>,
        tpu.vector_store %arg7[%parallel_loop3A_656], %parallel_loop3A_653 {strides = array<i32>} : memref<32768xf32, #tpu.memory_space<vmem>>, vector<16xf32>,
        %parallel_loop3A_658 = arith.constant 32 : i32
        %parallel_loop3A_659 = arith.addi %parallel_loop3A_637, %parallel_loop3A_658 : i32
        %parallel_loop3A_660 = arith.index_cast %parallel_loop3A_659 : i32 to index
        %parallel_loop3A_661 = tpu.vector_load %arg5[%parallel_loop3A_660] {strides = array<i32>} : memref<2048xf32, #tpu.memory_space<vmem>>, vector<16xf32>,
        %parallel_loop3A_662 = arith.constant 32 : i32
        %parallel_loop3A_663 = arith.addi %parallel_loop3A_641, %parallel_loop3A_662 : i32
        %parallel_loop3A_664 = arith.index_cast %parallel_loop3A_663 : i32 to index
        %parallel_loop3A_665 = tpu.vector_load %arg7[%parallel_loop3A_664] {strides = array<i32>} : memref<32768xf32, #tpu.memory_space<vmem>>, vector<16xf32>,
        tpu.vector_store %arg7[%parallel_loop3A_664], %parallel_loop3A_661 {strides = array<i32>} : memref<32768xf32, #tpu.memory_space<vmem>>, vector<16xf32>,
        %parallel_loop3A_666 = arith.constant 48 : i32
        %parallel_loop3A_667 = arith.addi %parallel_loop3A_637, %parallel_loop3A_666 : i32
        %parallel_loop3A_668 = arith.index_cast %parallel_loop3A_667 : i32 to index
        %parallel_loop3A_669 = tpu.vector_load %arg5[%parallel_loop3A_668] {strides = array<i32>} : memref<2048xf32, #tpu.memory_space<vmem>>, vector<16xf32>,
        %parallel_loop3A_670 = arith.constant 48 : i32
        %parallel_loop3A_671 = arith.addi %parallel_loop3A_641, %parallel_loop3A_670 : i32
        %parallel_loop3A_672 = arith.index_cast %parallel_loop3A_671 : i32 to index
        %parallel_loop3A_673 = tpu.vector_load %arg7[%parallel_loop3A_672] {strides = array<i32>} : memref<32768xf32, #tpu.memory_space<vmem>>, vector<16xf32>,
        tpu.vector_store %arg7[%parallel_loop3A_672], %parallel_loop3A_669 {strides = array<i32>} : memref<32768xf32, #tpu.memory_space<vmem>>, vector<16xf32>,
        %parallel_loop3A_674 = arith.constant 64 : i32
        %parallel_loop3A_675 = arith.addi %parallel_loop3A_637, %parallel_loop3A_674 : i32
        %parallel_loop3A_676 = arith.index_cast %parallel_loop3A_675 : i32 to index
        %parallel_loop3A_677 = tpu.vector_load %arg5[%parallel_loop3A_676] {strides = array<i32>} : memref<2048xf32, #tpu.memory_space<vmem>>, vector<16xf32>,
        %parallel_loop3A_678 = arith.constant 64 : i32
        %parallel_loop3A_679 = arith.addi %parallel_loop3A_641, %parallel_loop3A_678 : i32
        %parallel_loop3A_680 = arith.index_cast %parallel_loop3A_679 : i32 to index
        %parallel_loop3A_681 = tpu.vector_load %arg7[%parallel_loop3A_680] {strides = array<i32>} : memref<32768xf32, #tpu.memory_space<vmem>>, vector<16xf32>,
        tpu.vector_store %arg7[%parallel_loop3A_680], %parallel_loop3A_677 {strides = array<i32>} : memref<32768xf32, #tpu.memory_space<vmem>>, vector<16xf32>,
        %parallel_loop3A_682 = arith.constant 80 : i32
        %parallel_loop3A_683 = arith.addi %parallel_loop3A_637, %parallel_loop3A_682 : i32
        %parallel_loop3A_684 = arith.index_cast %parallel_loop3A_683 : i32 to index
        %parallel_loop3A_685 = tpu.vector_load %arg5[%parallel_loop3A_684] {strides = array<i32>} : memref<2048xf32, #tpu.memory_space<vmem>>, vector<16xf32>,
        %parallel_loop3A_686 = arith.constant 80 : i32
        %parallel_loop3A_687 = arith.addi %parallel_loop3A_641, %parallel_loop3A_686 : i32
        %parallel_loop3A_688 = arith.index_cast %parallel_loop3A_687 : i32 to index
        %parallel_loop3A_689 = tpu.vector_load %arg7[%parallel_loop3A_688] {strides = array<i32>} : memref<32768xf32, #tpu.memory_space<vmem>>, vector<16xf32>,
        tpu.vector_store %arg7[%parallel_loop3A_688], %parallel_loop3A_685 {strides = array<i32>} : memref<32768xf32, #tpu.memory_space<vmem>>, vector<16xf32>,
        %parallel_loop3A_690 = arith.constant 96 : i32
        %parallel_loop3A_691 = arith.addi %parallel_loop3A_637, %parallel_loop3A_690 : i32
        %parallel_loop3A_692 = arith.index_cast %parallel_loop3A_691 : i32 to index
        %parallel_loop3A_693 = tpu.vector_load %arg5[%parallel_loop3A_692] {strides = array<i32>} : memref<2048xf32, #tpu.memory_space<vmem>>, vector<16xf32>,
        %parallel_loop3A_694 = arith.constant 96 : i32
        %parallel_loop3A_695 = arith.addi %parallel_loop3A_641, %parallel_loop3A_694 : i32
        %parallel_loop3A_696 = arith.index_cast %parallel_loop3A_695 : i32 to index
        %parallel_loop3A_697 = tpu.vector_load %arg7[%parallel_loop3A_696] {strides = array<i32>} : memref<32768xf32, #tpu.memory_space<vmem>>, vector<16xf32>,
        tpu.vector_store %arg7[%parallel_loop3A_696], %parallel_loop3A_693 {strides = array<i32>} : memref<32768xf32, #tpu.memory_space<vmem>>, vector<16xf32>,
        %parallel_loop3A_698 = arith.constant 112 : i32
        %parallel_loop3A_699 = arith.addi %parallel_loop3A_637, %parallel_loop3A_698 : i32
        %parallel_loop3A_700 = arith.index_cast %parallel_loop3A_699 : i32 to index
        %parallel_loop3A_701 = tpu.vector_load %arg5[%parallel_loop3A_700] {strides = array<i32>} : memref<2048xf32, #tpu.memory_space<vmem>>, vector<16xf32>,
        %parallel_loop3A_702 = arith.constant 112 : i32
        %parallel_loop3A_703 = arith.addi %parallel_loop3A_641, %parallel_loop3A_702 : i32
        %parallel_loop3A_704 = arith.index_cast %parallel_loop3A_703 : i32 to index
        %parallel_loop3A_705 = tpu.vector_load %arg7[%parallel_loop3A_704] {strides = array<i32>} : memref<32768xf32, #tpu.memory_space<vmem>>, vector<16xf32>,
        tpu.vector_store %arg7[%parallel_loop3A_704], %parallel_loop3A_701 {strides = array<i32>} : memref<32768xf32, #tpu.memory_space<vmem>>, vector<16xf32>,
        %parallel_loop3A_706 = vector.extract_strided_slice %parallel_loop3A_57 {offsets = [9], sizes = [1], strides = [1]} : vector<16xi32> to vector<1xi32>
        %parallel_loop3A_707 = vector.extract %parallel_loop3A_706[0] : i32 from vector<1xi32>
        %parallel_loop3A_708 = arith.constant 128 : i32
        %parallel_loop3A_709 = arith.muli %parallel_loop3A_707, %parallel_loop3A_708 : i32
        %parallel_loop3A_710 = arith.constant 9 : i32
        %parallel_loop3A_711 = arith.addi %parallel_loop3A_52, %parallel_loop3A_710 : i32
        %parallel_loop3A_712 = arith.constant 128 : i32
        %parallel_loop3A_713 = arith.muli %parallel_loop3A_711, %parallel_loop3A_712 : i32
        %parallel_loop3A_714 = arith.constant 0 : i32
        %parallel_loop3A_715 = arith.addi %parallel_loop3A_709, %parallel_loop3A_714 : i32
        %parallel_loop3A_716 = arith.index_cast %parallel_loop3A_715 : i32 to index
        %parallel_loop3A_717 = tpu.vector_load %arg5[%parallel_loop3A_716] {strides = array<i32>} : memref<2048xf32, #tpu.memory_space<vmem>>, vector<16xf32>,
        %parallel_loop3A_718 = arith.constant 0 : i32
        %parallel_loop3A_719 = arith.addi %parallel_loop3A_713, %parallel_loop3A_718 : i32
        %parallel_loop3A_720 = arith.index_cast %parallel_loop3A_719 : i32 to index
        %parallel_loop3A_721 = tpu.vector_load %arg7[%parallel_loop3A_720] {strides = array<i32>} : memref<32768xf32, #tpu.memory_space<vmem>>, vector<16xf32>,
        tpu.vector_store %arg7[%parallel_loop3A_720], %parallel_loop3A_717 {strides = array<i32>} : memref<32768xf32, #tpu.memory_space<vmem>>, vector<16xf32>,
        %parallel_loop3A_722 = arith.constant 16 : i32
        %parallel_loop3A_723 = arith.addi %parallel_loop3A_709, %parallel_loop3A_722 : i32
        %parallel_loop3A_724 = arith.index_cast %parallel_loop3A_723 : i32 to index
        %parallel_loop3A_725 = tpu.vector_load %arg5[%parallel_loop3A_724] {strides = array<i32>} : memref<2048xf32, #tpu.memory_space<vmem>>, vector<16xf32>,
        %parallel_loop3A_726 = arith.constant 16 : i32
        %parallel_loop3A_727 = arith.addi %parallel_loop3A_713, %parallel_loop3A_726 : i32
        %parallel_loop3A_728 = arith.index_cast %parallel_loop3A_727 : i32 to index
        %parallel_loop3A_729 = tpu.vector_load %arg7[%parallel_loop3A_728] {strides = array<i32>} : memref<32768xf32, #tpu.memory_space<vmem>>, vector<16xf32>,
        tpu.vector_store %arg7[%parallel_loop3A_728], %parallel_loop3A_725 {strides = array<i32>} : memref<32768xf32, #tpu.memory_space<vmem>>, vector<16xf32>,
        %parallel_loop3A_730 = arith.constant 32 : i32
        %parallel_loop3A_731 = arith.addi %parallel_loop3A_709, %parallel_loop3A_730 : i32
        %parallel_loop3A_732 = arith.index_cast %parallel_loop3A_731 : i32 to index
        %parallel_loop3A_733 = tpu.vector_load %arg5[%parallel_loop3A_732] {strides = array<i32>} : memref<2048xf32, #tpu.memory_space<vmem>>, vector<16xf32>,
        %parallel_loop3A_734 = arith.constant 32 : i32
        %parallel_loop3A_735 = arith.addi %parallel_loop3A_713, %parallel_loop3A_734 : i32
        %parallel_loop3A_736 = arith.index_cast %parallel_loop3A_735 : i32 to index
        %parallel_loop3A_737 = tpu.vector_load %arg7[%parallel_loop3A_736] {strides = array<i32>} : memref<32768xf32, #tpu.memory_space<vmem>>, vector<16xf32>,
        tpu.vector_store %arg7[%parallel_loop3A_736], %parallel_loop3A_733 {strides = array<i32>} : memref<32768xf32, #tpu.memory_space<vmem>>, vector<16xf32>,
        %parallel_loop3A_738 = arith.constant 48 : i32
        %parallel_loop3A_739 = arith.addi %parallel_loop3A_709, %parallel_loop3A_738 : i32
        %parallel_loop3A_740 = arith.index_cast %parallel_loop3A_739 : i32 to index
        %parallel_loop3A_741 = tpu.vector_load %arg5[%parallel_loop3A_740] {strides = array<i32>} : memref<2048xf32, #tpu.memory_space<vmem>>, vector<16xf32>,
        %parallel_loop3A_742 = arith.constant 48 : i32
        %parallel_loop3A_743 = arith.addi %parallel_loop3A_713, %parallel_loop3A_742 : i32
        %parallel_loop3A_744 = arith.index_cast %parallel_loop3A_743 : i32 to index
        %parallel_loop3A_745 = tpu.vector_load %arg7[%parallel_loop3A_744] {strides = array<i32>} : memref<32768xf32, #tpu.memory_space<vmem>>, vector<16xf32>,
        tpu.vector_store %arg7[%parallel_loop3A_744], %parallel_loop3A_741 {strides = array<i32>} : memref<32768xf32, #tpu.memory_space<vmem>>, vector<16xf32>,
        %parallel_loop3A_746 = arith.constant 64 : i32
        %parallel_loop3A_747 = arith.addi %parallel_loop3A_709, %parallel_loop3A_746 : i32
        %parallel_loop3A_748 = arith.index_cast %parallel_loop3A_747 : i32 to index
        %parallel_loop3A_749 = tpu.vector_load %arg5[%parallel_loop3A_748] {strides = array<i32>} : memref<2048xf32, #tpu.memory_space<vmem>>, vector<16xf32>,
        %parallel_loop3A_750 = arith.constant 64 : i32
        %parallel_loop3A_751 = arith.addi %parallel_loop3A_713, %parallel_loop3A_750 : i32
        %parallel_loop3A_752 = arith.index_cast %parallel_loop3A_751 : i32 to index
        %parallel_loop3A_753 = tpu.vector_load %arg7[%parallel_loop3A_752] {strides = array<i32>} : memref<32768xf32, #tpu.memory_space<vmem>>, vector<16xf32>,
        tpu.vector_store %arg7[%parallel_loop3A_752], %parallel_loop3A_749 {strides = array<i32>} : memref<32768xf32, #tpu.memory_space<vmem>>, vector<16xf32>,
        %parallel_loop3A_754 = arith.constant 80 : i32
        %parallel_loop3A_755 = arith.addi %parallel_loop3A_709, %parallel_loop3A_754 : i32
        %parallel_loop3A_756 = arith.index_cast %parallel_loop3A_755 : i32 to index
        %parallel_loop3A_757 = tpu.vector_load %arg5[%parallel_loop3A_756] {strides = array<i32>} : memref<2048xf32, #tpu.memory_space<vmem>>, vector<16xf32>,
        %parallel_loop3A_758 = arith.constant 80 : i32
        %parallel_loop3A_759 = arith.addi %parallel_loop3A_713, %parallel_loop3A_758 : i32
        %parallel_loop3A_760 = arith.index_cast %parallel_loop3A_759 : i32 to index
        %parallel_loop3A_761 = tpu.vector_load %arg7[%parallel_loop3A_760] {strides = array<i32>} : memref<32768xf32, #tpu.memory_space<vmem>>, vector<16xf32>,
        tpu.vector_store %arg7[%parallel_loop3A_760], %parallel_loop3A_757 {strides = array<i32>} : memref<32768xf32, #tpu.memory_space<vmem>>, vector<16xf32>,
        %parallel_loop3A_762 = arith.constant 96 : i32
        %parallel_loop3A_763 = arith.addi %parallel_loop3A_709, %parallel_loop3A_762 : i32
        %parallel_loop3A_764 = arith.index_cast %parallel_loop3A_763 : i32 to index
        %parallel_loop3A_765 = tpu.vector_load %arg5[%parallel_loop3A_764] {strides = array<i32>} : memref<2048xf32, #tpu.memory_space<vmem>>, vector<16xf32>,
        %parallel_loop3A_766 = arith.constant 96 : i32
        %parallel_loop3A_767 = arith.addi %parallel_loop3A_713, %parallel_loop3A_766 : i32
        %parallel_loop3A_768 = arith.index_cast %parallel_loop3A_767 : i32 to index
        %parallel_loop3A_769 = tpu.vector_load %arg7[%parallel_loop3A_768] {strides = array<i32>} : memref<32768xf32, #tpu.memory_space<vmem>>, vector<16xf32>,
        tpu.vector_store %arg7[%parallel_loop3A_768], %parallel_loop3A_765 {strides = array<i32>} : memref<32768xf32, #tpu.memory_space<vmem>>, vector<16xf32>,
        %parallel_loop3A_770 = arith.constant 112 : i32
        %parallel_loop3A_771 = arith.addi %parallel_loop3A_709, %parallel_loop3A_770 : i32
        %parallel_loop3A_772 = arith.index_cast %parallel_loop3A_771 : i32 to index
        %parallel_loop3A_773 = tpu.vector_load %arg5[%parallel_loop3A_772] {strides = array<i32>} : memref<2048xf32, #tpu.memory_space<vmem>>, vector<16xf32>,
        %parallel_loop3A_774 = arith.constant 112 : i32
        %parallel_loop3A_775 = arith.addi %parallel_loop3A_713, %parallel_loop3A_774 : i32
        %parallel_loop3A_776 = arith.index_cast %parallel_loop3A_775 : i32 to index
        %parallel_loop3A_777 = tpu.vector_load %arg7[%parallel_loop3A_776] {strides = array<i32>} : memref<32768xf32, #tpu.memory_space<vmem>>, vector<16xf32>,
        tpu.vector_store %arg7[%parallel_loop3A_776], %parallel_loop3A_773 {strides = array<i32>} : memref<32768xf32, #tpu.memory_space<vmem>>, vector<16xf32>,
        %parallel_loop3A_778 = vector.extract_strided_slice %parallel_loop3A_57 {offsets = [10], sizes = [1], strides = [1]} : vector<16xi32> to vector<1xi32>
        %parallel_loop3A_779 = vector.extract %parallel_loop3A_778[0] : i32 from vector<1xi32>
        %parallel_loop3A_780 = arith.constant 128 : i32
        %parallel_loop3A_781 = arith.muli %parallel_loop3A_779, %parallel_loop3A_780 : i32
        %parallel_loop3A_782 = arith.constant 10 : i32
        %parallel_loop3A_783 = arith.addi %parallel_loop3A_52, %parallel_loop3A_782 : i32
        %parallel_loop3A_784 = arith.constant 128 : i32
        %parallel_loop3A_785 = arith.muli %parallel_loop3A_783, %parallel_loop3A_784 : i32
        %parallel_loop3A_786 = arith.constant 0 : i32
        %parallel_loop3A_787 = arith.addi %parallel_loop3A_781, %parallel_loop3A_786 : i32
        %parallel_loop3A_788 = arith.index_cast %parallel_loop3A_787 : i32 to index
        %parallel_loop3A_789 = tpu.vector_load %arg5[%parallel_loop3A_788] {strides = array<i32>} : memref<2048xf32, #tpu.memory_space<vmem>>, vector<16xf32>,
        %parallel_loop3A_790 = arith.constant 0 : i32
        %parallel_loop3A_791 = arith.addi %parallel_loop3A_785, %parallel_loop3A_790 : i32
        %parallel_loop3A_792 = arith.index_cast %parallel_loop3A_791 : i32 to index
        %parallel_loop3A_793 = tpu.vector_load %arg7[%parallel_loop3A_792] {strides = array<i32>} : memref<32768xf32, #tpu.memory_space<vmem>>, vector<16xf32>,
        tpu.vector_store %arg7[%parallel_loop3A_792], %parallel_loop3A_789 {strides = array<i32>} : memref<32768xf32, #tpu.memory_space<vmem>>, vector<16xf32>,
        %parallel_loop3A_794 = arith.constant 16 : i32
        %parallel_loop3A_795 = arith.addi %parallel_loop3A_781, %parallel_loop3A_794 : i32
        %parallel_loop3A_796 = arith.index_cast %parallel_loop3A_795 : i32 to index
        %parallel_loop3A_797 = tpu.vector_load %arg5[%parallel_loop3A_796] {strides = array<i32>} : memref<2048xf32, #tpu.memory_space<vmem>>, vector<16xf32>,
        %parallel_loop3A_798 = arith.constant 16 : i32
        %parallel_loop3A_799 = arith.addi %parallel_loop3A_785, %parallel_loop3A_798 : i32
        %parallel_loop3A_800 = arith.index_cast %parallel_loop3A_799 : i32 to index
        %parallel_loop3A_801 = tpu.vector_load %arg7[%parallel_loop3A_800] {strides = array<i32>} : memref<32768xf32, #tpu.memory_space<vmem>>, vector<16xf32>,
        tpu.vector_store %arg7[%parallel_loop3A_800], %parallel_loop3A_797 {strides = array<i32>} : memref<32768xf32, #tpu.memory_space<vmem>>, vector<16xf32>,
        %parallel_loop3A_802 = arith.constant 32 : i32
        %parallel_loop3A_803 = arith.addi %parallel_loop3A_781, %parallel_loop3A_802 : i32
        %parallel_loop3A_804 = arith.index_cast %parallel_loop3A_803 : i32 to index
        %parallel_loop3A_805 = tpu.vector_load %arg5[%parallel_loop3A_804] {strides = array<i32>} : memref<2048xf32, #tpu.memory_space<vmem>>, vector<16xf32>,
        %parallel_loop3A_806 = arith.constant 32 : i32
        %parallel_loop3A_807 = arith.addi %parallel_loop3A_785, %parallel_loop3A_806 : i32
        %parallel_loop3A_808 = arith.index_cast %parallel_loop3A_807 : i32 to index
        %parallel_loop3A_809 = tpu.vector_load %arg7[%parallel_loop3A_808] {strides = array<i32>} : memref<32768xf32, #tpu.memory_space<vmem>>, vector<16xf32>,
        tpu.vector_store %arg7[%parallel_loop3A_808], %parallel_loop3A_805 {strides = array<i32>} : memref<32768xf32, #tpu.memory_space<vmem>>, vector<16xf32>,
        %parallel_loop3A_810 = arith.constant 48 : i32
        %parallel_loop3A_811 = arith.addi %parallel_loop3A_781, %parallel_loop3A_810 : i32
        %parallel_loop3A_812 = arith.index_cast %parallel_loop3A_811 : i32 to index
        %parallel_loop3A_813 = tpu.vector_load %arg5[%parallel_loop3A_812] {strides = array<i32>} : memref<2048xf32, #tpu.memory_space<vmem>>, vector<16xf32>,
        %parallel_loop3A_814 = arith.constant 48 : i32
        %parallel_loop3A_815 = arith.addi %parallel_loop3A_785, %parallel_loop3A_814 : i32
        %parallel_loop3A_816 = arith.index_cast %parallel_loop3A_815 : i32 to index
        %parallel_loop3A_817 = tpu.vector_load %arg7[%parallel_loop3A_816] {strides = array<i32>} : memref<32768xf32, #tpu.memory_space<vmem>>, vector<16xf32>,
        tpu.vector_store %arg7[%parallel_loop3A_816], %parallel_loop3A_813 {strides = array<i32>} : memref<32768xf32, #tpu.memory_space<vmem>>, vector<16xf32>,
        %parallel_loop3A_818 = arith.constant 64 : i32
        %parallel_loop3A_819 = arith.addi %parallel_loop3A_781, %parallel_loop3A_818 : i32
        %parallel_loop3A_820 = arith.index_cast %parallel_loop3A_819 : i32 to index
        %parallel_loop3A_821 = tpu.vector_load %arg5[%parallel_loop3A_820] {strides = array<i32>} : memref<2048xf32, #tpu.memory_space<vmem>>, vector<16xf32>,
        %parallel_loop3A_822 = arith.constant 64 : i32
        %parallel_loop3A_823 = arith.addi %parallel_loop3A_785, %parallel_loop3A_822 : i32
        %parallel_loop3A_824 = arith.index_cast %parallel_loop3A_823 : i32 to index
        %parallel_loop3A_825 = tpu.vector_load %arg7[%parallel_loop3A_824] {strides = array<i32>} : memref<32768xf32, #tpu.memory_space<vmem>>, vector<16xf32>,
        tpu.vector_store %arg7[%parallel_loop3A_824], %parallel_loop3A_821 {strides = array<i32>} : memref<32768xf32, #tpu.memory_space<vmem>>, vector<16xf32>,
        %parallel_loop3A_826 = arith.constant 80 : i32
        %parallel_loop3A_827 = arith.addi %parallel_loop3A_781, %parallel_loop3A_826 : i32
        %parallel_loop3A_828 = arith.index_cast %parallel_loop3A_827 : i32 to index
        %parallel_loop3A_829 = tpu.vector_load %arg5[%parallel_loop3A_828] {strides = array<i32>} : memref<2048xf32, #tpu.memory_space<vmem>>, vector<16xf32>,
        %parallel_loop3A_830 = arith.constant 80 : i32
        %parallel_loop3A_831 = arith.addi %parallel_loop3A_785, %parallel_loop3A_830 : i32
        %parallel_loop3A_832 = arith.index_cast %parallel_loop3A_831 : i32 to index
        %parallel_loop3A_833 = tpu.vector_load %arg7[%parallel_loop3A_832] {strides = array<i32>} : memref<32768xf32, #tpu.memory_space<vmem>>, vector<16xf32>,
        tpu.vector_store %arg7[%parallel_loop3A_832], %parallel_loop3A_829 {strides = array<i32>} : memref<32768xf32, #tpu.memory_space<vmem>>, vector<16xf32>,
        %parallel_loop3A_834 = arith.constant 96 : i32
        %parallel_loop3A_835 = arith.addi %parallel_loop3A_781, %parallel_loop3A_834 : i32
        %parallel_loop3A_836 = arith.index_cast %parallel_loop3A_835 : i32 to index
        %parallel_loop3A_837 = tpu.vector_load %arg5[%parallel_loop3A_836] {strides = array<i32>} : memref<2048xf32, #tpu.memory_space<vmem>>, vector<16xf32>,
        %parallel_loop3A_838 = arith.constant 96 : i32
        %parallel_loop3A_839 = arith.addi %parallel_loop3A_785, %parallel_loop3A_838 : i32
        %parallel_loop3A_840 = arith.index_cast %parallel_loop3A_839 : i32 to index
        %parallel_loop3A_841 = tpu.vector_load %arg7[%parallel_loop3A_840] {strides = array<i32>} : memref<32768xf32, #tpu.memory_space<vmem>>, vector<16xf32>,
        tpu.vector_store %arg7[%parallel_loop3A_840], %parallel_loop3A_837 {strides = array<i32>} : memref<32768xf32, #tpu.memory_space<vmem>>, vector<16xf32>,
        %parallel_loop3A_842 = arith.constant 112 : i32
        %parallel_loop3A_843 = arith.addi %parallel_loop3A_781, %parallel_loop3A_842 : i32
        %parallel_loop3A_844 = arith.index_cast %parallel_loop3A_843 : i32 to index
        %parallel_loop3A_845 = tpu.vector_load %arg5[%parallel_loop3A_844] {strides = array<i32>} : memref<2048xf32, #tpu.memory_space<vmem>>, vector<16xf32>,
        %parallel_loop3A_846 = arith.constant 112 : i32
        %parallel_loop3A_847 = arith.addi %parallel_loop3A_785, %parallel_loop3A_846 : i32
        %parallel_loop3A_848 = arith.index_cast %parallel_loop3A_847 : i32 to index
        %parallel_loop3A_849 = tpu.vector_load %arg7[%parallel_loop3A_848] {strides = array<i32>} : memref<32768xf32, #tpu.memory_space<vmem>>, vector<16xf32>,
        tpu.vector_store %arg7[%parallel_loop3A_848], %parallel_loop3A_845 {strides = array<i32>} : memref<32768xf32, #tpu.memory_space<vmem>>, vector<16xf32>,
        %parallel_loop3A_850 = vector.extract_strided_slice %parallel_loop3A_57 {offsets = [11], sizes = [1], strides = [1]} : vector<16xi32> to vector<1xi32>
        %parallel_loop3A_851 = vector.extract %parallel_loop3A_850[0] : i32 from vector<1xi32>
        %parallel_loop3A_852 = arith.constant 128 : i32
        %parallel_loop3A_853 = arith.muli %parallel_loop3A_851, %parallel_loop3A_852 : i32
        %parallel_loop3A_854 = arith.constant 11 : i32
        %parallel_loop3A_855 = arith.addi %parallel_loop3A_52, %parallel_loop3A_854 : i32
        %parallel_loop3A_856 = arith.constant 128 : i32
        %parallel_loop3A_857 = arith.muli %parallel_loop3A_855, %parallel_loop3A_856 : i32
        %parallel_loop3A_858 = arith.constant 0 : i32
        %parallel_loop3A_859 = arith.addi %parallel_loop3A_853, %parallel_loop3A_858 : i32
        %parallel_loop3A_860 = arith.index_cast %parallel_loop3A_859 : i32 to index
        %parallel_loop3A_861 = tpu.vector_load %arg5[%parallel_loop3A_860] {strides = array<i32>} : memref<2048xf32, #tpu.memory_space<vmem>>, vector<16xf32>,
        %parallel_loop3A_862 = arith.constant 0 : i32
        %parallel_loop3A_863 = arith.addi %parallel_loop3A_857, %parallel_loop3A_862 : i32
        %parallel_loop3A_864 = arith.index_cast %parallel_loop3A_863 : i32 to index
        %parallel_loop3A_865 = tpu.vector_load %arg7[%parallel_loop3A_864] {strides = array<i32>} : memref<32768xf32, #tpu.memory_space<vmem>>, vector<16xf32>,
        tpu.vector_store %arg7[%parallel_loop3A_864], %parallel_loop3A_861 {strides = array<i32>} : memref<32768xf32, #tpu.memory_space<vmem>>, vector<16xf32>,
        %parallel_loop3A_866 = arith.constant 16 : i32
        %parallel_loop3A_867 = arith.addi %parallel_loop3A_853, %parallel_loop3A_866 : i32
        %parallel_loop3A_868 = arith.index_cast %parallel_loop3A_867 : i32 to index
        %parallel_loop3A_869 = tpu.vector_load %arg5[%parallel_loop3A_868] {strides = array<i32>} : memref<2048xf32, #tpu.memory_space<vmem>>, vector<16xf32>,
        %parallel_loop3A_870 = arith.constant 16 : i32
        %parallel_loop3A_871 = arith.addi %parallel_loop3A_857, %parallel_loop3A_870 : i32
        %parallel_loop3A_872 = arith.index_cast %parallel_loop3A_871 : i32 to index
        %parallel_loop3A_873 = tpu.vector_load %arg7[%parallel_loop3A_872] {strides = array<i32>} : memref<32768xf32, #tpu.memory_space<vmem>>, vector<16xf32>,
        tpu.vector_store %arg7[%parallel_loop3A_872], %parallel_loop3A_869 {strides = array<i32>} : memref<32768xf32, #tpu.memory_space<vmem>>, vector<16xf32>,
        %parallel_loop3A_874 = arith.constant 32 : i32
        %parallel_loop3A_875 = arith.addi %parallel_loop3A_853, %parallel_loop3A_874 : i32
        %parallel_loop3A_876 = arith.index_cast %parallel_loop3A_875 : i32 to index
        %parallel_loop3A_877 = tpu.vector_load %arg5[%parallel_loop3A_876] {strides = array<i32>} : memref<2048xf32, #tpu.memory_space<vmem>>, vector<16xf32>,
        %parallel_loop3A_878 = arith.constant 32 : i32
        %parallel_loop3A_879 = arith.addi %parallel_loop3A_857, %parallel_loop3A_878 : i32
        %parallel_loop3A_880 = arith.index_cast %parallel_loop3A_879 : i32 to index
        %parallel_loop3A_881 = tpu.vector_load %arg7[%parallel_loop3A_880] {strides = array<i32>} : memref<32768xf32, #tpu.memory_space<vmem>>, vector<16xf32>,
        tpu.vector_store %arg7[%parallel_loop3A_880], %parallel_loop3A_877 {strides = array<i32>} : memref<32768xf32, #tpu.memory_space<vmem>>, vector<16xf32>,
        %parallel_loop3A_882 = arith.constant 48 : i32
        %parallel_loop3A_883 = arith.addi %parallel_loop3A_853, %parallel_loop3A_882 : i32
        %parallel_loop3A_884 = arith.index_cast %parallel_loop3A_883 : i32 to index
        %parallel_loop3A_885 = tpu.vector_load %arg5[%parallel_loop3A_884] {strides = array<i32>} : memref<2048xf32, #tpu.memory_space<vmem>>, vector<16xf32>,
        %parallel_loop3A_886 = arith.constant 48 : i32
        %parallel_loop3A_887 = arith.addi %parallel_loop3A_857, %parallel_loop3A_886 : i32
        %parallel_loop3A_888 = arith.index_cast %parallel_loop3A_887 : i32 to index
        %parallel_loop3A_889 = tpu.vector_load %arg7[%parallel_loop3A_888] {strides = array<i32>} : memref<32768xf32, #tpu.memory_space<vmem>>, vector<16xf32>,
        tpu.vector_store %arg7[%parallel_loop3A_888], %parallel_loop3A_885 {strides = array<i32>} : memref<32768xf32, #tpu.memory_space<vmem>>, vector<16xf32>,
        %parallel_loop3A_890 = arith.constant 64 : i32
        %parallel_loop3A_891 = arith.addi %parallel_loop3A_853, %parallel_loop3A_890 : i32
        %parallel_loop3A_892 = arith.index_cast %parallel_loop3A_891 : i32 to index
        %parallel_loop3A_893 = tpu.vector_load %arg5[%parallel_loop3A_892] {strides = array<i32>} : memref<2048xf32, #tpu.memory_space<vmem>>, vector<16xf32>,
        %parallel_loop3A_894 = arith.constant 64 : i32
        %parallel_loop3A_895 = arith.addi %parallel_loop3A_857, %parallel_loop3A_894 : i32
        %parallel_loop3A_896 = arith.index_cast %parallel_loop3A_895 : i32 to index
        %parallel_loop3A_897 = tpu.vector_load %arg7[%parallel_loop3A_896] {strides = array<i32>} : memref<32768xf32, #tpu.memory_space<vmem>>, vector<16xf32>,
        tpu.vector_store %arg7[%parallel_loop3A_896], %parallel_loop3A_893 {strides = array<i32>} : memref<32768xf32, #tpu.memory_space<vmem>>, vector<16xf32>,
        %parallel_loop3A_898 = arith.constant 80 : i32
        %parallel_loop3A_899 = arith.addi %parallel_loop3A_853, %parallel_loop3A_898 : i32
        %parallel_loop3A_900 = arith.index_cast %parallel_loop3A_899 : i32 to index
        %parallel_loop3A_901 = tpu.vector_load %arg5[%parallel_loop3A_900] {strides = array<i32>} : memref<2048xf32, #tpu.memory_space<vmem>>, vector<16xf32>,
        %parallel_loop3A_902 = arith.constant 80 : i32
        %parallel_loop3A_903 = arith.addi %parallel_loop3A_857, %parallel_loop3A_902 : i32
        %parallel_loop3A_904 = arith.index_cast %parallel_loop3A_903 : i32 to index
        %parallel_loop3A_905 = tpu.vector_load %arg7[%parallel_loop3A_904] {strides = array<i32>} : memref<32768xf32, #tpu.memory_space<vmem>>, vector<16xf32>,
        tpu.vector_store %arg7[%parallel_loop3A_904], %parallel_loop3A_901 {strides = array<i32>} : memref<32768xf32, #tpu.memory_space<vmem>>, vector<16xf32>,
        %parallel_loop3A_906 = arith.constant 96 : i32
        %parallel_loop3A_907 = arith.addi %parallel_loop3A_853, %parallel_loop3A_906 : i32
        %parallel_loop3A_908 = arith.index_cast %parallel_loop3A_907 : i32 to index
        %parallel_loop3A_909 = tpu.vector_load %arg5[%parallel_loop3A_908] {strides = array<i32>} : memref<2048xf32, #tpu.memory_space<vmem>>, vector<16xf32>,
        %parallel_loop3A_910 = arith.constant 96 : i32
        %parallel_loop3A_911 = arith.addi %parallel_loop3A_857, %parallel_loop3A_910 : i32
        %parallel_loop3A_912 = arith.index_cast %parallel_loop3A_911 : i32 to index
        %parallel_loop3A_913 = tpu.vector_load %arg7[%parallel_loop3A_912] {strides = array<i32>} : memref<32768xf32, #tpu.memory_space<vmem>>, vector<16xf32>,
        tpu.vector_store %arg7[%parallel_loop3A_912], %parallel_loop3A_909 {strides = array<i32>} : memref<32768xf32, #tpu.memory_space<vmem>>, vector<16xf32>,
        %parallel_loop3A_914 = arith.constant 112 : i32
        %parallel_loop3A_915 = arith.addi %parallel_loop3A_853, %parallel_loop3A_914 : i32
        %parallel_loop3A_916 = arith.index_cast %parallel_loop3A_915 : i32 to index
        %parallel_loop3A_917 = tpu.vector_load %arg5[%parallel_loop3A_916] {strides = array<i32>} : memref<2048xf32, #tpu.memory_space<vmem>>, vector<16xf32>,
        %parallel_loop3A_918 = arith.constant 112 : i32
        %parallel_loop3A_919 = arith.addi %parallel_loop3A_857, %parallel_loop3A_918 : i32
        %parallel_loop3A_920 = arith.index_cast %parallel_loop3A_919 : i32 to index
        %parallel_loop3A_921 = tpu.vector_load %arg7[%parallel_loop3A_920] {strides = array<i32>} : memref<32768xf32, #tpu.memory_space<vmem>>, vector<16xf32>,
        tpu.vector_store %arg7[%parallel_loop3A_920], %parallel_loop3A_917 {strides = array<i32>} : memref<32768xf32, #tpu.memory_space<vmem>>, vector<16xf32>,
        %parallel_loop3A_922 = vector.extract_strided_slice %parallel_loop3A_57 {offsets = [12], sizes = [1], strides = [1]} : vector<16xi32> to vector<1xi32>
        %parallel_loop3A_923 = vector.extract %parallel_loop3A_922[0] : i32 from vector<1xi32>
        %parallel_loop3A_924 = arith.constant 128 : i32
        %parallel_loop3A_925 = arith.muli %parallel_loop3A_923, %parallel_loop3A_924 : i32
        %parallel_loop3A_926 = arith.constant 12 : i32
        %parallel_loop3A_927 = arith.addi %parallel_loop3A_52, %parallel_loop3A_926 : i32
        %parallel_loop3A_928 = arith.constant 128 : i32
        %parallel_loop3A_929 = arith.muli %parallel_loop3A_927, %parallel_loop3A_928 : i32
        %parallel_loop3A_930 = arith.constant 0 : i32
        %parallel_loop3A_931 = arith.addi %parallel_loop3A_925, %parallel_loop3A_930 : i32
        %parallel_loop3A_932 = arith.index_cast %parallel_loop3A_931 : i32 to index
        %parallel_loop3A_933 = tpu.vector_load %arg5[%parallel_loop3A_932] {strides = array<i32>} : memref<2048xf32, #tpu.memory_space<vmem>>, vector<16xf32>,
        %parallel_loop3A_934 = arith.constant 0 : i32
        %parallel_loop3A_935 = arith.addi %parallel_loop3A_929, %parallel_loop3A_934 : i32
        %parallel_loop3A_936 = arith.index_cast %parallel_loop3A_935 : i32 to index
        %parallel_loop3A_937 = tpu.vector_load %arg7[%parallel_loop3A_936] {strides = array<i32>} : memref<32768xf32, #tpu.memory_space<vmem>>, vector<16xf32>,
        tpu.vector_store %arg7[%parallel_loop3A_936], %parallel_loop3A_933 {strides = array<i32>} : memref<32768xf32, #tpu.memory_space<vmem>>, vector<16xf32>,
        %parallel_loop3A_938 = arith.constant 16 : i32
        %parallel_loop3A_939 = arith.addi %parallel_loop3A_925, %parallel_loop3A_938 : i32
        %parallel_loop3A_940 = arith.index_cast %parallel_loop3A_939 : i32 to index
        %parallel_loop3A_941 = tpu.vector_load %arg5[%parallel_loop3A_940] {strides = array<i32>} : memref<2048xf32, #tpu.memory_space<vmem>>, vector<16xf32>,
        %parallel_loop3A_942 = arith.constant 16 : i32
        %parallel_loop3A_943 = arith.addi %parallel_loop3A_929, %parallel_loop3A_942 : i32
        %parallel_loop3A_944 = arith.index_cast %parallel_loop3A_943 : i32 to index
        %parallel_loop3A_945 = tpu.vector_load %arg7[%parallel_loop3A_944] {strides = array<i32>} : memref<32768xf32, #tpu.memory_space<vmem>>, vector<16xf32>,
        tpu.vector_store %arg7[%parallel_loop3A_944], %parallel_loop3A_941 {strides = array<i32>} : memref<32768xf32, #tpu.memory_space<vmem>>, vector<16xf32>,
        %parallel_loop3A_946 = arith.constant 32 : i32
        %parallel_loop3A_947 = arith.addi %parallel_loop3A_925, %parallel_loop3A_946 : i32
        %parallel_loop3A_948 = arith.index_cast %parallel_loop3A_947 : i32 to index
        %parallel_loop3A_949 = tpu.vector_load %arg5[%parallel_loop3A_948] {strides = array<i32>} : memref<2048xf32, #tpu.memory_space<vmem>>, vector<16xf32>,
        %parallel_loop3A_950 = arith.constant 32 : i32
        %parallel_loop3A_951 = arith.addi %parallel_loop3A_929, %parallel_loop3A_950 : i32
        %parallel_loop3A_952 = arith.index_cast %parallel_loop3A_951 : i32 to index
        %parallel_loop3A_953 = tpu.vector_load %arg7[%parallel_loop3A_952] {strides = array<i32>} : memref<32768xf32, #tpu.memory_space<vmem>>, vector<16xf32>,
        tpu.vector_store %arg7[%parallel_loop3A_952], %parallel_loop3A_949 {strides = array<i32>} : memref<32768xf32, #tpu.memory_space<vmem>>, vector<16xf32>,
        %parallel_loop3A_954 = arith.constant 48 : i32
        %parallel_loop3A_955 = arith.addi %parallel_loop3A_925, %parallel_loop3A_954 : i32
        %parallel_loop3A_956 = arith.index_cast %parallel_loop3A_955 : i32 to index
        %parallel_loop3A_957 = tpu.vector_load %arg5[%parallel_loop3A_956] {strides = array<i32>} : memref<2048xf32, #tpu.memory_space<vmem>>, vector<16xf32>,
        %parallel_loop3A_958 = arith.constant 48 : i32
        %parallel_loop3A_959 = arith.addi %parallel_loop3A_929, %parallel_loop3A_958 : i32
        %parallel_loop3A_960 = arith.index_cast %parallel_loop3A_959 : i32 to index
        %parallel_loop3A_961 = tpu.vector_load %arg7[%parallel_loop3A_960] {strides = array<i32>} : memref<32768xf32, #tpu.memory_space<vmem>>, vector<16xf32>,
        tpu.vector_store %arg7[%parallel_loop3A_960], %parallel_loop3A_957 {strides = array<i32>} : memref<32768xf32, #tpu.memory_space<vmem>>, vector<16xf32>,
        %parallel_loop3A_962 = arith.constant 64 : i32
        %parallel_loop3A_963 = arith.addi %parallel_loop3A_925, %parallel_loop3A_962 : i32
        %parallel_loop3A_964 = arith.index_cast %parallel_loop3A_963 : i32 to index
        %parallel_loop3A_965 = tpu.vector_load %arg5[%parallel_loop3A_964] {strides = array<i32>} : memref<2048xf32, #tpu.memory_space<vmem>>, vector<16xf32>,
        %parallel_loop3A_966 = arith.constant 64 : i32
        %parallel_loop3A_967 = arith.addi %parallel_loop3A_929, %parallel_loop3A_966 : i32
        %parallel_loop3A_968 = arith.index_cast %parallel_loop3A_967 : i32 to index
        %parallel_loop3A_969 = tpu.vector_load %arg7[%parallel_loop3A_968] {strides = array<i32>} : memref<32768xf32, #tpu.memory_space<vmem>>, vector<16xf32>,
        tpu.vector_store %arg7[%parallel_loop3A_968], %parallel_loop3A_965 {strides = array<i32>} : memref<32768xf32, #tpu.memory_space<vmem>>, vector<16xf32>,
        %parallel_loop3A_970 = arith.constant 80 : i32
        %parallel_loop3A_971 = arith.addi %parallel_loop3A_925, %parallel_loop3A_970 : i32
        %parallel_loop3A_972 = arith.index_cast %parallel_loop3A_971 : i32 to index
        %parallel_loop3A_973 = tpu.vector_load %arg5[%parallel_loop3A_972] {strides = array<i32>} : memref<2048xf32, #tpu.memory_space<vmem>>, vector<16xf32>,
        %parallel_loop3A_974 = arith.constant 80 : i32
        %parallel_loop3A_975 = arith.addi %parallel_loop3A_929, %parallel_loop3A_974 : i32
        %parallel_loop3A_976 = arith.index_cast %parallel_loop3A_975 : i32 to index
        %parallel_loop3A_977 = tpu.vector_load %arg7[%parallel_loop3A_976] {strides = array<i32>} : memref<32768xf32, #tpu.memory_space<vmem>>, vector<16xf32>,
        tpu.vector_store %arg7[%parallel_loop3A_976], %parallel_loop3A_973 {strides = array<i32>} : memref<32768xf32, #tpu.memory_space<vmem>>, vector<16xf32>,
        %parallel_loop3A_978 = arith.constant 96 : i32
        %parallel_loop3A_979 = arith.addi %parallel_loop3A_925, %parallel_loop3A_978 : i32
        %parallel_loop3A_980 = arith.index_cast %parallel_loop3A_979 : i32 to index
        %parallel_loop3A_981 = tpu.vector_load %arg5[%parallel_loop3A_980] {strides = array<i32>} : memref<2048xf32, #tpu.memory_space<vmem>>, vector<16xf32>,
        %parallel_loop3A_982 = arith.constant 96 : i32
        %parallel_loop3A_983 = arith.addi %parallel_loop3A_929, %parallel_loop3A_982 : i32
        %parallel_loop3A_984 = arith.index_cast %parallel_loop3A_983 : i32 to index
        %parallel_loop3A_985 = tpu.vector_load %arg7[%parallel_loop3A_984] {strides = array<i32>} : memref<32768xf32, #tpu.memory_space<vmem>>, vector<16xf32>,
        tpu.vector_store %arg7[%parallel_loop3A_984], %parallel_loop3A_981 {strides = array<i32>} : memref<32768xf32, #tpu.memory_space<vmem>>, vector<16xf32>,
        %parallel_loop3A_986 = arith.constant 112 : i32
        %parallel_loop3A_987 = arith.addi %parallel_loop3A_925, %parallel_loop3A_986 : i32
        %parallel_loop3A_988 = arith.index_cast %parallel_loop3A_987 : i32 to index
        %parallel_loop3A_989 = tpu.vector_load %arg5[%parallel_loop3A_988] {strides = array<i32>} : memref<2048xf32, #tpu.memory_space<vmem>>, vector<16xf32>,
        %parallel_loop3A_990 = arith.constant 112 : i32
        %parallel_loop3A_991 = arith.addi %parallel_loop3A_929, %parallel_loop3A_990 : i32
        %parallel_loop3A_992 = arith.index_cast %parallel_loop3A_991 : i32 to index
        %parallel_loop3A_993 = tpu.vector_load %arg7[%parallel_loop3A_992] {strides = array<i32>} : memref<32768xf32, #tpu.memory_space<vmem>>, vector<16xf32>,
        tpu.vector_store %arg7[%parallel_loop3A_992], %parallel_loop3A_989 {strides = array<i32>} : memref<32768xf32, #tpu.memory_space<vmem>>, vector<16xf32>,
        %parallel_loop3A_994 = vector.extract_strided_slice %parallel_loop3A_57 {offsets = [13], sizes = [1], strides = [1]} : vector<16xi32> to vector<1xi32>
        %parallel_loop3A_995 = vector.extract %parallel_loop3A_994[0] : i32 from vector<1xi32>
        %parallel_loop3A_996 = arith.constant 128 : i32
        %parallel_loop3A_997 = arith.muli %parallel_loop3A_995, %parallel_loop3A_996 : i32
        %parallel_loop3A_998 = arith.constant 13 : i32
        %parallel_loop3A_999 = arith.addi %parallel_loop3A_52, %parallel_loop3A_998 : i32
        %parallel_loop3A_1000 = arith.constant 128 : i32
        %parallel_loop3A_1001 = arith.muli %parallel_loop3A_999, %parallel_loop3A_1000 : i32
        %parallel_loop3A_1002 = arith.constant 0 : i32
        %parallel_loop3A_1003 = arith.addi %parallel_loop3A_997, %parallel_loop3A_1002 : i32
        %parallel_loop3A_1004 = arith.index_cast %parallel_loop3A_1003 : i32 to index
        %parallel_loop3A_1005 = tpu.vector_load %arg5[%parallel_loop3A_1004] {strides = array<i32>} : memref<2048xf32, #tpu.memory_space<vmem>>, vector<16xf32>,
        %parallel_loop3A_1006 = arith.constant 0 : i32
        %parallel_loop3A_1007 = arith.addi %parallel_loop3A_1001, %parallel_loop3A_1006 : i32
        %parallel_loop3A_1008 = arith.index_cast %parallel_loop3A_1007 : i32 to index
        %parallel_loop3A_1009 = tpu.vector_load %arg7[%parallel_loop3A_1008] {strides = array<i32>} : memref<32768xf32, #tpu.memory_space<vmem>>, vector<16xf32>,
        tpu.vector_store %arg7[%parallel_loop3A_1008], %parallel_loop3A_1005 {strides = array<i32>} : memref<32768xf32, #tpu.memory_space<vmem>>, vector<16xf32>,
        %parallel_loop3A_1010 = arith.constant 16 : i32
        %parallel_loop3A_1011 = arith.addi %parallel_loop3A_997, %parallel_loop3A_1010 : i32
        %parallel_loop3A_1012 = arith.index_cast %parallel_loop3A_1011 : i32 to index
        %parallel_loop3A_1013 = tpu.vector_load %arg5[%parallel_loop3A_1012] {strides = array<i32>} : memref<2048xf32, #tpu.memory_space<vmem>>, vector<16xf32>,
        %parallel_loop3A_1014 = arith.constant 16 : i32
        %parallel_loop3A_1015 = arith.addi %parallel_loop3A_1001, %parallel_loop3A_1014 : i32
        %parallel_loop3A_1016 = arith.index_cast %parallel_loop3A_1015 : i32 to index
        %parallel_loop3A_1017 = tpu.vector_load %arg7[%parallel_loop3A_1016] {strides = array<i32>} : memref<32768xf32, #tpu.memory_space<vmem>>, vector<16xf32>,
        tpu.vector_store %arg7[%parallel_loop3A_1016], %parallel_loop3A_1013 {strides = array<i32>} : memref<32768xf32, #tpu.memory_space<vmem>>, vector<16xf32>,
        %parallel_loop3A_1018 = arith.constant 32 : i32
        %parallel_loop3A_1019 = arith.addi %parallel_loop3A_997, %parallel_loop3A_1018 : i32
        %parallel_loop3A_1020 = arith.index_cast %parallel_loop3A_1019 : i32 to index
        %parallel_loop3A_1021 = tpu.vector_load %arg5[%parallel_loop3A_1020] {strides = array<i32>} : memref<2048xf32, #tpu.memory_space<vmem>>, vector<16xf32>,
        %parallel_loop3A_1022 = arith.constant 32 : i32
        %parallel_loop3A_1023 = arith.addi %parallel_loop3A_1001, %parallel_loop3A_1022 : i32
        %parallel_loop3A_1024 = arith.index_cast %parallel_loop3A_1023 : i32 to index
        %parallel_loop3A_1025 = tpu.vector_load %arg7[%parallel_loop3A_1024] {strides = array<i32>} : memref<32768xf32, #tpu.memory_space<vmem>>, vector<16xf32>,
        tpu.vector_store %arg7[%parallel_loop3A_1024], %parallel_loop3A_1021 {strides = array<i32>} : memref<32768xf32, #tpu.memory_space<vmem>>, vector<16xf32>,
        %parallel_loop3A_1026 = arith.constant 48 : i32
        %parallel_loop3A_1027 = arith.addi %parallel_loop3A_997, %parallel_loop3A_1026 : i32
        %parallel_loop3A_1028 = arith.index_cast %parallel_loop3A_1027 : i32 to index
        %parallel_loop3A_1029 = tpu.vector_load %arg5[%parallel_loop3A_1028] {strides = array<i32>} : memref<2048xf32, #tpu.memory_space<vmem>>, vector<16xf32>,
        %parallel_loop3A_1030 = arith.constant 48 : i32
        %parallel_loop3A_1031 = arith.addi %parallel_loop3A_1001, %parallel_loop3A_1030 : i32
        %parallel_loop3A_1032 = arith.index_cast %parallel_loop3A_1031 : i32 to index
        %parallel_loop3A_1033 = tpu.vector_load %arg7[%parallel_loop3A_1032] {strides = array<i32>} : memref<32768xf32, #tpu.memory_space<vmem>>, vector<16xf32>,
        tpu.vector_store %arg7[%parallel_loop3A_1032], %parallel_loop3A_1029 {strides = array<i32>} : memref<32768xf32, #tpu.memory_space<vmem>>, vector<16xf32>,
        %parallel_loop3A_1034 = arith.constant 64 : i32
        %parallel_loop3A_1035 = arith.addi %parallel_loop3A_997, %parallel_loop3A_1034 : i32
        %parallel_loop3A_1036 = arith.index_cast %parallel_loop3A_1035 : i32 to index
        %parallel_loop3A_1037 = tpu.vector_load %arg5[%parallel_loop3A_1036] {strides = array<i32>} : memref<2048xf32, #tpu.memory_space<vmem>>, vector<16xf32>,
        %parallel_loop3A_1038 = arith.constant 64 : i32
        %parallel_loop3A_1039 = arith.addi %parallel_loop3A_1001, %parallel_loop3A_1038 : i32
        %parallel_loop3A_1040 = arith.index_cast %parallel_loop3A_1039 : i32 to index
        %parallel_loop3A_1041 = tpu.vector_load %arg7[%parallel_loop3A_1040] {strides = array<i32>} : memref<32768xf32, #tpu.memory_space<vmem>>, vector<16xf32>,
        tpu.vector_store %arg7[%parallel_loop3A_1040], %parallel_loop3A_1037 {strides = array<i32>} : memref<32768xf32, #tpu.memory_space<vmem>>, vector<16xf32>,
        %parallel_loop3A_1042 = arith.constant 80 : i32
        %parallel_loop3A_1043 = arith.addi %parallel_loop3A_997, %parallel_loop3A_1042 : i32
        %parallel_loop3A_1044 = arith.index_cast %parallel_loop3A_1043 : i32 to index
        %parallel_loop3A_1045 = tpu.vector_load %arg5[%parallel_loop3A_1044] {strides = array<i32>} : memref<2048xf32, #tpu.memory_space<vmem>>, vector<16xf32>,
        %parallel_loop3A_1046 = arith.constant 80 : i32
        %parallel_loop3A_1047 = arith.addi %parallel_loop3A_1001, %parallel_loop3A_1046 : i32
        %parallel_loop3A_1048 = arith.index_cast %parallel_loop3A_1047 : i32 to index
        %parallel_loop3A_1049 = tpu.vector_load %arg7[%parallel_loop3A_1048] {strides = array<i32>} : memref<32768xf32, #tpu.memory_space<vmem>>, vector<16xf32>,
        tpu.vector_store %arg7[%parallel_loop3A_1048], %parallel_loop3A_1045 {strides = array<i32>} : memref<32768xf32, #tpu.memory_space<vmem>>, vector<16xf32>,
        %parallel_loop3A_1050 = arith.constant 96 : i32
        %parallel_loop3A_1051 = arith.addi %parallel_loop3A_997, %parallel_loop3A_1050 : i32
        %parallel_loop3A_1052 = arith.index_cast %parallel_loop3A_1051 : i32 to index
        %parallel_loop3A_1053 = tpu.vector_load %arg5[%parallel_loop3A_1052] {strides = array<i32>} : memref<2048xf32, #tpu.memory_space<vmem>>, vector<16xf32>,
        %parallel_loop3A_1054 = arith.constant 96 : i32
        %parallel_loop3A_1055 = arith.addi %parallel_loop3A_1001, %parallel_loop3A_1054 : i32
        %parallel_loop3A_1056 = arith.index_cast %parallel_loop3A_1055 : i32 to index
        %parallel_loop3A_1057 = tpu.vector_load %arg7[%parallel_loop3A_1056] {strides = array<i32>} : memref<32768xf32, #tpu.memory_space<vmem>>, vector<16xf32>,
        tpu.vector_store %arg7[%parallel_loop3A_1056], %parallel_loop3A_1053 {strides = array<i32>} : memref<32768xf32, #tpu.memory_space<vmem>>, vector<16xf32>,
        %parallel_loop3A_1058 = arith.constant 112 : i32
        %parallel_loop3A_1059 = arith.addi %parallel_loop3A_997, %parallel_loop3A_1058 : i32
        %parallel_loop3A_1060 = arith.index_cast %parallel_loop3A_1059 : i32 to index
        %parallel_loop3A_1061 = tpu.vector_load %arg5[%parallel_loop3A_1060] {strides = array<i32>} : memref<2048xf32, #tpu.memory_space<vmem>>, vector<16xf32>,
        %parallel_loop3A_1062 = arith.constant 112 : i32
        %parallel_loop3A_1063 = arith.addi %parallel_loop3A_1001, %parallel_loop3A_1062 : i32
        %parallel_loop3A_1064 = arith.index_cast %parallel_loop3A_1063 : i32 to index
        %parallel_loop3A_1065 = tpu.vector_load %arg7[%parallel_loop3A_1064] {strides = array<i32>} : memref<32768xf32, #tpu.memory_space<vmem>>, vector<16xf32>,
        tpu.vector_store %arg7[%parallel_loop3A_1064], %parallel_loop3A_1061 {strides = array<i32>} : memref<32768xf32, #tpu.memory_space<vmem>>, vector<16xf32>,
        %parallel_loop3A_1066 = vector.extract_strided_slice %parallel_loop3A_57 {offsets = [14], sizes = [1], strides = [1]} : vector<16xi32> to vector<1xi32>
        %parallel_loop3A_1067 = vector.extract %parallel_loop3A_1066[0] : i32 from vector<1xi32>
        %parallel_loop3A_1068 = arith.constant 128 : i32
        %parallel_loop3A_1069 = arith.muli %parallel_loop3A_1067, %parallel_loop3A_1068 : i32
        %parallel_loop3A_1070 = arith.constant 14 : i32
        %parallel_loop3A_1071 = arith.addi %parallel_loop3A_52, %parallel_loop3A_1070 : i32
        %parallel_loop3A_1072 = arith.constant 128 : i32
        %parallel_loop3A_1073 = arith.muli %parallel_loop3A_1071, %parallel_loop3A_1072 : i32
        %parallel_loop3A_1074 = arith.constant 0 : i32
        %parallel_loop3A_1075 = arith.addi %parallel_loop3A_1069, %parallel_loop3A_1074 : i32
        %parallel_loop3A_1076 = arith.index_cast %parallel_loop3A_1075 : i32 to index
        %parallel_loop3A_1077 = tpu.vector_load %arg5[%parallel_loop3A_1076] {strides = array<i32>} : memref<2048xf32, #tpu.memory_space<vmem>>, vector<16xf32>,
        %parallel_loop3A_1078 = arith.constant 0 : i32
        %parallel_loop3A_1079 = arith.addi %parallel_loop3A_1073, %parallel_loop3A_1078 : i32
        %parallel_loop3A_1080 = arith.index_cast %parallel_loop3A_1079 : i32 to index
        %parallel_loop3A_1081 = tpu.vector_load %arg7[%parallel_loop3A_1080] {strides = array<i32>} : memref<32768xf32, #tpu.memory_space<vmem>>, vector<16xf32>,
        tpu.vector_store %arg7[%parallel_loop3A_1080], %parallel_loop3A_1077 {strides = array<i32>} : memref<32768xf32, #tpu.memory_space<vmem>>, vector<16xf32>,
        %parallel_loop3A_1082 = arith.constant 16 : i32
        %parallel_loop3A_1083 = arith.addi %parallel_loop3A_1069, %parallel_loop3A_1082 : i32
        %parallel_loop3A_1084 = arith.index_cast %parallel_loop3A_1083 : i32 to index
        %parallel_loop3A_1085 = tpu.vector_load %arg5[%parallel_loop3A_1084] {strides = array<i32>} : memref<2048xf32, #tpu.memory_space<vmem>>, vector<16xf32>,
        %parallel_loop3A_1086 = arith.constant 16 : i32
        %parallel_loop3A_1087 = arith.addi %parallel_loop3A_1073, %parallel_loop3A_1086 : i32
        %parallel_loop3A_1088 = arith.index_cast %parallel_loop3A_1087 : i32 to index
        %parallel_loop3A_1089 = tpu.vector_load %arg7[%parallel_loop3A_1088] {strides = array<i32>} : memref<32768xf32, #tpu.memory_space<vmem>>, vector<16xf32>,
        tpu.vector_store %arg7[%parallel_loop3A_1088], %parallel_loop3A_1085 {strides = array<i32>} : memref<32768xf32, #tpu.memory_space<vmem>>, vector<16xf32>,
        %parallel_loop3A_1090 = arith.constant 32 : i32
        %parallel_loop3A_1091 = arith.addi %parallel_loop3A_1069, %parallel_loop3A_1090 : i32
        %parallel_loop3A_1092 = arith.index_cast %parallel_loop3A_1091 : i32 to index
        %parallel_loop3A_1093 = tpu.vector_load %arg5[%parallel_loop3A_1092] {strides = array<i32>} : memref<2048xf32, #tpu.memory_space<vmem>>, vector<16xf32>,
        %parallel_loop3A_1094 = arith.constant 32 : i32
        %parallel_loop3A_1095 = arith.addi %parallel_loop3A_1073, %parallel_loop3A_1094 : i32
        %parallel_loop3A_1096 = arith.index_cast %parallel_loop3A_1095 : i32 to index
        %parallel_loop3A_1097 = tpu.vector_load %arg7[%parallel_loop3A_1096] {strides = array<i32>} : memref<32768xf32, #tpu.memory_space<vmem>>, vector<16xf32>,
        tpu.vector_store %arg7[%parallel_loop3A_1096], %parallel_loop3A_1093 {strides = array<i32>} : memref<32768xf32, #tpu.memory_space<vmem>>, vector<16xf32>,
        %parallel_loop3A_1098 = arith.constant 48 : i32
        %parallel_loop3A_1099 = arith.addi %parallel_loop3A_1069, %parallel_loop3A_1098 : i32
        %parallel_loop3A_1100 = arith.index_cast %parallel_loop3A_1099 : i32 to index
        %parallel_loop3A_1101 = tpu.vector_load %arg5[%parallel_loop3A_1100] {strides = array<i32>} : memref<2048xf32, #tpu.memory_space<vmem>>, vector<16xf32>,
        %parallel_loop3A_1102 = arith.constant 48 : i32
        %parallel_loop3A_1103 = arith.addi %parallel_loop3A_1073, %parallel_loop3A_1102 : i32
        %parallel_loop3A_1104 = arith.index_cast %parallel_loop3A_1103 : i32 to index
        %parallel_loop3A_1105 = tpu.vector_load %arg7[%parallel_loop3A_1104] {strides = array<i32>} : memref<32768xf32, #tpu.memory_space<vmem>>, vector<16xf32>,
        tpu.vector_store %arg7[%parallel_loop3A_1104], %parallel_loop3A_1101 {strides = array<i32>} : memref<32768xf32, #tpu.memory_space<vmem>>, vector<16xf32>,
        %parallel_loop3A_1106 = arith.constant 64 : i32
        %parallel_loop3A_1107 = arith.addi %parallel_loop3A_1069, %parallel_loop3A_1106 : i32
        %parallel_loop3A_1108 = arith.index_cast %parallel_loop3A_1107 : i32 to index
        %parallel_loop3A_1109 = tpu.vector_load %arg5[%parallel_loop3A_1108] {strides = array<i32>} : memref<2048xf32, #tpu.memory_space<vmem>>, vector<16xf32>,
        %parallel_loop3A_1110 = arith.constant 64 : i32
        %parallel_loop3A_1111 = arith.addi %parallel_loop3A_1073, %parallel_loop3A_1110 : i32
        %parallel_loop3A_1112 = arith.index_cast %parallel_loop3A_1111 : i32 to index
        %parallel_loop3A_1113 = tpu.vector_load %arg7[%parallel_loop3A_1112] {strides = array<i32>} : memref<32768xf32, #tpu.memory_space<vmem>>, vector<16xf32>,
        tpu.vector_store %arg7[%parallel_loop3A_1112], %parallel_loop3A_1109 {strides = array<i32>} : memref<32768xf32, #tpu.memory_space<vmem>>, vector<16xf32>,
        %parallel_loop3A_1114 = arith.constant 80 : i32
        %parallel_loop3A_1115 = arith.addi %parallel_loop3A_1069, %parallel_loop3A_1114 : i32
        %parallel_loop3A_1116 = arith.index_cast %parallel_loop3A_1115 : i32 to index
        %parallel_loop3A_1117 = tpu.vector_load %arg5[%parallel_loop3A_1116] {strides = array<i32>} : memref<2048xf32, #tpu.memory_space<vmem>>, vector<16xf32>,
        %parallel_loop3A_1118 = arith.constant 80 : i32
        %parallel_loop3A_1119 = arith.addi %parallel_loop3A_1073, %parallel_loop3A_1118 : i32
        %parallel_loop3A_1120 = arith.index_cast %parallel_loop3A_1119 : i32 to index
        %parallel_loop3A_1121 = tpu.vector_load %arg7[%parallel_loop3A_1120] {strides = array<i32>} : memref<32768xf32, #tpu.memory_space<vmem>>, vector<16xf32>,
        tpu.vector_store %arg7[%parallel_loop3A_1120], %parallel_loop3A_1117 {strides = array<i32>} : memref<32768xf32, #tpu.memory_space<vmem>>, vector<16xf32>,
        %parallel_loop3A_1122 = arith.constant 96 : i32
        %parallel_loop3A_1123 = arith.addi %parallel_loop3A_1069, %parallel_loop3A_1122 : i32
        %parallel_loop3A_1124 = arith.index_cast %parallel_loop3A_1123 : i32 to index
        %parallel_loop3A_1125 = tpu.vector_load %arg5[%parallel_loop3A_1124] {strides = array<i32>} : memref<2048xf32, #tpu.memory_space<vmem>>, vector<16xf32>,
        %parallel_loop3A_1126 = arith.constant 96 : i32
        %parallel_loop3A_1127 = arith.addi %parallel_loop3A_1073, %parallel_loop3A_1126 : i32
        %parallel_loop3A_1128 = arith.index_cast %parallel_loop3A_1127 : i32 to index
        %parallel_loop3A_1129 = tpu.vector_load %arg7[%parallel_loop3A_1128] {strides = array<i32>} : memref<32768xf32, #tpu.memory_space<vmem>>, vector<16xf32>,
        tpu.vector_store %arg7[%parallel_loop3A_1128], %parallel_loop3A_1125 {strides = array<i32>} : memref<32768xf32, #tpu.memory_space<vmem>>, vector<16xf32>,
        %parallel_loop3A_1130 = arith.constant 112 : i32
        %parallel_loop3A_1131 = arith.addi %parallel_loop3A_1069, %parallel_loop3A_1130 : i32
        %parallel_loop3A_1132 = arith.index_cast %parallel_loop3A_1131 : i32 to index
        %parallel_loop3A_1133 = tpu.vector_load %arg5[%parallel_loop3A_1132] {strides = array<i32>} : memref<2048xf32, #tpu.memory_space<vmem>>, vector<16xf32>,
        %parallel_loop3A_1134 = arith.constant 112 : i32
        %parallel_loop3A_1135 = arith.addi %parallel_loop3A_1073, %parallel_loop3A_1134 : i32
        %parallel_loop3A_1136 = arith.index_cast %parallel_loop3A_1135 : i32 to index
        %parallel_loop3A_1137 = tpu.vector_load %arg7[%parallel_loop3A_1136] {strides = array<i32>} : memref<32768xf32, #tpu.memory_space<vmem>>, vector<16xf32>,
        tpu.vector_store %arg7[%parallel_loop3A_1136], %parallel_loop3A_1133 {strides = array<i32>} : memref<32768xf32, #tpu.memory_space<vmem>>, vector<16xf32>,
        %parallel_loop3A_1138 = vector.extract_strided_slice %parallel_loop3A_57 {offsets = [15], sizes = [1], strides = [1]} : vector<16xi32> to vector<1xi32>
        %parallel_loop3A_1139 = vector.extract %parallel_loop3A_1138[0] : i32 from vector<1xi32>
        %parallel_loop3A_1140 = arith.constant 128 : i32
        %parallel_loop3A_1141 = arith.muli %parallel_loop3A_1139, %parallel_loop3A_1140 : i32
        %parallel_loop3A_1142 = arith.constant 15 : i32
        %parallel_loop3A_1143 = arith.addi %parallel_loop3A_52, %parallel_loop3A_1142 : i32
        %parallel_loop3A_1144 = arith.constant 128 : i32
        %parallel_loop3A_1145 = arith.muli %parallel_loop3A_1143, %parallel_loop3A_1144 : i32
        %parallel_loop3A_1146 = arith.constant 0 : i32
        %parallel_loop3A_1147 = arith.addi %parallel_loop3A_1141, %parallel_loop3A_1146 : i32
        %parallel_loop3A_1148 = arith.index_cast %parallel_loop3A_1147 : i32 to index
        %parallel_loop3A_1149 = tpu.vector_load %arg5[%parallel_loop3A_1148] {strides = array<i32>} : memref<2048xf32, #tpu.memory_space<vmem>>, vector<16xf32>,
        %parallel_loop3A_1150 = arith.constant 0 : i32
        %parallel_loop3A_1151 = arith.addi %parallel_loop3A_1145, %parallel_loop3A_1150 : i32
        %parallel_loop3A_1152 = arith.index_cast %parallel_loop3A_1151 : i32 to index
        %parallel_loop3A_1153 = tpu.vector_load %arg7[%parallel_loop3A_1152] {strides = array<i32>} : memref<32768xf32, #tpu.memory_space<vmem>>, vector<16xf32>,
        tpu.vector_store %arg7[%parallel_loop3A_1152], %parallel_loop3A_1149 {strides = array<i32>} : memref<32768xf32, #tpu.memory_space<vmem>>, vector<16xf32>,
        %parallel_loop3A_1154 = arith.constant 16 : i32
        %parallel_loop3A_1155 = arith.addi %parallel_loop3A_1141, %parallel_loop3A_1154 : i32
        %parallel_loop3A_1156 = arith.index_cast %parallel_loop3A_1155 : i32 to index
        %parallel_loop3A_1157 = tpu.vector_load %arg5[%parallel_loop3A_1156] {strides = array<i32>} : memref<2048xf32, #tpu.memory_space<vmem>>, vector<16xf32>,
        %parallel_loop3A_1158 = arith.constant 16 : i32
        %parallel_loop3A_1159 = arith.addi %parallel_loop3A_1145, %parallel_loop3A_1158 : i32
        %parallel_loop3A_1160 = arith.index_cast %parallel_loop3A_1159 : i32 to index
        %parallel_loop3A_1161 = tpu.vector_load %arg7[%parallel_loop3A_1160] {strides = array<i32>} : memref<32768xf32, #tpu.memory_space<vmem>>, vector<16xf32>,
        tpu.vector_store %arg7[%parallel_loop3A_1160], %parallel_loop3A_1157 {strides = array<i32>} : memref<32768xf32, #tpu.memory_space<vmem>>, vector<16xf32>,
        %parallel_loop3A_1162 = arith.constant 32 : i32
        %parallel_loop3A_1163 = arith.addi %parallel_loop3A_1141, %parallel_loop3A_1162 : i32
        %parallel_loop3A_1164 = arith.index_cast %parallel_loop3A_1163 : i32 to index
        %parallel_loop3A_1165 = tpu.vector_load %arg5[%parallel_loop3A_1164] {strides = array<i32>} : memref<2048xf32, #tpu.memory_space<vmem>>, vector<16xf32>,
        %parallel_loop3A_1166 = arith.constant 32 : i32
        %parallel_loop3A_1167 = arith.addi %parallel_loop3A_1145, %parallel_loop3A_1166 : i32
        %parallel_loop3A_1168 = arith.index_cast %parallel_loop3A_1167 : i32 to index
        %parallel_loop3A_1169 = tpu.vector_load %arg7[%parallel_loop3A_1168] {strides = array<i32>} : memref<32768xf32, #tpu.memory_space<vmem>>, vector<16xf32>,
        tpu.vector_store %arg7[%parallel_loop3A_1168], %parallel_loop3A_1165 {strides = array<i32>} : memref<32768xf32, #tpu.memory_space<vmem>>, vector<16xf32>,
        %parallel_loop3A_1170 = arith.constant 48 : i32
        %parallel_loop3A_1171 = arith.addi %parallel_loop3A_1141, %parallel_loop3A_1170 : i32
        %parallel_loop3A_1172 = arith.index_cast %parallel_loop3A_1171 : i32 to index
        %parallel_loop3A_1173 = tpu.vector_load %arg5[%parallel_loop3A_1172] {strides = array<i32>} : memref<2048xf32, #tpu.memory_space<vmem>>, vector<16xf32>,
        %parallel_loop3A_1174 = arith.constant 48 : i32
        %parallel_loop3A_1175 = arith.addi %parallel_loop3A_1145, %parallel_loop3A_1174 : i32
        %parallel_loop3A_1176 = arith.index_cast %parallel_loop3A_1175 : i32 to index
        %parallel_loop3A_1177 = tpu.vector_load %arg7[%parallel_loop3A_1176] {strides = array<i32>} : memref<32768xf32, #tpu.memory_space<vmem>>, vector<16xf32>,
        tpu.vector_store %arg7[%parallel_loop3A_1176], %parallel_loop3A_1173 {strides = array<i32>} : memref<32768xf32, #tpu.memory_space<vmem>>, vector<16xf32>,
        %parallel_loop3A_1178 = arith.constant 64 : i32
        %parallel_loop3A_1179 = arith.addi %parallel_loop3A_1141, %parallel_loop3A_1178 : i32
        %parallel_loop3A_1180 = arith.index_cast %parallel_loop3A_1179 : i32 to index
        %parallel_loop3A_1181 = tpu.vector_load %arg5[%parallel_loop3A_1180] {strides = array<i32>} : memref<2048xf32, #tpu.memory_space<vmem>>, vector<16xf32>,
        %parallel_loop3A_1182 = arith.constant 64 : i32
        %parallel_loop3A_1183 = arith.addi %parallel_loop3A_1145, %parallel_loop3A_1182 : i32
        %parallel_loop3A_1184 = arith.index_cast %parallel_loop3A_1183 : i32 to index
        %parallel_loop3A_1185 = tpu.vector_load %arg7[%parallel_loop3A_1184] {strides = array<i32>} : memref<32768xf32, #tpu.memory_space<vmem>>, vector<16xf32>,
        tpu.vector_store %arg7[%parallel_loop3A_1184], %parallel_loop3A_1181 {strides = array<i32>} : memref<32768xf32, #tpu.memory_space<vmem>>, vector<16xf32>,
        %parallel_loop3A_1186 = arith.constant 80 : i32
        %parallel_loop3A_1187 = arith.addi %parallel_loop3A_1141, %parallel_loop3A_1186 : i32
        %parallel_loop3A_1188 = arith.index_cast %parallel_loop3A_1187 : i32 to index
        %parallel_loop3A_1189 = tpu.vector_load %arg5[%parallel_loop3A_1188] {strides = array<i32>} : memref<2048xf32, #tpu.memory_space<vmem>>, vector<16xf32>,
        %parallel_loop3A_1190 = arith.constant 80 : i32
        %parallel_loop3A_1191 = arith.addi %parallel_loop3A_1145, %parallel_loop3A_1190 : i32
        %parallel_loop3A_1192 = arith.index_cast %parallel_loop3A_1191 : i32 to index
        %parallel_loop3A_1193 = tpu.vector_load %arg7[%parallel_loop3A_1192] {strides = array<i32>} : memref<32768xf32, #tpu.memory_space<vmem>>, vector<16xf32>,
        tpu.vector_store %arg7[%parallel_loop3A_1192], %parallel_loop3A_1189 {strides = array<i32>} : memref<32768xf32, #tpu.memory_space<vmem>>, vector<16xf32>,
        %parallel_loop3A_1194 = arith.constant 96 : i32
        %parallel_loop3A_1195 = arith.addi %parallel_loop3A_1141, %parallel_loop3A_1194 : i32
        %parallel_loop3A_1196 = arith.index_cast %parallel_loop3A_1195 : i32 to index
        %parallel_loop3A_1197 = tpu.vector_load %arg5[%parallel_loop3A_1196] {strides = array<i32>} : memref<2048xf32, #tpu.memory_space<vmem>>, vector<16xf32>,
        %parallel_loop3A_1198 = arith.constant 96 : i32
        %parallel_loop3A_1199 = arith.addi %parallel_loop3A_1145, %parallel_loop3A_1198 : i32
        %parallel_loop3A_1200 = arith.index_cast %parallel_loop3A_1199 : i32 to index
        %parallel_loop3A_1201 = tpu.vector_load %arg7[%parallel_loop3A_1200] {strides = array<i32>} : memref<32768xf32, #tpu.memory_space<vmem>>, vector<16xf32>,
        tpu.vector_store %arg7[%parallel_loop3A_1200], %parallel_loop3A_1197 {strides = array<i32>} : memref<32768xf32, #tpu.memory_space<vmem>>, vector<16xf32>,
        %parallel_loop3A_1202 = arith.constant 112 : i32
        %parallel_loop3A_1203 = arith.addi %parallel_loop3A_1141, %parallel_loop3A_1202 : i32
        %parallel_loop3A_1204 = arith.index_cast %parallel_loop3A_1203 : i32 to index
        %parallel_loop3A_1205 = tpu.vector_load %arg5[%parallel_loop3A_1204] {strides = array<i32>} : memref<2048xf32, #tpu.memory_space<vmem>>, vector<16xf32>,
        %parallel_loop3A_1206 = arith.constant 112 : i32
        %parallel_loop3A_1207 = arith.addi %parallel_loop3A_1145, %parallel_loop3A_1206 : i32
        %parallel_loop3A_1208 = arith.index_cast %parallel_loop3A_1207 : i32 to index
        %parallel_loop3A_1209 = tpu.vector_load %arg7[%parallel_loop3A_1208] {strides = array<i32>} : memref<32768xf32, #tpu.memory_space<vmem>>, vector<16xf32>,
        tpu.vector_store %arg7[%parallel_loop3A_1208], %parallel_loop3A_1205 {strides = array<i32>} : memref<32768xf32, #tpu.memory_space<vmem>>, vector<16xf32>,
      } {sc.loop_unroll_factor = 2 : i64, sc.parallel_access}
      %mul3A_25 = arith.constant 256 : i32
      %mul3A_26 = arith.muli %mul3A_20, %mul3A_25 : i32
      %add3A_27 = arith.addi %mul3A_2, %mul3A_26 : i32
      %mul3A_28 = arith.constant 128 : i32
      %mul3A_29 = arith.muli %add3A_27, %mul3A_28 : i32
      %dma_start3A = tpu.memref_slice %arg4[%mul3A_29] : memref<33554432xf32, #tpu.memory_space<hbm>> -> memref<32768xf32, #tpu.memory_space<hbm>>
      %dma_start3A_30 = tpu.memref_slice %arg4[%mul3A_29] : memref<33554432xf32, #tpu.memory_space<hbm>> -> memref<32768xf32, #tpu.memory_space<hbm>>
      tpu.enqueue_dma source(%arg7 : memref<32768xf32, #tpu.memory_space<vmem>>) target(%dma_start3A_30 : memref<32768xf32, #tpu.memory_space<hbm>>) target_semaphore(%arg9 : memref<!tpu.dma_semaphore, #tpu.memory_space<semaphore_mem>>)
      %gt3A_31 = arith.constant 0 : i32
      %gt3A_32 = arith.cmpi sgt, %add3A_18, %gt3A_31 : i32
      %convert_element_type3A_33 = arith.extui %gt3A_32 : i1 to i32
      %cond3A_34 = arith.constant 0 : i32
      %cond3A_35 = arith.cmpi ne, %convert_element_type3A_33, %cond3A_34 : i32
      scf.if %cond3A_35 {
        %mul3A_50 = arith.constant 128 : i32
        %mul3A_51 = arith.muli %mul3A_2, %mul3A_50 : i32
        %dma_wait3A_52 = tpu.memref_slice %arg4[%mul3A_51] : memref<33554432xf32, #tpu.memory_space<hbm>> -> memref<32768xf32, #tpu.memory_space<hbm>>
        %dma_wait3A_53 = tpu.memref_slice %arg4[%mul3A_51] : memref<33554432xf32, #tpu.memory_space<hbm>> -> memref<32768xf32, #tpu.memory_space<hbm>>
        tpu.wait_dma2 semaphore(%arg10 : memref<!tpu.dma_semaphore, #tpu.memory_space<semaphore_mem>>) src(%arg8 : memref<32768xf32, #tpu.memory_space<vmem>>) dst(%dma_wait3A_53 : memref<32768xf32, #tpu.memory_space<hbm>>)
      } else {
      }
      %add3A_36 = arith.constant 1 : i32
      %add3A_37 = arith.addi %mul3A_20, %add3A_36 : i32
      %parallel_loop3A_38 = arith.constant 0 : i32
      %parallel_loop3A_39 = arith.constant 16 : i32
      %parallel_loop3A_40 = arith.constant 1 : i32
      scf.for %parallel_loop3A_50 = %parallel_loop3A_38 to %parallel_loop3A_39 step %parallel_loop3A_40  : i32 {
        %parallel_loop3A_51 = arith.constant 16 : i32
        %parallel_loop3A_52 = arith.muli %parallel_loop3A_50, %parallel_loop3A_51 : i32
        %parallel_loop3A_53 = arith.constant 256 : i32
        %parallel_loop3A_54 = arith.muli %add3A_37, %parallel_loop3A_53 : i32
        %parallel_loop3A_55 = arith.addi %parallel_loop3A_54, %parallel_loop3A_52 : i32
        %parallel_loop3A_56 = arith.index_cast %parallel_loop3A_55 : i32 to index
        %parallel_loop3A_57 = tpu.vector_load %arg6[%parallel_loop3A_56] {strides = array<i32>} : memref<8192xi32, #tpu.memory_space<vmem>>, vector<16xi32>,
        %parallel_loop3A_58 = vector.extract_strided_slice %parallel_loop3A_57 {offsets = [0], sizes = [1], strides = [1]} : vector<16xi32> to vector<1xi32>
        %parallel_loop3A_59 = vector.extract %parallel_loop3A_58[0] : i32 from vector<1xi32>
        %parallel_loop3A_60 = arith.constant 128 : i32
        %parallel_loop3A_61 = arith.muli %parallel_loop3A_59, %parallel_loop3A_60 : i32
        %parallel_loop3A_62 = arith.constant 0 : i32
        %parallel_loop3A_63 = arith.addi %parallel_loop3A_52, %parallel_loop3A_62 : i32
        %parallel_loop3A_64 = arith.constant 128 : i32
        %parallel_loop3A_65 = arith.muli %parallel_loop3A_63, %parallel_loop3A_64 : i32
        %parallel_loop3A_66 = arith.constant 0 : i32
        %parallel_loop3A_67 = arith.addi %parallel_loop3A_61, %parallel_loop3A_66 : i32
        %parallel_loop3A_68 = arith.index_cast %parallel_loop3A_67 : i32 to index
        %parallel_loop3A_69 = tpu.vector_load %arg5[%parallel_loop3A_68] {strides = array<i32>} : memref<2048xf32, #tpu.memory_space<vmem>>, vector<16xf32>,
        %parallel_loop3A_70 = arith.constant 0 : i32
        %parallel_loop3A_71 = arith.addi %parallel_loop3A_65, %parallel_loop3A_70 : i32
        %parallel_loop3A_72 = arith.index_cast %parallel_loop3A_71 : i32 to index
        %parallel_loop3A_73 = tpu.vector_load %arg8[%parallel_loop3A_72] {strides = array<i32>} : memref<32768xf32, #tpu.memory_space<vmem>>, vector<16xf32>,
        tpu.vector_store %arg8[%parallel_loop3A_72], %parallel_loop3A_69 {strides = array<i32>} : memref<32768xf32, #tpu.memory_space<vmem>>, vector<16xf32>,
        %parallel_loop3A_74 = arith.constant 16 : i32
        %parallel_loop3A_75 = arith.addi %parallel_loop3A_61, %parallel_loop3A_74 : i32
        %parallel_loop3A_76 = arith.index_cast %parallel_loop3A_75 : i32 to index
        %parallel_loop3A_77 = tpu.vector_load %arg5[%parallel_loop3A_76] {strides = array<i32>} : memref<2048xf32, #tpu.memory_space<vmem>>, vector<16xf32>,
        %parallel_loop3A_78 = arith.constant 16 : i32
        %parallel_loop3A_79 = arith.addi %parallel_loop3A_65, %parallel_loop3A_78 : i32
        %parallel_loop3A_80 = arith.index_cast %parallel_loop3A_79 : i32 to index
        %parallel_loop3A_81 = tpu.vector_load %arg8[%parallel_loop3A_80] {strides = array<i32>} : memref<32768xf32, #tpu.memory_space<vmem>>, vector<16xf32>,
        tpu.vector_store %arg8[%parallel_loop3A_80], %parallel_loop3A_77 {strides = array<i32>} : memref<32768xf32, #tpu.memory_space<vmem>>, vector<16xf32>,
        %parallel_loop3A_82 = arith.constant 32 : i32
        %parallel_loop3A_83 = arith.addi %parallel_loop3A_61, %parallel_loop3A_82 : i32
        %parallel_loop3A_84 = arith.index_cast %parallel_loop3A_83 : i32 to index
        %parallel_loop3A_85 = tpu.vector_load %arg5[%parallel_loop3A_84] {strides = array<i32>} : memref<2048xf32, #tpu.memory_space<vmem>>, vector<16xf32>,
        %parallel_loop3A_86 = arith.constant 32 : i32
        %parallel_loop3A_87 = arith.addi %parallel_loop3A_65, %parallel_loop3A_86 : i32
        %parallel_loop3A_88 = arith.index_cast %parallel_loop3A_87 : i32 to index
        %parallel_loop3A_89 = tpu.vector_load %arg8[%parallel_loop3A_88] {strides = array<i32>} : memref<32768xf32, #tpu.memory_space<vmem>>, vector<16xf32>,
        tpu.vector_store %arg8[%parallel_loop3A_88], %parallel_loop3A_85 {strides = array<i32>} : memref<32768xf32, #tpu.memory_space<vmem>>, vector<16xf32>,
        %parallel_loop3A_90 = arith.constant 48 : i32
        %parallel_loop3A_91 = arith.addi %parallel_loop3A_61, %parallel_loop3A_90 : i32
        %parallel_loop3A_92 = arith.index_cast %parallel_loop3A_91 : i32 to index
        %parallel_loop3A_93 = tpu.vector_load %arg5[%parallel_loop3A_92] {strides = array<i32>} : memref<2048xf32, #tpu.memory_space<vmem>>, vector<16xf32>,
        %parallel_loop3A_94 = arith.constant 48 : i32
        %parallel_loop3A_95 = arith.addi %parallel_loop3A_65, %parallel_loop3A_94 : i32
        %parallel_loop3A_96 = arith.index_cast %parallel_loop3A_95 : i32 to index
        %parallel_loop3A_97 = tpu.vector_load %arg8[%parallel_loop3A_96] {strides = array<i32>} : memref<32768xf32, #tpu.memory_space<vmem>>, vector<16xf32>,
        tpu.vector_store %arg8[%parallel_loop3A_96], %parallel_loop3A_93 {strides = array<i32>} : memref<32768xf32, #tpu.memory_space<vmem>>, vector<16xf32>,
        %parallel_loop3A_98 = arith.constant 64 : i32
        %parallel_loop3A_99 = arith.addi %parallel_loop3A_61, %parallel_loop3A_98 : i32
        %parallel_loop3A_100 = arith.index_cast %parallel_loop3A_99 : i32 to index
        %parallel_loop3A_101 = tpu.vector_load %arg5[%parallel_loop3A_100] {strides = array<i32>} : memref<2048xf32, #tpu.memory_space<vmem>>, vector<16xf32>,
        %parallel_loop3A_102 = arith.constant 64 : i32
        %parallel_loop3A_103 = arith.addi %parallel_loop3A_65, %parallel_loop3A_102 : i32
        %parallel_loop3A_104 = arith.index_cast %parallel_loop3A_103 : i32 to index
        %parallel_loop3A_105 = tpu.vector_load %arg8[%parallel_loop3A_104] {strides = array<i32>} : memref<32768xf32, #tpu.memory_space<vmem>>, vector<16xf32>,
        tpu.vector_store %arg8[%parallel_loop3A_104], %parallel_loop3A_101 {strides = array<i32>} : memref<32768xf32, #tpu.memory_space<vmem>>, vector<16xf32>,
        %parallel_loop3A_106 = arith.constant 80 : i32
        %parallel_loop3A_107 = arith.addi %parallel_loop3A_61, %parallel_loop3A_106 : i32
        %parallel_loop3A_108 = arith.index_cast %parallel_loop3A_107 : i32 to index
        %parallel_loop3A_109 = tpu.vector_load %arg5[%parallel_loop3A_108] {strides = array<i32>} : memref<2048xf32, #tpu.memory_space<vmem>>, vector<16xf32>,
        %parallel_loop3A_110 = arith.constant 80 : i32
        %parallel_loop3A_111 = arith.addi %parallel_loop3A_65, %parallel_loop3A_110 : i32
        %parallel_loop3A_112 = arith.index_cast %parallel_loop3A_111 : i32 to index
        %parallel_loop3A_113 = tpu.vector_load %arg8[%parallel_loop3A_112] {strides = array<i32>} : memref<32768xf32, #tpu.memory_space<vmem>>, vector<16xf32>,
        tpu.vector_store %arg8[%parallel_loop3A_112], %parallel_loop3A_109 {strides = array<i32>} : memref<32768xf32, #tpu.memory_space<vmem>>, vector<16xf32>,
        %parallel_loop3A_114 = arith.constant 96 : i32
        %parallel_loop3A_115 = arith.addi %parallel_loop3A_61, %parallel_loop3A_114 : i32
        %parallel_loop3A_116 = arith.index_cast %parallel_loop3A_115 : i32 to index
        %parallel_loop3A_117 = tpu.vector_load %arg5[%parallel_loop3A_116] {strides = array<i32>} : memref<2048xf32, #tpu.memory_space<vmem>>, vector<16xf32>,
        %parallel_loop3A_118 = arith.constant 96 : i32
        %parallel_loop3A_119 = arith.addi %parallel_loop3A_65, %parallel_loop3A_118 : i32
        %parallel_loop3A_120 = arith.index_cast %parallel_loop3A_119 : i32 to index
        %parallel_loop3A_121 = tpu.vector_load %arg8[%parallel_loop3A_120] {strides = array<i32>} : memref<32768xf32, #tpu.memory_space<vmem>>, vector<16xf32>,
        tpu.vector_store %arg8[%parallel_loop3A_120], %parallel_loop3A_117 {strides = array<i32>} : memref<32768xf32, #tpu.memory_space<vmem>>, vector<16xf32>,
        %parallel_loop3A_122 = arith.constant 112 : i32
        %parallel_loop3A_123 = arith.addi %parallel_loop3A_61, %parallel_loop3A_122 : i32
        %parallel_loop3A_124 = arith.index_cast %parallel_loop3A_123 : i32 to index
        %parallel_loop3A_125 = tpu.vector_load %arg5[%parallel_loop3A_124] {strides = array<i32>} : memref<2048xf32, #tpu.memory_space<vmem>>, vector<16xf32>,
        %parallel_loop3A_126 = arith.constant 112 : i32
        %parallel_loop3A_127 = arith.addi %parallel_loop3A_65, %parallel_loop3A_126 : i32
        %parallel_loop3A_128 = arith.index_cast %parallel_loop3A_127 : i32 to index
        %parallel_loop3A_129 = tpu.vector_load %arg8[%parallel_loop3A_128] {strides = array<i32>} : memref<32768xf32, #tpu.memory_space<vmem>>, vector<16xf32>,
        tpu.vector_store %arg8[%parallel_loop3A_128], %parallel_loop3A_125 {strides = array<i32>} : memref<32768xf32, #tpu.memory_space<vmem>>, vector<16xf32>,
        %parallel_loop3A_130 = vector.extract_strided_slice %parallel_loop3A_57 {offsets = [1], sizes = [1], strides = [1]} : vector<16xi32> to vector<1xi32>
        %parallel_loop3A_131 = vector.extract %parallel_loop3A_130[0] : i32 from vector<1xi32>
        %parallel_loop3A_132 = arith.constant 128 : i32
        %parallel_loop3A_133 = arith.muli %parallel_loop3A_131, %parallel_loop3A_132 : i32
        %parallel_loop3A_134 = arith.constant 1 : i32
        %parallel_loop3A_135 = arith.addi %parallel_loop3A_52, %parallel_loop3A_134 : i32
        %parallel_loop3A_136 = arith.constant 128 : i32
        %parallel_loop3A_137 = arith.muli %parallel_loop3A_135, %parallel_loop3A_136 : i32
        %parallel_loop3A_138 = arith.constant 0 : i32
        %parallel_loop3A_139 = arith.addi %parallel_loop3A_133, %parallel_loop3A_138 : i32
        %parallel_loop3A_140 = arith.index_cast %parallel_loop3A_139 : i32 to index
        %parallel_loop3A_141 = tpu.vector_load %arg5[%parallel_loop3A_140] {strides = array<i32>} : memref<2048xf32, #tpu.memory_space<vmem>>, vector<16xf32>,
        %parallel_loop3A_142 = arith.constant 0 : i32
        %parallel_loop3A_143 = arith.addi %parallel_loop3A_137, %parallel_loop3A_142 : i32
        %parallel_loop3A_144 = arith.index_cast %parallel_loop3A_143 : i32 to index
        %parallel_loop3A_145 = tpu.vector_load %arg8[%parallel_loop3A_144] {strides = array<i32>} : memref<32768xf32, #tpu.memory_space<vmem>>, vector<16xf32>,
        tpu.vector_store %arg8[%parallel_loop3A_144], %parallel_loop3A_141 {strides = array<i32>} : memref<32768xf32, #tpu.memory_space<vmem>>, vector<16xf32>,
        %parallel_loop3A_146 = arith.constant 16 : i32
        %parallel_loop3A_147 = arith.addi %parallel_loop3A_133, %parallel_loop3A_146 : i32
        %parallel_loop3A_148 = arith.index_cast %parallel_loop3A_147 : i32 to index
        %parallel_loop3A_149 = tpu.vector_load %arg5[%parallel_loop3A_148] {strides = array<i32>} : memref<2048xf32, #tpu.memory_space<vmem>>, vector<16xf32>,
        %parallel_loop3A_150 = arith.constant 16 : i32
        %parallel_loop3A_151 = arith.addi %parallel_loop3A_137, %parallel_loop3A_150 : i32
        %parallel_loop3A_152 = arith.index_cast %parallel_loop3A_151 : i32 to index
        %parallel_loop3A_153 = tpu.vector_load %arg8[%parallel_loop3A_152] {strides = array<i32>} : memref<32768xf32, #tpu.memory_space<vmem>>, vector<16xf32>,
        tpu.vector_store %arg8[%parallel_loop3A_152], %parallel_loop3A_149 {strides = array<i32>} : memref<32768xf32, #tpu.memory_space<vmem>>, vector<16xf32>,
        %parallel_loop3A_154 = arith.constant 32 : i32
        %parallel_loop3A_155 = arith.addi %parallel_loop3A_133, %parallel_loop3A_154 : i32
        %parallel_loop3A_156 = arith.index_cast %parallel_loop3A_155 : i32 to index
        %parallel_loop3A_157 = tpu.vector_load %arg5[%parallel_loop3A_156] {strides = array<i32>} : memref<2048xf32, #tpu.memory_space<vmem>>, vector<16xf32>,
        %parallel_loop3A_158 = arith.constant 32 : i32
        %parallel_loop3A_159 = arith.addi %parallel_loop3A_137, %parallel_loop3A_158 : i32
        %parallel_loop3A_160 = arith.index_cast %parallel_loop3A_159 : i32 to index
        %parallel_loop3A_161 = tpu.vector_load %arg8[%parallel_loop3A_160] {strides = array<i32>} : memref<32768xf32, #tpu.memory_space<vmem>>, vector<16xf32>,
        tpu.vector_store %arg8[%parallel_loop3A_160], %parallel_loop3A_157 {strides = array<i32>} : memref<32768xf32, #tpu.memory_space<vmem>>, vector<16xf32>,
        %parallel_loop3A_162 = arith.constant 48 : i32
        %parallel_loop3A_163 = arith.addi %parallel_loop3A_133, %parallel_loop3A_162 : i32
        %parallel_loop3A_164 = arith.index_cast %parallel_loop3A_163 : i32 to index
        %parallel_loop3A_165 = tpu.vector_load %arg5[%parallel_loop3A_164] {strides = array<i32>} : memref<2048xf32, #tpu.memory_space<vmem>>, vector<16xf32>,
        %parallel_loop3A_166 = arith.constant 48 : i32
        %parallel_loop3A_167 = arith.addi %parallel_loop3A_137, %parallel_loop3A_166 : i32
        %parallel_loop3A_168 = arith.index_cast %parallel_loop3A_167 : i32 to index
        %parallel_loop3A_169 = tpu.vector_load %arg8[%parallel_loop3A_168] {strides = array<i32>} : memref<32768xf32, #tpu.memory_space<vmem>>, vector<16xf32>,
        tpu.vector_store %arg8[%parallel_loop3A_168], %parallel_loop3A_165 {strides = array<i32>} : memref<32768xf32, #tpu.memory_space<vmem>>, vector<16xf32>,
        %parallel_loop3A_170 = arith.constant 64 : i32
        %parallel_loop3A_171 = arith.addi %parallel_loop3A_133, %parallel_loop3A_170 : i32
        %parallel_loop3A_172 = arith.index_cast %parallel_loop3A_171 : i32 to index
        %parallel_loop3A_173 = tpu.vector_load %arg5[%parallel_loop3A_172] {strides = array<i32>} : memref<2048xf32, #tpu.memory_space<vmem>>, vector<16xf32>,
        %parallel_loop3A_174 = arith.constant 64 : i32
        %parallel_loop3A_175 = arith.addi %parallel_loop3A_137, %parallel_loop3A_174 : i32
        %parallel_loop3A_176 = arith.index_cast %parallel_loop3A_175 : i32 to index
        %parallel_loop3A_177 = tpu.vector_load %arg8[%parallel_loop3A_176] {strides = array<i32>} : memref<32768xf32, #tpu.memory_space<vmem>>, vector<16xf32>,
        tpu.vector_store %arg8[%parallel_loop3A_176], %parallel_loop3A_173 {strides = array<i32>} : memref<32768xf32, #tpu.memory_space<vmem>>, vector<16xf32>,
        %parallel_loop3A_178 = arith.constant 80 : i32
        %parallel_loop3A_179 = arith.addi %parallel_loop3A_133, %parallel_loop3A_178 : i32
        %parallel_loop3A_180 = arith.index_cast %parallel_loop3A_179 : i32 to index
        %parallel_loop3A_181 = tpu.vector_load %arg5[%parallel_loop3A_180] {strides = array<i32>} : memref<2048xf32, #tpu.memory_space<vmem>>, vector<16xf32>,
        %parallel_loop3A_182 = arith.constant 80 : i32
        %parallel_loop3A_183 = arith.addi %parallel_loop3A_137, %parallel_loop3A_182 : i32
        %parallel_loop3A_184 = arith.index_cast %parallel_loop3A_183 : i32 to index
        %parallel_loop3A_185 = tpu.vector_load %arg8[%parallel_loop3A_184] {strides = array<i32>} : memref<32768xf32, #tpu.memory_space<vmem>>, vector<16xf32>,
        tpu.vector_store %arg8[%parallel_loop3A_184], %parallel_loop3A_181 {strides = array<i32>} : memref<32768xf32, #tpu.memory_space<vmem>>, vector<16xf32>,
        %parallel_loop3A_186 = arith.constant 96 : i32
        %parallel_loop3A_187 = arith.addi %parallel_loop3A_133, %parallel_loop3A_186 : i32
        %parallel_loop3A_188 = arith.index_cast %parallel_loop3A_187 : i32 to index
        %parallel_loop3A_189 = tpu.vector_load %arg5[%parallel_loop3A_188] {strides = array<i32>} : memref<2048xf32, #tpu.memory_space<vmem>>, vector<16xf32>,
        %parallel_loop3A_190 = arith.constant 96 : i32
        %parallel_loop3A_191 = arith.addi %parallel_loop3A_137, %parallel_loop3A_190 : i32
        %parallel_loop3A_192 = arith.index_cast %parallel_loop3A_191 : i32 to index
        %parallel_loop3A_193 = tpu.vector_load %arg8[%parallel_loop3A_192] {strides = array<i32>} : memref<32768xf32, #tpu.memory_space<vmem>>, vector<16xf32>,
        tpu.vector_store %arg8[%parallel_loop3A_192], %parallel_loop3A_189 {strides = array<i32>} : memref<32768xf32, #tpu.memory_space<vmem>>, vector<16xf32>,
        %parallel_loop3A_194 = arith.constant 112 : i32
        %parallel_loop3A_195 = arith.addi %parallel_loop3A_133, %parallel_loop3A_194 : i32
        %parallel_loop3A_196 = arith.index_cast %parallel_loop3A_195 : i32 to index
        %parallel_loop3A_197 = tpu.vector_load %arg5[%parallel_loop3A_196] {strides = array<i32>} : memref<2048xf32, #tpu.memory_space<vmem>>, vector<16xf32>,
        %parallel_loop3A_198 = arith.constant 112 : i32
        %parallel_loop3A_199 = arith.addi %parallel_loop3A_137, %parallel_loop3A_198 : i32
        %parallel_loop3A_200 = arith.index_cast %parallel_loop3A_199 : i32 to index
        %parallel_loop3A_201 = tpu.vector_load %arg8[%parallel_loop3A_200] {strides = array<i32>} : memref<32768xf32, #tpu.memory_space<vmem>>, vector<16xf32>,
        tpu.vector_store %arg8[%parallel_loop3A_200], %parallel_loop3A_197 {strides = array<i32>} : memref<32768xf32, #tpu.memory_space<vmem>>, vector<16xf32>,
        %parallel_loop3A_202 = vector.extract_strided_slice %parallel_loop3A_57 {offsets = [2], sizes = [1], strides = [1]} : vector<16xi32> to vector<1xi32>
        %parallel_loop3A_203 = vector.extract %parallel_loop3A_202[0] : i32 from vector<1xi32>
        %parallel_loop3A_204 = arith.constant 128 : i32
        %parallel_loop3A_205 = arith.muli %parallel_loop3A_203, %parallel_loop3A_204 : i32
        %parallel_loop3A_206 = arith.constant 2 : i32
        %parallel_loop3A_207 = arith.addi %parallel_loop3A_52, %parallel_loop3A_206 : i32
        %parallel_loop3A_208 = arith.constant 128 : i32
        %parallel_loop3A_209 = arith.muli %parallel_loop3A_207, %parallel_loop3A_208 : i32
        %parallel_loop3A_210 = arith.constant 0 : i32
        %parallel_loop3A_211 = arith.addi %parallel_loop3A_205, %parallel_loop3A_210 : i32
        %parallel_loop3A_212 = arith.index_cast %parallel_loop3A_211 : i32 to index
        %parallel_loop3A_213 = tpu.vector_load %arg5[%parallel_loop3A_212] {strides = array<i32>} : memref<2048xf32, #tpu.memory_space<vmem>>, vector<16xf32>,
        %parallel_loop3A_214 = arith.constant 0 : i32
        %parallel_loop3A_215 = arith.addi %parallel_loop3A_209, %parallel_loop3A_214 : i32
        %parallel_loop3A_216 = arith.index_cast %parallel_loop3A_215 : i32 to index
        %parallel_loop3A_217 = tpu.vector_load %arg8[%parallel_loop3A_216] {strides = array<i32>} : memref<32768xf32, #tpu.memory_space<vmem>>, vector<16xf32>,
        tpu.vector_store %arg8[%parallel_loop3A_216], %parallel_loop3A_213 {strides = array<i32>} : memref<32768xf32, #tpu.memory_space<vmem>>, vector<16xf32>,
        %parallel_loop3A_218 = arith.constant 16 : i32
        %parallel_loop3A_219 = arith.addi %parallel_loop3A_205, %parallel_loop3A_218 : i32
        %parallel_loop3A_220 = arith.index_cast %parallel_loop3A_219 : i32 to index
        %parallel_loop3A_221 = tpu.vector_load %arg5[%parallel_loop3A_220] {strides = array<i32>} : memref<2048xf32, #tpu.memory_space<vmem>>, vector<16xf32>,
        %parallel_loop3A_222 = arith.constant 16 : i32
        %parallel_loop3A_223 = arith.addi %parallel_loop3A_209, %parallel_loop3A_222 : i32
        %parallel_loop3A_224 = arith.index_cast %parallel_loop3A_223 : i32 to index
        %parallel_loop3A_225 = tpu.vector_load %arg8[%parallel_loop3A_224] {strides = array<i32>} : memref<32768xf32, #tpu.memory_space<vmem>>, vector<16xf32>,
        tpu.vector_store %arg8[%parallel_loop3A_224], %parallel_loop3A_221 {strides = array<i32>} : memref<32768xf32, #tpu.memory_space<vmem>>, vector<16xf32>,
        %parallel_loop3A_226 = arith.constant 32 : i32
        %parallel_loop3A_227 = arith.addi %parallel_loop3A_205, %parallel_loop3A_226 : i32
        %parallel_loop3A_228 = arith.index_cast %parallel_loop3A_227 : i32 to index
        %parallel_loop3A_229 = tpu.vector_load %arg5[%parallel_loop3A_228] {strides = array<i32>} : memref<2048xf32, #tpu.memory_space<vmem>>, vector<16xf32>,
        %parallel_loop3A_230 = arith.constant 32 : i32
        %parallel_loop3A_231 = arith.addi %parallel_loop3A_209, %parallel_loop3A_230 : i32
        %parallel_loop3A_232 = arith.index_cast %parallel_loop3A_231 : i32 to index
        %parallel_loop3A_233 = tpu.vector_load %arg8[%parallel_loop3A_232] {strides = array<i32>} : memref<32768xf32, #tpu.memory_space<vmem>>, vector<16xf32>,
        tpu.vector_store %arg8[%parallel_loop3A_232], %parallel_loop3A_229 {strides = array<i32>} : memref<32768xf32, #tpu.memory_space<vmem>>, vector<16xf32>,
        %parallel_loop3A_234 = arith.constant 48 : i32
        %parallel_loop3A_235 = arith.addi %parallel_loop3A_205, %parallel_loop3A_234 : i32
        %parallel_loop3A_236 = arith.index_cast %parallel_loop3A_235 : i32 to index
        %parallel_loop3A_237 = tpu.vector_load %arg5[%parallel_loop3A_236] {strides = array<i32>} : memref<2048xf32, #tpu.memory_space<vmem>>, vector<16xf32>,
        %parallel_loop3A_238 = arith.constant 48 : i32
        %parallel_loop3A_239 = arith.addi %parallel_loop3A_209, %parallel_loop3A_238 : i32
        %parallel_loop3A_240 = arith.index_cast %parallel_loop3A_239 : i32 to index
        %parallel_loop3A_241 = tpu.vector_load %arg8[%parallel_loop3A_240] {strides = array<i32>} : memref<32768xf32, #tpu.memory_space<vmem>>, vector<16xf32>,
        tpu.vector_store %arg8[%parallel_loop3A_240], %parallel_loop3A_237 {strides = array<i32>} : memref<32768xf32, #tpu.memory_space<vmem>>, vector<16xf32>,
        %parallel_loop3A_242 = arith.constant 64 : i32
        %parallel_loop3A_243 = arith.addi %parallel_loop3A_205, %parallel_loop3A_242 : i32
        %parallel_loop3A_244 = arith.index_cast %parallel_loop3A_243 : i32 to index
        %parallel_loop3A_245 = tpu.vector_load %arg5[%parallel_loop3A_244] {strides = array<i32>} : memref<2048xf32, #tpu.memory_space<vmem>>, vector<16xf32>,
        %parallel_loop3A_246 = arith.constant 64 : i32
        %parallel_loop3A_247 = arith.addi %parallel_loop3A_209, %parallel_loop3A_246 : i32
        %parallel_loop3A_248 = arith.index_cast %parallel_loop3A_247 : i32 to index
        %parallel_loop3A_249 = tpu.vector_load %arg8[%parallel_loop3A_248] {strides = array<i32>} : memref<32768xf32, #tpu.memory_space<vmem>>, vector<16xf32>,
        tpu.vector_store %arg8[%parallel_loop3A_248], %parallel_loop3A_245 {strides = array<i32>} : memref<32768xf32, #tpu.memory_space<vmem>>, vector<16xf32>,
        %parallel_loop3A_250 = arith.constant 80 : i32
        %parallel_loop3A_251 = arith.addi %parallel_loop3A_205, %parallel_loop3A_250 : i32
        %parallel_loop3A_252 = arith.index_cast %parallel_loop3A_251 : i32 to index
        %parallel_loop3A_253 = tpu.vector_load %arg5[%parallel_loop3A_252] {strides = array<i32>} : memref<2048xf32, #tpu.memory_space<vmem>>, vector<16xf32>,
        %parallel_loop3A_254 = arith.constant 80 : i32
        %parallel_loop3A_255 = arith.addi %parallel_loop3A_209, %parallel_loop3A_254 : i32
        %parallel_loop3A_256 = arith.index_cast %parallel_loop3A_255 : i32 to index
        %parallel_loop3A_257 = tpu.vector_load %arg8[%parallel_loop3A_256] {strides = array<i32>} : memref<32768xf32, #tpu.memory_space<vmem>>, vector<16xf32>,
        tpu.vector_store %arg8[%parallel_loop3A_256], %parallel_loop3A_253 {strides = array<i32>} : memref<32768xf32, #tpu.memory_space<vmem>>, vector<16xf32>,
        %parallel_loop3A_258 = arith.constant 96 : i32
        %parallel_loop3A_259 = arith.addi %parallel_loop3A_205, %parallel_loop3A_258 : i32
        %parallel_loop3A_260 = arith.index_cast %parallel_loop3A_259 : i32 to index
        %parallel_loop3A_261 = tpu.vector_load %arg5[%parallel_loop3A_260] {strides = array<i32>} : memref<2048xf32, #tpu.memory_space<vmem>>, vector<16xf32>,
        %parallel_loop3A_262 = arith.constant 96 : i32
        %parallel_loop3A_263 = arith.addi %parallel_loop3A_209, %parallel_loop3A_262 : i32
        %parallel_loop3A_264 = arith.index_cast %parallel_loop3A_263 : i32 to index
        %parallel_loop3A_265 = tpu.vector_load %arg8[%parallel_loop3A_264] {strides = array<i32>} : memref<32768xf32, #tpu.memory_space<vmem>>, vector<16xf32>,
        tpu.vector_store %arg8[%parallel_loop3A_264], %parallel_loop3A_261 {strides = array<i32>} : memref<32768xf32, #tpu.memory_space<vmem>>, vector<16xf32>,
        %parallel_loop3A_266 = arith.constant 112 : i32
        %parallel_loop3A_267 = arith.addi %parallel_loop3A_205, %parallel_loop3A_266 : i32
        %parallel_loop3A_268 = arith.index_cast %parallel_loop3A_267 : i32 to index
        %parallel_loop3A_269 = tpu.vector_load %arg5[%parallel_loop3A_268] {strides = array<i32>} : memref<2048xf32, #tpu.memory_space<vmem>>, vector<16xf32>,
        %parallel_loop3A_270 = arith.constant 112 : i32
        %parallel_loop3A_271 = arith.addi %parallel_loop3A_209, %parallel_loop3A_270 : i32
        %parallel_loop3A_272 = arith.index_cast %parallel_loop3A_271 : i32 to index
        %parallel_loop3A_273 = tpu.vector_load %arg8[%parallel_loop3A_272] {strides = array<i32>} : memref<32768xf32, #tpu.memory_space<vmem>>, vector<16xf32>,
        tpu.vector_store %arg8[%parallel_loop3A_272], %parallel_loop3A_269 {strides = array<i32>} : memref<32768xf32, #tpu.memory_space<vmem>>, vector<16xf32>,
        %parallel_loop3A_274 = vector.extract_strided_slice %parallel_loop3A_57 {offsets = [3], sizes = [1], strides = [1]} : vector<16xi32> to vector<1xi32>
        %parallel_loop3A_275 = vector.extract %parallel_loop3A_274[0] : i32 from vector<1xi32>
        %parallel_loop3A_276 = arith.constant 128 : i32
        %parallel_loop3A_277 = arith.muli %parallel_loop3A_275, %parallel_loop3A_276 : i32
        %parallel_loop3A_278 = arith.constant 3 : i32
        %parallel_loop3A_279 = arith.addi %parallel_loop3A_52, %parallel_loop3A_278 : i32
        %parallel_loop3A_280 = arith.constant 128 : i32
        %parallel_loop3A_281 = arith.muli %parallel_loop3A_279, %parallel_loop3A_280 : i32
        %parallel_loop3A_282 = arith.constant 0 : i32
        %parallel_loop3A_283 = arith.addi %parallel_loop3A_277, %parallel_loop3A_282 : i32
        %parallel_loop3A_284 = arith.index_cast %parallel_loop3A_283 : i32 to index
        %parallel_loop3A_285 = tpu.vector_load %arg5[%parallel_loop3A_284] {strides = array<i32>} : memref<2048xf32, #tpu.memory_space<vmem>>, vector<16xf32>,
        %parallel_loop3A_286 = arith.constant 0 : i32
        %parallel_loop3A_287 = arith.addi %parallel_loop3A_281, %parallel_loop3A_286 : i32
        %parallel_loop3A_288 = arith.index_cast %parallel_loop3A_287 : i32 to index
        %parallel_loop3A_289 = tpu.vector_load %arg8[%parallel_loop3A_288] {strides = array<i32>} : memref<32768xf32, #tpu.memory_space<vmem>>, vector<16xf32>,
        tpu.vector_store %arg8[%parallel_loop3A_288], %parallel_loop3A_285 {strides = array<i32>} : memref<32768xf32, #tpu.memory_space<vmem>>, vector<16xf32>,
        %parallel_loop3A_290 = arith.constant 16 : i32
        %parallel_loop3A_291 = arith.addi %parallel_loop3A_277, %parallel_loop3A_290 : i32
        %parallel_loop3A_292 = arith.index_cast %parallel_loop3A_291 : i32 to index
        %parallel_loop3A_293 = tpu.vector_load %arg5[%parallel_loop3A_292] {strides = array<i32>} : memref<2048xf32, #tpu.memory_space<vmem>>, vector<16xf32>,
        %parallel_loop3A_294 = arith.constant 16 : i32
        %parallel_loop3A_295 = arith.addi %parallel_loop3A_281, %parallel_loop3A_294 : i32
        %parallel_loop3A_296 = arith.index_cast %parallel_loop3A_295 : i32 to index
        %parallel_loop3A_297 = tpu.vector_load %arg8[%parallel_loop3A_296] {strides = array<i32>} : memref<32768xf32, #tpu.memory_space<vmem>>, vector<16xf32>,
        tpu.vector_store %arg8[%parallel_loop3A_296], %parallel_loop3A_293 {strides = array<i32>} : memref<32768xf32, #tpu.memory_space<vmem>>, vector<16xf32>,
        %parallel_loop3A_298 = arith.constant 32 : i32
        %parallel_loop3A_299 = arith.addi %parallel_loop3A_277, %parallel_loop3A_298 : i32
        %parallel_loop3A_300 = arith.index_cast %parallel_loop3A_299 : i32 to index
        %parallel_loop3A_301 = tpu.vector_load %arg5[%parallel_loop3A_300] {strides = array<i32>} : memref<2048xf32, #tpu.memory_space<vmem>>, vector<16xf32>,
        %parallel_loop3A_302 = arith.constant 32 : i32
        %parallel_loop3A_303 = arith.addi %parallel_loop3A_281, %parallel_loop3A_302 : i32
        %parallel_loop3A_304 = arith.index_cast %parallel_loop3A_303 : i32 to index
        %parallel_loop3A_305 = tpu.vector_load %arg8[%parallel_loop3A_304] {strides = array<i32>} : memref<32768xf32, #tpu.memory_space<vmem>>, vector<16xf32>,
        tpu.vector_store %arg8[%parallel_loop3A_304], %parallel_loop3A_301 {strides = array<i32>} : memref<32768xf32, #tpu.memory_space<vmem>>, vector<16xf32>,
        %parallel_loop3A_306 = arith.constant 48 : i32
        %parallel_loop3A_307 = arith.addi %parallel_loop3A_277, %parallel_loop3A_306 : i32
        %parallel_loop3A_308 = arith.index_cast %parallel_loop3A_307 : i32 to index
        %parallel_loop3A_309 = tpu.vector_load %arg5[%parallel_loop3A_308] {strides = array<i32>} : memref<2048xf32, #tpu.memory_space<vmem>>, vector<16xf32>,
        %parallel_loop3A_310 = arith.constant 48 : i32
        %parallel_loop3A_311 = arith.addi %parallel_loop3A_281, %parallel_loop3A_310 : i32
        %parallel_loop3A_312 = arith.index_cast %parallel_loop3A_311 : i32 to index
        %parallel_loop3A_313 = tpu.vector_load %arg8[%parallel_loop3A_312] {strides = array<i32>} : memref<32768xf32, #tpu.memory_space<vmem>>, vector<16xf32>,
        tpu.vector_store %arg8[%parallel_loop3A_312], %parallel_loop3A_309 {strides = array<i32>} : memref<32768xf32, #tpu.memory_space<vmem>>, vector<16xf32>,
        %parallel_loop3A_314 = arith.constant 64 : i32
        %parallel_loop3A_315 = arith.addi %parallel_loop3A_277, %parallel_loop3A_314 : i32
        %parallel_loop3A_316 = arith.index_cast %parallel_loop3A_315 : i32 to index
        %parallel_loop3A_317 = tpu.vector_load %arg5[%parallel_loop3A_316] {strides = array<i32>} : memref<2048xf32, #tpu.memory_space<vmem>>, vector<16xf32>,
        %parallel_loop3A_318 = arith.constant 64 : i32
        %parallel_loop3A_319 = arith.addi %parallel_loop3A_281, %parallel_loop3A_318 : i32
        %parallel_loop3A_320 = arith.index_cast %parallel_loop3A_319 : i32 to index
        %parallel_loop3A_321 = tpu.vector_load %arg8[%parallel_loop3A_320] {strides = array<i32>} : memref<32768xf32, #tpu.memory_space<vmem>>, vector<16xf32>,
        tpu.vector_store %arg8[%parallel_loop3A_320], %parallel_loop3A_317 {strides = array<i32>} : memref<32768xf32, #tpu.memory_space<vmem>>, vector<16xf32>,
        %parallel_loop3A_322 = arith.constant 80 : i32
        %parallel_loop3A_323 = arith.addi %parallel_loop3A_277, %parallel_loop3A_322 : i32
        %parallel_loop3A_324 = arith.index_cast %parallel_loop3A_323 : i32 to index
        %parallel_loop3A_325 = tpu.vector_load %arg5[%parallel_loop3A_324] {strides = array<i32>} : memref<2048xf32, #tpu.memory_space<vmem>>, vector<16xf32>,
        %parallel_loop3A_326 = arith.constant 80 : i32
        %parallel_loop3A_327 = arith.addi %parallel_loop3A_281, %parallel_loop3A_326 : i32
        %parallel_loop3A_328 = arith.index_cast %parallel_loop3A_327 : i32 to index
        %parallel_loop3A_329 = tpu.vector_load %arg8[%parallel_loop3A_328] {strides = array<i32>} : memref<32768xf32, #tpu.memory_space<vmem>>, vector<16xf32>,
        tpu.vector_store %arg8[%parallel_loop3A_328], %parallel_loop3A_325 {strides = array<i32>} : memref<32768xf32, #tpu.memory_space<vmem>>, vector<16xf32>,
        %parallel_loop3A_330 = arith.constant 96 : i32
        %parallel_loop3A_331 = arith.addi %parallel_loop3A_277, %parallel_loop3A_330 : i32
        %parallel_loop3A_332 = arith.index_cast %parallel_loop3A_331 : i32 to index
        %parallel_loop3A_333 = tpu.vector_load %arg5[%parallel_loop3A_332] {strides = array<i32>} : memref<2048xf32, #tpu.memory_space<vmem>>, vector<16xf32>,
        %parallel_loop3A_334 = arith.constant 96 : i32
        %parallel_loop3A_335 = arith.addi %parallel_loop3A_281, %parallel_loop3A_334 : i32
        %parallel_loop3A_336 = arith.index_cast %parallel_loop3A_335 : i32 to index
        %parallel_loop3A_337 = tpu.vector_load %arg8[%parallel_loop3A_336] {strides = array<i32>} : memref<32768xf32, #tpu.memory_space<vmem>>, vector<16xf32>,
        tpu.vector_store %arg8[%parallel_loop3A_336], %parallel_loop3A_333 {strides = array<i32>} : memref<32768xf32, #tpu.memory_space<vmem>>, vector<16xf32>,
        %parallel_loop3A_338 = arith.constant 112 : i32
        %parallel_loop3A_339 = arith.addi %parallel_loop3A_277, %parallel_loop3A_338 : i32
        %parallel_loop3A_340 = arith.index_cast %parallel_loop3A_339 : i32 to index
        %parallel_loop3A_341 = tpu.vector_load %arg5[%parallel_loop3A_340] {strides = array<i32>} : memref<2048xf32, #tpu.memory_space<vmem>>, vector<16xf32>,
        %parallel_loop3A_342 = arith.constant 112 : i32
        %parallel_loop3A_343 = arith.addi %parallel_loop3A_281, %parallel_loop3A_342 : i32
        %parallel_loop3A_344 = arith.index_cast %parallel_loop3A_343 : i32 to index
        %parallel_loop3A_345 = tpu.vector_load %arg8[%parallel_loop3A_344] {strides = array<i32>} : memref<32768xf32, #tpu.memory_space<vmem>>, vector<16xf32>,
        tpu.vector_store %arg8[%parallel_loop3A_344], %parallel_loop3A_341 {strides = array<i32>} : memref<32768xf32, #tpu.memory_space<vmem>>, vector<16xf32>,
        %parallel_loop3A_346 = vector.extract_strided_slice %parallel_loop3A_57 {offsets = [4], sizes = [1], strides = [1]} : vector<16xi32> to vector<1xi32>
        %parallel_loop3A_347 = vector.extract %parallel_loop3A_346[0] : i32 from vector<1xi32>
        %parallel_loop3A_348 = arith.constant 128 : i32
        %parallel_loop3A_349 = arith.muli %parallel_loop3A_347, %parallel_loop3A_348 : i32
        %parallel_loop3A_350 = arith.constant 4 : i32
        %parallel_loop3A_351 = arith.addi %parallel_loop3A_52, %parallel_loop3A_350 : i32
        %parallel_loop3A_352 = arith.constant 128 : i32
        %parallel_loop3A_353 = arith.muli %parallel_loop3A_351, %parallel_loop3A_352 : i32
        %parallel_loop3A_354 = arith.constant 0 : i32
        %parallel_loop3A_355 = arith.addi %parallel_loop3A_349, %parallel_loop3A_354 : i32
        %parallel_loop3A_356 = arith.index_cast %parallel_loop3A_355 : i32 to index
        %parallel_loop3A_357 = tpu.vector_load %arg5[%parallel_loop3A_356] {strides = array<i32>} : memref<2048xf32, #tpu.memory_space<vmem>>, vector<16xf32>,
        %parallel_loop3A_358 = arith.constant 0 : i32
        %parallel_loop3A_359 = arith.addi %parallel_loop3A_353, %parallel_loop3A_358 : i32
        %parallel_loop3A_360 = arith.index_cast %parallel_loop3A_359 : i32 to index
        %parallel_loop3A_361 = tpu.vector_load %arg8[%parallel_loop3A_360] {strides = array<i32>} : memref<32768xf32, #tpu.memory_space<vmem>>, vector<16xf32>,
        tpu.vector_store %arg8[%parallel_loop3A_360], %parallel_loop3A_357 {strides = array<i32>} : memref<32768xf32, #tpu.memory_space<vmem>>, vector<16xf32>,
        %parallel_loop3A_362 = arith.constant 16 : i32
        %parallel_loop3A_363 = arith.addi %parallel_loop3A_349, %parallel_loop3A_362 : i32
        %parallel_loop3A_364 = arith.index_cast %parallel_loop3A_363 : i32 to index
        %parallel_loop3A_365 = tpu.vector_load %arg5[%parallel_loop3A_364] {strides = array<i32>} : memref<2048xf32, #tpu.memory_space<vmem>>, vector<16xf32>,
        %parallel_loop3A_366 = arith.constant 16 : i32
        %parallel_loop3A_367 = arith.addi %parallel_loop3A_353, %parallel_loop3A_366 : i32
        %parallel_loop3A_368 = arith.index_cast %parallel_loop3A_367 : i32 to index
        %parallel_loop3A_369 = tpu.vector_load %arg8[%parallel_loop3A_368] {strides = array<i32>} : memref<32768xf32, #tpu.memory_space<vmem>>, vector<16xf32>,
        tpu.vector_store %arg8[%parallel_loop3A_368], %parallel_loop3A_365 {strides = array<i32>} : memref<32768xf32, #tpu.memory_space<vmem>>, vector<16xf32>,
        %parallel_loop3A_370 = arith.constant 32 : i32
        %parallel_loop3A_371 = arith.addi %parallel_loop3A_349, %parallel_loop3A_370 : i32
        %parallel_loop3A_372 = arith.index_cast %parallel_loop3A_371 : i32 to index
        %parallel_loop3A_373 = tpu.vector_load %arg5[%parallel_loop3A_372] {strides = array<i32>} : memref<2048xf32, #tpu.memory_space<vmem>>, vector<16xf32>,
        %parallel_loop3A_374 = arith.constant 32 : i32
        %parallel_loop3A_375 = arith.addi %parallel_loop3A_353, %parallel_loop3A_374 : i32
        %parallel_loop3A_376 = arith.index_cast %parallel_loop3A_375 : i32 to index
        %parallel_loop3A_377 = tpu.vector_load %arg8[%parallel_loop3A_376] {strides = array<i32>} : memref<32768xf32, #tpu.memory_space<vmem>>, vector<16xf32>,
        tpu.vector_store %arg8[%parallel_loop3A_376], %parallel_loop3A_373 {strides = array<i32>} : memref<32768xf32, #tpu.memory_space<vmem>>, vector<16xf32>,
        %parallel_loop3A_378 = arith.constant 48 : i32
        %parallel_loop3A_379 = arith.addi %parallel_loop3A_349, %parallel_loop3A_378 : i32
        %parallel_loop3A_380 = arith.index_cast %parallel_loop3A_379 : i32 to index
        %parallel_loop3A_381 = tpu.vector_load %arg5[%parallel_loop3A_380] {strides = array<i32>} : memref<2048xf32, #tpu.memory_space<vmem>>, vector<16xf32>,
        %parallel_loop3A_382 = arith.constant 48 : i32
        %parallel_loop3A_383 = arith.addi %parallel_loop3A_353, %parallel_loop3A_382 : i32
        %parallel_loop3A_384 = arith.index_cast %parallel_loop3A_383 : i32 to index
        %parallel_loop3A_385 = tpu.vector_load %arg8[%parallel_loop3A_384] {strides = array<i32>} : memref<32768xf32, #tpu.memory_space<vmem>>, vector<16xf32>,
        tpu.vector_store %arg8[%parallel_loop3A_384], %parallel_loop3A_381 {strides = array<i32>} : memref<32768xf32, #tpu.memory_space<vmem>>, vector<16xf32>,
        %parallel_loop3A_386 = arith.constant 64 : i32
        %parallel_loop3A_387 = arith.addi %parallel_loop3A_349, %parallel_loop3A_386 : i32
        %parallel_loop3A_388 = arith.index_cast %parallel_loop3A_387 : i32 to index
        %parallel_loop3A_389 = tpu.vector_load %arg5[%parallel_loop3A_388] {strides = array<i32>} : memref<2048xf32, #tpu.memory_space<vmem>>, vector<16xf32>,
        %parallel_loop3A_390 = arith.constant 64 : i32
        %parallel_loop3A_391 = arith.addi %parallel_loop3A_353, %parallel_loop3A_390 : i32
        %parallel_loop3A_392 = arith.index_cast %parallel_loop3A_391 : i32 to index
        %parallel_loop3A_393 = tpu.vector_load %arg8[%parallel_loop3A_392] {strides = array<i32>} : memref<32768xf32, #tpu.memory_space<vmem>>, vector<16xf32>,
        tpu.vector_store %arg8[%parallel_loop3A_392], %parallel_loop3A_389 {strides = array<i32>} : memref<32768xf32, #tpu.memory_space<vmem>>, vector<16xf32>,
        %parallel_loop3A_394 = arith.constant 80 : i32
        %parallel_loop3A_395 = arith.addi %parallel_loop3A_349, %parallel_loop3A_394 : i32
        %parallel_loop3A_396 = arith.index_cast %parallel_loop3A_395 : i32 to index
        %parallel_loop3A_397 = tpu.vector_load %arg5[%parallel_loop3A_396] {strides = array<i32>} : memref<2048xf32, #tpu.memory_space<vmem>>, vector<16xf32>,
        %parallel_loop3A_398 = arith.constant 80 : i32
        %parallel_loop3A_399 = arith.addi %parallel_loop3A_353, %parallel_loop3A_398 : i32
        %parallel_loop3A_400 = arith.index_cast %parallel_loop3A_399 : i32 to index
        %parallel_loop3A_401 = tpu.vector_load %arg8[%parallel_loop3A_400] {strides = array<i32>} : memref<32768xf32, #tpu.memory_space<vmem>>, vector<16xf32>,
        tpu.vector_store %arg8[%parallel_loop3A_400], %parallel_loop3A_397 {strides = array<i32>} : memref<32768xf32, #tpu.memory_space<vmem>>, vector<16xf32>,
        %parallel_loop3A_402 = arith.constant 96 : i32
        %parallel_loop3A_403 = arith.addi %parallel_loop3A_349, %parallel_loop3A_402 : i32
        %parallel_loop3A_404 = arith.index_cast %parallel_loop3A_403 : i32 to index
        %parallel_loop3A_405 = tpu.vector_load %arg5[%parallel_loop3A_404] {strides = array<i32>} : memref<2048xf32, #tpu.memory_space<vmem>>, vector<16xf32>,
        %parallel_loop3A_406 = arith.constant 96 : i32
        %parallel_loop3A_407 = arith.addi %parallel_loop3A_353, %parallel_loop3A_406 : i32
        %parallel_loop3A_408 = arith.index_cast %parallel_loop3A_407 : i32 to index
        %parallel_loop3A_409 = tpu.vector_load %arg8[%parallel_loop3A_408] {strides = array<i32>} : memref<32768xf32, #tpu.memory_space<vmem>>, vector<16xf32>,
        tpu.vector_store %arg8[%parallel_loop3A_408], %parallel_loop3A_405 {strides = array<i32>} : memref<32768xf32, #tpu.memory_space<vmem>>, vector<16xf32>,
        %parallel_loop3A_410 = arith.constant 112 : i32
        %parallel_loop3A_411 = arith.addi %parallel_loop3A_349, %parallel_loop3A_410 : i32
        %parallel_loop3A_412 = arith.index_cast %parallel_loop3A_411 : i32 to index
        %parallel_loop3A_413 = tpu.vector_load %arg5[%parallel_loop3A_412] {strides = array<i32>} : memref<2048xf32, #tpu.memory_space<vmem>>, vector<16xf32>,
        %parallel_loop3A_414 = arith.constant 112 : i32
        %parallel_loop3A_415 = arith.addi %parallel_loop3A_353, %parallel_loop3A_414 : i32
        %parallel_loop3A_416 = arith.index_cast %parallel_loop3A_415 : i32 to index
        %parallel_loop3A_417 = tpu.vector_load %arg8[%parallel_loop3A_416] {strides = array<i32>} : memref<32768xf32, #tpu.memory_space<vmem>>, vector<16xf32>,
        tpu.vector_store %arg8[%parallel_loop3A_416], %parallel_loop3A_413 {strides = array<i32>} : memref<32768xf32, #tpu.memory_space<vmem>>, vector<16xf32>,
        %parallel_loop3A_418 = vector.extract_strided_slice %parallel_loop3A_57 {offsets = [5], sizes = [1], strides = [1]} : vector<16xi32> to vector<1xi32>
        %parallel_loop3A_419 = vector.extract %parallel_loop3A_418[0] : i32 from vector<1xi32>
        %parallel_loop3A_420 = arith.constant 128 : i32
        %parallel_loop3A_421 = arith.muli %parallel_loop3A_419, %parallel_loop3A_420 : i32
        %parallel_loop3A_422 = arith.constant 5 : i32
        %parallel_loop3A_423 = arith.addi %parallel_loop3A_52, %parallel_loop3A_422 : i32
        %parallel_loop3A_424 = arith.constant 128 : i32
        %parallel_loop3A_425 = arith.muli %parallel_loop3A_423, %parallel_loop3A_424 : i32
        %parallel_loop3A_426 = arith.constant 0 : i32
        %parallel_loop3A_427 = arith.addi %parallel_loop3A_421, %parallel_loop3A_426 : i32
        %parallel_loop3A_428 = arith.index_cast %parallel_loop3A_427 : i32 to index
        %parallel_loop3A_429 = tpu.vector_load %arg5[%parallel_loop3A_428] {strides = array<i32>} : memref<2048xf32, #tpu.memory_space<vmem>>, vector<16xf32>,
        %parallel_loop3A_430 = arith.constant 0 : i32
        %parallel_loop3A_431 = arith.addi %parallel_loop3A_425, %parallel_loop3A_430 : i32
        %parallel_loop3A_432 = arith.index_cast %parallel_loop3A_431 : i32 to index
        %parallel_loop3A_433 = tpu.vector_load %arg8[%parallel_loop3A_432] {strides = array<i32>} : memref<32768xf32, #tpu.memory_space<vmem>>, vector<16xf32>,
        tpu.vector_store %arg8[%parallel_loop3A_432], %parallel_loop3A_429 {strides = array<i32>} : memref<32768xf32, #tpu.memory_space<vmem>>, vector<16xf32>,
        %parallel_loop3A_434 = arith.constant 16 : i32
        %parallel_loop3A_435 = arith.addi %parallel_loop3A_421, %parallel_loop3A_434 : i32
        %parallel_loop3A_436 = arith.index_cast %parallel_loop3A_435 : i32 to index
        %parallel_loop3A_437 = tpu.vector_load %arg5[%parallel_loop3A_436] {strides = array<i32>} : memref<2048xf32, #tpu.memory_space<vmem>>, vector<16xf32>,
        %parallel_loop3A_438 = arith.constant 16 : i32
        %parallel_loop3A_439 = arith.addi %parallel_loop3A_425, %parallel_loop3A_438 : i32
        %parallel_loop3A_440 = arith.index_cast %parallel_loop3A_439 : i32 to index
        %parallel_loop3A_441 = tpu.vector_load %arg8[%parallel_loop3A_440] {strides = array<i32>} : memref<32768xf32, #tpu.memory_space<vmem>>, vector<16xf32>,
        tpu.vector_store %arg8[%parallel_loop3A_440], %parallel_loop3A_437 {strides = array<i32>} : memref<32768xf32, #tpu.memory_space<vmem>>, vector<16xf32>,
        %parallel_loop3A_442 = arith.constant 32 : i32
        %parallel_loop3A_443 = arith.addi %parallel_loop3A_421, %parallel_loop3A_442 : i32
        %parallel_loop3A_444 = arith.index_cast %parallel_loop3A_443 : i32 to index
        %parallel_loop3A_445 = tpu.vector_load %arg5[%parallel_loop3A_444] {strides = array<i32>} : memref<2048xf32, #tpu.memory_space<vmem>>, vector<16xf32>,
        %parallel_loop3A_446 = arith.constant 32 : i32
        %parallel_loop3A_447 = arith.addi %parallel_loop3A_425, %parallel_loop3A_446 : i32
        %parallel_loop3A_448 = arith.index_cast %parallel_loop3A_447 : i32 to index
        %parallel_loop3A_449 = tpu.vector_load %arg8[%parallel_loop3A_448] {strides = array<i32>} : memref<32768xf32, #tpu.memory_space<vmem>>, vector<16xf32>,
        tpu.vector_store %arg8[%parallel_loop3A_448], %parallel_loop3A_445 {strides = array<i32>} : memref<32768xf32, #tpu.memory_space<vmem>>, vector<16xf32>,
        %parallel_loop3A_450 = arith.constant 48 : i32
        %parallel_loop3A_451 = arith.addi %parallel_loop3A_421, %parallel_loop3A_450 : i32
        %parallel_loop3A_452 = arith.index_cast %parallel_loop3A_451 : i32 to index
        %parallel_loop3A_453 = tpu.vector_load %arg5[%parallel_loop3A_452] {strides = array<i32>} : memref<2048xf32, #tpu.memory_space<vmem>>, vector<16xf32>,
        %parallel_loop3A_454 = arith.constant 48 : i32
        %parallel_loop3A_455 = arith.addi %parallel_loop3A_425, %parallel_loop3A_454 : i32
        %parallel_loop3A_456 = arith.index_cast %parallel_loop3A_455 : i32 to index
        %parallel_loop3A_457 = tpu.vector_load %arg8[%parallel_loop3A_456] {strides = array<i32>} : memref<32768xf32, #tpu.memory_space<vmem>>, vector<16xf32>,
        tpu.vector_store %arg8[%parallel_loop3A_456], %parallel_loop3A_453 {strides = array<i32>} : memref<32768xf32, #tpu.memory_space<vmem>>, vector<16xf32>,
        %parallel_loop3A_458 = arith.constant 64 : i32
        %parallel_loop3A_459 = arith.addi %parallel_loop3A_421, %parallel_loop3A_458 : i32
        %parallel_loop3A_460 = arith.index_cast %parallel_loop3A_459 : i32 to index
        %parallel_loop3A_461 = tpu.vector_load %arg5[%parallel_loop3A_460] {strides = array<i32>} : memref<2048xf32, #tpu.memory_space<vmem>>, vector<16xf32>,
        %parallel_loop3A_462 = arith.constant 64 : i32
        %parallel_loop3A_463 = arith.addi %parallel_loop3A_425, %parallel_loop3A_462 : i32
        %parallel_loop3A_464 = arith.index_cast %parallel_loop3A_463 : i32 to index
        %parallel_loop3A_465 = tpu.vector_load %arg8[%parallel_loop3A_464] {strides = array<i32>} : memref<32768xf32, #tpu.memory_space<vmem>>, vector<16xf32>,
        tpu.vector_store %arg8[%parallel_loop3A_464], %parallel_loop3A_461 {strides = array<i32>} : memref<32768xf32, #tpu.memory_space<vmem>>, vector<16xf32>,
        %parallel_loop3A_466 = arith.constant 80 : i32
        %parallel_loop3A_467 = arith.addi %parallel_loop3A_421, %parallel_loop3A_466 : i32
        %parallel_loop3A_468 = arith.index_cast %parallel_loop3A_467 : i32 to index
        %parallel_loop3A_469 = tpu.vector_load %arg5[%parallel_loop3A_468] {strides = array<i32>} : memref<2048xf32, #tpu.memory_space<vmem>>, vector<16xf32>,
        %parallel_loop3A_470 = arith.constant 80 : i32
        %parallel_loop3A_471 = arith.addi %parallel_loop3A_425, %parallel_loop3A_470 : i32
        %parallel_loop3A_472 = arith.index_cast %parallel_loop3A_471 : i32 to index
        %parallel_loop3A_473 = tpu.vector_load %arg8[%parallel_loop3A_472] {strides = array<i32>} : memref<32768xf32, #tpu.memory_space<vmem>>, vector<16xf32>,
        tpu.vector_store %arg8[%parallel_loop3A_472], %parallel_loop3A_469 {strides = array<i32>} : memref<32768xf32, #tpu.memory_space<vmem>>, vector<16xf32>,
        %parallel_loop3A_474 = arith.constant 96 : i32
        %parallel_loop3A_475 = arith.addi %parallel_loop3A_421, %parallel_loop3A_474 : i32
        %parallel_loop3A_476 = arith.index_cast %parallel_loop3A_475 : i32 to index
        %parallel_loop3A_477 = tpu.vector_load %arg5[%parallel_loop3A_476] {strides = array<i32>} : memref<2048xf32, #tpu.memory_space<vmem>>, vector<16xf32>,
        %parallel_loop3A_478 = arith.constant 96 : i32
        %parallel_loop3A_479 = arith.addi %parallel_loop3A_425, %parallel_loop3A_478 : i32
        %parallel_loop3A_480 = arith.index_cast %parallel_loop3A_479 : i32 to index
        %parallel_loop3A_481 = tpu.vector_load %arg8[%parallel_loop3A_480] {strides = array<i32>} : memref<32768xf32, #tpu.memory_space<vmem>>, vector<16xf32>,
        tpu.vector_store %arg8[%parallel_loop3A_480], %parallel_loop3A_477 {strides = array<i32>} : memref<32768xf32, #tpu.memory_space<vmem>>, vector<16xf32>,
        %parallel_loop3A_482 = arith.constant 112 : i32
        %parallel_loop3A_483 = arith.addi %parallel_loop3A_421, %parallel_loop3A_482 : i32
        %parallel_loop3A_484 = arith.index_cast %parallel_loop3A_483 : i32 to index
        %parallel_loop3A_485 = tpu.vector_load %arg5[%parallel_loop3A_484] {strides = array<i32>} : memref<2048xf32, #tpu.memory_space<vmem>>, vector<16xf32>,
        %parallel_loop3A_486 = arith.constant 112 : i32
        %parallel_loop3A_487 = arith.addi %parallel_loop3A_425, %parallel_loop3A_486 : i32
        %parallel_loop3A_488 = arith.index_cast %parallel_loop3A_487 : i32 to index
        %parallel_loop3A_489 = tpu.vector_load %arg8[%parallel_loop3A_488] {strides = array<i32>} : memref<32768xf32, #tpu.memory_space<vmem>>, vector<16xf32>,
        tpu.vector_store %arg8[%parallel_loop3A_488], %parallel_loop3A_485 {strides = array<i32>} : memref<32768xf32, #tpu.memory_space<vmem>>, vector<16xf32>,
        %parallel_loop3A_490 = vector.extract_strided_slice %parallel_loop3A_57 {offsets = [6], sizes = [1], strides = [1]} : vector<16xi32> to vector<1xi32>
        %parallel_loop3A_491 = vector.extract %parallel_loop3A_490[0] : i32 from vector<1xi32>
        %parallel_loop3A_492 = arith.constant 128 : i32
        %parallel_loop3A_493 = arith.muli %parallel_loop3A_491, %parallel_loop3A_492 : i32
        %parallel_loop3A_494 = arith.constant 6 : i32
        %parallel_loop3A_495 = arith.addi %parallel_loop3A_52, %parallel_loop3A_494 : i32
        %parallel_loop3A_496 = arith.constant 128 : i32
        %parallel_loop3A_497 = arith.muli %parallel_loop3A_495, %parallel_loop3A_496 : i32
        %parallel_loop3A_498 = arith.constant 0 : i32
        %parallel_loop3A_499 = arith.addi %parallel_loop3A_493, %parallel_loop3A_498 : i32
        %parallel_loop3A_500 = arith.index_cast %parallel_loop3A_499 : i32 to index
        %parallel_loop3A_501 = tpu.vector_load %arg5[%parallel_loop3A_500] {strides = array<i32>} : memref<2048xf32, #tpu.memory_space<vmem>>, vector<16xf32>,
        %parallel_loop3A_502 = arith.constant 0 : i32
        %parallel_loop3A_503 = arith.addi %parallel_loop3A_497, %parallel_loop3A_502 : i32
        %parallel_loop3A_504 = arith.index_cast %parallel_loop3A_503 : i32 to index
        %parallel_loop3A_505 = tpu.vector_load %arg8[%parallel_loop3A_504] {strides = array<i32>} : memref<32768xf32, #tpu.memory_space<vmem>>, vector<16xf32>,
        tpu.vector_store %arg8[%parallel_loop3A_504], %parallel_loop3A_501 {strides = array<i32>} : memref<32768xf32, #tpu.memory_space<vmem>>, vector<16xf32>,
        %parallel_loop3A_506 = arith.constant 16 : i32
        %parallel_loop3A_507 = arith.addi %parallel_loop3A_493, %parallel_loop3A_506 : i32
        %parallel_loop3A_508 = arith.index_cast %parallel_loop3A_507 : i32 to index
        %parallel_loop3A_509 = tpu.vector_load %arg5[%parallel_loop3A_508] {strides = array<i32>} : memref<2048xf32, #tpu.memory_space<vmem>>, vector<16xf32>,
        %parallel_loop3A_510 = arith.constant 16 : i32
        %parallel_loop3A_511 = arith.addi %parallel_loop3A_497, %parallel_loop3A_510 : i32
        %parallel_loop3A_512 = arith.index_cast %parallel_loop3A_511 : i32 to index
        %parallel_loop3A_513 = tpu.vector_load %arg8[%parallel_loop3A_512] {strides = array<i32>} : memref<32768xf32, #tpu.memory_space<vmem>>, vector<16xf32>,
        tpu.vector_store %arg8[%parallel_loop3A_512], %parallel_loop3A_509 {strides = array<i32>} : memref<32768xf32, #tpu.memory_space<vmem>>, vector<16xf32>,
        %parallel_loop3A_514 = arith.constant 32 : i32
        %parallel_loop3A_515 = arith.addi %parallel_loop3A_493, %parallel_loop3A_514 : i32
        %parallel_loop3A_516 = arith.index_cast %parallel_loop3A_515 : i32 to index
        %parallel_loop3A_517 = tpu.vector_load %arg5[%parallel_loop3A_516] {strides = array<i32>} : memref<2048xf32, #tpu.memory_space<vmem>>, vector<16xf32>,
        %parallel_loop3A_518 = arith.constant 32 : i32
        %parallel_loop3A_519 = arith.addi %parallel_loop3A_497, %parallel_loop3A_518 : i32
        %parallel_loop3A_520 = arith.index_cast %parallel_loop3A_519 : i32 to index
        %parallel_loop3A_521 = tpu.vector_load %arg8[%parallel_loop3A_520] {strides = array<i32>} : memref<32768xf32, #tpu.memory_space<vmem>>, vector<16xf32>,
        tpu.vector_store %arg8[%parallel_loop3A_520], %parallel_loop3A_517 {strides = array<i32>} : memref<32768xf32, #tpu.memory_space<vmem>>, vector<16xf32>,
        %parallel_loop3A_522 = arith.constant 48 : i32
        %parallel_loop3A_523 = arith.addi %parallel_loop3A_493, %parallel_loop3A_522 : i32
        %parallel_loop3A_524 = arith.index_cast %parallel_loop3A_523 : i32 to index
        %parallel_loop3A_525 = tpu.vector_load %arg5[%parallel_loop3A_524] {strides = array<i32>} : memref<2048xf32, #tpu.memory_space<vmem>>, vector<16xf32>,
        %parallel_loop3A_526 = arith.constant 48 : i32
        %parallel_loop3A_527 = arith.addi %parallel_loop3A_497, %parallel_loop3A_526 : i32
        %parallel_loop3A_528 = arith.index_cast %parallel_loop3A_527 : i32 to index
        %parallel_loop3A_529 = tpu.vector_load %arg8[%parallel_loop3A_528] {strides = array<i32>} : memref<32768xf32, #tpu.memory_space<vmem>>, vector<16xf32>,
        tpu.vector_store %arg8[%parallel_loop3A_528], %parallel_loop3A_525 {strides = array<i32>} : memref<32768xf32, #tpu.memory_space<vmem>>, vector<16xf32>,
        %parallel_loop3A_530 = arith.constant 64 : i32
        %parallel_loop3A_531 = arith.addi %parallel_loop3A_493, %parallel_loop3A_530 : i32
        %parallel_loop3A_532 = arith.index_cast %parallel_loop3A_531 : i32 to index
        %parallel_loop3A_533 = tpu.vector_load %arg5[%parallel_loop3A_532] {strides = array<i32>} : memref<2048xf32, #tpu.memory_space<vmem>>, vector<16xf32>,
        %parallel_loop3A_534 = arith.constant 64 : i32
        %parallel_loop3A_535 = arith.addi %parallel_loop3A_497, %parallel_loop3A_534 : i32
        %parallel_loop3A_536 = arith.index_cast %parallel_loop3A_535 : i32 to index
        %parallel_loop3A_537 = tpu.vector_load %arg8[%parallel_loop3A_536] {strides = array<i32>} : memref<32768xf32, #tpu.memory_space<vmem>>, vector<16xf32>,
        tpu.vector_store %arg8[%parallel_loop3A_536], %parallel_loop3A_533 {strides = array<i32>} : memref<32768xf32, #tpu.memory_space<vmem>>, vector<16xf32>,
        %parallel_loop3A_538 = arith.constant 80 : i32
        %parallel_loop3A_539 = arith.addi %parallel_loop3A_493, %parallel_loop3A_538 : i32
        %parallel_loop3A_540 = arith.index_cast %parallel_loop3A_539 : i32 to index
        %parallel_loop3A_541 = tpu.vector_load %arg5[%parallel_loop3A_540] {strides = array<i32>} : memref<2048xf32, #tpu.memory_space<vmem>>, vector<16xf32>,
        %parallel_loop3A_542 = arith.constant 80 : i32
        %parallel_loop3A_543 = arith.addi %parallel_loop3A_497, %parallel_loop3A_542 : i32
        %parallel_loop3A_544 = arith.index_cast %parallel_loop3A_543 : i32 to index
        %parallel_loop3A_545 = tpu.vector_load %arg8[%parallel_loop3A_544] {strides = array<i32>} : memref<32768xf32, #tpu.memory_space<vmem>>, vector<16xf32>,
        tpu.vector_store %arg8[%parallel_loop3A_544], %parallel_loop3A_541 {strides = array<i32>} : memref<32768xf32, #tpu.memory_space<vmem>>, vector<16xf32>,
        %parallel_loop3A_546 = arith.constant 96 : i32
        %parallel_loop3A_547 = arith.addi %parallel_loop3A_493, %parallel_loop3A_546 : i32
        %parallel_loop3A_548 = arith.index_cast %parallel_loop3A_547 : i32 to index
        %parallel_loop3A_549 = tpu.vector_load %arg5[%parallel_loop3A_548] {strides = array<i32>} : memref<2048xf32, #tpu.memory_space<vmem>>, vector<16xf32>,
        %parallel_loop3A_550 = arith.constant 96 : i32
        %parallel_loop3A_551 = arith.addi %parallel_loop3A_497, %parallel_loop3A_550 : i32
        %parallel_loop3A_552 = arith.index_cast %parallel_loop3A_551 : i32 to index
        %parallel_loop3A_553 = tpu.vector_load %arg8[%parallel_loop3A_552] {strides = array<i32>} : memref<32768xf32, #tpu.memory_space<vmem>>, vector<16xf32>,
        tpu.vector_store %arg8[%parallel_loop3A_552], %parallel_loop3A_549 {strides = array<i32>} : memref<32768xf32, #tpu.memory_space<vmem>>, vector<16xf32>,
        %parallel_loop3A_554 = arith.constant 112 : i32
        %parallel_loop3A_555 = arith.addi %parallel_loop3A_493, %parallel_loop3A_554 : i32
        %parallel_loop3A_556 = arith.index_cast %parallel_loop3A_555 : i32 to index
        %parallel_loop3A_557 = tpu.vector_load %arg5[%parallel_loop3A_556] {strides = array<i32>} : memref<2048xf32, #tpu.memory_space<vmem>>, vector<16xf32>,
        %parallel_loop3A_558 = arith.constant 112 : i32
        %parallel_loop3A_559 = arith.addi %parallel_loop3A_497, %parallel_loop3A_558 : i32
        %parallel_loop3A_560 = arith.index_cast %parallel_loop3A_559 : i32 to index
        %parallel_loop3A_561 = tpu.vector_load %arg8[%parallel_loop3A_560] {strides = array<i32>} : memref<32768xf32, #tpu.memory_space<vmem>>, vector<16xf32>,
        tpu.vector_store %arg8[%parallel_loop3A_560], %parallel_loop3A_557 {strides = array<i32>} : memref<32768xf32, #tpu.memory_space<vmem>>, vector<16xf32>,
        %parallel_loop3A_562 = vector.extract_strided_slice %parallel_loop3A_57 {offsets = [7], sizes = [1], strides = [1]} : vector<16xi32> to vector<1xi32>
        %parallel_loop3A_563 = vector.extract %parallel_loop3A_562[0] : i32 from vector<1xi32>
        %parallel_loop3A_564 = arith.constant 128 : i32
        %parallel_loop3A_565 = arith.muli %parallel_loop3A_563, %parallel_loop3A_564 : i32
        %parallel_loop3A_566 = arith.constant 7 : i32
        %parallel_loop3A_567 = arith.addi %parallel_loop3A_52, %parallel_loop3A_566 : i32
        %parallel_loop3A_568 = arith.constant 128 : i32
        %parallel_loop3A_569 = arith.muli %parallel_loop3A_567, %parallel_loop3A_568 : i32
        %parallel_loop3A_570 = arith.constant 0 : i32
        %parallel_loop3A_571 = arith.addi %parallel_loop3A_565, %parallel_loop3A_570 : i32
        %parallel_loop3A_572 = arith.index_cast %parallel_loop3A_571 : i32 to index
        %parallel_loop3A_573 = tpu.vector_load %arg5[%parallel_loop3A_572] {strides = array<i32>} : memref<2048xf32, #tpu.memory_space<vmem>>, vector<16xf32>,
        %parallel_loop3A_574 = arith.constant 0 : i32
        %parallel_loop3A_575 = arith.addi %parallel_loop3A_569, %parallel_loop3A_574 : i32
        %parallel_loop3A_576 = arith.index_cast %parallel_loop3A_575 : i32 to index
        %parallel_loop3A_577 = tpu.vector_load %arg8[%parallel_loop3A_576] {strides = array<i32>} : memref<32768xf32, #tpu.memory_space<vmem>>, vector<16xf32>,
        tpu.vector_store %arg8[%parallel_loop3A_576], %parallel_loop3A_573 {strides = array<i32>} : memref<32768xf32, #tpu.memory_space<vmem>>, vector<16xf32>,
        %parallel_loop3A_578 = arith.constant 16 : i32
        %parallel_loop3A_579 = arith.addi %parallel_loop3A_565, %parallel_loop3A_578 : i32
        %parallel_loop3A_580 = arith.index_cast %parallel_loop3A_579 : i32 to index
        %parallel_loop3A_581 = tpu.vector_load %arg5[%parallel_loop3A_580] {strides = array<i32>} : memref<2048xf32, #tpu.memory_space<vmem>>, vector<16xf32>,
        %parallel_loop3A_582 = arith.constant 16 : i32
        %parallel_loop3A_583 = arith.addi %parallel_loop3A_569, %parallel_loop3A_582 : i32
        %parallel_loop3A_584 = arith.index_cast %parallel_loop3A_583 : i32 to index
        %parallel_loop3A_585 = tpu.vector_load %arg8[%parallel_loop3A_584] {strides = array<i32>} : memref<32768xf32, #tpu.memory_space<vmem>>, vector<16xf32>,
        tpu.vector_store %arg8[%parallel_loop3A_584], %parallel_loop3A_581 {strides = array<i32>} : memref<32768xf32, #tpu.memory_space<vmem>>, vector<16xf32>,
        %parallel_loop3A_586 = arith.constant 32 : i32
        %parallel_loop3A_587 = arith.addi %parallel_loop3A_565, %parallel_loop3A_586 : i32
        %parallel_loop3A_588 = arith.index_cast %parallel_loop3A_587 : i32 to index
        %parallel_loop3A_589 = tpu.vector_load %arg5[%parallel_loop3A_588] {strides = array<i32>} : memref<2048xf32, #tpu.memory_space<vmem>>, vector<16xf32>,
        %parallel_loop3A_590 = arith.constant 32 : i32
        %parallel_loop3A_591 = arith.addi %parallel_loop3A_569, %parallel_loop3A_590 : i32
        %parallel_loop3A_592 = arith.index_cast %parallel_loop3A_591 : i32 to index
        %parallel_loop3A_593 = tpu.vector_load %arg8[%parallel_loop3A_592] {strides = array<i32>} : memref<32768xf32, #tpu.memory_space<vmem>>, vector<16xf32>,
        tpu.vector_store %arg8[%parallel_loop3A_592], %parallel_loop3A_589 {strides = array<i32>} : memref<32768xf32, #tpu.memory_space<vmem>>, vector<16xf32>,
        %parallel_loop3A_594 = arith.constant 48 : i32
        %parallel_loop3A_595 = arith.addi %parallel_loop3A_565, %parallel_loop3A_594 : i32
        %parallel_loop3A_596 = arith.index_cast %parallel_loop3A_595 : i32 to index
        %parallel_loop3A_597 = tpu.vector_load %arg5[%parallel_loop3A_596] {strides = array<i32>} : memref<2048xf32, #tpu.memory_space<vmem>>, vector<16xf32>,
        %parallel_loop3A_598 = arith.constant 48 : i32
        %parallel_loop3A_599 = arith.addi %parallel_loop3A_569, %parallel_loop3A_598 : i32
        %parallel_loop3A_600 = arith.index_cast %parallel_loop3A_599 : i32 to index
        %parallel_loop3A_601 = tpu.vector_load %arg8[%parallel_loop3A_600] {strides = array<i32>} : memref<32768xf32, #tpu.memory_space<vmem>>, vector<16xf32>,
        tpu.vector_store %arg8[%parallel_loop3A_600], %parallel_loop3A_597 {strides = array<i32>} : memref<32768xf32, #tpu.memory_space<vmem>>, vector<16xf32>,
        %parallel_loop3A_602 = arith.constant 64 : i32
        %parallel_loop3A_603 = arith.addi %parallel_loop3A_565, %parallel_loop3A_602 : i32
        %parallel_loop3A_604 = arith.index_cast %parallel_loop3A_603 : i32 to index
        %parallel_loop3A_605 = tpu.vector_load %arg5[%parallel_loop3A_604] {strides = array<i32>} : memref<2048xf32, #tpu.memory_space<vmem>>, vector<16xf32>,
        %parallel_loop3A_606 = arith.constant 64 : i32
        %parallel_loop3A_607 = arith.addi %parallel_loop3A_569, %parallel_loop3A_606 : i32
        %parallel_loop3A_608 = arith.index_cast %parallel_loop3A_607 : i32 to index
        %parallel_loop3A_609 = tpu.vector_load %arg8[%parallel_loop3A_608] {strides = array<i32>} : memref<32768xf32, #tpu.memory_space<vmem>>, vector<16xf32>,
        tpu.vector_store %arg8[%parallel_loop3A_608], %parallel_loop3A_605 {strides = array<i32>} : memref<32768xf32, #tpu.memory_space<vmem>>, vector<16xf32>,
        %parallel_loop3A_610 = arith.constant 80 : i32
        %parallel_loop3A_611 = arith.addi %parallel_loop3A_565, %parallel_loop3A_610 : i32
        %parallel_loop3A_612 = arith.index_cast %parallel_loop3A_611 : i32 to index
        %parallel_loop3A_613 = tpu.vector_load %arg5[%parallel_loop3A_612] {strides = array<i32>} : memref<2048xf32, #tpu.memory_space<vmem>>, vector<16xf32>,
        %parallel_loop3A_614 = arith.constant 80 : i32
        %parallel_loop3A_615 = arith.addi %parallel_loop3A_569, %parallel_loop3A_614 : i32
        %parallel_loop3A_616 = arith.index_cast %parallel_loop3A_615 : i32 to index
        %parallel_loop3A_617 = tpu.vector_load %arg8[%parallel_loop3A_616] {strides = array<i32>} : memref<32768xf32, #tpu.memory_space<vmem>>, vector<16xf32>,
        tpu.vector_store %arg8[%parallel_loop3A_616], %parallel_loop3A_613 {strides = array<i32>} : memref<32768xf32, #tpu.memory_space<vmem>>, vector<16xf32>,
        %parallel_loop3A_618 = arith.constant 96 : i32
        %parallel_loop3A_619 = arith.addi %parallel_loop3A_565, %parallel_loop3A_618 : i32
        %parallel_loop3A_620 = arith.index_cast %parallel_loop3A_619 : i32 to index
        %parallel_loop3A_621 = tpu.vector_load %arg5[%parallel_loop3A_620] {strides = array<i32>} : memref<2048xf32, #tpu.memory_space<vmem>>, vector<16xf32>,
        %parallel_loop3A_622 = arith.constant 96 : i32
        %parallel_loop3A_623 = arith.addi %parallel_loop3A_569, %parallel_loop3A_622 : i32
        %parallel_loop3A_624 = arith.index_cast %parallel_loop3A_623 : i32 to index
        %parallel_loop3A_625 = tpu.vector_load %arg8[%parallel_loop3A_624] {strides = array<i32>} : memref<32768xf32, #tpu.memory_space<vmem>>, vector<16xf32>,
        tpu.vector_store %arg8[%parallel_loop3A_624], %parallel_loop3A_621 {strides = array<i32>} : memref<32768xf32, #tpu.memory_space<vmem>>, vector<16xf32>,
        %parallel_loop3A_626 = arith.constant 112 : i32
        %parallel_loop3A_627 = arith.addi %parallel_loop3A_565, %parallel_loop3A_626 : i32
        %parallel_loop3A_628 = arith.index_cast %parallel_loop3A_627 : i32 to index
        %parallel_loop3A_629 = tpu.vector_load %arg5[%parallel_loop3A_628] {strides = array<i32>} : memref<2048xf32, #tpu.memory_space<vmem>>, vector<16xf32>,
        %parallel_loop3A_630 = arith.constant 112 : i32
        %parallel_loop3A_631 = arith.addi %parallel_loop3A_569, %parallel_loop3A_630 : i32
        %parallel_loop3A_632 = arith.index_cast %parallel_loop3A_631 : i32 to index
        %parallel_loop3A_633 = tpu.vector_load %arg8[%parallel_loop3A_632] {strides = array<i32>} : memref<32768xf32, #tpu.memory_space<vmem>>, vector<16xf32>,
        tpu.vector_store %arg8[%parallel_loop3A_632], %parallel_loop3A_629 {strides = array<i32>} : memref<32768xf32, #tpu.memory_space<vmem>>, vector<16xf32>,
        %parallel_loop3A_634 = vector.extract_strided_slice %parallel_loop3A_57 {offsets = [8], sizes = [1], strides = [1]} : vector<16xi32> to vector<1xi32>
        %parallel_loop3A_635 = vector.extract %parallel_loop3A_634[0] : i32 from vector<1xi32>
        %parallel_loop3A_636 = arith.constant 128 : i32
        %parallel_loop3A_637 = arith.muli %parallel_loop3A_635, %parallel_loop3A_636 : i32
        %parallel_loop3A_638 = arith.constant 8 : i32
        %parallel_loop3A_639 = arith.addi %parallel_loop3A_52, %parallel_loop3A_638 : i32
        %parallel_loop3A_640 = arith.constant 128 : i32
        %parallel_loop3A_641 = arith.muli %parallel_loop3A_639, %parallel_loop3A_640 : i32
        %parallel_loop3A_642 = arith.constant 0 : i32
        %parallel_loop3A_643 = arith.addi %parallel_loop3A_637, %parallel_loop3A_642 : i32
        %parallel_loop3A_644 = arith.index_cast %parallel_loop3A_643 : i32 to index
        %parallel_loop3A_645 = tpu.vector_load %arg5[%parallel_loop3A_644] {strides = array<i32>} : memref<2048xf32, #tpu.memory_space<vmem>>, vector<16xf32>,
        %parallel_loop3A_646 = arith.constant 0 : i32
        %parallel_loop3A_647 = arith.addi %parallel_loop3A_641, %parallel_loop3A_646 : i32
        %parallel_loop3A_648 = arith.index_cast %parallel_loop3A_647 : i32 to index
        %parallel_loop3A_649 = tpu.vector_load %arg8[%parallel_loop3A_648] {strides = array<i32>} : memref<32768xf32, #tpu.memory_space<vmem>>, vector<16xf32>,
        tpu.vector_store %arg8[%parallel_loop3A_648], %parallel_loop3A_645 {strides = array<i32>} : memref<32768xf32, #tpu.memory_space<vmem>>, vector<16xf32>,
        %parallel_loop3A_650 = arith.constant 16 : i32
        %parallel_loop3A_651 = arith.addi %parallel_loop3A_637, %parallel_loop3A_650 : i32
        %parallel_loop3A_652 = arith.index_cast %parallel_loop3A_651 : i32 to index
        %parallel_loop3A_653 = tpu.vector_load %arg5[%parallel_loop3A_652] {strides = array<i32>} : memref<2048xf32, #tpu.memory_space<vmem>>, vector<16xf32>,
        %parallel_loop3A_654 = arith.constant 16 : i32
        %parallel_loop3A_655 = arith.addi %parallel_loop3A_641, %parallel_loop3A_654 : i32
        %parallel_loop3A_656 = arith.index_cast %parallel_loop3A_655 : i32 to index
        %parallel_loop3A_657 = tpu.vector_load %arg8[%parallel_loop3A_656] {strides = array<i32>} : memref<32768xf32, #tpu.memory_space<vmem>>, vector<16xf32>,
        tpu.vector_store %arg8[%parallel_loop3A_656], %parallel_loop3A_653 {strides = array<i32>} : memref<32768xf32, #tpu.memory_space<vmem>>, vector<16xf32>,
        %parallel_loop3A_658 = arith.constant 32 : i32
        %parallel_loop3A_659 = arith.addi %parallel_loop3A_637, %parallel_loop3A_658 : i32
        %parallel_loop3A_660 = arith.index_cast %parallel_loop3A_659 : i32 to index
        %parallel_loop3A_661 = tpu.vector_load %arg5[%parallel_loop3A_660] {strides = array<i32>} : memref<2048xf32, #tpu.memory_space<vmem>>, vector<16xf32>,
        %parallel_loop3A_662 = arith.constant 32 : i32
        %parallel_loop3A_663 = arith.addi %parallel_loop3A_641, %parallel_loop3A_662 : i32
        %parallel_loop3A_664 = arith.index_cast %parallel_loop3A_663 : i32 to index
        %parallel_loop3A_665 = tpu.vector_load %arg8[%parallel_loop3A_664] {strides = array<i32>} : memref<32768xf32, #tpu.memory_space<vmem>>, vector<16xf32>,
        tpu.vector_store %arg8[%parallel_loop3A_664], %parallel_loop3A_661 {strides = array<i32>} : memref<32768xf32, #tpu.memory_space<vmem>>, vector<16xf32>,
        %parallel_loop3A_666 = arith.constant 48 : i32
        %parallel_loop3A_667 = arith.addi %parallel_loop3A_637, %parallel_loop3A_666 : i32
        %parallel_loop3A_668 = arith.index_cast %parallel_loop3A_667 : i32 to index
        %parallel_loop3A_669 = tpu.vector_load %arg5[%parallel_loop3A_668] {strides = array<i32>} : memref<2048xf32, #tpu.memory_space<vmem>>, vector<16xf32>,
        %parallel_loop3A_670 = arith.constant 48 : i32
        %parallel_loop3A_671 = arith.addi %parallel_loop3A_641, %parallel_loop3A_670 : i32
        %parallel_loop3A_672 = arith.index_cast %parallel_loop3A_671 : i32 to index
        %parallel_loop3A_673 = tpu.vector_load %arg8[%parallel_loop3A_672] {strides = array<i32>} : memref<32768xf32, #tpu.memory_space<vmem>>, vector<16xf32>,
        tpu.vector_store %arg8[%parallel_loop3A_672], %parallel_loop3A_669 {strides = array<i32>} : memref<32768xf32, #tpu.memory_space<vmem>>, vector<16xf32>,
        %parallel_loop3A_674 = arith.constant 64 : i32
        %parallel_loop3A_675 = arith.addi %parallel_loop3A_637, %parallel_loop3A_674 : i32
        %parallel_loop3A_676 = arith.index_cast %parallel_loop3A_675 : i32 to index
        %parallel_loop3A_677 = tpu.vector_load %arg5[%parallel_loop3A_676] {strides = array<i32>} : memref<2048xf32, #tpu.memory_space<vmem>>, vector<16xf32>,
        %parallel_loop3A_678 = arith.constant 64 : i32
        %parallel_loop3A_679 = arith.addi %parallel_loop3A_641, %parallel_loop3A_678 : i32
        %parallel_loop3A_680 = arith.index_cast %parallel_loop3A_679 : i32 to index
        %parallel_loop3A_681 = tpu.vector_load %arg8[%parallel_loop3A_680] {strides = array<i32>} : memref<32768xf32, #tpu.memory_space<vmem>>, vector<16xf32>,
        tpu.vector_store %arg8[%parallel_loop3A_680], %parallel_loop3A_677 {strides = array<i32>} : memref<32768xf32, #tpu.memory_space<vmem>>, vector<16xf32>,
        %parallel_loop3A_682 = arith.constant 80 : i32
        %parallel_loop3A_683 = arith.addi %parallel_loop3A_637, %parallel_loop3A_682 : i32
        %parallel_loop3A_684 = arith.index_cast %parallel_loop3A_683 : i32 to index
        %parallel_loop3A_685 = tpu.vector_load %arg5[%parallel_loop3A_684] {strides = array<i32>} : memref<2048xf32, #tpu.memory_space<vmem>>, vector<16xf32>,
        %parallel_loop3A_686 = arith.constant 80 : i32
        %parallel_loop3A_687 = arith.addi %parallel_loop3A_641, %parallel_loop3A_686 : i32
        %parallel_loop3A_688 = arith.index_cast %parallel_loop3A_687 : i32 to index
        %parallel_loop3A_689 = tpu.vector_load %arg8[%parallel_loop3A_688] {strides = array<i32>} : memref<32768xf32, #tpu.memory_space<vmem>>, vector<16xf32>,
        tpu.vector_store %arg8[%parallel_loop3A_688], %parallel_loop3A_685 {strides = array<i32>} : memref<32768xf32, #tpu.memory_space<vmem>>, vector<16xf32>,
        %parallel_loop3A_690 = arith.constant 96 : i32
        %parallel_loop3A_691 = arith.addi %parallel_loop3A_637, %parallel_loop3A_690 : i32
        %parallel_loop3A_692 = arith.index_cast %parallel_loop3A_691 : i32 to index
        %parallel_loop3A_693 = tpu.vector_load %arg5[%parallel_loop3A_692] {strides = array<i32>} : memref<2048xf32, #tpu.memory_space<vmem>>, vector<16xf32>,
        %parallel_loop3A_694 = arith.constant 96 : i32
        %parallel_loop3A_695 = arith.addi %parallel_loop3A_641, %parallel_loop3A_694 : i32
        %parallel_loop3A_696 = arith.index_cast %parallel_loop3A_695 : i32 to index
        %parallel_loop3A_697 = tpu.vector_load %arg8[%parallel_loop3A_696] {strides = array<i32>} : memref<32768xf32, #tpu.memory_space<vmem>>, vector<16xf32>,
        tpu.vector_store %arg8[%parallel_loop3A_696], %parallel_loop3A_693 {strides = array<i32>} : memref<32768xf32, #tpu.memory_space<vmem>>, vector<16xf32>,
        %parallel_loop3A_698 = arith.constant 112 : i32
        %parallel_loop3A_699 = arith.addi %parallel_loop3A_637, %parallel_loop3A_698 : i32
        %parallel_loop3A_700 = arith.index_cast %parallel_loop3A_699 : i32 to index
        %parallel_loop3A_701 = tpu.vector_load %arg5[%parallel_loop3A_700] {strides = array<i32>} : memref<2048xf32, #tpu.memory_space<vmem>>, vector<16xf32>,
        %parallel_loop3A_702 = arith.constant 112 : i32
        %parallel_loop3A_703 = arith.addi %parallel_loop3A_641, %parallel_loop3A_702 : i32
        %parallel_loop3A_704 = arith.index_cast %parallel_loop3A_703 : i32 to index
        %parallel_loop3A_705 = tpu.vector_load %arg8[%parallel_loop3A_704] {strides = array<i32>} : memref<32768xf32, #tpu.memory_space<vmem>>, vector<16xf32>,
        tpu.vector_store %arg8[%parallel_loop3A_704], %parallel_loop3A_701 {strides = array<i32>} : memref<32768xf32, #tpu.memory_space<vmem>>, vector<16xf32>,
        %parallel_loop3A_706 = vector.extract_strided_slice %parallel_loop3A_57 {offsets = [9], sizes = [1], strides = [1]} : vector<16xi32> to vector<1xi32>
        %parallel_loop3A_707 = vector.extract %parallel_loop3A_706[0] : i32 from vector<1xi32>
        %parallel_loop3A_708 = arith.constant 128 : i32
        %parallel_loop3A_709 = arith.muli %parallel_loop3A_707, %parallel_loop3A_708 : i32
        %parallel_loop3A_710 = arith.constant 9 : i32
        %parallel_loop3A_711 = arith.addi %parallel_loop3A_52, %parallel_loop3A_710 : i32
        %parallel_loop3A_712 = arith.constant 128 : i32
        %parallel_loop3A_713 = arith.muli %parallel_loop3A_711, %parallel_loop3A_712 : i32
        %parallel_loop3A_714 = arith.constant 0 : i32
        %parallel_loop3A_715 = arith.addi %parallel_loop3A_709, %parallel_loop3A_714 : i32
        %parallel_loop3A_716 = arith.index_cast %parallel_loop3A_715 : i32 to index
        %parallel_loop3A_717 = tpu.vector_load %arg5[%parallel_loop3A_716] {strides = array<i32>} : memref<2048xf32, #tpu.memory_space<vmem>>, vector<16xf32>,
        %parallel_loop3A_718 = arith.constant 0 : i32
        %parallel_loop3A_719 = arith.addi %parallel_loop3A_713, %parallel_loop3A_718 : i32
        %parallel_loop3A_720 = arith.index_cast %parallel_loop3A_719 : i32 to index
        %parallel_loop3A_721 = tpu.vector_load %arg8[%parallel_loop3A_720] {strides = array<i32>} : memref<32768xf32, #tpu.memory_space<vmem>>, vector<16xf32>,
        tpu.vector_store %arg8[%parallel_loop3A_720], %parallel_loop3A_717 {strides = array<i32>} : memref<32768xf32, #tpu.memory_space<vmem>>, vector<16xf32>,
        %parallel_loop3A_722 = arith.constant 16 : i32
        %parallel_loop3A_723 = arith.addi %parallel_loop3A_709, %parallel_loop3A_722 : i32
        %parallel_loop3A_724 = arith.index_cast %parallel_loop3A_723 : i32 to index
        %parallel_loop3A_725 = tpu.vector_load %arg5[%parallel_loop3A_724] {strides = array<i32>} : memref<2048xf32, #tpu.memory_space<vmem>>, vector<16xf32>,
        %parallel_loop3A_726 = arith.constant 16 : i32
        %parallel_loop3A_727 = arith.addi %parallel_loop3A_713, %parallel_loop3A_726 : i32
        %parallel_loop3A_728 = arith.index_cast %parallel_loop3A_727 : i32 to index
        %parallel_loop3A_729 = tpu.vector_load %arg8[%parallel_loop3A_728] {strides = array<i32>} : memref<32768xf32, #tpu.memory_space<vmem>>, vector<16xf32>,
        tpu.vector_store %arg8[%parallel_loop3A_728], %parallel_loop3A_725 {strides = array<i32>} : memref<32768xf32, #tpu.memory_space<vmem>>, vector<16xf32>,
        %parallel_loop3A_730 = arith.constant 32 : i32
        %parallel_loop3A_731 = arith.addi %parallel_loop3A_709, %parallel_loop3A_730 : i32
        %parallel_loop3A_732 = arith.index_cast %parallel_loop3A_731 : i32 to index
        %parallel_loop3A_733 = tpu.vector_load %arg5[%parallel_loop3A_732] {strides = array<i32>} : memref<2048xf32, #tpu.memory_space<vmem>>, vector<16xf32>,
        %parallel_loop3A_734 = arith.constant 32 : i32
        %parallel_loop3A_735 = arith.addi %parallel_loop3A_713, %parallel_loop3A_734 : i32
        %parallel_loop3A_736 = arith.index_cast %parallel_loop3A_735 : i32 to index
        %parallel_loop3A_737 = tpu.vector_load %arg8[%parallel_loop3A_736] {strides = array<i32>} : memref<32768xf32, #tpu.memory_space<vmem>>, vector<16xf32>,
        tpu.vector_store %arg8[%parallel_loop3A_736], %parallel_loop3A_733 {strides = array<i32>} : memref<32768xf32, #tpu.memory_space<vmem>>, vector<16xf32>,
        %parallel_loop3A_738 = arith.constant 48 : i32
        %parallel_loop3A_739 = arith.addi %parallel_loop3A_709, %parallel_loop3A_738 : i32
        %parallel_loop3A_740 = arith.index_cast %parallel_loop3A_739 : i32 to index
        %parallel_loop3A_741 = tpu.vector_load %arg5[%parallel_loop3A_740] {strides = array<i32>} : memref<2048xf32, #tpu.memory_space<vmem>>, vector<16xf32>,
        %parallel_loop3A_742 = arith.constant 48 : i32
        %parallel_loop3A_743 = arith.addi %parallel_loop3A_713, %parallel_loop3A_742 : i32
        %parallel_loop3A_744 = arith.index_cast %parallel_loop3A_743 : i32 to index
        %parallel_loop3A_745 = tpu.vector_load %arg8[%parallel_loop3A_744] {strides = array<i32>} : memref<32768xf32, #tpu.memory_space<vmem>>, vector<16xf32>,
        tpu.vector_store %arg8[%parallel_loop3A_744], %parallel_loop3A_741 {strides = array<i32>} : memref<32768xf32, #tpu.memory_space<vmem>>, vector<16xf32>,
        %parallel_loop3A_746 = arith.constant 64 : i32
        %parallel_loop3A_747 = arith.addi %parallel_loop3A_709, %parallel_loop3A_746 : i32
        %parallel_loop3A_748 = arith.index_cast %parallel_loop3A_747 : i32 to index
        %parallel_loop3A_749 = tpu.vector_load %arg5[%parallel_loop3A_748] {strides = array<i32>} : memref<2048xf32, #tpu.memory_space<vmem>>, vector<16xf32>,
        %parallel_loop3A_750 = arith.constant 64 : i32
        %parallel_loop3A_751 = arith.addi %parallel_loop3A_713, %parallel_loop3A_750 : i32
        %parallel_loop3A_752 = arith.index_cast %parallel_loop3A_751 : i32 to index
        %parallel_loop3A_753 = tpu.vector_load %arg8[%parallel_loop3A_752] {strides = array<i32>} : memref<32768xf32, #tpu.memory_space<vmem>>, vector<16xf32>,
        tpu.vector_store %arg8[%parallel_loop3A_752], %parallel_loop3A_749 {strides = array<i32>} : memref<32768xf32, #tpu.memory_space<vmem>>, vector<16xf32>,
        %parallel_loop3A_754 = arith.constant 80 : i32
        %parallel_loop3A_755 = arith.addi %parallel_loop3A_709, %parallel_loop3A_754 : i32
        %parallel_loop3A_756 = arith.index_cast %parallel_loop3A_755 : i32 to index
        %parallel_loop3A_757 = tpu.vector_load %arg5[%parallel_loop3A_756] {strides = array<i32>} : memref<2048xf32, #tpu.memory_space<vmem>>, vector<16xf32>,
        %parallel_loop3A_758 = arith.constant 80 : i32
        %parallel_loop3A_759 = arith.addi %parallel_loop3A_713, %parallel_loop3A_758 : i32
        %parallel_loop3A_760 = arith.index_cast %parallel_loop3A_759 : i32 to index
        %parallel_loop3A_761 = tpu.vector_load %arg8[%parallel_loop3A_760] {strides = array<i32>} : memref<32768xf32, #tpu.memory_space<vmem>>, vector<16xf32>,
        tpu.vector_store %arg8[%parallel_loop3A_760], %parallel_loop3A_757 {strides = array<i32>} : memref<32768xf32, #tpu.memory_space<vmem>>, vector<16xf32>,
        %parallel_loop3A_762 = arith.constant 96 : i32
        %parallel_loop3A_763 = arith.addi %parallel_loop3A_709, %parallel_loop3A_762 : i32
        %parallel_loop3A_764 = arith.index_cast %parallel_loop3A_763 : i32 to index
        %parallel_loop3A_765 = tpu.vector_load %arg5[%parallel_loop3A_764] {strides = array<i32>} : memref<2048xf32, #tpu.memory_space<vmem>>, vector<16xf32>,
        %parallel_loop3A_766 = arith.constant 96 : i32
        %parallel_loop3A_767 = arith.addi %parallel_loop3A_713, %parallel_loop3A_766 : i32
        %parallel_loop3A_768 = arith.index_cast %parallel_loop3A_767 : i32 to index
        %parallel_loop3A_769 = tpu.vector_load %arg8[%parallel_loop3A_768] {strides = array<i32>} : memref<32768xf32, #tpu.memory_space<vmem>>, vector<16xf32>,
        tpu.vector_store %arg8[%parallel_loop3A_768], %parallel_loop3A_765 {strides = array<i32>} : memref<32768xf32, #tpu.memory_space<vmem>>, vector<16xf32>,
        %parallel_loop3A_770 = arith.constant 112 : i32
        %parallel_loop3A_771 = arith.addi %parallel_loop3A_709, %parallel_loop3A_770 : i32
        %parallel_loop3A_772 = arith.index_cast %parallel_loop3A_771 : i32 to index
        %parallel_loop3A_773 = tpu.vector_load %arg5[%parallel_loop3A_772] {strides = array<i32>} : memref<2048xf32, #tpu.memory_space<vmem>>, vector<16xf32>,
        %parallel_loop3A_774 = arith.constant 112 : i32
        %parallel_loop3A_775 = arith.addi %parallel_loop3A_713, %parallel_loop3A_774 : i32
        %parallel_loop3A_776 = arith.index_cast %parallel_loop3A_775 : i32 to index
        %parallel_loop3A_777 = tpu.vector_load %arg8[%parallel_loop3A_776] {strides = array<i32>} : memref<32768xf32, #tpu.memory_space<vmem>>, vector<16xf32>,
        tpu.vector_store %arg8[%parallel_loop3A_776], %parallel_loop3A_773 {strides = array<i32>} : memref<32768xf32, #tpu.memory_space<vmem>>, vector<16xf32>,
        %parallel_loop3A_778 = vector.extract_strided_slice %parallel_loop3A_57 {offsets = [10], sizes = [1], strides = [1]} : vector<16xi32> to vector<1xi32>
        %parallel_loop3A_779 = vector.extract %parallel_loop3A_778[0] : i32 from vector<1xi32>
        %parallel_loop3A_780 = arith.constant 128 : i32
        %parallel_loop3A_781 = arith.muli %parallel_loop3A_779, %parallel_loop3A_780 : i32
        %parallel_loop3A_782 = arith.constant 10 : i32
        %parallel_loop3A_783 = arith.addi %parallel_loop3A_52, %parallel_loop3A_782 : i32
        %parallel_loop3A_784 = arith.constant 128 : i32
        %parallel_loop3A_785 = arith.muli %parallel_loop3A_783, %parallel_loop3A_784 : i32
        %parallel_loop3A_786 = arith.constant 0 : i32
        %parallel_loop3A_787 = arith.addi %parallel_loop3A_781, %parallel_loop3A_786 : i32
        %parallel_loop3A_788 = arith.index_cast %parallel_loop3A_787 : i32 to index
        %parallel_loop3A_789 = tpu.vector_load %arg5[%parallel_loop3A_788] {strides = array<i32>} : memref<2048xf32, #tpu.memory_space<vmem>>, vector<16xf32>,
        %parallel_loop3A_790 = arith.constant 0 : i32
        %parallel_loop3A_791 = arith.addi %parallel_loop3A_785, %parallel_loop3A_790 : i32
        %parallel_loop3A_792 = arith.index_cast %parallel_loop3A_791 : i32 to index
        %parallel_loop3A_793 = tpu.vector_load %arg8[%parallel_loop3A_792] {strides = array<i32>} : memref<32768xf32, #tpu.memory_space<vmem>>, vector<16xf32>,
        tpu.vector_store %arg8[%parallel_loop3A_792], %parallel_loop3A_789 {strides = array<i32>} : memref<32768xf32, #tpu.memory_space<vmem>>, vector<16xf32>,
        %parallel_loop3A_794 = arith.constant 16 : i32
        %parallel_loop3A_795 = arith.addi %parallel_loop3A_781, %parallel_loop3A_794 : i32
        %parallel_loop3A_796 = arith.index_cast %parallel_loop3A_795 : i32 to index
        %parallel_loop3A_797 = tpu.vector_load %arg5[%parallel_loop3A_796] {strides = array<i32>} : memref<2048xf32, #tpu.memory_space<vmem>>, vector<16xf32>,
        %parallel_loop3A_798 = arith.constant 16 : i32
        %parallel_loop3A_799 = arith.addi %parallel_loop3A_785, %parallel_loop3A_798 : i32
        %parallel_loop3A_800 = arith.index_cast %parallel_loop3A_799 : i32 to index
        %parallel_loop3A_801 = tpu.vector_load %arg8[%parallel_loop3A_800] {strides = array<i32>} : memref<32768xf32, #tpu.memory_space<vmem>>, vector<16xf32>,
        tpu.vector_store %arg8[%parallel_loop3A_800], %parallel_loop3A_797 {strides = array<i32>} : memref<32768xf32, #tpu.memory_space<vmem>>, vector<16xf32>,
        %parallel_loop3A_802 = arith.constant 32 : i32
        %parallel_loop3A_803 = arith.addi %parallel_loop3A_781, %parallel_loop3A_802 : i32
        %parallel_loop3A_804 = arith.index_cast %parallel_loop3A_803 : i32 to index
        %parallel_loop3A_805 = tpu.vector_load %arg5[%parallel_loop3A_804] {strides = array<i32>} : memref<2048xf32, #tpu.memory_space<vmem>>, vector<16xf32>,
        %parallel_loop3A_806 = arith.constant 32 : i32
        %parallel_loop3A_807 = arith.addi %parallel_loop3A_785, %parallel_loop3A_806 : i32
        %parallel_loop3A_808 = arith.index_cast %parallel_loop3A_807 : i32 to index
        %parallel_loop3A_809 = tpu.vector_load %arg8[%parallel_loop3A_808] {strides = array<i32>} : memref<32768xf32, #tpu.memory_space<vmem>>, vector<16xf32>,
        tpu.vector_store %arg8[%parallel_loop3A_808], %parallel_loop3A_805 {strides = array<i32>} : memref<32768xf32, #tpu.memory_space<vmem>>, vector<16xf32>,
        %parallel_loop3A_810 = arith.constant 48 : i32
        %parallel_loop3A_811 = arith.addi %parallel_loop3A_781, %parallel_loop3A_810 : i32
        %parallel_loop3A_812 = arith.index_cast %parallel_loop3A_811 : i32 to index
        %parallel_loop3A_813 = tpu.vector_load %arg5[%parallel_loop3A_812] {strides = array<i32>} : memref<2048xf32, #tpu.memory_space<vmem>>, vector<16xf32>,
        %parallel_loop3A_814 = arith.constant 48 : i32
        %parallel_loop3A_815 = arith.addi %parallel_loop3A_785, %parallel_loop3A_814 : i32
        %parallel_loop3A_816 = arith.index_cast %parallel_loop3A_815 : i32 to index
        %parallel_loop3A_817 = tpu.vector_load %arg8[%parallel_loop3A_816] {strides = array<i32>} : memref<32768xf32, #tpu.memory_space<vmem>>, vector<16xf32>,
        tpu.vector_store %arg8[%parallel_loop3A_816], %parallel_loop3A_813 {strides = array<i32>} : memref<32768xf32, #tpu.memory_space<vmem>>, vector<16xf32>,
        %parallel_loop3A_818 = arith.constant 64 : i32
        %parallel_loop3A_819 = arith.addi %parallel_loop3A_781, %parallel_loop3A_818 : i32
        %parallel_loop3A_820 = arith.index_cast %parallel_loop3A_819 : i32 to index
        %parallel_loop3A_821 = tpu.vector_load %arg5[%parallel_loop3A_820] {strides = array<i32>} : memref<2048xf32, #tpu.memory_space<vmem>>, vector<16xf32>,
        %parallel_loop3A_822 = arith.constant 64 : i32
        %parallel_loop3A_823 = arith.addi %parallel_loop3A_785, %parallel_loop3A_822 : i32
        %parallel_loop3A_824 = arith.index_cast %parallel_loop3A_823 : i32 to index
        %parallel_loop3A_825 = tpu.vector_load %arg8[%parallel_loop3A_824] {strides = array<i32>} : memref<32768xf32, #tpu.memory_space<vmem>>, vector<16xf32>,
        tpu.vector_store %arg8[%parallel_loop3A_824], %parallel_loop3A_821 {strides = array<i32>} : memref<32768xf32, #tpu.memory_space<vmem>>, vector<16xf32>,
        %parallel_loop3A_826 = arith.constant 80 : i32
        %parallel_loop3A_827 = arith.addi %parallel_loop3A_781, %parallel_loop3A_826 : i32
        %parallel_loop3A_828 = arith.index_cast %parallel_loop3A_827 : i32 to index
        %parallel_loop3A_829 = tpu.vector_load %arg5[%parallel_loop3A_828] {strides = array<i32>} : memref<2048xf32, #tpu.memory_space<vmem>>, vector<16xf32>,
        %parallel_loop3A_830 = arith.constant 80 : i32
        %parallel_loop3A_831 = arith.addi %parallel_loop3A_785, %parallel_loop3A_830 : i32
        %parallel_loop3A_832 = arith.index_cast %parallel_loop3A_831 : i32 to index
        %parallel_loop3A_833 = tpu.vector_load %arg8[%parallel_loop3A_832] {strides = array<i32>} : memref<32768xf32, #tpu.memory_space<vmem>>, vector<16xf32>,
        tpu.vector_store %arg8[%parallel_loop3A_832], %parallel_loop3A_829 {strides = array<i32>} : memref<32768xf32, #tpu.memory_space<vmem>>, vector<16xf32>,
        %parallel_loop3A_834 = arith.constant 96 : i32
        %parallel_loop3A_835 = arith.addi %parallel_loop3A_781, %parallel_loop3A_834 : i32
        %parallel_loop3A_836 = arith.index_cast %parallel_loop3A_835 : i32 to index
        %parallel_loop3A_837 = tpu.vector_load %arg5[%parallel_loop3A_836] {strides = array<i32>} : memref<2048xf32, #tpu.memory_space<vmem>>, vector<16xf32>,
        %parallel_loop3A_838 = arith.constant 96 : i32
        %parallel_loop3A_839 = arith.addi %parallel_loop3A_785, %parallel_loop3A_838 : i32
        %parallel_loop3A_840 = arith.index_cast %parallel_loop3A_839 : i32 to index
        %parallel_loop3A_841 = tpu.vector_load %arg8[%parallel_loop3A_840] {strides = array<i32>} : memref<32768xf32, #tpu.memory_space<vmem>>, vector<16xf32>,
        tpu.vector_store %arg8[%parallel_loop3A_840], %parallel_loop3A_837 {strides = array<i32>} : memref<32768xf32, #tpu.memory_space<vmem>>, vector<16xf32>,
        %parallel_loop3A_842 = arith.constant 112 : i32
        %parallel_loop3A_843 = arith.addi %parallel_loop3A_781, %parallel_loop3A_842 : i32
        %parallel_loop3A_844 = arith.index_cast %parallel_loop3A_843 : i32 to index
        %parallel_loop3A_845 = tpu.vector_load %arg5[%parallel_loop3A_844] {strides = array<i32>} : memref<2048xf32, #tpu.memory_space<vmem>>, vector<16xf32>,
        %parallel_loop3A_846 = arith.constant 112 : i32
        %parallel_loop3A_847 = arith.addi %parallel_loop3A_785, %parallel_loop3A_846 : i32
        %parallel_loop3A_848 = arith.index_cast %parallel_loop3A_847 : i32 to index
        %parallel_loop3A_849 = tpu.vector_load %arg8[%parallel_loop3A_848] {strides = array<i32>} : memref<32768xf32, #tpu.memory_space<vmem>>, vector<16xf32>,
        tpu.vector_store %arg8[%parallel_loop3A_848], %parallel_loop3A_845 {strides = array<i32>} : memref<32768xf32, #tpu.memory_space<vmem>>, vector<16xf32>,
        %parallel_loop3A_850 = vector.extract_strided_slice %parallel_loop3A_57 {offsets = [11], sizes = [1], strides = [1]} : vector<16xi32> to vector<1xi32>
        %parallel_loop3A_851 = vector.extract %parallel_loop3A_850[0] : i32 from vector<1xi32>
        %parallel_loop3A_852 = arith.constant 128 : i32
        %parallel_loop3A_853 = arith.muli %parallel_loop3A_851, %parallel_loop3A_852 : i32
        %parallel_loop3A_854 = arith.constant 11 : i32
        %parallel_loop3A_855 = arith.addi %parallel_loop3A_52, %parallel_loop3A_854 : i32
        %parallel_loop3A_856 = arith.constant 128 : i32
        %parallel_loop3A_857 = arith.muli %parallel_loop3A_855, %parallel_loop3A_856 : i32
        %parallel_loop3A_858 = arith.constant 0 : i32
        %parallel_loop3A_859 = arith.addi %parallel_loop3A_853, %parallel_loop3A_858 : i32
        %parallel_loop3A_860 = arith.index_cast %parallel_loop3A_859 : i32 to index
        %parallel_loop3A_861 = tpu.vector_load %arg5[%parallel_loop3A_860] {strides = array<i32>} : memref<2048xf32, #tpu.memory_space<vmem>>, vector<16xf32>,
        %parallel_loop3A_862 = arith.constant 0 : i32
        %parallel_loop3A_863 = arith.addi %parallel_loop3A_857, %parallel_loop3A_862 : i32
        %parallel_loop3A_864 = arith.index_cast %parallel_loop3A_863 : i32 to index
        %parallel_loop3A_865 = tpu.vector_load %arg8[%parallel_loop3A_864] {strides = array<i32>} : memref<32768xf32, #tpu.memory_space<vmem>>, vector<16xf32>,
        tpu.vector_store %arg8[%parallel_loop3A_864], %parallel_loop3A_861 {strides = array<i32>} : memref<32768xf32, #tpu.memory_space<vmem>>, vector<16xf32>,
        %parallel_loop3A_866 = arith.constant 16 : i32
        %parallel_loop3A_867 = arith.addi %parallel_loop3A_853, %parallel_loop3A_866 : i32
        %parallel_loop3A_868 = arith.index_cast %parallel_loop3A_867 : i32 to index
        %parallel_loop3A_869 = tpu.vector_load %arg5[%parallel_loop3A_868] {strides = array<i32>} : memref<2048xf32, #tpu.memory_space<vmem>>, vector<16xf32>,
        %parallel_loop3A_870 = arith.constant 16 : i32
        %parallel_loop3A_871 = arith.addi %parallel_loop3A_857, %parallel_loop3A_870 : i32
        %parallel_loop3A_872 = arith.index_cast %parallel_loop3A_871 : i32 to index
        %parallel_loop3A_873 = tpu.vector_load %arg8[%parallel_loop3A_872] {strides = array<i32>} : memref<32768xf32, #tpu.memory_space<vmem>>, vector<16xf32>,
        tpu.vector_store %arg8[%parallel_loop3A_872], %parallel_loop3A_869 {strides = array<i32>} : memref<32768xf32, #tpu.memory_space<vmem>>, vector<16xf32>,
        %parallel_loop3A_874 = arith.constant 32 : i32
        %parallel_loop3A_875 = arith.addi %parallel_loop3A_853, %parallel_loop3A_874 : i32
        %parallel_loop3A_876 = arith.index_cast %parallel_loop3A_875 : i32 to index
        %parallel_loop3A_877 = tpu.vector_load %arg5[%parallel_loop3A_876] {strides = array<i32>} : memref<2048xf32, #tpu.memory_space<vmem>>, vector<16xf32>,
        %parallel_loop3A_878 = arith.constant 32 : i32
        %parallel_loop3A_879 = arith.addi %parallel_loop3A_857, %parallel_loop3A_878 : i32
        %parallel_loop3A_880 = arith.index_cast %parallel_loop3A_879 : i32 to index
        %parallel_loop3A_881 = tpu.vector_load %arg8[%parallel_loop3A_880] {strides = array<i32>} : memref<32768xf32, #tpu.memory_space<vmem>>, vector<16xf32>,
        tpu.vector_store %arg8[%parallel_loop3A_880], %parallel_loop3A_877 {strides = array<i32>} : memref<32768xf32, #tpu.memory_space<vmem>>, vector<16xf32>,
        %parallel_loop3A_882 = arith.constant 48 : i32
        %parallel_loop3A_883 = arith.addi %parallel_loop3A_853, %parallel_loop3A_882 : i32
        %parallel_loop3A_884 = arith.index_cast %parallel_loop3A_883 : i32 to index
        %parallel_loop3A_885 = tpu.vector_load %arg5[%parallel_loop3A_884] {strides = array<i32>} : memref<2048xf32, #tpu.memory_space<vmem>>, vector<16xf32>,
        %parallel_loop3A_886 = arith.constant 48 : i32
        %parallel_loop3A_887 = arith.addi %parallel_loop3A_857, %parallel_loop3A_886 : i32
        %parallel_loop3A_888 = arith.index_cast %parallel_loop3A_887 : i32 to index
        %parallel_loop3A_889 = tpu.vector_load %arg8[%parallel_loop3A_888] {strides = array<i32>} : memref<32768xf32, #tpu.memory_space<vmem>>, vector<16xf32>,
        tpu.vector_store %arg8[%parallel_loop3A_888], %parallel_loop3A_885 {strides = array<i32>} : memref<32768xf32, #tpu.memory_space<vmem>>, vector<16xf32>,
        %parallel_loop3A_890 = arith.constant 64 : i32
        %parallel_loop3A_891 = arith.addi %parallel_loop3A_853, %parallel_loop3A_890 : i32
        %parallel_loop3A_892 = arith.index_cast %parallel_loop3A_891 : i32 to index
        %parallel_loop3A_893 = tpu.vector_load %arg5[%parallel_loop3A_892] {strides = array<i32>} : memref<2048xf32, #tpu.memory_space<vmem>>, vector<16xf32>,
        %parallel_loop3A_894 = arith.constant 64 : i32
        %parallel_loop3A_895 = arith.addi %parallel_loop3A_857, %parallel_loop3A_894 : i32
        %parallel_loop3A_896 = arith.index_cast %parallel_loop3A_895 : i32 to index
        %parallel_loop3A_897 = tpu.vector_load %arg8[%parallel_loop3A_896] {strides = array<i32>} : memref<32768xf32, #tpu.memory_space<vmem>>, vector<16xf32>,
        tpu.vector_store %arg8[%parallel_loop3A_896], %parallel_loop3A_893 {strides = array<i32>} : memref<32768xf32, #tpu.memory_space<vmem>>, vector<16xf32>,
        %parallel_loop3A_898 = arith.constant 80 : i32
        %parallel_loop3A_899 = arith.addi %parallel_loop3A_853, %parallel_loop3A_898 : i32
        %parallel_loop3A_900 = arith.index_cast %parallel_loop3A_899 : i32 to index
        %parallel_loop3A_901 = tpu.vector_load %arg5[%parallel_loop3A_900] {strides = array<i32>} : memref<2048xf32, #tpu.memory_space<vmem>>, vector<16xf32>,
        %parallel_loop3A_902 = arith.constant 80 : i32
        %parallel_loop3A_903 = arith.addi %parallel_loop3A_857, %parallel_loop3A_902 : i32
        %parallel_loop3A_904 = arith.index_cast %parallel_loop3A_903 : i32 to index
        %parallel_loop3A_905 = tpu.vector_load %arg8[%parallel_loop3A_904] {strides = array<i32>} : memref<32768xf32, #tpu.memory_space<vmem>>, vector<16xf32>,
        tpu.vector_store %arg8[%parallel_loop3A_904], %parallel_loop3A_901 {strides = array<i32>} : memref<32768xf32, #tpu.memory_space<vmem>>, vector<16xf32>,
        %parallel_loop3A_906 = arith.constant 96 : i32
        %parallel_loop3A_907 = arith.addi %parallel_loop3A_853, %parallel_loop3A_906 : i32
        %parallel_loop3A_908 = arith.index_cast %parallel_loop3A_907 : i32 to index
        %parallel_loop3A_909 = tpu.vector_load %arg5[%parallel_loop3A_908] {strides = array<i32>} : memref<2048xf32, #tpu.memory_space<vmem>>, vector<16xf32>,
        %parallel_loop3A_910 = arith.constant 96 : i32
        %parallel_loop3A_911 = arith.addi %parallel_loop3A_857, %parallel_loop3A_910 : i32
        %parallel_loop3A_912 = arith.index_cast %parallel_loop3A_911 : i32 to index
        %parallel_loop3A_913 = tpu.vector_load %arg8[%parallel_loop3A_912] {strides = array<i32>} : memref<32768xf32, #tpu.memory_space<vmem>>, vector<16xf32>,
        tpu.vector_store %arg8[%parallel_loop3A_912], %parallel_loop3A_909 {strides = array<i32>} : memref<32768xf32, #tpu.memory_space<vmem>>, vector<16xf32>,
        %parallel_loop3A_914 = arith.constant 112 : i32
        %parallel_loop3A_915 = arith.addi %parallel_loop3A_853, %parallel_loop3A_914 : i32
        %parallel_loop3A_916 = arith.index_cast %parallel_loop3A_915 : i32 to index
        %parallel_loop3A_917 = tpu.vector_load %arg5[%parallel_loop3A_916] {strides = array<i32>} : memref<2048xf32, #tpu.memory_space<vmem>>, vector<16xf32>,
        %parallel_loop3A_918 = arith.constant 112 : i32
        %parallel_loop3A_919 = arith.addi %parallel_loop3A_857, %parallel_loop3A_918 : i32
        %parallel_loop3A_920 = arith.index_cast %parallel_loop3A_919 : i32 to index
        %parallel_loop3A_921 = tpu.vector_load %arg8[%parallel_loop3A_920] {strides = array<i32>} : memref<32768xf32, #tpu.memory_space<vmem>>, vector<16xf32>,
        tpu.vector_store %arg8[%parallel_loop3A_920], %parallel_loop3A_917 {strides = array<i32>} : memref<32768xf32, #tpu.memory_space<vmem>>, vector<16xf32>,
        %parallel_loop3A_922 = vector.extract_strided_slice %parallel_loop3A_57 {offsets = [12], sizes = [1], strides = [1]} : vector<16xi32> to vector<1xi32>
        %parallel_loop3A_923 = vector.extract %parallel_loop3A_922[0] : i32 from vector<1xi32>
        %parallel_loop3A_924 = arith.constant 128 : i32
        %parallel_loop3A_925 = arith.muli %parallel_loop3A_923, %parallel_loop3A_924 : i32
        %parallel_loop3A_926 = arith.constant 12 : i32
        %parallel_loop3A_927 = arith.addi %parallel_loop3A_52, %parallel_loop3A_926 : i32
        %parallel_loop3A_928 = arith.constant 128 : i32
        %parallel_loop3A_929 = arith.muli %parallel_loop3A_927, %parallel_loop3A_928 : i32
        %parallel_loop3A_930 = arith.constant 0 : i32
        %parallel_loop3A_931 = arith.addi %parallel_loop3A_925, %parallel_loop3A_930 : i32
        %parallel_loop3A_932 = arith.index_cast %parallel_loop3A_931 : i32 to index
        %parallel_loop3A_933 = tpu.vector_load %arg5[%parallel_loop3A_932] {strides = array<i32>} : memref<2048xf32, #tpu.memory_space<vmem>>, vector<16xf32>,
        %parallel_loop3A_934 = arith.constant 0 : i32
        %parallel_loop3A_935 = arith.addi %parallel_loop3A_929, %parallel_loop3A_934 : i32
        %parallel_loop3A_936 = arith.index_cast %parallel_loop3A_935 : i32 to index
        %parallel_loop3A_937 = tpu.vector_load %arg8[%parallel_loop3A_936] {strides = array<i32>} : memref<32768xf32, #tpu.memory_space<vmem>>, vector<16xf32>,
        tpu.vector_store %arg8[%parallel_loop3A_936], %parallel_loop3A_933 {strides = array<i32>} : memref<32768xf32, #tpu.memory_space<vmem>>, vector<16xf32>,
        %parallel_loop3A_938 = arith.constant 16 : i32
        %parallel_loop3A_939 = arith.addi %parallel_loop3A_925, %parallel_loop3A_938 : i32
        %parallel_loop3A_940 = arith.index_cast %parallel_loop3A_939 : i32 to index
        %parallel_loop3A_941 = tpu.vector_load %arg5[%parallel_loop3A_940] {strides = array<i32>} : memref<2048xf32, #tpu.memory_space<vmem>>, vector<16xf32>,
        %parallel_loop3A_942 = arith.constant 16 : i32
        %parallel_loop3A_943 = arith.addi %parallel_loop3A_929, %parallel_loop3A_942 : i32
        %parallel_loop3A_944 = arith.index_cast %parallel_loop3A_943 : i32 to index
        %parallel_loop3A_945 = tpu.vector_load %arg8[%parallel_loop3A_944] {strides = array<i32>} : memref<32768xf32, #tpu.memory_space<vmem>>, vector<16xf32>,
        tpu.vector_store %arg8[%parallel_loop3A_944], %parallel_loop3A_941 {strides = array<i32>} : memref<32768xf32, #tpu.memory_space<vmem>>, vector<16xf32>,
        %parallel_loop3A_946 = arith.constant 32 : i32
        %parallel_loop3A_947 = arith.addi %parallel_loop3A_925, %parallel_loop3A_946 : i32
        %parallel_loop3A_948 = arith.index_cast %parallel_loop3A_947 : i32 to index
        %parallel_loop3A_949 = tpu.vector_load %arg5[%parallel_loop3A_948] {strides = array<i32>} : memref<2048xf32, #tpu.memory_space<vmem>>, vector<16xf32>,
        %parallel_loop3A_950 = arith.constant 32 : i32
        %parallel_loop3A_951 = arith.addi %parallel_loop3A_929, %parallel_loop3A_950 : i32
        %parallel_loop3A_952 = arith.index_cast %parallel_loop3A_951 : i32 to index
        %parallel_loop3A_953 = tpu.vector_load %arg8[%parallel_loop3A_952] {strides = array<i32>} : memref<32768xf32, #tpu.memory_space<vmem>>, vector<16xf32>,
        tpu.vector_store %arg8[%parallel_loop3A_952], %parallel_loop3A_949 {strides = array<i32>} : memref<32768xf32, #tpu.memory_space<vmem>>, vector<16xf32>,
        %parallel_loop3A_954 = arith.constant 48 : i32
        %parallel_loop3A_955 = arith.addi %parallel_loop3A_925, %parallel_loop3A_954 : i32
        %parallel_loop3A_956 = arith.index_cast %parallel_loop3A_955 : i32 to index
        %parallel_loop3A_957 = tpu.vector_load %arg5[%parallel_loop3A_956] {strides = array<i32>} : memref<2048xf32, #tpu.memory_space<vmem>>, vector<16xf32>,
        %parallel_loop3A_958 = arith.constant 48 : i32
        %parallel_loop3A_959 = arith.addi %parallel_loop3A_929, %parallel_loop3A_958 : i32
        %parallel_loop3A_960 = arith.index_cast %parallel_loop3A_959 : i32 to index
        %parallel_loop3A_961 = tpu.vector_load %arg8[%parallel_loop3A_960] {strides = array<i32>} : memref<32768xf32, #tpu.memory_space<vmem>>, vector<16xf32>,
        tpu.vector_store %arg8[%parallel_loop3A_960], %parallel_loop3A_957 {strides = array<i32>} : memref<32768xf32, #tpu.memory_space<vmem>>, vector<16xf32>,
        %parallel_loop3A_962 = arith.constant 64 : i32
        %parallel_loop3A_963 = arith.addi %parallel_loop3A_925, %parallel_loop3A_962 : i32
        %parallel_loop3A_964 = arith.index_cast %parallel_loop3A_963 : i32 to index
        %parallel_loop3A_965 = tpu.vector_load %arg5[%parallel_loop3A_964] {strides = array<i32>} : memref<2048xf32, #tpu.memory_space<vmem>>, vector<16xf32>,
        %parallel_loop3A_966 = arith.constant 64 : i32
        %parallel_loop3A_967 = arith.addi %parallel_loop3A_929, %parallel_loop3A_966 : i32
        %parallel_loop3A_968 = arith.index_cast %parallel_loop3A_967 : i32 to index
        %parallel_loop3A_969 = tpu.vector_load %arg8[%parallel_loop3A_968] {strides = array<i32>} : memref<32768xf32, #tpu.memory_space<vmem>>, vector<16xf32>,
        tpu.vector_store %arg8[%parallel_loop3A_968], %parallel_loop3A_965 {strides = array<i32>} : memref<32768xf32, #tpu.memory_space<vmem>>, vector<16xf32>,
        %parallel_loop3A_970 = arith.constant 80 : i32
        %parallel_loop3A_971 = arith.addi %parallel_loop3A_925, %parallel_loop3A_970 : i32
        %parallel_loop3A_972 = arith.index_cast %parallel_loop3A_971 : i32 to index
        %parallel_loop3A_973 = tpu.vector_load %arg5[%parallel_loop3A_972] {strides = array<i32>} : memref<2048xf32, #tpu.memory_space<vmem>>, vector<16xf32>,
        %parallel_loop3A_974 = arith.constant 80 : i32
        %parallel_loop3A_975 = arith.addi %parallel_loop3A_929, %parallel_loop3A_974 : i32
        %parallel_loop3A_976 = arith.index_cast %parallel_loop3A_975 : i32 to index
        %parallel_loop3A_977 = tpu.vector_load %arg8[%parallel_loop3A_976] {strides = array<i32>} : memref<32768xf32, #tpu.memory_space<vmem>>, vector<16xf32>,
        tpu.vector_store %arg8[%parallel_loop3A_976], %parallel_loop3A_973 {strides = array<i32>} : memref<32768xf32, #tpu.memory_space<vmem>>, vector<16xf32>,
        %parallel_loop3A_978 = arith.constant 96 : i32
        %parallel_loop3A_979 = arith.addi %parallel_loop3A_925, %parallel_loop3A_978 : i32
        %parallel_loop3A_980 = arith.index_cast %parallel_loop3A_979 : i32 to index
        %parallel_loop3A_981 = tpu.vector_load %arg5[%parallel_loop3A_980] {strides = array<i32>} : memref<2048xf32, #tpu.memory_space<vmem>>, vector<16xf32>,
        %parallel_loop3A_982 = arith.constant 96 : i32
        %parallel_loop3A_983 = arith.addi %parallel_loop3A_929, %parallel_loop3A_982 : i32
        %parallel_loop3A_984 = arith.index_cast %parallel_loop3A_983 : i32 to index
        %parallel_loop3A_985 = tpu.vector_load %arg8[%parallel_loop3A_984] {strides = array<i32>} : memref<32768xf32, #tpu.memory_space<vmem>>, vector<16xf32>,
        tpu.vector_store %arg8[%parallel_loop3A_984], %parallel_loop3A_981 {strides = array<i32>} : memref<32768xf32, #tpu.memory_space<vmem>>, vector<16xf32>,
        %parallel_loop3A_986 = arith.constant 112 : i32
        %parallel_loop3A_987 = arith.addi %parallel_loop3A_925, %parallel_loop3A_986 : i32
        %parallel_loop3A_988 = arith.index_cast %parallel_loop3A_987 : i32 to index
        %parallel_loop3A_989 = tpu.vector_load %arg5[%parallel_loop3A_988] {strides = array<i32>} : memref<2048xf32, #tpu.memory_space<vmem>>, vector<16xf32>,
        %parallel_loop3A_990 = arith.constant 112 : i32
        %parallel_loop3A_991 = arith.addi %parallel_loop3A_929, %parallel_loop3A_990 : i32
        %parallel_loop3A_992 = arith.index_cast %parallel_loop3A_991 : i32 to index
        %parallel_loop3A_993 = tpu.vector_load %arg8[%parallel_loop3A_992] {strides = array<i32>} : memref<32768xf32, #tpu.memory_space<vmem>>, vector<16xf32>,
        tpu.vector_store %arg8[%parallel_loop3A_992], %parallel_loop3A_989 {strides = array<i32>} : memref<32768xf32, #tpu.memory_space<vmem>>, vector<16xf32>,
        %parallel_loop3A_994 = vector.extract_strided_slice %parallel_loop3A_57 {offsets = [13], sizes = [1], strides = [1]} : vector<16xi32> to vector<1xi32>
        %parallel_loop3A_995 = vector.extract %parallel_loop3A_994[0] : i32 from vector<1xi32>
        %parallel_loop3A_996 = arith.constant 128 : i32
        %parallel_loop3A_997 = arith.muli %parallel_loop3A_995, %parallel_loop3A_996 : i32
        %parallel_loop3A_998 = arith.constant 13 : i32
        %parallel_loop3A_999 = arith.addi %parallel_loop3A_52, %parallel_loop3A_998 : i32
        %parallel_loop3A_1000 = arith.constant 128 : i32
        %parallel_loop3A_1001 = arith.muli %parallel_loop3A_999, %parallel_loop3A_1000 : i32
        %parallel_loop3A_1002 = arith.constant 0 : i32
        %parallel_loop3A_1003 = arith.addi %parallel_loop3A_997, %parallel_loop3A_1002 : i32
        %parallel_loop3A_1004 = arith.index_cast %parallel_loop3A_1003 : i32 to index
        %parallel_loop3A_1005 = tpu.vector_load %arg5[%parallel_loop3A_1004] {strides = array<i32>} : memref<2048xf32, #tpu.memory_space<vmem>>, vector<16xf32>,
        %parallel_loop3A_1006 = arith.constant 0 : i32
        %parallel_loop3A_1007 = arith.addi %parallel_loop3A_1001, %parallel_loop3A_1006 : i32
        %parallel_loop3A_1008 = arith.index_cast %parallel_loop3A_1007 : i32 to index
        %parallel_loop3A_1009 = tpu.vector_load %arg8[%parallel_loop3A_1008] {strides = array<i32>} : memref<32768xf32, #tpu.memory_space<vmem>>, vector<16xf32>,
        tpu.vector_store %arg8[%parallel_loop3A_1008], %parallel_loop3A_1005 {strides = array<i32>} : memref<32768xf32, #tpu.memory_space<vmem>>, vector<16xf32>,
        %parallel_loop3A_1010 = arith.constant 16 : i32
        %parallel_loop3A_1011 = arith.addi %parallel_loop3A_997, %parallel_loop3A_1010 : i32
        %parallel_loop3A_1012 = arith.index_cast %parallel_loop3A_1011 : i32 to index
        %parallel_loop3A_1013 = tpu.vector_load %arg5[%parallel_loop3A_1012] {strides = array<i32>} : memref<2048xf32, #tpu.memory_space<vmem>>, vector<16xf32>,
        %parallel_loop3A_1014 = arith.constant 16 : i32
        %parallel_loop3A_1015 = arith.addi %parallel_loop3A_1001, %parallel_loop3A_1014 : i32
        %parallel_loop3A_1016 = arith.index_cast %parallel_loop3A_1015 : i32 to index
        %parallel_loop3A_1017 = tpu.vector_load %arg8[%parallel_loop3A_1016] {strides = array<i32>} : memref<32768xf32, #tpu.memory_space<vmem>>, vector<16xf32>,
        tpu.vector_store %arg8[%parallel_loop3A_1016], %parallel_loop3A_1013 {strides = array<i32>} : memref<32768xf32, #tpu.memory_space<vmem>>, vector<16xf32>,
        %parallel_loop3A_1018 = arith.constant 32 : i32
        %parallel_loop3A_1019 = arith.addi %parallel_loop3A_997, %parallel_loop3A_1018 : i32
        %parallel_loop3A_1020 = arith.index_cast %parallel_loop3A_1019 : i32 to index
        %parallel_loop3A_1021 = tpu.vector_load %arg5[%parallel_loop3A_1020] {strides = array<i32>} : memref<2048xf32, #tpu.memory_space<vmem>>, vector<16xf32>,
        %parallel_loop3A_1022 = arith.constant 32 : i32
        %parallel_loop3A_1023 = arith.addi %parallel_loop3A_1001, %parallel_loop3A_1022 : i32
        %parallel_loop3A_1024 = arith.index_cast %parallel_loop3A_1023 : i32 to index
        %parallel_loop3A_1025 = tpu.vector_load %arg8[%parallel_loop3A_1024] {strides = array<i32>} : memref<32768xf32, #tpu.memory_space<vmem>>, vector<16xf32>,
        tpu.vector_store %arg8[%parallel_loop3A_1024], %parallel_loop3A_1021 {strides = array<i32>} : memref<32768xf32, #tpu.memory_space<vmem>>, vector<16xf32>,
        %parallel_loop3A_1026 = arith.constant 48 : i32
        %parallel_loop3A_1027 = arith.addi %parallel_loop3A_997, %parallel_loop3A_1026 : i32
        %parallel_loop3A_1028 = arith.index_cast %parallel_loop3A_1027 : i32 to index
        %parallel_loop3A_1029 = tpu.vector_load %arg5[%parallel_loop3A_1028] {strides = array<i32>} : memref<2048xf32, #tpu.memory_space<vmem>>, vector<16xf32>,
        %parallel_loop3A_1030 = arith.constant 48 : i32
        %parallel_loop3A_1031 = arith.addi %parallel_loop3A_1001, %parallel_loop3A_1030 : i32
        %parallel_loop3A_1032 = arith.index_cast %parallel_loop3A_1031 : i32 to index
        %parallel_loop3A_1033 = tpu.vector_load %arg8[%parallel_loop3A_1032] {strides = array<i32>} : memref<32768xf32, #tpu.memory_space<vmem>>, vector<16xf32>,
        tpu.vector_store %arg8[%parallel_loop3A_1032], %parallel_loop3A_1029 {strides = array<i32>} : memref<32768xf32, #tpu.memory_space<vmem>>, vector<16xf32>,
        %parallel_loop3A_1034 = arith.constant 64 : i32
        %parallel_loop3A_1035 = arith.addi %parallel_loop3A_997, %parallel_loop3A_1034 : i32
        %parallel_loop3A_1036 = arith.index_cast %parallel_loop3A_1035 : i32 to index
        %parallel_loop3A_1037 = tpu.vector_load %arg5[%parallel_loop3A_1036] {strides = array<i32>} : memref<2048xf32, #tpu.memory_space<vmem>>, vector<16xf32>,
        %parallel_loop3A_1038 = arith.constant 64 : i32
        %parallel_loop3A_1039 = arith.addi %parallel_loop3A_1001, %parallel_loop3A_1038 : i32
        %parallel_loop3A_1040 = arith.index_cast %parallel_loop3A_1039 : i32 to index
        %parallel_loop3A_1041 = tpu.vector_load %arg8[%parallel_loop3A_1040] {strides = array<i32>} : memref<32768xf32, #tpu.memory_space<vmem>>, vector<16xf32>,
        tpu.vector_store %arg8[%parallel_loop3A_1040], %parallel_loop3A_1037 {strides = array<i32>} : memref<32768xf32, #tpu.memory_space<vmem>>, vector<16xf32>,
        %parallel_loop3A_1042 = arith.constant 80 : i32
        %parallel_loop3A_1043 = arith.addi %parallel_loop3A_997, %parallel_loop3A_1042 : i32
        %parallel_loop3A_1044 = arith.index_cast %parallel_loop3A_1043 : i32 to index
        %parallel_loop3A_1045 = tpu.vector_load %arg5[%parallel_loop3A_1044] {strides = array<i32>} : memref<2048xf32, #tpu.memory_space<vmem>>, vector<16xf32>,
        %parallel_loop3A_1046 = arith.constant 80 : i32
        %parallel_loop3A_1047 = arith.addi %parallel_loop3A_1001, %parallel_loop3A_1046 : i32
        %parallel_loop3A_1048 = arith.index_cast %parallel_loop3A_1047 : i32 to index
        %parallel_loop3A_1049 = tpu.vector_load %arg8[%parallel_loop3A_1048] {strides = array<i32>} : memref<32768xf32, #tpu.memory_space<vmem>>, vector<16xf32>,
        tpu.vector_store %arg8[%parallel_loop3A_1048], %parallel_loop3A_1045 {strides = array<i32>} : memref<32768xf32, #tpu.memory_space<vmem>>, vector<16xf32>,
        %parallel_loop3A_1050 = arith.constant 96 : i32
        %parallel_loop3A_1051 = arith.addi %parallel_loop3A_997, %parallel_loop3A_1050 : i32
        %parallel_loop3A_1052 = arith.index_cast %parallel_loop3A_1051 : i32 to index
        %parallel_loop3A_1053 = tpu.vector_load %arg5[%parallel_loop3A_1052] {strides = array<i32>} : memref<2048xf32, #tpu.memory_space<vmem>>, vector<16xf32>,
        %parallel_loop3A_1054 = arith.constant 96 : i32
        %parallel_loop3A_1055 = arith.addi %parallel_loop3A_1001, %parallel_loop3A_1054 : i32
        %parallel_loop3A_1056 = arith.index_cast %parallel_loop3A_1055 : i32 to index
        %parallel_loop3A_1057 = tpu.vector_load %arg8[%parallel_loop3A_1056] {strides = array<i32>} : memref<32768xf32, #tpu.memory_space<vmem>>, vector<16xf32>,
        tpu.vector_store %arg8[%parallel_loop3A_1056], %parallel_loop3A_1053 {strides = array<i32>} : memref<32768xf32, #tpu.memory_space<vmem>>, vector<16xf32>,
        %parallel_loop3A_1058 = arith.constant 112 : i32
        %parallel_loop3A_1059 = arith.addi %parallel_loop3A_997, %parallel_loop3A_1058 : i32
        %parallel_loop3A_1060 = arith.index_cast %parallel_loop3A_1059 : i32 to index
        %parallel_loop3A_1061 = tpu.vector_load %arg5[%parallel_loop3A_1060] {strides = array<i32>} : memref<2048xf32, #tpu.memory_space<vmem>>, vector<16xf32>,
        %parallel_loop3A_1062 = arith.constant 112 : i32
        %parallel_loop3A_1063 = arith.addi %parallel_loop3A_1001, %parallel_loop3A_1062 : i32
        %parallel_loop3A_1064 = arith.index_cast %parallel_loop3A_1063 : i32 to index
        %parallel_loop3A_1065 = tpu.vector_load %arg8[%parallel_loop3A_1064] {strides = array<i32>} : memref<32768xf32, #tpu.memory_space<vmem>>, vector<16xf32>,
        tpu.vector_store %arg8[%parallel_loop3A_1064], %parallel_loop3A_1061 {strides = array<i32>} : memref<32768xf32, #tpu.memory_space<vmem>>, vector<16xf32>,
        %parallel_loop3A_1066 = vector.extract_strided_slice %parallel_loop3A_57 {offsets = [14], sizes = [1], strides = [1]} : vector<16xi32> to vector<1xi32>
        %parallel_loop3A_1067 = vector.extract %parallel_loop3A_1066[0] : i32 from vector<1xi32>
        %parallel_loop3A_1068 = arith.constant 128 : i32
        %parallel_loop3A_1069 = arith.muli %parallel_loop3A_1067, %parallel_loop3A_1068 : i32
        %parallel_loop3A_1070 = arith.constant 14 : i32
        %parallel_loop3A_1071 = arith.addi %parallel_loop3A_52, %parallel_loop3A_1070 : i32
        %parallel_loop3A_1072 = arith.constant 128 : i32
        %parallel_loop3A_1073 = arith.muli %parallel_loop3A_1071, %parallel_loop3A_1072 : i32
        %parallel_loop3A_1074 = arith.constant 0 : i32
        %parallel_loop3A_1075 = arith.addi %parallel_loop3A_1069, %parallel_loop3A_1074 : i32
        %parallel_loop3A_1076 = arith.index_cast %parallel_loop3A_1075 : i32 to index
        %parallel_loop3A_1077 = tpu.vector_load %arg5[%parallel_loop3A_1076] {strides = array<i32>} : memref<2048xf32, #tpu.memory_space<vmem>>, vector<16xf32>,
        %parallel_loop3A_1078 = arith.constant 0 : i32
        %parallel_loop3A_1079 = arith.addi %parallel_loop3A_1073, %parallel_loop3A_1078 : i32
        %parallel_loop3A_1080 = arith.index_cast %parallel_loop3A_1079 : i32 to index
        %parallel_loop3A_1081 = tpu.vector_load %arg8[%parallel_loop3A_1080] {strides = array<i32>} : memref<32768xf32, #tpu.memory_space<vmem>>, vector<16xf32>,
        tpu.vector_store %arg8[%parallel_loop3A_1080], %parallel_loop3A_1077 {strides = array<i32>} : memref<32768xf32, #tpu.memory_space<vmem>>, vector<16xf32>,
        %parallel_loop3A_1082 = arith.constant 16 : i32
        %parallel_loop3A_1083 = arith.addi %parallel_loop3A_1069, %parallel_loop3A_1082 : i32
        %parallel_loop3A_1084 = arith.index_cast %parallel_loop3A_1083 : i32 to index
        %parallel_loop3A_1085 = tpu.vector_load %arg5[%parallel_loop3A_1084] {strides = array<i32>} : memref<2048xf32, #tpu.memory_space<vmem>>, vector<16xf32>,
        %parallel_loop3A_1086 = arith.constant 16 : i32
        %parallel_loop3A_1087 = arith.addi %parallel_loop3A_1073, %parallel_loop3A_1086 : i32
        %parallel_loop3A_1088 = arith.index_cast %parallel_loop3A_1087 : i32 to index
        %parallel_loop3A_1089 = tpu.vector_load %arg8[%parallel_loop3A_1088] {strides = array<i32>} : memref<32768xf32, #tpu.memory_space<vmem>>, vector<16xf32>,
        tpu.vector_store %arg8[%parallel_loop3A_1088], %parallel_loop3A_1085 {strides = array<i32>} : memref<32768xf32, #tpu.memory_space<vmem>>, vector<16xf32>,
        %parallel_loop3A_1090 = arith.constant 32 : i32
        %parallel_loop3A_1091 = arith.addi %parallel_loop3A_1069, %parallel_loop3A_1090 : i32
        %parallel_loop3A_1092 = arith.index_cast %parallel_loop3A_1091 : i32 to index
        %parallel_loop3A_1093 = tpu.vector_load %arg5[%parallel_loop3A_1092] {strides = array<i32>} : memref<2048xf32, #tpu.memory_space<vmem>>, vector<16xf32>,
        %parallel_loop3A_1094 = arith.constant 32 : i32
        %parallel_loop3A_1095 = arith.addi %parallel_loop3A_1073, %parallel_loop3A_1094 : i32
        %parallel_loop3A_1096 = arith.index_cast %parallel_loop3A_1095 : i32 to index
        %parallel_loop3A_1097 = tpu.vector_load %arg8[%parallel_loop3A_1096] {strides = array<i32>} : memref<32768xf32, #tpu.memory_space<vmem>>, vector<16xf32>,
        tpu.vector_store %arg8[%parallel_loop3A_1096], %parallel_loop3A_1093 {strides = array<i32>} : memref<32768xf32, #tpu.memory_space<vmem>>, vector<16xf32>,
        %parallel_loop3A_1098 = arith.constant 48 : i32
        %parallel_loop3A_1099 = arith.addi %parallel_loop3A_1069, %parallel_loop3A_1098 : i32
        %parallel_loop3A_1100 = arith.index_cast %parallel_loop3A_1099 : i32 to index
        %parallel_loop3A_1101 = tpu.vector_load %arg5[%parallel_loop3A_1100] {strides = array<i32>} : memref<2048xf32, #tpu.memory_space<vmem>>, vector<16xf32>,
        %parallel_loop3A_1102 = arith.constant 48 : i32
        %parallel_loop3A_1103 = arith.addi %parallel_loop3A_1073, %parallel_loop3A_1102 : i32
        %parallel_loop3A_1104 = arith.index_cast %parallel_loop3A_1103 : i32 to index
        %parallel_loop3A_1105 = tpu.vector_load %arg8[%parallel_loop3A_1104] {strides = array<i32>} : memref<32768xf32, #tpu.memory_space<vmem>>, vector<16xf32>,
        tpu.vector_store %arg8[%parallel_loop3A_1104], %parallel_loop3A_1101 {strides = array<i32>} : memref<32768xf32, #tpu.memory_space<vmem>>, vector<16xf32>,
        %parallel_loop3A_1106 = arith.constant 64 : i32
        %parallel_loop3A_1107 = arith.addi %parallel_loop3A_1069, %parallel_loop3A_1106 : i32
        %parallel_loop3A_1108 = arith.index_cast %parallel_loop3A_1107 : i32 to index
        %parallel_loop3A_1109 = tpu.vector_load %arg5[%parallel_loop3A_1108] {strides = array<i32>} : memref<2048xf32, #tpu.memory_space<vmem>>, vector<16xf32>,
        %parallel_loop3A_1110 = arith.constant 64 : i32
        %parallel_loop3A_1111 = arith.addi %parallel_loop3A_1073, %parallel_loop3A_1110 : i32
        %parallel_loop3A_1112 = arith.index_cast %parallel_loop3A_1111 : i32 to index
        %parallel_loop3A_1113 = tpu.vector_load %arg8[%parallel_loop3A_1112] {strides = array<i32>} : memref<32768xf32, #tpu.memory_space<vmem>>, vector<16xf32>,
        tpu.vector_store %arg8[%parallel_loop3A_1112], %parallel_loop3A_1109 {strides = array<i32>} : memref<32768xf32, #tpu.memory_space<vmem>>, vector<16xf32>,
        %parallel_loop3A_1114 = arith.constant 80 : i32
        %parallel_loop3A_1115 = arith.addi %parallel_loop3A_1069, %parallel_loop3A_1114 : i32
        %parallel_loop3A_1116 = arith.index_cast %parallel_loop3A_1115 : i32 to index
        %parallel_loop3A_1117 = tpu.vector_load %arg5[%parallel_loop3A_1116] {strides = array<i32>} : memref<2048xf32, #tpu.memory_space<vmem>>, vector<16xf32>,
        %parallel_loop3A_1118 = arith.constant 80 : i32
        %parallel_loop3A_1119 = arith.addi %parallel_loop3A_1073, %parallel_loop3A_1118 : i32
        %parallel_loop3A_1120 = arith.index_cast %parallel_loop3A_1119 : i32 to index
        %parallel_loop3A_1121 = tpu.vector_load %arg8[%parallel_loop3A_1120] {strides = array<i32>} : memref<32768xf32, #tpu.memory_space<vmem>>, vector<16xf32>,
        tpu.vector_store %arg8[%parallel_loop3A_1120], %parallel_loop3A_1117 {strides = array<i32>} : memref<32768xf32, #tpu.memory_space<vmem>>, vector<16xf32>,
        %parallel_loop3A_1122 = arith.constant 96 : i32
        %parallel_loop3A_1123 = arith.addi %parallel_loop3A_1069, %parallel_loop3A_1122 : i32
        %parallel_loop3A_1124 = arith.index_cast %parallel_loop3A_1123 : i32 to index
        %parallel_loop3A_1125 = tpu.vector_load %arg5[%parallel_loop3A_1124] {strides = array<i32>} : memref<2048xf32, #tpu.memory_space<vmem>>, vector<16xf32>,
        %parallel_loop3A_1126 = arith.constant 96 : i32
        %parallel_loop3A_1127 = arith.addi %parallel_loop3A_1073, %parallel_loop3A_1126 : i32
        %parallel_loop3A_1128 = arith.index_cast %parallel_loop3A_1127 : i32 to index
        %parallel_loop3A_1129 = tpu.vector_load %arg8[%parallel_loop3A_1128] {strides = array<i32>} : memref<32768xf32, #tpu.memory_space<vmem>>, vector<16xf32>,
        tpu.vector_store %arg8[%parallel_loop3A_1128], %parallel_loop3A_1125 {strides = array<i32>} : memref<32768xf32, #tpu.memory_space<vmem>>, vector<16xf32>,
        %parallel_loop3A_1130 = arith.constant 112 : i32
        %parallel_loop3A_1131 = arith.addi %parallel_loop3A_1069, %parallel_loop3A_1130 : i32
        %parallel_loop3A_1132 = arith.index_cast %parallel_loop3A_1131 : i32 to index
        %parallel_loop3A_1133 = tpu.vector_load %arg5[%parallel_loop3A_1132] {strides = array<i32>} : memref<2048xf32, #tpu.memory_space<vmem>>, vector<16xf32>,
        %parallel_loop3A_1134 = arith.constant 112 : i32
        %parallel_loop3A_1135 = arith.addi %parallel_loop3A_1073, %parallel_loop3A_1134 : i32
        %parallel_loop3A_1136 = arith.index_cast %parallel_loop3A_1135 : i32 to index
        %parallel_loop3A_1137 = tpu.vector_load %arg8[%parallel_loop3A_1136] {strides = array<i32>} : memref<32768xf32, #tpu.memory_space<vmem>>, vector<16xf32>,
        tpu.vector_store %arg8[%parallel_loop3A_1136], %parallel_loop3A_1133 {strides = array<i32>} : memref<32768xf32, #tpu.memory_space<vmem>>, vector<16xf32>,
        %parallel_loop3A_1138 = vector.extract_strided_slice %parallel_loop3A_57 {offsets = [15], sizes = [1], strides = [1]} : vector<16xi32> to vector<1xi32>
        %parallel_loop3A_1139 = vector.extract %parallel_loop3A_1138[0] : i32 from vector<1xi32>
        %parallel_loop3A_1140 = arith.constant 128 : i32
        %parallel_loop3A_1141 = arith.muli %parallel_loop3A_1139, %parallel_loop3A_1140 : i32
        %parallel_loop3A_1142 = arith.constant 15 : i32
        %parallel_loop3A_1143 = arith.addi %parallel_loop3A_52, %parallel_loop3A_1142 : i32
        %parallel_loop3A_1144 = arith.constant 128 : i32
        %parallel_loop3A_1145 = arith.muli %parallel_loop3A_1143, %parallel_loop3A_1144 : i32
        %parallel_loop3A_1146 = arith.constant 0 : i32
        %parallel_loop3A_1147 = arith.addi %parallel_loop3A_1141, %parallel_loop3A_1146 : i32
        %parallel_loop3A_1148 = arith.index_cast %parallel_loop3A_1147 : i32 to index
        %parallel_loop3A_1149 = tpu.vector_load %arg5[%parallel_loop3A_1148] {strides = array<i32>} : memref<2048xf32, #tpu.memory_space<vmem>>, vector<16xf32>,
        %parallel_loop3A_1150 = arith.constant 0 : i32
        %parallel_loop3A_1151 = arith.addi %parallel_loop3A_1145, %parallel_loop3A_1150 : i32
        %parallel_loop3A_1152 = arith.index_cast %parallel_loop3A_1151 : i32 to index
        %parallel_loop3A_1153 = tpu.vector_load %arg8[%parallel_loop3A_1152] {strides = array<i32>} : memref<32768xf32, #tpu.memory_space<vmem>>, vector<16xf32>,
        tpu.vector_store %arg8[%parallel_loop3A_1152], %parallel_loop3A_1149 {strides = array<i32>} : memref<32768xf32, #tpu.memory_space<vmem>>, vector<16xf32>,
        %parallel_loop3A_1154 = arith.constant 16 : i32
        %parallel_loop3A_1155 = arith.addi %parallel_loop3A_1141, %parallel_loop3A_1154 : i32
        %parallel_loop3A_1156 = arith.index_cast %parallel_loop3A_1155 : i32 to index
        %parallel_loop3A_1157 = tpu.vector_load %arg5[%parallel_loop3A_1156] {strides = array<i32>} : memref<2048xf32, #tpu.memory_space<vmem>>, vector<16xf32>,
        %parallel_loop3A_1158 = arith.constant 16 : i32
        %parallel_loop3A_1159 = arith.addi %parallel_loop3A_1145, %parallel_loop3A_1158 : i32
        %parallel_loop3A_1160 = arith.index_cast %parallel_loop3A_1159 : i32 to index
        %parallel_loop3A_1161 = tpu.vector_load %arg8[%parallel_loop3A_1160] {strides = array<i32>} : memref<32768xf32, #tpu.memory_space<vmem>>, vector<16xf32>,
        tpu.vector_store %arg8[%parallel_loop3A_1160], %parallel_loop3A_1157 {strides = array<i32>} : memref<32768xf32, #tpu.memory_space<vmem>>, vector<16xf32>,
        %parallel_loop3A_1162 = arith.constant 32 : i32
        %parallel_loop3A_1163 = arith.addi %parallel_loop3A_1141, %parallel_loop3A_1162 : i32
        %parallel_loop3A_1164 = arith.index_cast %parallel_loop3A_1163 : i32 to index
        %parallel_loop3A_1165 = tpu.vector_load %arg5[%parallel_loop3A_1164] {strides = array<i32>} : memref<2048xf32, #tpu.memory_space<vmem>>, vector<16xf32>,
        %parallel_loop3A_1166 = arith.constant 32 : i32
        %parallel_loop3A_1167 = arith.addi %parallel_loop3A_1145, %parallel_loop3A_1166 : i32
        %parallel_loop3A_1168 = arith.index_cast %parallel_loop3A_1167 : i32 to index
        %parallel_loop3A_1169 = tpu.vector_load %arg8[%parallel_loop3A_1168] {strides = array<i32>} : memref<32768xf32, #tpu.memory_space<vmem>>, vector<16xf32>,
        tpu.vector_store %arg8[%parallel_loop3A_1168], %parallel_loop3A_1165 {strides = array<i32>} : memref<32768xf32, #tpu.memory_space<vmem>>, vector<16xf32>,
        %parallel_loop3A_1170 = arith.constant 48 : i32
        %parallel_loop3A_1171 = arith.addi %parallel_loop3A_1141, %parallel_loop3A_1170 : i32
        %parallel_loop3A_1172 = arith.index_cast %parallel_loop3A_1171 : i32 to index
        %parallel_loop3A_1173 = tpu.vector_load %arg5[%parallel_loop3A_1172] {strides = array<i32>} : memref<2048xf32, #tpu.memory_space<vmem>>, vector<16xf32>,
        %parallel_loop3A_1174 = arith.constant 48 : i32
        %parallel_loop3A_1175 = arith.addi %parallel_loop3A_1145, %parallel_loop3A_1174 : i32
        %parallel_loop3A_1176 = arith.index_cast %parallel_loop3A_1175 : i32 to index
        %parallel_loop3A_1177 = tpu.vector_load %arg8[%parallel_loop3A_1176] {strides = array<i32>} : memref<32768xf32, #tpu.memory_space<vmem>>, vector<16xf32>,
        tpu.vector_store %arg8[%parallel_loop3A_1176], %parallel_loop3A_1173 {strides = array<i32>} : memref<32768xf32, #tpu.memory_space<vmem>>, vector<16xf32>,
        %parallel_loop3A_1178 = arith.constant 64 : i32
        %parallel_loop3A_1179 = arith.addi %parallel_loop3A_1141, %parallel_loop3A_1178 : i32
        %parallel_loop3A_1180 = arith.index_cast %parallel_loop3A_1179 : i32 to index
        %parallel_loop3A_1181 = tpu.vector_load %arg5[%parallel_loop3A_1180] {strides = array<i32>} : memref<2048xf32, #tpu.memory_space<vmem>>, vector<16xf32>,
        %parallel_loop3A_1182 = arith.constant 64 : i32
        %parallel_loop3A_1183 = arith.addi %parallel_loop3A_1145, %parallel_loop3A_1182 : i32
        %parallel_loop3A_1184 = arith.index_cast %parallel_loop3A_1183 : i32 to index
        %parallel_loop3A_1185 = tpu.vector_load %arg8[%parallel_loop3A_1184] {strides = array<i32>} : memref<32768xf32, #tpu.memory_space<vmem>>, vector<16xf32>,
        tpu.vector_store %arg8[%parallel_loop3A_1184], %parallel_loop3A_1181 {strides = array<i32>} : memref<32768xf32, #tpu.memory_space<vmem>>, vector<16xf32>,
        %parallel_loop3A_1186 = arith.constant 80 : i32
        %parallel_loop3A_1187 = arith.addi %parallel_loop3A_1141, %parallel_loop3A_1186 : i32
        %parallel_loop3A_1188 = arith.index_cast %parallel_loop3A_1187 : i32 to index
        %parallel_loop3A_1189 = tpu.vector_load %arg5[%parallel_loop3A_1188] {strides = array<i32>} : memref<2048xf32, #tpu.memory_space<vmem>>, vector<16xf32>,
        %parallel_loop3A_1190 = arith.constant 80 : i32
        %parallel_loop3A_1191 = arith.addi %parallel_loop3A_1145, %parallel_loop3A_1190 : i32
        %parallel_loop3A_1192 = arith.index_cast %parallel_loop3A_1191 : i32 to index
        %parallel_loop3A_1193 = tpu.vector_load %arg8[%parallel_loop3A_1192] {strides = array<i32>} : memref<32768xf32, #tpu.memory_space<vmem>>, vector<16xf32>,
        tpu.vector_store %arg8[%parallel_loop3A_1192], %parallel_loop3A_1189 {strides = array<i32>} : memref<32768xf32, #tpu.memory_space<vmem>>, vector<16xf32>,
        %parallel_loop3A_1194 = arith.constant 96 : i32
        %parallel_loop3A_1195 = arith.addi %parallel_loop3A_1141, %parallel_loop3A_1194 : i32
        %parallel_loop3A_1196 = arith.index_cast %parallel_loop3A_1195 : i32 to index
        %parallel_loop3A_1197 = tpu.vector_load %arg5[%parallel_loop3A_1196] {strides = array<i32>} : memref<2048xf32, #tpu.memory_space<vmem>>, vector<16xf32>,
        %parallel_loop3A_1198 = arith.constant 96 : i32
        %parallel_loop3A_1199 = arith.addi %parallel_loop3A_1145, %parallel_loop3A_1198 : i32
        %parallel_loop3A_1200 = arith.index_cast %parallel_loop3A_1199 : i32 to index
        %parallel_loop3A_1201 = tpu.vector_load %arg8[%parallel_loop3A_1200] {strides = array<i32>} : memref<32768xf32, #tpu.memory_space<vmem>>, vector<16xf32>,
        tpu.vector_store %arg8[%parallel_loop3A_1200], %parallel_loop3A_1197 {strides = array<i32>} : memref<32768xf32, #tpu.memory_space<vmem>>, vector<16xf32>,
        %parallel_loop3A_1202 = arith.constant 112 : i32
        %parallel_loop3A_1203 = arith.addi %parallel_loop3A_1141, %parallel_loop3A_1202 : i32
        %parallel_loop3A_1204 = arith.index_cast %parallel_loop3A_1203 : i32 to index
        %parallel_loop3A_1205 = tpu.vector_load %arg5[%parallel_loop3A_1204] {strides = array<i32>} : memref<2048xf32, #tpu.memory_space<vmem>>, vector<16xf32>,
        %parallel_loop3A_1206 = arith.constant 112 : i32
        %parallel_loop3A_1207 = arith.addi %parallel_loop3A_1145, %parallel_loop3A_1206 : i32
        %parallel_loop3A_1208 = arith.index_cast %parallel_loop3A_1207 : i32 to index
        %parallel_loop3A_1209 = tpu.vector_load %arg8[%parallel_loop3A_1208] {strides = array<i32>} : memref<32768xf32, #tpu.memory_space<vmem>>, vector<16xf32>,
        tpu.vector_store %arg8[%parallel_loop3A_1208], %parallel_loop3A_1205 {strides = array<i32>} : memref<32768xf32, #tpu.memory_space<vmem>>, vector<16xf32>,
      } {sc.loop_unroll_factor = 2 : i64, sc.parallel_access}
      %add3A_41 = arith.constant 1 : i32
      %add3A_42 = arith.addi %mul3A_20, %add3A_41 : i32
      %mul3A_43 = arith.constant 256 : i32
      %mul3A_44 = arith.muli %add3A_42, %mul3A_43 : i32
      %add3A_45 = arith.addi %mul3A_2, %mul3A_44 : i32
      %mul3A_46 = arith.constant 128 : i32
      %mul3A_47 = arith.muli %add3A_45, %mul3A_46 : i32
      %dma_start3A_48 = tpu.memref_slice %arg4[%mul3A_47] : memref<33554432xf32, #tpu.memory_space<hbm>> -> memref<32768xf32, #tpu.memory_space<hbm>>
      %dma_start3A_49 = tpu.memref_slice %arg4[%mul3A_47] : memref<33554432xf32, #tpu.memory_space<hbm>> -> memref<32768xf32, #tpu.memory_space<hbm>>
      tpu.enqueue_dma source(%arg8 : memref<32768xf32, #tpu.memory_space<vmem>>) target(%dma_start3A_49 : memref<32768xf32, #tpu.memory_space<hbm>>) target_semaphore(%arg10 : memref<!tpu.dma_semaphore, #tpu.memory_space<semaphore_mem>>)
    }
    %scan3A_6 = arith.constant 16 : i32
    %mul3A_7 = arith.constant 128 : i32
    %mul3A_8 = arith.muli %mul3A_2, %mul3A_7 : i32
    %dma_wait3A = tpu.memref_slice %arg4[%mul3A_8] : memref<33554432xf32, #tpu.memory_space<hbm>> -> memref<32768xf32, #tpu.memory_space<hbm>>
    %dma_wait3A_9 = tpu.memref_slice %arg4[%mul3A_8] : memref<33554432xf32, #tpu.memory_space<hbm>> -> memref<32768xf32, #tpu.memory_space<hbm>>
    tpu.wait_dma2 semaphore(%arg9 : memref<!tpu.dma_semaphore, #tpu.memory_space<semaphore_mem>>) src(%arg7 : memref<32768xf32, #tpu.memory_space<vmem>>) dst(%dma_wait3A_9 : memref<32768xf32, #tpu.memory_space<hbm>>)
    %mul3A_10 = arith.constant 128 : i32
    %mul3A_11 = arith.muli %mul3A_2, %mul3A_10 : i32
    %dma_wait3A_12 = tpu.memref_slice %arg4[%mul3A_11] : memref<33554432xf32, #tpu.memory_space<hbm>> -> memref<32768xf32, #tpu.memory_space<hbm>>
    %dma_wait3A_13 = tpu.memref_slice %arg4[%mul3A_11] : memref<33554432xf32, #tpu.memory_space<hbm>> -> memref<32768xf32, #tpu.memory_space<hbm>>
    tpu.wait_dma2 semaphore(%arg10 : memref<!tpu.dma_semaphore, #tpu.memory_space<semaphore_mem>>) src(%arg8 : memref<32768xf32, #tpu.memory_space<vmem>>) dst(%dma_wait3A_13 : memref<32768xf32, #tpu.memory_space<hbm>>)
    return
  }
}

module attributes {stable_mosaic.version = 14 : i64} {
  func.func @_fold_kernel(%arg0: memref<16x128xf32, #tpu.memory_space<vmem>>, %arg1: memref<128x128xf32, #tpu.memory_space<vmem>>, %arg2: memref<1x128xf32, #tpu.memory_space<vmem>>, %arg3: memref<16x128xf32, #tpu.memory_space<vmem>>) attributes {dimension_semantics = [], scalar_prefetch = 0 : i64, scratch_operands = 0 : i64, tpu.core_type = #tpu.core_type<tc>} {
    %get3A = arith.constant 0 : index
    %get3A_0 = arith.constant 0 : index
    %get3A_1 = vector.load %arg0[%get3A, %get3A_0] : memref<16x128xf32, #tpu.memory_space<vmem>>, vector<16x128xf32>
    %get3A_2 = arith.constant 0 : index
    %get3A_3 = arith.constant 0 : index
    %get3A_4 = vector.load %arg1[%get3A_2, %get3A_3] : memref<128x128xf32, #tpu.memory_space<vmem>>, vector<128x128xf32>
    %dot_general3A = arith.constant dense<0.000000e+00> : vector<16x128xf32>
    %dot_general3A_5 = tpu.matmul %get3A_1, %get3A_4, %dot_general3A {dimension_numbers = #tpu.dot_dimension_numbers<[1], [1], [0], [0], [0, 0, 1, 0], [], []>, transpose_lhs_hint = false} : vector<16x128xf32>, vector<128x128xf32>, vector<16x128xf32> -> vector<16x128xf32>
    %get3A_6 = arith.constant 0 : index
    %get3A_7 = arith.constant 0 : index
    %get3A_8 = vector.load %arg2[%get3A_6, %get3A_7] : memref<1x128xf32, #tpu.memory_space<vmem>>, vector<1x128xf32>
    %add3A = vector.broadcast %get3A_8 : vector<1x128xf32> to vector<16x128xf32>
    %add3A_9 = arith.addf %dot_general3A_5, %add3A : vector<16x128xf32>
    %swap3A = arith.constant 0 : index
    %swap3A_10 = arith.constant 0 : index
    %swap3A_11 = vector.load %arg3[%swap3A, %swap3A_10] : memref<16x128xf32, #tpu.memory_space<vmem>>, vector<16x128xf32>
    tpu.vector_store %arg3[%swap3A, %swap3A_10], %add3A_9 {strides = array<i32>} : memref<16x128xf32, #tpu.memory_space<vmem>>, vector<16x128xf32>,
    return
  }
}

</mosaic_0001>

<sc_bundles>
// kernel: kernel.4.cloned.1.call-start
scs
__scs_entry_jumppad:
0x0: {  	(pc) =	sbr.rel $0x88, $3  }
0x1: {  	(tag) =	ssettag $0x0;
	lr =	simm.s32 $0x1  }
0x2: {  	[smem:$0x3F9D] =	sst lr;
	_ =	strace $0xD0000000  }
0x3: {  	_ = 	snop  }
0x4: {  	_ = 	snop  }
0x5: {  	_ = 	snop  }
0x6: {  	_ = 	snop  }
0x7: {  	_ = 	snop  }
__scs_overlays_trampoline_lowered:
0x8: {  	[smem:$0x3FAC] =	sst s0  }
0x9: {  	[smem:$0x3FAD] =	sst s1  }
0xa: {  	[smem:$0x3FAE] =	sst s2  }
0xb: {  	[smem:$0x3FAF] =	sst s3  }
0xc: {  	[smem:$0x3FB0] =	sst s4  }
0xd: {  	[smem:$0x3FB1] =	sst s5  }
0xe: {  	[smem:$0x3FB2] =	sst s6  }
0xf: {  	[smem:$0x3FB3] =	sst s7  }
0x10: {  	[smem:$0x3FB4] =	sst s8  }
0x11: {  	[smem:$0x3FB5] =	sst s9;
	s0 =	simm.s32 @!p0 $0x0  }
0x12: {  	s1 =	sld [smem:$0x3F9B];
	s0 =	simm.s32 @p0 $0x1  }
0x13: {  	[smem:$0x3FB6] =	sst s0;
	s0 =	simm.s32 @!p1 $0x0  }
0x14: {  	s2 =	sld [smem:$0x3F9A];
	s0 =	simm.s32 @p1 $0x1  }
0x15: {  	[smem:$0x3FB7] =	sst s0;
	s0 =	simm.s32 @!p2 $0x0  }
0x16: {  	s3 =	sld [smem:$0x3FDB];
	s0 =	simm.s32 @p2 $0x1  }
0x17: {  	s4 =	simm.s32 $0x1BF5;
	[smem:$0x3FB9] =	sst s0  }
0x18: {  	s0 =	sld [smem:$0x3F9C];
	_ =	swait.ge [sflag:s4], $0x0  }
0x19: {  	s7 =	sld [smem:$0x3F9D]  }
0x1a: {  	s8 =	sadd.s32 $0xFFFFE003, lr  }
0x1b: {  	s9 =	sadd.s32 $0xFFFFFEF7, lr;
	s5 =	simm.s32 $0xFFFFFFFF;
	p2 =	slt.u32 s8, $0xFFFFF086  }
0x1c: {  	p1 =	slt.u32 s9, $0xF7A;
	s5 =	simm.s32 @!p2 $0x0  }
0x1d: {  	s5 =	simm.s32 @p1 $0x1;
	p0 =	seq.s32 s7, s2  }
0x1e: {  	s7 =	smul.u32 @!p0 $0xF7A, s2;
	p2 =	seq.s32 @!p0 s5, $0x0  }
0x1f: {  	s9 =	smul.u32 $0xF7A, s1;
	s8 =	simm.s32 @!p0 $0x1BF5;
	p2 =	por !p2, p0  }
0x20: {  	[sflag:s8] =	ssyncset.s32 @!p0 $0xFFFFF086;
	s6 =	sadd.s32 @!p0 s3, s7;
	s7 =	simm.s32 @!p0 $0x108  }
0x21: {  	s3 =	sadd.s32 s3, s9;
	s6 =	sadd.s32 @!p0 $0x88, s6;
	s7 =	simm.s32 @p2 $0x1082  }
0x22: {  	[simem:s7], [sflag:s8] =	dma.local @!p0 [hbm:s6], $0xF7A  }
0x23: {  	s9 =	sor.u32 $0xD0000000, s2;
	s6 =	simm.s32 $0x108;
	_ =	swait.ge @!p0 [sflag:s8], $0x0  }
0x24: {  	s3 =	sadd.s32 $0x88, s3;
	s6 =	simm.s32 @!p1 $0x1082;
	[sflag:s4] =	ssyncset.s32 $0xFFFFF086  }
0x25: {  	[simem:s6], [sflag:s4] =	dma.local [hbm:s3], $0xF7A  }
0x26: {  	[smem:$0x3F9D] =	sst s1;
	(tag) =	ssettag s2;
	_ =	strace s9  }
0x27: {  	s1 =	sld [smem:$0x3FAD]  }
0x28: {  	s2 =	sld [smem:$0x3FAE]  }
0x29: {  	s4 =	sld [smem:$0x3FB0]  }
0x2a: {  	p0 =	seq.s32 s5, $0x0;
	s5 =	sld [smem:$0x3FB1]  }
0x2b: {  	s6 =	sld [smem:$0x3FB2]  }
0x2c: {  	s7 =	sld [smem:$0x3FB3]  }
0x2d: {  	s3 =	simm.s32 $0x108;
	s8 =	sld [smem:$0x3FB4]  }
0x2e: {  	s3 =	simm.s32 @!p0 $0x1082;
	s9 =	sld [smem:$0x3FB5]  }
0x2f: {  	lr =	sadd.s32 s0, s3;
	s0 =	sld [smem:$0x3FAC]  }
0x30: {  	s3 =	sld [smem:$0x3FAF]  }
0x31: {  	[smem:$0x3FB8] =	sst s10  }
0x32: {  	s10 =	sld [smem:$0x3FB6];
	_ =	sdelay $0x3  }
0x33: {  	p0 =	seq.s32 s10, $0x1;
	s10 =	sld [smem:$0x3FB8];
	_ =	sdelay $0x3  }
0x34: {  	[smem:$0x3FB8] =	sst s10  }
0x35: {  	s10 =	sld [smem:$0x3FB7];
	_ =	sdelay $0x3  }
0x36: {  	p1 =	seq.s32 s10, $0x1;
	s10 =	sld [smem:$0x3FB8];
	_ =	sdelay $0x3  }
0x37: {  	[smem:$0x3FB8] =	sst s10  }
0x38: {  	s10 =	sld [smem:$0x3FB9]  }
0x39: {  	_ = 	snop;
	(pc) =	sbr.ind lr, $3  }
0x3a: {  	_ = 	snop  }
0x3b: {  	_ = 	snop  }
0x3c: {  	p2 =	seq.s32 s10, $0x1;
	s10 =	sld [smem:$0x3FB8]  }
0x3d: {  	_ =	shalt  }
0x3e: {  	_ =	shalt  }
0x3f: {  	_ =	shalt  }
0x40: {  	_ =	shalt  }
0x41: {  	_ =	shalt  }
0x42: {  	_ =	shalt  }
0x43: {  	_ =	shalt  }
0x44: {  	_ =	shalt  }
0x45: {  	_ =	shalt  }
0x46: {  	_ =	shalt  }
0x47: {  	_ =	shalt  }
0x48: {  	_ =	shalt  }
0x49: {  	_ =	shalt  }
0x4a: {  	_ =	shalt  }
0x4b: {  	_ =	shalt  }
0x4c: {  	_ =	shalt  }
0x4d: {  	_ =	shalt  }
0x4e: {  	_ =	shalt  }
0x4f: {  	_ =	shalt  }
0x50: {  	_ =	shalt  }
0x51: {  	_ =	shalt  }
0x52: {  	_ =	shalt  }
0x53: {  	_ =	shalt  }
0x54: {  	_ =	shalt  }
0x55: {  	_ =	shalt  }
0x56: {  	_ =	shalt  }
0x57: {  	_ =	shalt  }
0x58: {  	_ =	shalt  }
0x59: {  	_ =	shalt  }
0x5a: {  	_ =	shalt  }
0x5b: {  	_ =	shalt  }
0x5c: {  	_ =	shalt  }
0x5d: {  	_ =	shalt  }
0x5e: {  	_ =	shalt  }
0x5f: {  	_ =	shalt  }
0x60: {  	_ =	shalt  }
0x61: {  	_ =	shalt  }
0x62: {  	_ =	shalt  }
0x63: {  	_ =	shalt  }
0x64: {  	_ =	shalt  }
0x65: {  	_ =	shalt  }
0x66: {  	_ =	shalt  }
0x67: {  	_ =	shalt  }
0x68: {  	_ =	shalt  }
0x69: {  	_ =	shalt  }
0x6a: {  	_ =	shalt  }
0x6b: {  	_ =	shalt  }
0x6c: {  	_ =	shalt  }
0x6d: {  	_ =	shalt  }
0x6e: {  	_ =	shalt  }
0x6f: {  	_ =	shalt  }
0x70: {  	_ =	shalt  }
0x71: {  	_ =	shalt  }
0x72: {  	_ =	shalt  }
0x73: {  	_ =	shalt  }
0x74: {  	_ =	shalt  }
0x75: {  	_ =	shalt  }
0x76: {  	_ =	shalt  }
0x77: {  	_ =	shalt  }
0x78: {  	_ =	shalt  }
0x79: {  	_ =	shalt  }
0x7a: {  	_ =	shalt  }
0x7b: {  	_ =	shalt  }
0x7c: {  	_ =	shalt  }
0x7d: {  	_ =	shalt  }
0x7e: {  	_ =	shalt  }
0x7f: {  	_ =	shalt  }
0x80: {  	_ =	shalt  }
0x81: {  	_ =	shalt  }
0x82: {  	_ =	shalt  }
0x83: {  	_ =	shalt  }
0x84: {  	_ =	shalt  }
0x85: {  	_ =	shalt  }
0x86: {  	_ =	shalt  }
0x87: {  	_ =	shalt  }
.Lfunc_end0:
.L_simem_size_0:
called_computation_lowered:
.L_overlay_start_0:
0x88: {  	s2 =	sld [smem:$0x3FD9]  }
0x89: {  	s3 =	sld [smem:$0x3FFE];
	_ =	sdelay $0x1  }
0x8a: {  	s1 =	srdreg.scid  }
0x8b: {  	s0 =	sand.u32 $0x1, s1  }
0x8c: {  	s17 =	sshll.u32 s0, $0xA;
	s2 =	sadd.s32 s3, s2  }
0x8d: {  	s2 =	sadd.s32 s2, s17  }
0x8e: {  	[smem:$0x3FC4] =	sst s2  }
0x8f: {  	_ = 	snop  }
0x90: {  	s2 =	sld [smem:$0x3FD0];
	(tm) =	ssettm $0x1  }
0x91: {  	s18 =	sld [smem:$0x3FFB];
	_ =	sdelay $0x3  }
0x92: {  	_ =	strace s18  }
0x93: {  	s3 =	sld [smem:$0x3FFC];
	_ =	sdelay $0x3  }
0x94: {  	_ =	strace s3  }
0x95: {  	s3 =	sld [smem:$0x3FFD];
	_ =	sdelay $0x3  }
0x96: {  	_ =	strace s3  }
0x97: {  	_ =	strace $0x8FFFFFFF  }
0x98: {  	s19 =	sld [smem:$0x3FDB];
	_ =	sdelay $0x1  }
0x99: {  	s4 =	simm.s32 $_scs_section_size  }
0x9a: {  	s5 =	simm.s32 $_size__tile_overlayer_lowered;
	s6 =	simm.s32 $_tile_overlayer_lowered  }
0x9b: {  	s22 =	simm.s32 $0x1BFF;
	s21 =	sshll.u32 s6, $0x1;
	s3 =	sadd.s32 s4, s19  }
0x9c: {  	s7 =	simm.s32 $0x0;
	s20 =	sshll.u32 s5, $0x1;
	s5 =	sadd.s32 s21, s3  }
0x9d: {  	[timem:s7], [sflag:s22] =	dma.local [hbm:s5], s20  }
0x9e: {  	_ =	swait.ge [sflag:s22], s20  }
0x9f: {  	s4 =	ssub.s32 $0x0, s20;
	[sflag:s22] =	ssyncset.done $0x0  }
0xa0: {  	[sflag:s22] =	ssyncadd.s32 s4;
	_ =	sdelay $0x1  }
0xa1: {  	s23 =	simm.s32 $0x1B8B  }
0xa2: {  	_ =	swait.ge [sflag:s23], $0x1  }
0xa3: {  	[sflag:s23] =	ssyncset.done $0x0  }
0xa4: {  	s25 =	simm.s32 $0x1B8E;
	s24 =	sld [smem:$0x3FFE];
	[sflag:s23] =	ssyncadd.s32 $0xFFFFFFFF  }
0xa5: {  	s26 =	simm.s32 $execute0_lowered;
	[smem:$0x3FD2] =	sst s25  }
0xa6: {  	s5 =	sshll.u32 s26, $0x1;
	_ =	strace $0x80000046;
	[dreg:$0x1] =	wrdreg $0xFFFFFFFF  }
0xa7: {  	s28 =	simm.s32 $_size_execute0_lowered;
	s3 =	sadd.s32 s3, s5;
	[dreg:$0x0] =	wrdreg $0x0  }
0xa8: {  	s5 =	sshll.u32 s28, $0x1;
	[dreg:$0x2] =	wrdreg s3  }
0xa9: {  	[dreg:$0x3] =	wrdreg s5  }
0xaa: {  	[dreg:$0x4] =	wrdreg $0xC0  }
0xab: {  	_ =	task [dreg:s7], $0x5FFFF  }
0xac: {  	[dreg:$0x1] =	wrdreg $0xFFFFFFFF  }
0xad: {  	[dreg:$0x0] =	wrdreg $0x60  }
0xae: {  	[dreg:$0x2] =	wrdreg s24  }
0xaf: {  	[dreg:$0x3] =	wrdreg s2  }
0xb0: {  	[dreg:$0x4] =	wrdreg $0x9  }
0xb1: {  	_ =	task.clear_ibuf [dreg:s7], $0x5FFFF;
	_ =	strace $0x90000046  }
0xb2: {  	s29 =	simm.s32 $0x9;
	_ =	strace $0x80000048  }
0xb3: {  	_ =	swait.ge [sflag:s29], $0x1  }
0xb4: {  	[sflag:s29] =	ssyncadd.s32 $0xFFFFFFFF  }
0xb5: {  	_ =	strace $0x90000048  }
0xb6: {  	_ =	sfence  }
0xb7: {  	s30 =	sld [smem:$0x0];
	_ =	sdelay $0x2  }
0xb8: {  	s31 =	sshll.u32 s1, $0xD;
	s1 =	sshrl.u32 s1, $0x2  }
0xb9: {  	s3 =	sand.u32 $0x4000, s31;
	s1 =	sadd.s32 s1, s30  }
0xba: {  	s0 =	sor.u32 s3, s0;
	s1 =	sshll.u32 s1, $0x11  }
0xbb: {  	s0 =	sor.u32 s1, s0  }
0xbc: {  	s0 =	sadd.s32 $0x8F2B, s0  }
0xbd: {  	[sflag:s0] =	ssyncadd.remote.s32 $0x1  }
0xbe: {  	_ =	sfence.sel $0xFFFF  }
0xbf: {  	[dreg:$0x0] =	wrdreg $0xFFFFFFFF;
	(pc) =	sbr.abs _section_cstart, $3  }
0xc0: {  	[dreg:$0x1] =	wrdreg $0xFFFFFFFF  }
0xc1: {  	_ =	task.clear_ibuf [dreg:s7], $0x2FFFF;
	_ =	strace $0x9FFFFFFF  }
0xc2: {  	(tm) =	ssettm $0x7FFFFFFF  }
0xc3: {  	_ =	shalt  }
tec
execute0_lowered:
.L_overlay_start_1:
0x0: {  	(tag) =	ssettag $0x1  }
0x1: {  	s0 =	rddreg [dreg:$0x0]  }
0x2: {  	s1 =	rddreg [dreg:$0x1]  }
0x3: {  	s2 =	srdreg.scid;
	s3 =	stileid.u32  }
0x4: {  	s5 =	simm.s32 $0x0;
	s2 =	sand.u32 $0x1, s2;
	s3 =	sshll.u32 s3, $0xE  }
0x5: {  	[smem:$0x7FF] =	sst s5;
	s4 =	sshll.u32 s2, $0xD;
	s2 =	ssub.s32 $0x2, s2  }
0x6: {  	s28 =	sadd.s32 $0x8A00, s0;
	s3 =	sor.u32 s4, s3;
	s29 =	sshrl.u32 s2, $0x1  }
0x7: {  	_ =	strace $0x80000047;
	s4 =	sshrl.u32 s3, $0x3;
	s2 =	ssub.s32 s2, s29  }
0x8: {  	[smem:$0x7FA] =	sst s28;
	s0 =	sadd.s32 s4, s0;
	s31 =	smax.u32 s2, $0x1  }
0x9: {  	s30 =	sshll.u32 s3, $0x4;
	s0 =	sadd.s32 $0xA00, s0;
	[smem:$0x7FD] =	sst s31  }
0xa: {  	[smem:$0x7FB] =	sst s0;
	s0 =	sadd.s32 s1, s30  }
0xb: {  	s2 =	simm.s32 $0x0;
	[smem:$0x7FC] =	sst s0  }
.LBB2_1:
0xc: {  	s1 =	sld [smem:$0x7FA];
	_ =	sdelay $0x1  }
0xd: {  	[smem:$0x7F9] =	sst s2;
	s0 =	simm.s32 $0x0;
	s30 =	simm.s32 $0x3  }
0xe: {  	[tilespmem:s0], [sflag:$0x3] =	stream.linear.gather [hbm4b:s1+s0], $0x800, $0x38;
	[tilespmem:$0x12800] =	vst v63  }
0xf: {  	_ =	swait.ge [sflag:s30], $0x800  }
0x10: {  	s31 =	sld [smem:$0x7FB]  }
0x11: {  	[sflag:s30] =	ssyncset.done $0x0  }
0x12: {  	s3 =	simm.s32 $0x800;
	[sflag:s30] =	ssyncadd.s32 $0xFFFFF800  }
0x13: {  	[tilespmem:s3], [sflag:$0x3] =	stream.linear.gather [hbm4b:s31+s0], $0x2000, $0x38;
	[tilespmem:$0x12800] =	vst v63  }
0x14: {  	_ =	swait.ge [sflag:s30], $0x2000  }
0x15: {  	[sflag:s30] =	ssyncset.done $0x0  }
0x16: {  	s21 =	simm.s32 $0x0;
	[sflag:s30] =	ssyncadd.s32 $0xFFFFE000  }
.LBB2_2:
0x17: {  	p0 =	seq.s32 s21, $0x0;
	s0 =	sshll.u32 s21, $0x9  }
0x18: {  	s2 =	simm.s32 $0x0;
	s1 =	simm.s32 @!p0 $0x1;
	s0 =	sand.u32 $0x3FFFFE00, s0  }
0x19: {  	s17 =	sand.u32 $0x80, s2;
	_ =	swait.ge @!p0 [sflag:s1], $0x8000;
	s28 =	sadd.s32 $0x800, s0  }
0x1a: {  	s2 =	sand.u32 $0x60, s2;
	[sflag:s1] =	ssyncset.done @!p0 $0x0;
	s0 =	sadd.s32 s17, s28  }
0x1b: {  	[sflag:s1] =	ssyncadd.s32 @!p0 $0xFFFF8000;
	s0 =	sadd.s32 s2, s0  }
0x1c: {  	v0 =	vld [tilespmem:s0+$0x0];
	_ =	sdelay $0x4  }
0x1d: {  	v0 =	vshll.u32 v0, $0x9  }
0x1e: {  	v0 =	vshra.s32 v0, $0x2  }
0x1f: {  	(v2sf) =	vpush v0, $0x0;
	_ =	sdelay $0xe  }
0x20: {  	s18 =	spop (v2sf)  }
0x21: {  	v1 =	vld [tilespmem:s18+$0x0];
	_ =	sdelay $0x2  }
0x22: {  	s19 =	simm.s32 $0x0  }
0x23: {  	s19 =	sand.u32 $0x3FFFF800, s19  }
0x24: {  	[tilespmem:s19+$0x2800] =	vst v1  }
0x25: {  	v1 =	vld [tilespmem:s18+$0x10];
	_ =	sdelay $0x4  }
0x26: {  	[tilespmem:s19+$0x2810] =	vst v1  }
0x27: {  	v1 =	vld [tilespmem:s18+$0x20];
	_ =	sdelay $0x4  }
0x28: {  	[tilespmem:s19+$0x2820] =	vst v1  }
0x29: {  	v1 =	vld [tilespmem:s18+$0x30];
	_ =	sdelay $0x4  }
0x2a: {  	[tilespmem:s19+$0x2830] =	vst v1  }
0x2b: {  	v1 =	vld [tilespmem:s18+$0x40];
	_ =	sdelay $0x3  }
0x2c: {  	(v2sf) =	vpush v0, $0x1  }
0x2d: {  	s20 =	simm.s32 $0x0;
	(v2sf) =	vpush v0, $0x2;
	[tilespmem:s19+$0x2840] =	vst v1  }
0x2e: {  	s9 =	sor.u32 $0x1, s20;
	(v2sf) =	vpush v0, $0x3;
	v1 =	vld [tilespmem:s18+$0x50]  }
0x2f: {  	s1 =	sshll.u32 s9, $0x4;
	(v2sf) =	vpush v0, $0x4  }
0x30: {  	s22 =	sand.u32 $0x80, s1;
	(v2sf) =	vpush v0, $0x5  }
0x31: {  	s1 =	sand.u32 $0x70, s1;
	s2 =	sadd.s32 s22, s28;
	(v2sf) =	vpush v0, $0x6  }
0x32: {  	s1 =	sadd.s32 s1, s2;
	(v2sf) =	vpush v0, $0x7  }
0x33: {  	v2 =	vld [tilespmem:s1+$0x0];
	(v2sf) =	vpush v0, $0x8;
	[tilespmem:s19+$0x2850] =	vst v1  }
0x34: {  	(v2sf) =	vpush v0, $0x9;
	v1 =	vld [tilespmem:s18+$0x60]  }
0x35: {  	(v2sf) =	vpush v0, $0xA  }
0x36: {  	(v2sf) =	vpush v0, $0xB  }
0x37: {  	(v2sf) =	vpush v0, $0xC  }
0x38: {  	(v2sf) =	vpush v0, $0xD  }
0x39: {  	(v2sf) =	vpush v0, $0xE;
	[tilespmem:s19+$0x2860] =	vst v1;
	v1 =	vshll.u32 v2, $0x9  }
0x3a: {  	(v2sf) =	vpush v0, $0xF;
	v3 =	vld [tilespmem:s18+$0x70];
	v1 =	vshra.s32 v1, $0x2  }
0x3b: {  	s11 =	spop (v2sf);
	(v2sf) =	vpush v1, $0x0  }
0x3c: {  	s7 =	spop (v2sf)  }
0x3d: {  	s5 =	spop (v2sf)  }
0x3e: {  	s23 =	spop (v2sf)  }
0x3f: {  	s24 =	spop (v2sf);
	[tilespmem:s19+$0x2870] =	vst v3  }
0x40: {  	s8 =	spop (v2sf);
	v0 =	vld [tilespmem:s11+$0x0]  }
0x41: {  	s6 =	spop (v2sf)  }
0x42: {  	s4 =	spop (v2sf)  }
0x43: {  	s3 =	spop (v2sf)  }
0x44: {  	s0 =	spop (v2sf)  }
0x45: {  	s31 =	spop (v2sf);
	[tilespmem:s19+$0x2880] =	vst v0  }
0x46: {  	s10 =	spop (v2sf);
	v0 =	vld [tilespmem:s11+$0x10]  }
0x47: {  	s12 =	spop (v2sf)  }
0x48: {  	s25 =	spop (v2sf);
	[smem:$0x7F3] =	sst s12  }
0x49: {  	s26 =	spop (v2sf);
	[smem:$0x7F5] =	sst s25  }
0x4a: {  	[smem:$0x7F4] =	sst s26;
	s29 =	spop (v2sf)  }
0x4b: {  	[tilespmem:s19+$0x2890] =	vst v0;
	v2 =	vld [tilespmem:s29+$0x0]  }
0x4c: {  	v0 =	vld [tilespmem:s11+$0x20];
	_ =	sdelay $0x1  }
0x4d: {  	s9 =	sshll.u32 s9, $0xB  }
0x4e: {  	s22 =	sand.u32 $0x3FFFF800, s9  }
0x4f: {  	[tilespmem:s22+$0x2800] =	vst v2  }
0x50: {  	[tilespmem:s19+$0x28A0] =	vst v0;
	v2 =	vld [tilespmem:s29+$0x10]  }
0x51: {  	v0 =	vld [tilespmem:s11+$0x30];
	_ =	sdelay $0x3  }
0x52: {  	[tilespmem:s22+$0x2810] =	vst v2  }
0x53: {  	[tilespmem:s19+$0x28B0] =	vst v0;
	v2 =	vld [tilespmem:s29+$0x20]  }
0x54: {  	v0 =	vld [tilespmem:s11+$0x40];
	_ =	sdelay $0x3  }
0x55: {  	[tilespmem:s22+$0x2820] =	vst v2  }
0x56: {  	[tilespmem:s19+$0x28C0] =	vst v0;
	v2 =	vld [tilespmem:s29+$0x30]  }
0x57: {  	v0 =	vld [tilespmem:s11+$0x50];
	_ =	sdelay $0x3  }
0x58: {  	[tilespmem:s22+$0x2830] =	vst v2  }
0x59: {  	[tilespmem:s19+$0x28D0] =	vst v0;
	v0 =	vld [tilespmem:s29+$0x40];
	_ =	sdelay $0x3  }
0x5a: {  	v2 =	vld [tilespmem:s11+$0x60]  }
0x5b: {  	[tilespmem:s22+$0x2840] =	vst v0  }
0x5c: {  	v0 =	vld [tilespmem:s29+$0x50];
	_ =	sdelay $0x2  }
0x5d: {  	(v2sf) =	vpush v1, $0x1;
	[tilespmem:s19+$0x28E0] =	vst v2  }
0x5e: {  	v2 =	vld [tilespmem:s11+$0x70]  }
0x5f: {  	[tilespmem:s22+$0x2850] =	vst v0  }
0x60: {  	v0 =	vld [tilespmem:s29+$0x60];
	_ =	sdelay $0x2  }
0x61: {  	[tilespmem:s19+$0x28F0] =	vst v2  }
0x62: {  	v2 =	vld [tilespmem:s7+$0x0]  }
0x63: {  	[tilespmem:s22+$0x2860] =	vst v0  }
0x64: {  	v0 =	vld [tilespmem:s29+$0x70];
	_ =	sdelay $0x2  }
0x65: {  	[tilespmem:s19+$0x2900] =	vst v2  }
0x66: {  	v2 =	vld [tilespmem:s7+$0x10]  }
0x67: {  	[tilespmem:s22+$0x2870] =	vst v0  }
0x68: {  	s13 =	spop (v2sf)  }
0x69: {  	v0 =	vld [tilespmem:s13+$0x0];
	_ =	sdelay $0x1  }
0x6a: {  	[tilespmem:s19+$0x2910] =	vst v2  }
0x6b: {  	v2 =	vld [tilespmem:s7+$0x20];
	_ =	sdelay $0x1  }
0x6c: {  	[tilespmem:s22+$0x2880] =	vst v0  }
0x6d: {  	v0 =	vld [tilespmem:s13+$0x10];
	_ =	sdelay $0x1  }
0x6e: {  	[tilespmem:s19+$0x2920] =	vst v2  }
0x6f: {  	v2 =	vld [tilespmem:s7+$0x30];
	_ =	sdelay $0x1  }
0x70: {  	[tilespmem:s22+$0x2890] =	vst v0  }
0x71: {  	v0 =	vld [tilespmem:s13+$0x20];
	_ =	sdelay $0x1  }
0x72: {  	[tilespmem:s19+$0x2930] =	vst v2  }
0x73: {  	v2 =	vld [tilespmem:s7+$0x40];
	_ =	sdelay $0x1  }
0x74: {  	[tilespmem:s22+$0x28A0] =	vst v0  }
0x75: {  	v0 =	vld [tilespmem:s13+$0x30];
	_ =	sdelay $0x1  }
0x76: {  	[tilespmem:s19+$0x2940] =	vst v2  }
0x77: {  	v2 =	vld [tilespmem:s7+$0x50];
	_ =	sdelay $0x1  }
0x78: {  	[tilespmem:s22+$0x28B0] =	vst v0  }
0x79: {  	v0 =	vld [tilespmem:s13+$0x40];
	_ =	sdelay $0x1  }
0x7a: {  	[tilespmem:s19+$0x2950] =	vst v2  }
0x7b: {  	v2 =	vld [tilespmem:s7+$0x60];
	_ =	sdelay $0x1  }
0x7c: {  	[tilespmem:s22+$0x28C0] =	vst v0  }
0x7d: {  	v0 =	vld [tilespmem:s13+$0x50];
	_ =	sdelay $0x1  }
0x7e: {  	(v2sf) =	vpush v1, $0x2;
	[tilespmem:s19+$0x2960] =	vst v2  }
0x7f: {  	v2 =	vld [tilespmem:s7+$0x70];
	_ =	sdelay $0x1  }
0x80: {  	[tilespmem:s22+$0x28D0] =	vst v0  }
0x81: {  	v0 =	vld [tilespmem:s13+$0x60];
	_ =	sdelay $0x1  }
0x82: {  	[tilespmem:s19+$0x2970] =	vst v2  }
0x83: {  	v2 =	vld [tilespmem:s5+$0x0];
	_ =	sdelay $0x1  }
0x84: {  	[tilespmem:s22+$0x28E0] =	vst v0  }
0x85: {  	v0 =	vld [tilespmem:s13+$0x70];
	_ =	sdelay $0x1  }
0x86: {  	[tilespmem:s19+$0x2980] =	vst v2  }
0x87: {  	v2 =	vld [tilespmem:s5+$0x10];
	_ =	sdelay $0x1  }
0x88: {  	s14 =	spop (v2sf);
	[tilespmem:s22+$0x28F0] =	vst v0  }
0x89: {  	v0 =	vld [tilespmem:s14+$0x0];
	_ =	sdelay $0x1  }
0x8a: {  	[tilespmem:s19+$0x2990] =	vst v2  }
0x8b: {  	v2 =	vld [tilespmem:s5+$0x20];
	_ =	sdelay $0x1  }
0x8c: {  	[tilespmem:s22+$0x2900] =	vst v0  }
0x8d: {  	v0 =	vld [tilespmem:s14+$0x10];
	_ =	sdelay $0x1  }
0x8e: {  	[tilespmem:s19+$0x29A0] =	vst v2  }
0x8f: {  	v2 =	vld [tilespmem:s5+$0x30];
	_ =	sdelay $0x1  }
0x90: {  	[tilespmem:s22+$0x2910] =	vst v0  }
0x91: {  	v0 =	vld [tilespmem:s14+$0x20];
	_ =	sdelay $0x1  }
0x92: {  	[tilespmem:s19+$0x29B0] =	vst v2  }
0x93: {  	v2 =	vld [tilespmem:s5+$0x40];
	_ =	sdelay $0x1  }
0x94: {  	[tilespmem:s22+$0x2920] =	vst v0  }
0x95: {  	v0 =	vld [tilespmem:s14+$0x30];
	_ =	sdelay $0x1  }
0x96: {  	[tilespmem:s19+$0x29C0] =	vst v2  }
0x97: {  	v2 =	vld [tilespmem:s5+$0x50];
	_ =	sdelay $0x1  }
0x98: {  	[tilespmem:s22+$0x2930] =	vst v0  }
0x99: {  	v0 =	vld [tilespmem:s14+$0x40];
	_ =	sdelay $0x1  }
0x9a: {  	[tilespmem:s19+$0x29D0] =	vst v2  }
0x9b: {  	v2 =	vld [tilespmem:s5+$0x60];
	_ =	sdelay $0x1  }
0x9c: {  	[tilespmem:s22+$0x2940] =	vst v0  }
0x9d: {  	v0 =	vld [tilespmem:s14+$0x50];
	_ =	sdelay $0x1  }
0x9e: {  	(v2sf) =	vpush v1, $0x3;
	[tilespmem:s19+$0x29E0] =	vst v2  }
0x9f: {  	v2 =	vld [tilespmem:s5+$0x70];
	_ =	sdelay $0x1  }
0xa0: {  	[tilespmem:s22+$0x2950] =	vst v0  }
0xa1: {  	v0 =	vld [tilespmem:s14+$0x60];
	_ =	sdelay $0x1  }
0xa2: {  	[tilespmem:s19+$0x29F0] =	vst v2  }
0xa3: {  	v2 =	vld [tilespmem:s23+$0x0];
	_ =	sdelay $0x1  }
0xa4: {  	[tilespmem:s22+$0x2960] =	vst v0  }
0xa5: {  	v0 =	vld [tilespmem:s14+$0x70];
	_ =	sdelay $0x1  }
0xa6: {  	[tilespmem:s19+$0x2A00] =	vst v2  }
0xa7: {  	v2 =	vld [tilespmem:s23+$0x10];
	_ =	sdelay $0x1  }
0xa8: {  	s15 =	spop (v2sf);
	[tilespmem:s22+$0x2970] =	vst v0  }
0xa9: {  	v0 =	vld [tilespmem:s15+$0x0];
	_ =	sdelay $0x1  }
0xaa: {  	[tilespmem:s19+$0x2A10] =	vst v2  }
0xab: {  	v2 =	vld [tilespmem:s23+$0x20];
	_ =	sdelay $0x1  }
0xac: {  	[tilespmem:s22+$0x2980] =	vst v0  }
0xad: {  	v0 =	vld [tilespmem:s15+$0x10];
	_ =	sdelay $0x1  }
0xae: {  	[tilespmem:s19+$0x2A20] =	vst v2  }
0xaf: {  	v2 =	vld [tilespmem:s23+$0x30];
	_ =	sdelay $0x1  }
0xb0: {  	[tilespmem:s22+$0x2990] =	vst v0  }
0xb1: {  	v0 =	vld [tilespmem:s15+$0x20];
	_ =	sdelay $0x1  }
0xb2: {  	[tilespmem:s19+$0x2A30] =	vst v2  }
0xb3: {  	v2 =	vld [tilespmem:s23+$0x40];
	_ =	sdelay $0x1  }
0xb4: {  	[tilespmem:s22+$0x29A0] =	vst v0  }
0xb5: {  	v0 =	vld [tilespmem:s15+$0x30];
	_ =	sdelay $0x1  }
0xb6: {  	[tilespmem:s19+$0x2A40] =	vst v2  }
0xb7: {  	v2 =	vld [tilespmem:s23+$0x50];
	_ =	sdelay $0x1  }
0xb8: {  	[tilespmem:s22+$0x29B0] =	vst v0  }
0xb9: {  	v0 =	vld [tilespmem:s15+$0x40]  }
0xba: {  	s16 =	simm.s32 $0x20  }
0xbb: {  	s17 =	sand.u32 $0x80, s16;
	[tilespmem:s19+$0x2A50] =	vst v2  }
0xbc: {  	s9 =	sadd.s32 s17, s28;
	s7 =	sand.u32 $0x60, s16;
	v2 =	vld [tilespmem:s23+$0x60]  }
0xbd: {  	s7 =	sadd.s32 s7, s9  }
0xbe: {  	v3 =	vld [tilespmem:s7+$0x0];
	[tilespmem:s22+$0x29C0] =	vst v0  }
0xbf: {  	v0 =	vld [tilespmem:s15+$0x50];
	_ =	sdelay $0x1  }
0xc0: {  	(v2sf) =	vpush v1, $0x4;
	[tilespmem:s19+$0x2A60] =	vst v2  }
0xc1: {  	v2 =	vld [tilespmem:s23+$0x70];
	_ =	sdelay $0x1  }
0xc2: {  	v3 =	vshll.u32 v3, $0x9;
	[tilespmem:s22+$0x29D0] =	vst v0  }
0xc3: {  	v3 =	vshra.s32 v3, $0x2;
	v0 =	vld [tilespmem:s15+$0x60]  }
0xc4: {  	(v2sf) =	vpush v3, $0x0  }
0xc5: {  	[tilespmem:s19+$0x2A70] =	vst v2  }
0xc6: {  	v2 =	vld [tilespmem:s24+$0x0];
	_ =	sdelay $0x1  }
0xc7: {  	[tilespmem:s22+$0x29E0] =	vst v0  }
0xc8: {  	v0 =	vld [tilespmem:s15+$0x70];
	_ =	sdelay $0x1  }
0xc9: {  	[tilespmem:s19+$0x2A80] =	vst v2  }
0xca: {  	v2 =	vld [tilespmem:s24+$0x10];
	_ =	sdelay $0x1  }
0xcb: {  	s17 =	spop (v2sf);
	[tilespmem:s22+$0x29F0] =	vst v0  }
0xcc: {  	v0 =	vld [tilespmem:s17+$0x0];
	_ =	sdelay $0x1  }
0xcd: {  	[tilespmem:s19+$0x2A90] =	vst v2  }
0xce: {  	v2 =	vld [tilespmem:s24+$0x20]  }
0xcf: {  	s13 =	spop (v2sf)  }
0xd0: {  	v4 =	vld [tilespmem:s13+$0x0];
	[tilespmem:s22+$0x2A00] =	vst v0  }
0xd1: {  	v0 =	vld [tilespmem:s17+$0x10];
	_ =	sdelay $0x1  }
0xd2: {  	s18 =	simm.s32 $0x1000;
	[tilespmem:s19+$0x2AA0] =	vst v2  }
0xd3: {  	s15 =	sand.u32 $0x3FFFF800, s18;
	v2 =	vld [tilespmem:s24+$0x30]  }
0xd4: {  	[tilespmem:s15+$0x2800] =	vst v4  }
0xd5: {  	v4 =	vld [tilespmem:s13+$0x10];
	[tilespmem:s22+$0x2A10] =	vst v0  }
0xd6: {  	v0 =	vld [tilespmem:s17+$0x20];
	_ =	sdelay $0x1  }
0xd7: {  	[tilespmem:s19+$0x2AB0] =	vst v2  }
0xd8: {  	v2 =	vld [tilespmem:s24+$0x40]  }
0xd9: {  	(v2sf) =	vpush v3, $0x1;
	[tilespmem:s15+$0x2810] =	vst v4  }
0xda: {  	(v2sf) =	vpush v3, $0x2;
	v4 =	vld [tilespmem:s13+$0x20];
	[tilespmem:s22+$0x2A20] =	vst v0  }
0xdb: {  	(v2sf) =	vpush v3, $0x3;
	v0 =	vld [tilespmem:s17+$0x30]  }
0xdc: {  	(v2sf) =	vpush v3, $0x4  }
0xdd: {  	(v2sf) =	vpush v3, $0x5;
	[tilespmem:s19+$0x2AC0] =	vst v2  }
0xde: {  	(v2sf) =	vpush v3, $0x6;
	v2 =	vld [tilespmem:s24+$0x50]  }
0xdf: {  	(v2sf) =	vpush v3, $0x7;
	[tilespmem:s15+$0x2820] =	vst v4  }
0xe0: {  	(v2sf) =	vpush v3, $0x8;
	v4 =	vld [tilespmem:s13+$0x30];
	[tilespmem:s22+$0x2A30] =	vst v0  }
0xe1: {  	(v2sf) =	vpush v3, $0x9;
	v0 =	vld [tilespmem:s17+$0x40]  }
0xe2: {  	(v2sf) =	vpush v3, $0xA  }
0xe3: {  	(v2sf) =	vpush v3, $0xB;
	[tilespmem:s19+$0x2AD0] =	vst v2  }
0xe4: {  	(v2sf) =	vpush v3, $0xC;
	v2 =	vld [tilespmem:s24+$0x60]  }
0xe5: {  	[tilespmem:s15+$0x2830] =	vst v4  }
0xe6: {  	(v2sf) =	vpush v3, $0xD;
	v4 =	vld [tilespmem:s13+$0x40];
	[tilespmem:s22+$0x2A40] =	vst v0  }
0xe7: {  	(v2sf) =	vpush v3, $0xE;
	v0 =	vld [tilespmem:s17+$0x50]  }
0xe8: {  	(v2sf) =	vpush v3, $0xF;
	s12 =	spop (v2sf)  }
0xe9: {  	(v2sf) =	vpush v1, $0x5;
	s11 =	spop (v2sf);
	[tilespmem:s19+$0x2AE0] =	vst v2  }
0xea: {  	s9 =	spop (v2sf);
	v2 =	vld [tilespmem:s24+$0x70]  }
0xeb: {  	s7 =	spop (v2sf);
	[tilespmem:s15+$0x2840] =	vst v4  }
0xec: {  	s16 =	spop (v2sf);
	v3 =	vld [tilespmem:s13+$0x50];
	[tilespmem:s22+$0x2A50] =	vst v0  }
0xed: {  	s2 =	spop (v2sf);
	v0 =	vld [tilespmem:s17+$0x60]  }
0xee: {  	s18 =	spop (v2sf)  }
0xef: {  	s20 =	simm.s32 $0x2;
	s14 =	spop (v2sf);
	[tilespmem:s19+$0x2AF0] =	vst v2  }
0xf0: {  	s20 =	sor.u32 $0x1, s20;
	s5 =	spop (v2sf);
	v2 =	vld [tilespmem:s8+$0x0]  }
0xf1: {  	s23 =	sshll.u32 s20, $0x4;
	s25 =	spop (v2sf);
	[tilespmem:s15+$0x2850] =	vst v3  }
0xf2: {  	s29 =	spop (v2sf);
	v3 =	vld [tilespmem:s13+$0x60];
	s24 =	sand.u32 $0x80, s23;
	s23 =	sand.u32 $0x70, s23;
	[tilespmem:s22+$0x2A60] =	vst v0  }
0xf3: {  	s26 =	sadd.s32 s24, s28;
	s24 =	spop (v2sf);
	v0 =	vld [tilespmem:s17+$0x70];
	[smem:$0x7F8] =	sst s29  }
0xf4: {  	s17 =	sadd.s32 s23, s26;
	[dreg:$0x8] =	wrdreg s24  }
0xf5: {  	s26 =	spop (v2sf);
	v4 =	vld [tilespmem:s17+$0x0];
	[tilespmem:s19+$0x2B00] =	vst v2  }
0xf6: {  	s30 =	spop (v2sf);
	[dreg:$0x3] =	wrdreg s26  }
0xf7: {  	s26 =	spop (v2sf);
	v2 =	vld [tilespmem:s8+$0x10];
	[tilespmem:s15+$0x2860] =	vst v3  }
0xf8: {  	s29 =	spop (v2sf);
	v3 =	vld [tilespmem:s13+$0x70];
	[tilespmem:s22+$0x2A70] =	vst v0  }
0xf9: {  	v5 =	vld [tilespmem:s29+$0x0]  }
0xfa: {  	v0 =	vshll.u32 v4, $0x9  }
0xfb: {  	v0 =	vshra.s32 v0, $0x2  }
0xfc: {  	[tilespmem:s19+$0x2B10] =	vst v2;
	(v2sf) =	vpush v0, $0x0  }
0xfd: {  	v2 =	vld [tilespmem:s8+$0x20];
	[tilespmem:s15+$0x2870] =	vst v3  }
0xfe: {  	v3 =	vld [tilespmem:s12+$0x0];
	[tilespmem:s22+$0x2A80] =	vst v5  }
0xff: {  	v4 =	vld [tilespmem:s29+$0x10];
	_ =	sdelay $0x2  }
0x100: {  	[tilespmem:s19+$0x2B20] =	vst v2  }
0x101: {  	v2 =	vld [tilespmem:s8+$0x30];
	[tilespmem:s15+$0x2880] =	vst v3  }
0x102: {  	v3 =	vld [tilespmem:s12+$0x10];
	[tilespmem:s22+$0x2A90] =	vst v4  }
0x103: {  	v4 =	vld [tilespmem:s29+$0x20];
	_ =	sdelay $0x2  }
0x104: {  	[tilespmem:s19+$0x2B30] =	vst v2  }
0x105: {  	v2 =	vld [tilespmem:s8+$0x40];
	[tilespmem:s15+$0x2890] =	vst v3  }
0x106: {  	v3 =	vld [tilespmem:s12+$0x20];
	[tilespmem:s22+$0x2AA0] =	vst v4  }
0x107: {  	s1 =	spop (v2sf);
	v4 =	vld [tilespmem:s29+$0x30]  }
0x108: {  	v5 =	vld [tilespmem:s1+$0x0];
	_ =	sdelay $0x1  }
0x109: {  	[tilespmem:s19+$0x2B40] =	vst v2  }
0x10a: {  	s24 =	sshll.u32 s20, $0xB;
	[tilespmem:s15+$0x28A0] =	vst v3;
	v2 =	vld [tilespmem:s8+$0x50]  }
0x10b: {  	s17 =	sand.u32 $0x3FFFF800, s24;
	v3 =	vld [tilespmem:s12+$0x30];
	[tilespmem:s22+$0x2AB0] =	vst v4  }
0x10c: {  	[tilespmem:s17+$0x2800] =	vst v5;
	v4 =	vld [tilespmem:s29+$0x40]  }
0x10d: {  	v5 =	vld [tilespmem:s1+$0x10];
	_ =	sdelay $0x1  }
0x10e: {  	[tilespmem:s19+$0x2B50] =	vst v2  }
0x10f: {  	[tilespmem:s15+$0x28B0] =	vst v3;
	v2 =	vld [tilespmem:s8+$0x60]  }
0x110: {  	v3 =	vld [tilespmem:s12+$0x40];
	[tilespmem:s22+$0x2AC0] =	vst v4  }
0x111: {  	[tilespmem:s17+$0x2810] =	vst v5;
	v4 =	vld [tilespmem:s29+$0x50]  }
0x112: {  	v5 =	vld [tilespmem:s1+$0x20]  }
0x113: {  	(v2sf) =	vpush v1, $0x6  }
0x114: {  	[tilespmem:s19+$0x2B60] =	vst v2  }
0x115: {  	v2 =	vld [tilespmem:s8+$0x70];
	[tilespmem:s15+$0x28C0] =	vst v3  }
0x116: {  	v3 =	vld [tilespmem:s12+$0x50];
	[tilespmem:s22+$0x2AD0] =	vst v4  }
0x117: {  	[tilespmem:s17+$0x2820] =	vst v5;
	v4 =	vld [tilespmem:s29+$0x60]  }
0x118: {  	v5 =	vld [tilespmem:s1+$0x30];
	_ =	sdelay $0x1  }
0x119: {  	[tilespmem:s19+$0x2B70] =	vst v2  }
0x11a: {  	[tilespmem:s15+$0x28D0] =	vst v3;
	v2 =	vld [tilespmem:s6+$0x0]  }
0x11b: {  	v3 =	vld [tilespmem:s12+$0x60];
	[tilespmem:s22+$0x2AE0] =	vst v4  }
0x11c: {  	[tilespmem:s17+$0x2830] =	vst v5;
	v4 =	vld [tilespmem:s29+$0x70]  }
0x11d: {  	v5 =	vld [tilespmem:s1+$0x40];
	_ =	sdelay $0x1  }
0x11e: {  	[tilespmem:s19+$0x2B80] =	vst v2  }
0x11f: {  	[tilespmem:s15+$0x28E0] =	vst v3;
	v2 =	vld [tilespmem:s6+$0x10]  }
0x120: {  	s29 =	spop (v2sf);
	v3 =	vld [tilespmem:s12+$0x70];
	[tilespmem:s22+$0x2AF0] =	vst v4  }
0x121: {  	[tilespmem:s17+$0x2840] =	vst v5;
	v4 =	vld [tilespmem:s29+$0x0]  }
0x122: {  	v5 =	vld [tilespmem:s1+$0x50];
	_ =	sdelay $0x1  }
0x123: {  	(v2sf) =	vpush v0, $0x1;
	[tilespmem:s19+$0x2B90] =	vst v2  }
0x124: {  	[tilespmem:s15+$0x28F0] =	vst v3;
	v2 =	vld [tilespmem:s6+$0x20]  }
0x125: {  	v3 =	vld [tilespmem:s11+$0x0];
	[tilespmem:s22+$0x2B00] =	vst v4  }
0x126: {  	[tilespmem:s17+$0x2850] =	vst v5;
	v4 =	vld [tilespmem:s29+$0x10]  }
0x127: {  	v5 =	vld [tilespmem:s1+$0x60];
	_ =	sdelay $0x1  }
0x128: {  	[tilespmem:s19+$0x2BA0] =	vst v2  }
0x129: {  	[tilespmem:s15+$0x2900] =	vst v3;
	v2 =	vld [tilespmem:s6+$0x30]  }
0x12a: {  	v3 =	vld [tilespmem:s11+$0x10];
	[tilespmem:s22+$0x2B10] =	vst v4  }
0x12b: {  	[tilespmem:s17+$0x2860] =	vst v5;
	v4 =	vld [tilespmem:s29+$0x20]  }
0x12c: {  	v5 =	vld [tilespmem:s1+$0x70];
	_ =	sdelay $0x1  }
0x12d: {  	[tilespmem:s19+$0x2BB0] =	vst v2  }
0x12e: {  	[tilespmem:s15+$0x2910] =	vst v3;
	v2 =	vld [tilespmem:s6+$0x40]  }
0x12f: {  	v3 =	vld [tilespmem:s11+$0x20];
	[tilespmem:s22+$0x2B20] =	vst v4  }
0x130: {  	s1 =	spop (v2sf);
	[tilespmem:s17+$0x2870] =	vst v5;
	v4 =	vld [tilespmem:s29+$0x30]  }
0x131: {  	v5 =	vld [tilespmem:s1+$0x0];
	_ =	sdelay $0x1  }
0x132: {  	[tilespmem:s19+$0x2BC0] =	vst v2  }
0x133: {  	[tilespmem:s15+$0x2920] =	vst v3;
	v2 =	vld [tilespmem:s6+$0x50]  }
0x134: {  	v3 =	vld [tilespmem:s11+$0x30];
	[tilespmem:s22+$0x2B30] =	vst v4  }
0x135: {  	[tilespmem:s17+$0x2880] =	vst v5;
	v4 =	vld [tilespmem:s29+$0x40]  }
0x136: {  	v5 =	vld [tilespmem:s1+$0x10];
	_ =	sdelay $0x1  }
0x137: {  	[tilespmem:s19+$0x2BD0] =	vst v2  }
0x138: {  	[tilespmem:s15+$0x2930] =	vst v3;
	v2 =	vld [tilespmem:s6+$0x60]  }
0x139: {  	v3 =	vld [tilespmem:s11+$0x40];
	[tilespmem:s22+$0x2B40] =	vst v4  }
0x13a: {  	[tilespmem:s17+$0x2890] =	vst v5;
	v4 =	vld [tilespmem:s29+$0x50]  }
0x13b: {  	v5 =	vld [tilespmem:s1+$0x20]  }
0x13c: {  	(v2sf) =	vpush v1, $0x7  }
0x13d: {  	[tilespmem:s19+$0x2BE0] =	vst v2  }
0x13e: {  	v2 =	vld [tilespmem:s6+$0x70];
	[tilespmem:s15+$0x2940] =	vst v3  }
0x13f: {  	v3 =	vld [tilespmem:s11+$0x50];
	[tilespmem:s22+$0x2B50] =	vst v4  }
0x140: {  	[tilespmem:s17+$0x28A0] =	vst v5;
	v4 =	vld [tilespmem:s29+$0x60]  }
0x141: {  	v5 =	vld [tilespmem:s1+$0x30];
	_ =	sdelay $0x1  }
0x142: {  	[tilespmem:s19+$0x2BF0] =	vst v2  }
0x143: {  	[tilespmem:s15+$0x2950] =	vst v3;
	v2 =	vld [tilespmem:s4+$0x0]  }
0x144: {  	v3 =	vld [tilespmem:s11+$0x60];
	[tilespmem:s22+$0x2B60] =	vst v4  }
0x145: {  	[tilespmem:s17+$0x28B0] =	vst v5;
	v4 =	vld [tilespmem:s29+$0x70]  }
0x146: {  	v5 =	vld [tilespmem:s1+$0x40];
	_ =	sdelay $0x1  }
0x147: {  	[tilespmem:s19+$0x2C00] =	vst v2  }
0x148: {  	[tilespmem:s15+$0x2960] =	vst v3;
	v2 =	vld [tilespmem:s4+$0x10]  }
0x149: {  	s8 =	spop (v2sf);
	v3 =	vld [tilespmem:s11+$0x70];
	[tilespmem:s22+$0x2B70] =	vst v4  }
0x14a: {  	[tilespmem:s17+$0x28C0] =	vst v5;
	v4 =	vld [tilespmem:s8+$0x0]  }
0x14b: {  	v5 =	vld [tilespmem:s1+$0x50];
	_ =	sdelay $0x1  }
0x14c: {  	(v2sf) =	vpush v0, $0x2;
	[tilespmem:s19+$0x2C10] =	vst v2  }
0x14d: {  	[tilespmem:s15+$0x2970] =	vst v3;
	v2 =	vld [tilespmem:s4+$0x20]  }
0x14e: {  	v3 =	vld [tilespmem:s9+$0x0];
	[tilespmem:s22+$0x2B80] =	vst v4  }
0x14f: {  	[tilespmem:s17+$0x28D0] =	vst v5;
	v4 =	vld [tilespmem:s8+$0x10]  }
0x150: {  	v5 =	vld [tilespmem:s1+$0x60];
	_ =	sdelay $0x1  }
0x151: {  	[tilespmem:s19+$0x2C20] =	vst v2  }
0x152: {  	[tilespmem:s15+$0x2980] =	vst v3;
	v2 =	vld [tilespmem:s4+$0x30]  }
0x153: {  	v3 =	vld [tilespmem:s9+$0x10];
	[tilespmem:s22+$0x2B90] =	vst v4  }
0x154: {  	[tilespmem:s17+$0x28E0] =	vst v5;
	v4 =	vld [tilespmem:s8+$0x20]  }
0x155: {  	v5 =	vld [tilespmem:s1+$0x70];
	_ =	sdelay $0x1  }
0x156: {  	[tilespmem:s19+$0x2C30] =	vst v2  }
0x157: {  	[tilespmem:s15+$0x2990] =	vst v3;
	v2 =	vld [tilespmem:s4+$0x40]  }
0x158: {  	v3 =	vld [tilespmem:s9+$0x20];
	[tilespmem:s22+$0x2BA0] =	vst v4  }
0x159: {  	s13 =	spop (v2sf);
	[tilespmem:s17+$0x28F0] =	vst v5;
	v4 =	vld [tilespmem:s8+$0x30]  }
0x15a: {  	v5 =	vld [tilespmem:s13+$0x0];
	_ =	sdelay $0x1  }
0x15b: {  	[tilespmem:s19+$0x2C40] =	vst v2  }
0x15c: {  	[tilespmem:s15+$0x29A0] =	vst v3;
	v2 =	vld [tilespmem:s4+$0x50]  }
0x15d: {  	v3 =	vld [tilespmem:s9+$0x30];
	[tilespmem:s22+$0x2BB0] =	vst v4  }
0x15e: {  	[tilespmem:s17+$0x2900] =	vst v5;
	v4 =	vld [tilespmem:s8+$0x40]  }
0x15f: {  	v5 =	vld [tilespmem:s13+$0x10];
	_ =	sdelay $0x1  }
0x160: {  	[tilespmem:s19+$0x2C50] =	vst v2  }
0x161: {  	[tilespmem:s15+$0x29B0] =	vst v3;
	v2 =	vld [tilespmem:s4+$0x60]  }
0x162: {  	v3 =	vld [tilespmem:s9+$0x40];
	[tilespmem:s22+$0x2BC0] =	vst v4  }
0x163: {  	[tilespmem:s17+$0x2910] =	vst v5;
	v4 =	vld [tilespmem:s8+$0x50]  }
0x164: {  	v5 =	vld [tilespmem:s13+$0x20]  }
0x165: {  	(v2sf) =	vpush v1, $0x8  }
0x166: {  	[tilespmem:s19+$0x2C60] =	vst v2  }
0x167: {  	v2 =	vld [tilespmem:s4+$0x70];
	[tilespmem:s15+$0x29C0] =	vst v3  }
0x168: {  	v3 =	vld [tilespmem:s9+$0x50];
	[tilespmem:s22+$0x2BD0] =	vst v4  }
0x169: {  	[tilespmem:s17+$0x2920] =	vst v5;
	v4 =	vld [tilespmem:s8+$0x60]  }
0x16a: {  	v5 =	vld [tilespmem:s13+$0x30];
	_ =	sdelay $0x1  }
0x16b: {  	[tilespmem:s19+$0x2C70] =	vst v2  }
0x16c: {  	[tilespmem:s15+$0x29D0] =	vst v3;
	v2 =	vld [tilespmem:s3+$0x0]  }
0x16d: {  	v3 =	vld [tilespmem:s9+$0x60];
	[tilespmem:s22+$0x2BE0] =	vst v4  }
0x16e: {  	[tilespmem:s17+$0x2930] =	vst v5;
	v4 =	vld [tilespmem:s8+$0x70]  }
0x16f: {  	v5 =	vld [tilespmem:s13+$0x40];
	_ =	sdelay $0x1  }
0x170: {  	[tilespmem:s19+$0x2C80] =	vst v2  }
0x171: {  	[tilespmem:s15+$0x29E0] =	vst v3;
	v2 =	vld [tilespmem:s3+$0x10]  }
0x172: {  	s20 =	spop (v2sf);
	v3 =	vld [tilespmem:s9+$0x70];
	[tilespmem:s22+$0x2BF0] =	vst v4  }
0x173: {  	[tilespmem:s17+$0x2940] =	vst v5;
	v4 =	vld [tilespmem:s20+$0x0]  }
0x174: {  	v5 =	vld [tilespmem:s13+$0x50];
	_ =	sdelay $0x1  }
0x175: {  	(v2sf) =	vpush v0, $0x3;
	[tilespmem:s19+$0x2C90] =	vst v2  }
0x176: {  	[tilespmem:s15+$0x29F0] =	vst v3;
	v2 =	vld [tilespmem:s3+$0x20]  }
0x177: {  	v3 =	vld [tilespmem:s7+$0x0];
	[tilespmem:s22+$0x2C00] =	vst v4  }
0x178: {  	[tilespmem:s17+$0x2950] =	vst v5;
	v4 =	vld [tilespmem:s20+$0x10]  }
0x179: {  	v5 =	vld [tilespmem:s13+$0x60];
	_ =	sdelay $0x1  }
0x17a: {  	[tilespmem:s19+$0x2CA0] =	vst v2  }
0x17b: {  	[tilespmem:s15+$0x2A00] =	vst v3;
	v2 =	vld [tilespmem:s3+$0x30]  }
0x17c: {  	v3 =	vld [tilespmem:s7+$0x10];
	[tilespmem:s22+$0x2C10] =	vst v4  }
0x17d: {  	[tilespmem:s17+$0x2960] =	vst v5;
	v4 =	vld [tilespmem:s20+$0x20]  }
0x17e: {  	v5 =	vld [tilespmem:s13+$0x70];
	_ =	sdelay $0x1  }
0x17f: {  	[tilespmem:s19+$0x2CB0] =	vst v2  }
0x180: {  	[tilespmem:s15+$0x2A10] =	vst v3;
	v2 =	vld [tilespmem:s3+$0x40]  }
0x181: {  	v3 =	vld [tilespmem:s7+$0x20];
	[tilespmem:s22+$0x2C20] =	vst v4  }
0x182: {  	s23 =	spop (v2sf);
	[tilespmem:s17+$0x2970] =	vst v5;
	v4 =	vld [tilespmem:s20+$0x30]  }
0x183: {  	v5 =	vld [tilespmem:s23+$0x0];
	_ =	sdelay $0x1  }
0x184: {  	[tilespmem:s19+$0x2CC0] =	vst v2  }
0x185: {  	[tilespmem:s15+$0x2A20] =	vst v3;
	v2 =	vld [tilespmem:s3+$0x50]  }
0x186: {  	v3 =	vld [tilespmem:s7+$0x30];
	[tilespmem:s22+$0x2C30] =	vst v4  }
0x187: {  	[tilespmem:s17+$0x2980] =	vst v5;
	v4 =	vld [tilespmem:s20+$0x40]  }
0x188: {  	v5 =	vld [tilespmem:s23+$0x10];
	_ =	sdelay $0x1  }
0x189: {  	[tilespmem:s19+$0x2CD0] =	vst v2  }
0x18a: {  	[tilespmem:s15+$0x2A30] =	vst v3;
	v2 =	vld [tilespmem:s3+$0x60]  }
0x18b: {  	v3 =	vld [tilespmem:s7+$0x40];
	[tilespmem:s22+$0x2C40] =	vst v4  }
0x18c: {  	[tilespmem:s17+$0x2990] =	vst v5;
	v4 =	vld [tilespmem:s20+$0x50]  }
0x18d: {  	v5 =	vld [tilespmem:s23+$0x20]  }
0x18e: {  	(v2sf) =	vpush v1, $0x9  }
0x18f: {  	[tilespmem:s19+$0x2CE0] =	vst v2  }
0x190: {  	[tilespmem:s15+$0x2A40] =	vst v3;
	v2 =	vld [tilespmem:s3+$0x70]  }
0x191: {  	v3 =	vld [tilespmem:s7+$0x50];
	[tilespmem:s22+$0x2C50] =	vst v4  }
0x192: {  	[tilespmem:s17+$0x29A0] =	vst v5;
	v4 =	vld [tilespmem:s20+$0x60]  }
0x193: {  	v5 =	vld [tilespmem:s23+$0x30];
	_ =	sdelay $0x1  }
0x194: {  	[tilespmem:s19+$0x2CF0] =	vst v2  }
0x195: {  	[tilespmem:s15+$0x2A50] =	vst v3;
	v2 =	vld [tilespmem:s0+$0x0]  }
0x196: {  	s24 =	simm.s32 $0x40;
	v3 =	vld [tilespmem:s7+$0x60];
	[tilespmem:s22+$0x2C60] =	vst v4  }
0x197: {  	s11 =	smov.u32 s25;
	s25 =	sand.u32 $0x80, s24;
	[tilespmem:s17+$0x29B0] =	vst v5;
	v4 =	vld [tilespmem:s20+$0x70]  }
0x198: {  	s6 =	sadd.s32 s25, s28;
	s3 =	sand.u32 $0x60, s24;
	v5 =	vld [tilespmem:s23+$0x40]  }
0x199: {  	s3 =	sadd.s32 s3, s6  }
0x19a: {  	v6 =	vld [tilespmem:s3+$0x0];
	[tilespmem:s19+$0x2D00] =	vst v2  }
0x19b: {  	[tilespmem:s15+$0x2A60] =	vst v3;
	v2 =	vld [tilespmem:s0+$0x10]  }
0x19c: {  	s25 =	spop (v2sf);
	v3 =	vld [tilespmem:s7+$0x70];
	[tilespmem:s22+$0x2C70] =	vst v4  }
0x19d: {  	[tilespmem:s17+$0x29C0] =	vst v5;
	v4 =	vld [tilespmem:s25+$0x0]  }
0x19e: {  	v5 =	vld [tilespmem:s23+$0x50];
	_ =	sdelay $0x1  }
0x19f: {  	(v2sf) =	vpush v0, $0x4;
	[tilespmem:s19+$0x2D10] =	vst v2  }
0x1a0: {  	[tilespmem:s15+$0x2A70] =	vst v3  }
0x1a1: {  	v2 =	vld [tilespmem:s0+$0x20];
	v3 =	vshll.u32 v6, $0x9;
	[tilespmem:s22+$0x2C80] =	vst v4  }
0x1a2: {  	v3 =	vshra.s32 v3, $0x2;
	[tilespmem:s17+$0x29D0] =	vst v5;
	v4 =	vld [tilespmem:s25+$0x10]  }
0x1a3: {  	(v2sf) =	vpush v3, $0x0;
	v5 =	vld [tilespmem:s23+$0x60];
	_ =	sdelay $0x1  }
0x1a4: {  	v6 =	vld [tilespmem:s16+$0x0]  }
0x1a5: {  	[tilespmem:s19+$0x2D20] =	vst v2  }
0x1a6: {  	v2 =	vld [tilespmem:s0+$0x30];
	[tilespmem:s22+$0x2C90] =	vst v4  }
0x1a7: {  	[tilespmem:s17+$0x29E0] =	vst v5;
	v4 =	vld [tilespmem:s25+$0x20]  }
0x1a8: {  	v5 =	vld [tilespmem:s23+$0x70]  }
0x1a9: {  	[tilespmem:s15+$0x2A80] =	vst v6  }
0x1aa: {  	v6 =	vld [tilespmem:s16+$0x10]  }
0x1ab: {  	[tilespmem:s19+$0x2D30] =	vst v2  }
0x1ac: {  	(v2sf) =	vpush v3, $0x1;
	v2 =	vld [tilespmem:s0+$0x40];
	[tilespmem:s22+$0x2CA0] =	vst v4  }
0x1ad: {  	s24 =	spop (v2sf);
	(v2sf) =	vpush v3, $0x2;
	[tilespmem:s17+$0x29F0] =	vst v5;
	v4 =	vld [tilespmem:s25+$0x30]  }
0x1ae: {  	(v2sf) =	vpush v3, $0x3;
	v5 =	vld [tilespmem:s24+$0x0]  }
0x1af: {  	(v2sf) =	vpush v3, $0x4;
	[tilespmem:s15+$0x2A90] =	vst v6  }
0x1b0: {  	(v2sf) =	vpush v3, $0x5;
	v6 =	vld [tilespmem:s16+$0x20]  }
0x1b1: {  	(v2sf) =	vpush v3, $0x6;
	s20 =	spop (v2sf);
	[tilespmem:s19+$0x2D40] =	vst v2  }
0x1b2: {  	(v2sf) =	vpush v3, $0x7;
	v2 =	vld [tilespmem:s20+$0x0];
	[tilespmem:s22+$0x2CB0] =	vst v4  }
0x1b3: {  	(v2sf) =	vpush v3, $0x8;
	v7 =	vld [tilespmem:s0+$0x50];
	[tilespmem:s17+$0x2A00] =	vst v5  }
0x1b4: {  	v4 =	vld [tilespmem:s25+$0x40];
	(v2sf) =	vpush v3, $0x9  }
0x1b5: {  	s29 =	simm.s32 $0x2000;
	[tilespmem:s15+$0x2AA0] =	vst v6;
	v5 =	vld [tilespmem:s24+$0x10]  }
0x1b6: {  	s23 =	sand.u32 $0x3FFFF800, s29;
	(v2sf) =	vpush v3, $0xA;
	v6 =	vld [tilespmem:s16+$0x30]  }
0x1b7: {  	(v2sf) =	vpush v3, $0xB;
	[tilespmem:s23+$0x2800] =	vst v2  }
0x1b8: {  	[tilespmem:s19+$0x2D50] =	vst v7;
	(v2sf) =	vpush v3, $0xC;
	v2 =	vld [tilespmem:s20+$0x10]  }
0x1b9: {  	v7 =	vld [tilespmem:s0+$0x60];
	(v2sf) =	vpush v3, $0xD;
	[tilespmem:s22+$0x2CC0] =	vst v4  }
0x1ba: {  	(v2sf) =	vpush v3, $0xE;
	[tilespmem:s17+$0x2A10] =	vst v5;
	v4 =	vld [tilespmem:s25+$0x50]  }
0x1bb: {  	s8 =	spop (v2sf);
	(v2sf) =	vpush v3, $0xF;
	[tilespmem:s15+$0x2AB0] =	vst v6;
	v3 =	vld [tilespmem:s24+$0x20]  }
0x1bc: {  	s12 =	spop (v2sf);
	v5 =	vld [tilespmem:s16+$0x40]  }
0x1bd: {  	s3 =	spop (v2sf);
	[tilespmem:s23+$0x2810] =	vst v2  }
0x1be: {  	s9 =	spop (v2sf);
	[tilespmem:s19+$0x2D60] =	vst v7;
	v2 =	vld [tilespmem:s20+$0x20]  }
0x1bf: {  	s13 =	spop (v2sf);
	[tilespmem:s22+$0x2CD0] =	vst v4  }
0x1c0: {  	s7 =	spop (v2sf);
	v6 =	vld [tilespmem:s0+$0x70];
	[tilespmem:s17+$0x2A20] =	vst v3  }
0x1c1: {  	s1 =	spop (v2sf);
	v3 =	vld [tilespmem:s25+$0x60];
	[tilespmem:s15+$0x2AC0] =	vst v5  }
0x1c2: {  	(v2sf) =	vpush v1, $0xA;
	v4 =	vld [tilespmem:s24+$0x30];
	[dreg:$0x14] =	wrdreg s1  }
0x1c3: {  	s4 =	spop (v2sf);
	[tilespmem:s23+$0x2820] =	vst v2  }
0x1c4: {  	v5 =	vld [tilespmem:s16+$0x50];
	[dreg:$0x12] =	wrdreg s4  }
0x1c5: {  	s6 =	spop (v2sf);
	[tilespmem:s19+$0x2D70] =	vst v6  }
0x1c6: {  	v2 =	vld [tilespmem:s20+$0x30];
	[dreg:$0x11] =	wrdreg s6  }
0x1c7: {  	s29 =	spop (v2sf);
	[tilespmem:s22+$0x2CE0] =	vst v3  }
0x1c8: {  	v6 =	vld [tilespmem:s31+$0x0];
	[dreg:$0xf] =	wrdreg s29  }
0x1c9: {  	s1 =	spop (v2sf);
	[tilespmem:s17+$0x2A30] =	vst v4  }
0x1ca: {  	s6 =	spop (v2sf);
	v3 =	vld [tilespmem:s25+$0x70];
	[dreg:$0xd] =	wrdreg s1  }
0x1cb: {  	s4 =	spop (v2sf);
	[tilespmem:s15+$0x2AD0] =	vst v5  }
0x1cc: {  	v4 =	vld [tilespmem:s24+$0x40];
	[dreg:$0xa] =	wrdreg s4  }
0x1cd: {  	s25 =	spop (v2sf);
	[tilespmem:s23+$0x2830] =	vst v2  }
0x1ce: {  	v5 =	vld [tilespmem:s16+$0x60];
	[dreg:$0x9] =	wrdreg s25  }
0x1cf: {  	s29 =	spop (v2sf);
	[tilespmem:s19+$0x2D80] =	vst v6  }
0x1d0: {  	v2 =	vld [tilespmem:s20+$0x40];
	[dreg:$0x7] =	wrdreg s29  }
0x1d1: {  	s25 =	spop (v2sf);
	v6 =	vld [tilespmem:s31+$0x10];
	[tilespmem:s22+$0x2CF0] =	vst v3  }
0x1d2: {  	[tilespmem:s17+$0x2A40] =	vst v4;
	v3 =	vld [tilespmem:s25+$0x0]  }
0x1d3: {  	v4 =	vld [tilespmem:s24+$0x50]  }
0x1d4: {  	[tilespmem:s15+$0x2AE0] =	vst v5  }
0x1d5: {  	v5 =	vld [tilespmem:s16+$0x70];
	[tilespmem:s23+$0x2840] =	vst v2  }
0x1d6: {  	(v2sf) =	vpush v0, $0x5;
	v2 =	vld [tilespmem:s20+$0x50];
	[tilespmem:s19+$0x2D90] =	vst v6  }
0x1d7: {  	v6 =	vld [tilespmem:s31+$0x20];
	[tilespmem:s22+$0x2D00] =	vst v3  }
0x1d8: {  	[tilespmem:s17+$0x2A50] =	vst v4;
	v3 =	vld [tilespmem:s25+$0x10]  }
0x1d9: {  	v4 =	vld [tilespmem:s24+$0x60]  }
0x1da: {  	[tilespmem:s15+$0x2AF0] =	vst v5  }
0x1db: {  	s1 =	simm.s32 $0x4;
	[tilespmem:s23+$0x2850] =	vst v2  }
0x1dc: {  	s4 =	sor.u32 $0x1, s1;
	v5 =	vld [tilespmem:s2+$0x0];
	[tilespmem:s19+$0x2DA0] =	vst v6  }
0x1dd: {  	s0 =	sshll.u32 s4, $0x4;
	v2 =	vld [tilespmem:s20+$0x60];
	[tilespmem:s22+$0x2D10] =	vst v3  }
0x1de: {  	s29 =	sand.u32 $0x80, s0;
	v6 =	vld [tilespmem:s31+$0x30];
	[tilespmem:s17+$0x2A60] =	vst v4  }
0x1df: {  	s0 =	sand.u32 $0x70, s0;
	s29 =	sadd.s32 s29, s28;
	v3 =	vld [tilespmem:s25+$0x20];
	[dreg:$0x5] =	wrdreg s28  }
0x1e0: {  	s0 =	sadd.s32 s0, s29;
	v4 =	vld [tilespmem:s24+$0x70]  }
0x1e1: {  	v7 =	vld [tilespmem:s0+$0x0];
	[tilespmem:s15+$0x2B00] =	vst v5  }
0x1e2: {  	v5 =	vld [tilespmem:s2+$0x10];
	[tilespmem:s23+$0x2860] =	vst v2  }
0x1e3: {  	v2 =	vld [tilespmem:s20+$0x70];
	[tilespmem:s19+$0x2DB0] =	vst v6  }
0x1e4: {  	v6 =	vld [tilespmem:s31+$0x40];
	[tilespmem:s22+$0x2D20] =	vst v3  }
0x1e5: {  	s24 =	spop (v2sf);
	[tilespmem:s17+$0x2A70] =	vst v4;
	v3 =	vld [tilespmem:s25+$0x30]  }
0x1e6: {  	v4 =	vld [tilespmem:s24+$0x0]  }
0x1e7: {  	[tilespmem:s15+$0x2B10] =	vst v5;
	v5 =	vshll.u32 v7, $0x9  }
0x1e8: {  	v7 =	vld [tilespmem:s2+$0x20];
	[tilespmem:s23+$0x2870] =	vst v2;
	v2 =	vshra.s32 v5, $0x2  }
0x1e9: {  	v5 =	vld [tilespmem:s8+$0x0];
	(v2sf) =	vpush v2, $0x0;
	[tilespmem:s19+$0x2DC0] =	vst v6  }
0x1ea: {  	v6 =	vld [tilespmem:s31+$0x50];
	[tilespmem:s22+$0x2D30] =	vst v3  }
0x1eb: {  	[tilespmem:s17+$0x2A80] =	vst v4;
	v3 =	vld [tilespmem:s25+$0x40]  }
0x1ec: {  	v4 =	vld [tilespmem:s24+$0x10]  }
0x1ed: {  	[tilespmem:s15+$0x2B20] =	vst v7  }
0x1ee: {  	v7 =	vld [tilespmem:s2+$0x30];
	[tilespmem:s23+$0x2880] =	vst v5  }
0x1ef: {  	v5 =	vld [tilespmem:s8+$0x10];
	[tilespmem:s19+$0x2DD0] =	vst v6  }
0x1f0: {  	v6 =	vld [tilespmem:s31+$0x60];
	[tilespmem:s22+$0x2D40] =	vst v3  }
0x1f1: {  	[tilespmem:s17+$0x2A90] =	vst v4;
	v3 =	vld [tilespmem:s25+$0x50]  }
0x1f2: {  	v4 =	vld [tilespmem:s24+$0x20]  }
0x1f3: {  	(v2sf) =	vpush v1, $0xB;
	[tilespmem:s15+$0x2B30] =	vst v7  }
0x1f4: {  	v7 =	vld [tilespmem:s2+$0x40];
	[tilespmem:s23+$0x2890] =	vst v5  }
0x1f5: {  	v5 =	vld [tilespmem:s8+$0x20];
	[tilespmem:s19+$0x2DE0] =	vst v6  }
0x1f6: {  	v6 =	vld [tilespmem:s31+$0x70];
	[tilespmem:s22+$0x2D50] =	vst v3  }
0x1f7: {  	[tilespmem:s17+$0x2AA0] =	vst v4;
	v3 =	vld [tilespmem:s25+$0x60]  }
0x1f8: {  	s28 =	spop (v2sf);
	v4 =	vld [tilespmem:s24+$0x30]  }
0x1f9: {  	[tilespmem:s15+$0x2B40] =	vst v7;
	v7 =	vld [tilespmem:s28+$0x0]  }
0x1fa: {  	[tilespmem:s23+$0x28A0] =	vst v5;
	v5 =	vld [tilespmem:s2+$0x50]  }
0x1fb: {  	[tilespmem:s19+$0x2DF0] =	vst v6;
	v6 =	vld [tilespmem:s8+$0x30]  }
0x1fc: {  	s16 =	sshll.u32 s4, $0xB;
	v8 =	vld [tilespmem:s10+$0x0];
	[tilespmem:s22+$0x2D60] =	vst v3  }
0x1fd: {  	s31 =	sand.u32 $0x3FFFF800, s16;
	v3 =	vld [tilespmem:s25+$0x70];
	[tilespmem:s17+$0x2AB0] =	vst v4  }
0x1fe: {  	[tilespmem:s31+$0x2800] =	vst v7;
	v4 =	vld [tilespmem:s24+$0x40]  }
0x1ff: {  	v7 =	vld [tilespmem:s28+$0x10];
	[tilespmem:s15+$0x2B50] =	vst v5  }
0x200: {  	v5 =	vld [tilespmem:s2+$0x60];
	[tilespmem:s23+$0x28B0] =	vst v6  }
0x201: {  	v6 =	vld [tilespmem:s8+$0x40];
	[tilespmem:s19+$0x2E00] =	vst v8  }
0x202: {  	s29 =	spop (v2sf);
	v8 =	vld [tilespmem:s10+$0x10];
	[tilespmem:s22+$0x2D70] =	vst v3  }
0x203: {  	[tilespmem:s17+$0x2AC0] =	vst v4;
	v3 =	vld [tilespmem:s29+$0x0]  }
0x204: {  	[tilespmem:s31+$0x2810] =	vst v7;
	v4 =	vld [tilespmem:s24+$0x50]  }
0x205: {  	v7 =	vld [tilespmem:s28+$0x20];
	[tilespmem:s15+$0x2B60] =	vst v5  }
0x206: {  	(v2sf) =	vpush v0, $0x6;
	v5 =	vld [tilespmem:s2+$0x70];
	[tilespmem:s23+$0x28C0] =	vst v6  }
0x207: {  	v6 =	vld [tilespmem:s8+$0x50];
	[tilespmem:s19+$0x2E10] =	vst v8  }
0x208: {  	v8 =	vld [tilespmem:s10+$0x20];
	[tilespmem:s22+$0x2D80] =	vst v3  }
0x209: {  	[tilespmem:s17+$0x2AD0] =	vst v4;
	v3 =	vld [tilespmem:s29+$0x10]  }
0x20a: {  	[tilespmem:s31+$0x2820] =	vst v7;
	v4 =	vld [tilespmem:s24+$0x60]  }
0x20b: {  	v7 =	vld [tilespmem:s28+$0x30];
	[tilespmem:s15+$0x2B70] =	vst v5  }
0x20c: {  	v5 =	vld [tilespmem:s18+$0x0];
	[tilespmem:s23+$0x28D0] =	vst v6  }
0x20d: {  	v6 =	vld [tilespmem:s8+$0x60];
	[tilespmem:s19+$0x2E20] =	vst v8  }
0x20e: {  	v8 =	vld [tilespmem:s10+$0x30];
	[tilespmem:s22+$0x2D90] =	vst v3  }
0x20f: {  	[tilespmem:s17+$0x2AE0] =	vst v4;
	v3 =	vld [tilespmem:s29+$0x20]  }
0x210: {  	[tilespmem:s31+$0x2830] =	vst v7;
	v4 =	vld [tilespmem:s24+$0x70]  }
0x211: {  	v7 =	vld [tilespmem:s28+$0x40];
	[tilespmem:s15+$0x2B80] =	vst v5  }
0x212: {  	v5 =	vld [tilespmem:s18+$0x10];
	[tilespmem:s23+$0x28E0] =	vst v6  }
0x213: {  	v6 =	vld [tilespmem:s8+$0x70];
	[tilespmem:s19+$0x2E30] =	vst v8  }
0x214: {  	v8 =	vld [tilespmem:s10+$0x40];
	[tilespmem:s22+$0x2DA0] =	vst v3  }
0x215: {  	s1 =	spop (v2sf);
	[tilespmem:s17+$0x2AF0] =	vst v4;
	v3 =	vld [tilespmem:s29+$0x30]  }
0x216: {  	[tilespmem:s31+$0x2840] =	vst v7;
	v4 =	vld [tilespmem:s1+$0x0]  }
0x217: {  	v7 =	vld [tilespmem:s28+$0x50];
	[tilespmem:s15+$0x2B90] =	vst v5  }
0x218: {  	v5 =	vld [tilespmem:s18+$0x20];
	[tilespmem:s23+$0x28F0] =	vst v6  }
0x219: {  	v6 =	vld [tilespmem:s12+$0x0];
	[tilespmem:s19+$0x2E40] =	vst v8  }
0x21a: {  	v8 =	vld [tilespmem:s10+$0x50];
	[tilespmem:s22+$0x2DB0] =	vst v3  }
0x21b: {  	[tilespmem:s17+$0x2B00] =	vst v4;
	v3 =	vld [tilespmem:s29+$0x40]  }
0x21c: {  	(v2sf) =	vpush v2, $0x1;
	[tilespmem:s31+$0x2850] =	vst v7;
	v4 =	vld [tilespmem:s1+$0x10]  }
0x21d: {  	v7 =	vld [tilespmem:s28+$0x60];
	[tilespmem:s15+$0x2BA0] =	vst v5  }
0x21e: {  	v5 =	vld [tilespmem:s18+$0x30];
	[tilespmem:s23+$0x2900] =	vst v6  }
0x21f: {  	v6 =	vld [tilespmem:s12+$0x10];
	[tilespmem:s19+$0x2E50] =	vst v8  }
0x220: {  	v8 =	vld [tilespmem:s10+$0x60];
	[tilespmem:s22+$0x2DC0] =	vst v3  }
0x221: {  	[tilespmem:s17+$0x2B10] =	vst v4;
	v3 =	vld [tilespmem:s29+$0x50]  }
0x222: {  	[tilespmem:s31+$0x2860] =	vst v7;
	v4 =	vld [tilespmem:s1+$0x20]  }
0x223: {  	v7 =	vld [tilespmem:s28+$0x70];
	[tilespmem:s15+$0x2BB0] =	vst v5  }
0x224: {  	v5 =	vld [tilespmem:s18+$0x40];
	[tilespmem:s23+$0x2910] =	vst v6  }
0x225: {  	v6 =	vld [tilespmem:s12+$0x20];
	[tilespmem:s19+$0x2E60] =	vst v8  }
0x226: {  	(v2sf) =	vpush v1, $0xC;
	v8 =	vld [tilespmem:s10+$0x70];
	[tilespmem:s22+$0x2DD0] =	vst v3  }
0x227: {  	[tilespmem:s17+$0x2B20] =	vst v4  }
0x228: {  	[tilespmem:s31+$0x2870] =	vst v7  }
0x229: {  	[tilespmem:s15+$0x2BC0] =	vst v5  }
0x22a: {  	v3 =	vld [tilespmem:s29+$0x60];
	[tilespmem:s23+$0x2920] =	vst v6  }
0x22b: {  	s4 =	spop (v2sf);
	v4 =	vld [tilespmem:s1+$0x30];
	[tilespmem:s19+$0x2E70] =	vst v8  }
0x22c: {  	v7 =	vld [tilespmem:s4+$0x0];
	s10 =	sld [smem:$0x7F3]  }
0x22d: {  	v5 =	vld [tilespmem:s18+$0x50]  }
0x22e: {  	v6 =	vld [tilespmem:s12+$0x30]  }
0x22f: {  	[tilespmem:s22+$0x2DE0] =	vst v3;
	v8 =	vld [tilespmem:s10+$0x0]  }
0x230: {  	v3 =	vld [tilespmem:s29+$0x70];
	[tilespmem:s17+$0x2B30] =	vst v4  }
0x231: {  	[tilespmem:s31+$0x2880] =	vst v7;
	v4 =	vld [tilespmem:s1+$0x40]  }
0x232: {  	v7 =	vld [tilespmem:s4+$0x10];
	[tilespmem:s15+$0x2BD0] =	vst v5  }
0x233: {  	v5 =	vld [tilespmem:s18+$0x60];
	[tilespmem:s23+$0x2930] =	vst v6  }
0x234: {  	v6 =	vld [tilespmem:s12+$0x40];
	[tilespmem:s19+$0x2E80] =	vst v8  }
0x235: {  	s16 =	spop (v2sf);
	[tilespmem:s22+$0x2DF0] =	vst v3;
	v8 =	vld [tilespmem:s10+$0x10]  }
0x236: {  	[tilespmem:s17+$0x2B40] =	vst v4;
	v3 =	vld [tilespmem:s16+$0x0]  }
0x237: {  	[tilespmem:s31+$0x2890] =	vst v7;
	v4 =	vld [tilespmem:s1+$0x50]  }
0x238: {  	v7 =	vld [tilespmem:s4+$0x20];
	[tilespmem:s15+$0x2BE0] =	vst v5  }
0x239: {  	(v2sf) =	vpush v0, $0x7;
	v5 =	vld [tilespmem:s18+$0x70];
	[tilespmem:s23+$0x2940] =	vst v6  }
0x23a: {  	v6 =	vld [tilespmem:s12+$0x50];
	[tilespmem:s19+$0x2E90] =	vst v8  }
0x23b: {  	[tilespmem:s22+$0x2E00] =	vst v3;
	v8 =	vld [tilespmem:s10+$0x20]  }
0x23c: {  	[tilespmem:s17+$0x2B50] =	vst v4;
	v3 =	vld [tilespmem:s16+$0x10]  }
0x23d: {  	[tilespmem:s31+$0x28A0] =	vst v7;
	v4 =	vld [tilespmem:s1+$0x60]  }
0x23e: {  	v7 =	vld [tilespmem:s4+$0x30];
	[tilespmem:s15+$0x2BF0] =	vst v5  }
0x23f: {  	v5 =	vld [tilespmem:s14+$0x0];
	[tilespmem:s23+$0x2950] =	vst v6  }
0x240: {  	v6 =	vld [tilespmem:s12+$0x60];
	[tilespmem:s19+$0x2EA0] =	vst v8  }
0x241: {  	[tilespmem:s22+$0x2E10] =	vst v3;
	v8 =	vld [tilespmem:s10+$0x30]  }
0x242: {  	[tilespmem:s17+$0x2B60] =	vst v4;
	v3 =	vld [tilespmem:s16+$0x20]  }
0x243: {  	[tilespmem:s31+$0x28B0] =	vst v7;
	v4 =	vld [tilespmem:s1+$0x70]  }
0x244: {  	v7 =	vld [tilespmem:s4+$0x40];
	[tilespmem:s15+$0x2C00] =	vst v5  }
0x245: {  	v5 =	vld [tilespmem:s14+$0x10];
	[tilespmem:s23+$0x2960] =	vst v6  }
0x246: {  	v6 =	vld [tilespmem:s12+$0x70];
	s12 =	sld [smem:$0x7F4];
	[tilespmem:s19+$0x2EB0] =	vst v8  }
0x247: {  	[tilespmem:s22+$0x2E20] =	vst v3;
	v8 =	vld [tilespmem:s10+$0x40]  }
0x248: {  	s20 =	spop (v2sf);
	[tilespmem:s17+$0x2B70] =	vst v4;
	v3 =	vld [tilespmem:s16+$0x30]  }
0x249: {  	[tilespmem:s31+$0x28C0] =	vst v7;
	v4 =	vld [tilespmem:s20+$0x0]  }
0x24a: {  	v7 =	vld [tilespmem:s4+$0x50];
	[tilespmem:s15+$0x2C10] =	vst v5  }
0x24b: {  	v5 =	vld [tilespmem:s14+$0x20];
	[tilespmem:s23+$0x2970] =	vst v6  }
0x24c: {  	v6 =	vld [tilespmem:s3+$0x0];
	[tilespmem:s19+$0x2EC0] =	vst v8  }
0x24d: {  	(v2sf) =	vpush v2, $0x2;
	[tilespmem:s22+$0x2E30] =	vst v3;
	v8 =	vld [tilespmem:s10+$0x50]  }
0x24e: {  	[tilespmem:s17+$0x2B80] =	vst v4;
	v3 =	vld [tilespmem:s16+$0x40]  }
0x24f: {  	[tilespmem:s31+$0x28D0] =	vst v7;
	v4 =	vld [tilespmem:s20+$0x10]  }
0x250: {  	v7 =	vld [tilespmem:s4+$0x60];
	[tilespmem:s15+$0x2C20] =	vst v5  }
0x251: {  	v5 =	vld [tilespmem:s14+$0x30];
	[tilespmem:s23+$0x2980] =	vst v6  }
0x252: {  	v6 =	vld [tilespmem:s3+$0x10];
	[tilespmem:s19+$0x2ED0] =	vst v8  }
0x253: {  	[tilespmem:s22+$0x2E40] =	vst v3;
	v8 =	vld [tilespmem:s10+$0x60]  }
0x254: {  	[tilespmem:s17+$0x2B90] =	vst v4;
	v3 =	vld [tilespmem:s16+$0x50]  }
0x255: {  	[tilespmem:s31+$0x28E0] =	vst v7;
	v4 =	vld [tilespmem:s20+$0x20]  }
0x256: {  	(v2sf) =	vpush v1, $0xD;
	v7 =	vld [tilespmem:s4+$0x70];
	[tilespmem:s15+$0x2C30] =	vst v5  }
0x257: {  	v5 =	vld [tilespmem:s14+$0x40];
	[tilespmem:s23+$0x2990] =	vst v6  }
0x258: {  	v6 =	vld [tilespmem:s3+$0x20];
	[tilespmem:s19+$0x2EE0] =	vst v8  }
0x259: {  	[tilespmem:s22+$0x2E50] =	vst v3;
	v8 =	vld [tilespmem:s10+$0x70]  }
0x25a: {  	[tilespmem:s17+$0x2BA0] =	vst v4;
	v3 =	vld [tilespmem:s16+$0x60]  }
0x25b: {  	[tilespmem:s31+$0x28F0] =	vst v7;
	v4 =	vld [tilespmem:s20+$0x30]  }
0x25c: {  	s24 =	spop (v2sf);
	[tilespmem:s15+$0x2C40] =	vst v5  }
0x25d: {  	v7 =	vld [tilespmem:s24+$0x0];
	[tilespmem:s23+$0x29A0] =	vst v6  }
0x25e: {  	v5 =	vld [tilespmem:s14+$0x50];
	[tilespmem:s19+$0x2EF0] =	vst v8  }
0x25f: {  	v6 =	vld [tilespmem:s3+$0x30];
	s25 =	sld [smem:$0x7F5];
	[tilespmem:s22+$0x2E60] =	vst v3  }
0x260: {  	[tilespmem:s17+$0x2BB0] =	vst v4;
	v3 =	vld [tilespmem:s16+$0x70]  }
0x261: {  	v4 =	vld [tilespmem:s20+$0x40]  }
0x262: {  	[tilespmem:s31+$0x2900] =	vst v7;
	v8 =	vld [tilespmem:s25+$0x0]  }
0x263: {  	[tilespmem:s15+$0x2C50] =	vst v5;
	v7 =	vld [tilespmem:s24+$0x10]  }
0x264: {  	[tilespmem:s23+$0x29B0] =	vst v6;
	v5 =	vld [tilespmem:s14+$0x60]  }
0x265: {  	s28 =	spop (v2sf);
	v6 =	vld [tilespmem:s3+$0x40];
	[tilespmem:s22+$0x2E70] =	vst v3  }
0x266: {  	[tilespmem:s17+$0x2BC0] =	vst v4;
	v3 =	vld [tilespmem:s28+$0x0]  }
0x267: {  	v4 =	vld [tilespmem:s20+$0x50];
	[tilespmem:s19+$0x2F00] =	vst v8  }
0x268: {  	[tilespmem:s31+$0x2910] =	vst v7;
	v8 =	vld [tilespmem:s25+$0x10]  }
0x269: {  	(v2sf) =	vpush v0, $0x8;
	[tilespmem:s15+$0x2C60] =	vst v5;
	v7 =	vld [tilespmem:s24+$0x20]  }
0x26a: {  	v5 =	vld [tilespmem:s14+$0x70];
	[tilespmem:s23+$0x29C0] =	vst v6  }
0x26b: {  	v6 =	vld [tilespmem:s3+$0x50];
	[tilespmem:s22+$0x2E80] =	vst v3  }
0x26c: {  	[tilespmem:s17+$0x2BD0] =	vst v4;
	v3 =	vld [tilespmem:s28+$0x10]  }
0x26d: {  	v4 =	vld [tilespmem:s20+$0x60];
	[tilespmem:s19+$0x2F10] =	vst v8  }
0x26e: {  	[tilespmem:s31+$0x2920] =	vst v7;
	v8 =	vld [tilespmem:s25+$0x20]  }
0x26f: {  	[tilespmem:s15+$0x2C70] =	vst v5;
	v7 =	vld [tilespmem:s24+$0x30]  }
0x270: {  	[tilespmem:s23+$0x29D0] =	vst v6;
	v5 =	vld [tilespmem:s5+$0x0]  }
0x271: {  	v6 =	vld [tilespmem:s3+$0x60];
	[tilespmem:s22+$0x2E90] =	vst v3  }
0x272: {  	[tilespmem:s17+$0x2BE0] =	vst v4;
	v3 =	vld [tilespmem:s28+$0x20]  }
0x273: {  	v4 =	vld [tilespmem:s20+$0x70];
	[tilespmem:s19+$0x2F20] =	vst v8  }
0x274: {  	[tilespmem:s31+$0x2930] =	vst v7;
	v8 =	vld [tilespmem:s25+$0x30]  }
0x275: {  	[tilespmem:s15+$0x2C80] =	vst v5;
	v7 =	vld [tilespmem:s24+$0x40]  }
0x276: {  	[tilespmem:s23+$0x29E0] =	vst v6;
	v5 =	vld [tilespmem:s5+$0x10]  }
0x277: {  	v6 =	vld [tilespmem:s3+$0x70];
	[tilespmem:s22+$0x2EA0] =	vst v3  }
0x278: {  	s0 =	spop (v2sf);
	[tilespmem:s17+$0x2BF0] =	vst v4;
	v3 =	vld [tilespmem:s28+$0x30]  }
0x279: {  	v4 =	vld [tilespmem:s0+$0x0];
	[tilespmem:s19+$0x2F30] =	vst v8  }
0x27a: {  	[tilespmem:s31+$0x2940] =	vst v7;
	v8 =	vld [tilespmem:s25+$0x40]  }
0x27b: {  	[tilespmem:s15+$0x2C90] =	vst v5;
	v7 =	vld [tilespmem:s24+$0x50]  }
0x27c: {  	[tilespmem:s23+$0x29F0] =	vst v6;
	v5 =	vld [tilespmem:s5+$0x20]  }
0x27d: {  	(v2sf) =	vpush v2, $0x3;
	v6 =	vld [tilespmem:s9+$0x0];
	[tilespmem:s22+$0x2EB0] =	vst v3  }
0x27e: {  	[tilespmem:s17+$0x2C00] =	vst v4;
	v3 =	vld [tilespmem:s28+$0x40]  }
0x27f: {  	v4 =	vld [tilespmem:s0+$0x10];
	[tilespmem:s19+$0x2F40] =	vst v8  }
0x280: {  	[tilespmem:s31+$0x2950] =	vst v7;
	v8 =	vld [tilespmem:s25+$0x50]  }
0x281: {  	[tilespmem:s15+$0x2CA0] =	vst v5;
	v7 =	vld [tilespmem:s24+$0x60]  }
0x282: {  	[tilespmem:s23+$0x2A00] =	vst v6;
	v5 =	vld [tilespmem:s5+$0x30]  }
0x283: {  	v6 =	vld [tilespmem:s9+$0x10];
	[tilespmem:s22+$0x2EC0] =	vst v3  }
0x284: {  	[tilespmem:s17+$0x2C10] =	vst v4;
	v3 =	vld [tilespmem:s28+$0x50]  }
0x285: {  	v4 =	vld [tilespmem:s0+$0x20];
	[tilespmem:s19+$0x2F50] =	vst v8  }
0x286: {  	(v2sf) =	vpush v1, $0xE;
	[tilespmem:s31+$0x2960] =	vst v7;
	v8 =	vld [tilespmem:s25+$0x60]  }
0x287: {  	[tilespmem:s15+$0x2CB0] =	vst v5;
	v7 =	vld [tilespmem:s24+$0x70]  }
0x288: {  	[tilespmem:s23+$0x2A10] =	vst v6;
	v5 =	vld [tilespmem:s5+$0x40]  }
0x289: {  	v6 =	vld [tilespmem:s9+$0x20];
	[tilespmem:s22+$0x2ED0] =	vst v3  }
0x28a: {  	[tilespmem:s17+$0x2C20] =	vst v4;
	v3 =	vld [tilespmem:s28+$0x60]  }
0x28b: {  	v4 =	vld [tilespmem:s0+$0x30];
	[tilespmem:s19+$0x2F60] =	vst v8  }
0x28c: {  	s14 =	spop (v2sf);
	[tilespmem:s31+$0x2970] =	vst v7;
	v8 =	vld [tilespmem:s25+$0x70]  }
0x28d: {  	[tilespmem:s15+$0x2CC0] =	vst v5;
	v7 =	vld [tilespmem:s14+$0x0]  }
0x28e: {  	[tilespmem:s23+$0x2A20] =	vst v6;
	v5 =	vld [tilespmem:s5+$0x50]  }
0x28f: {  	v6 =	vld [tilespmem:s9+$0x30];
	[tilespmem:s22+$0x2EE0] =	vst v3  }
0x290: {  	[tilespmem:s17+$0x2C30] =	vst v4;
	v3 =	vld [tilespmem:s28+$0x70]  }
0x291: {  	v4 =	vld [tilespmem:s0+$0x40];
	[tilespmem:s19+$0x2F70] =	vst v8  }
0x292: {  	[tilespmem:s31+$0x2980] =	vst v7;
	v8 =	vld [tilespmem:s12+$0x0]  }
0x293: {  	[tilespmem:s15+$0x2CD0] =	vst v5;
	v7 =	vld [tilespmem:s14+$0x10]  }
0x294: {  	[tilespmem:s23+$0x2A30] =	vst v6;
	v5 =	vld [tilespmem:s5+$0x60]  }
0x295: {  	s10 =	spop (v2sf);
	v6 =	vld [tilespmem:s9+$0x40];
	[tilespmem:s22+$0x2EF0] =	vst v3  }
0x296: {  	[tilespmem:s17+$0x2C40] =	vst v4;
	v3 =	vld [tilespmem:s10+$0x0]  }
0x297: {  	v4 =	vld [tilespmem:s0+$0x50];
	[tilespmem:s19+$0x2F80] =	vst v8  }
0x298: {  	[tilespmem:s31+$0x2990] =	vst v7;
	v8 =	vld [tilespmem:s12+$0x10]  }
0x299: {  	[tilespmem:s15+$0x2CE0] =	vst v5;
	v7 =	vld [tilespmem:s14+$0x20]  }
0x29a: {  	v5 =	vld [tilespmem:s5+$0x70];
	[tilespmem:s23+$0x2A40] =	vst v6  }
0x29b: {  	v6 =	vld [tilespmem:s9+$0x50];
	[tilespmem:s22+$0x2F00] =	vst v3  }
0x29c: {  	[tilespmem:s17+$0x2C50] =	vst v4;
	v4 =	vld [tilespmem:s10+$0x10]  }
0x29d: {  	v9 =	vld [tilespmem:s0+$0x60];
	[tilespmem:s19+$0x2F90] =	vst v8  }
0x29e: {  	[tilespmem:s31+$0x29A0] =	vst v7;
	v8 =	vld [tilespmem:s12+$0x20]  }
0x29f: {  	[tilespmem:s15+$0x2CF0] =	vst v5  }
0x2a0: {  	v7 =	vld [tilespmem:s14+$0x30];
	[tilespmem:s23+$0x2A50] =	vst v6  }
0x2a1: {  	v6 =	vld [tilespmem:s11+$0x0];
	[tilespmem:s22+$0x2F10] =	vst v4  }
0x2a2: {  	v5 =	vld [tilespmem:s9+$0x60];
	[tilespmem:s17+$0x2C60] =	vst v9  }
0x2a3: {  	v4 =	vld [tilespmem:s10+$0x20];
	[tilespmem:s19+$0x2FA0] =	vst v8  }
0x2a4: {  	s29 =	sshll.u32 s21, $0x1;
	v3 =	vld [tilespmem:s12+$0x30];
	[smem:$0x7F6] =	sst s21  }
0x2a5: {  	[smem:$0x7F7] =	sst s29  }
0x2a6: {  	s2 =	simm.s32 $0x6;
	(v2sf) =	vpush v0, $0x9;
	s21 =	sld [smem:$0x7F8]  }
.LBB2_3:
0x2a7: {  	_ =	sdelay $0x6  }
0x2a8: {  	[tilespmem:s31+$0x29B0] =	vst v7  }
0x2a9: {  	v7 =	vld [tilespmem:s0+$0x70];
	[tilespmem:s15+$0x2D00] =	vst v6  }
0x2aa: {  	s3 =	sshll.u32 s2, $0x4;
	v8 =	vld [tilespmem:s14+$0x40];
	[tilespmem:s23+$0x2A60] =	vst v5  }
0x2ab: {  	s4 =	rddreg [dreg:$0x5];
	s24 =	sand.u32 $0x80, s3;
	v5 =	vld [tilespmem:s11+$0x10]  }
0x2ac: {  	s3 =	sand.u32 $0x60, s3;
	s0 =	sadd.s32 s24, s4;
	[tilespmem:s22+$0x2F20] =	vst v4;
	v6 =	vld [tilespmem:s9+$0x70]  }
0x2ad: {  	s0 =	sadd.s32 s3, s0;
	[tilespmem:s19+$0x2FB0] =	vst v3  }
0x2ae: {  	v3 =	vld [tilespmem:s0+$0x0];
	[tilespmem:s17+$0x2C70] =	vst v7  }
0x2af: {  	v4 =	vld [tilespmem:s10+$0x30];
	[tilespmem:s31+$0x29C0] =	vst v8;
	s18 =	spop (v2sf)  }
0x2b0: {  	[tilespmem:s15+$0x2D10] =	vst v5;
	v7 =	vld [tilespmem:s18+$0x0]  }
0x2b1: {  	v8 =	vld [tilespmem:s14+$0x50];
	[tilespmem:s23+$0x2A70] =	vst v6  }
0x2b2: {  	v5 =	vld [tilespmem:s11+$0x20]  }
0x2b3: {  	v6 =	vld [tilespmem:s13+$0x0]  }
0x2b4: {  	[tilespmem:s22+$0x2F30] =	vst v4  }
0x2b5: {  	v9 =	vld [tilespmem:s12+$0x40];
	[tilespmem:s17+$0x2C80] =	vst v7  }
0x2b6: {  	v3 =	vshll.u32 v3, $0x9;
	(v2sf) =	vpush v2, $0x4;
	v4 =	vld [tilespmem:s10+$0x40];
	[tilespmem:s31+$0x29D0] =	vst v8  }
0x2b7: {  	v3 =	vshra.s32 v3, $0x2;
	[tilespmem:s15+$0x2D20] =	vst v5;
	v7 =	vld [tilespmem:s18+$0x10]  }
0x2b8: {  	(v2sf) =	vpush v3, $0x0;
	[tilespmem:s23+$0x2A80] =	vst v6;
	v8 =	vld [tilespmem:s14+$0x60]  }
0x2b9: {  	(v2sf) =	vpush v3, $0x1;
	v5 =	vld [tilespmem:s11+$0x30]  }
0x2ba: {  	(v2sf) =	vpush v3, $0x2;
	v6 =	vld [tilespmem:s13+$0x10];
	[tilespmem:s19+$0x2FC0] =	vst v9  }
0x2bb: {  	(v2sf) =	vpush v3, $0x3;
	[tilespmem:s22+$0x2F40] =	vst v4  }
0x2bc: {  	(v2sf) =	vpush v3, $0x4;
	v9 =	vld [tilespmem:s12+$0x50];
	[tilespmem:s17+$0x2C90] =	vst v7  }
0x2bd: {  	(v2sf) =	vpush v3, $0x5;
	v4 =	vld [tilespmem:s10+$0x50];
	[tilespmem:s31+$0x29E0] =	vst v8  }
0x2be: {  	(v2sf) =	vpush v3, $0x6;
	[tilespmem:s15+$0x2D30] =	vst v5;
	v7 =	vld [tilespmem:s18+$0x20]  }
0x2bf: {  	(v2sf) =	vpush v3, $0x7;
	[tilespmem:s23+$0x2A90] =	vst v6;
	v8 =	vld [tilespmem:s14+$0x70]  }
0x2c0: {  	(v2sf) =	vpush v1, $0xF;
	v1 =	vmov v0;
	v0 =	vmov v2;
	v2 =	vld [tilespmem:s11+$0x40]  }
0x2c1: {  	v5 =	vld [tilespmem:s13+$0x20];
	[tilespmem:s19+$0x2FD0] =	vst v9  }
0x2c2: {  	[tilespmem:s22+$0x2F50] =	vst v4  }
0x2c3: {  	(v2sf) =	vpush v3, $0x8;
	v6 =	vld [tilespmem:s12+$0x60];
	[tilespmem:s17+$0x2CA0] =	vst v7  }
0x2c4: {  	(v2sf) =	vpush v3, $0x9;
	v4 =	vld [tilespmem:s10+$0x60];
	[tilespmem:s31+$0x29F0] =	vst v8  }
0x2c5: {  	s1 =	smov.u32 s12;
	(v2sf) =	vpush v3, $0xA;
	s12 =	spop (v2sf);
	[tilespmem:s15+$0x2D40] =	vst v2;
	v7 =	vld [tilespmem:s18+$0x30]  }
0x2c6: {  	(v2sf) =	vpush v3, $0xB;
	[tilespmem:s23+$0x2AA0] =	vst v5;
	v8 =	vld [tilespmem:s12+$0x0]  }
0x2c7: {  	(v2sf) =	vpush v3, $0xC;
	s5 =	spop (v2sf);
	v2 =	vld [tilespmem:s11+$0x50]  }
0x2c8: {  	(v2sf) =	vpush v3, $0xD;
	v5 =	vld [tilespmem:s5+$0x0];
	[tilespmem:s19+$0x2FE0] =	vst v6  }
0x2c9: {  	(v2sf) =	vpush v3, $0xE;
	[tilespmem:s22+$0x2F60] =	vst v4  }
0x2ca: {  	s29 =	spop (v2sf);
	(v2sf) =	vpush v3, $0xF;
	v3 =	vld [tilespmem:s13+$0x30];
	[tilespmem:s17+$0x2CB0] =	vst v7  }
0x2cb: {  	s25 =	sshll.u32 s2, $0xB;
	s16 =	spop (v2sf);
	v4 =	vld [tilespmem:s10+$0x70];
	[tilespmem:s31+$0x2A00] =	vst v8  }
0x2cc: {  	s8 =	sand.u32 $0x3FFFF800, s25;
	s14 =	spop (v2sf);
	[tilespmem:s15+$0x2D50] =	vst v2;
	v6 =	vld [tilespmem:s18+$0x40]  }
0x2cd: {  	s9 =	spop (v2sf);
	[tilespmem:s8+$0x2800] =	vst v5;
	v7 =	vld [tilespmem:s12+$0x10]  }
0x2ce: {  	s20 =	spop (v2sf);
	v2 =	vld [tilespmem:s11+$0x60]  }
0x2cf: {  	s0 =	spop (v2sf);
	v5 =	vld [tilespmem:s5+$0x10];
	[tilespmem:s23+$0x2AB0] =	vst v3  }
0x2d0: {  	s28 =	spop (v2sf);
	[tilespmem:s22+$0x2F70] =	vst v4  }
0x2d1: {  	s24 =	spop (v2sf);
	v3 =	vld [tilespmem:s13+$0x40];
	[tilespmem:s17+$0x2CC0] =	vst v6  }
0x2d2: {  	[smem:$0x7F2] =	sst s28;
	s10 =	spop (v2sf);
	v4 =	vld [tilespmem:s24+$0x0];
	[tilespmem:s31+$0x2A10] =	vst v7  }
0x2d3: {  	[dreg:$0x1d] =	wrdreg s10;
	s25 =	spop (v2sf);
	[tilespmem:s15+$0x2D60] =	vst v2;
	v6 =	vld [tilespmem:s18+$0x50]  }
0x2d4: {  	[dreg:$0x19] =	wrdreg s25;
	s25 =	spop (v2sf);
	v7 =	vld [tilespmem:s12+$0x20];
	[tilespmem:s8+$0x2810] =	vst v5  }
0x2d5: {  	v2 =	vld [tilespmem:s11+$0x70]  }
0x2d6: {  	v5 =	vld [tilespmem:s5+$0x20];
	[tilespmem:s23+$0x2AC0] =	vst v3  }
0x2d7: {  	[tilespmem:s22+$0x2F80] =	vst v4  }
0x2d8: {  	s3 =	spop (v2sf);
	(v2sf) =	vpush v1, $0xA;
	v3 =	vld [tilespmem:s13+$0x50];
	[tilespmem:s17+$0x2CD0] =	vst v6  }
0x2d9: {  	v4 =	vld [tilespmem:s24+$0x10];
	[tilespmem:s31+$0x2A20] =	vst v7  }
0x2da: {  	[tilespmem:s15+$0x2D70] =	vst v2;
	v6 =	vld [tilespmem:s18+$0x60]  }
0x2db: {  	v7 =	vld [tilespmem:s12+$0x30];
	[tilespmem:s8+$0x2820] =	vst v5  }
0x2dc: {  	v2 =	vld [tilespmem:s21+$0x0]  }
0x2dd: {  	v5 =	vld [tilespmem:s5+$0x30];
	[tilespmem:s23+$0x2AD0] =	vst v3  }
0x2de: {  	[tilespmem:s22+$0x2F90] =	vst v4  }
0x2df: {  	v3 =	vld [tilespmem:s13+$0x60];
	[tilespmem:s17+$0x2CE0] =	vst v6  }
0x2e0: {  	v4 =	vld [tilespmem:s24+$0x20];
	[tilespmem:s31+$0x2A30] =	vst v7  }
0x2e1: {  	s28 =	rddreg [dreg:$0xf];
	[tilespmem:s15+$0x2D80] =	vst v2;
	v6 =	vld [tilespmem:s18+$0x70]  }
0x2e2: {  	s10 =	smov.u32 s28;
	s28 =	smov.u32 s25;
	v7 =	vld [tilespmem:s12+$0x40];
	[tilespmem:s8+$0x2830] =	vst v5  }
0x2e3: {  	[dreg:$0xf] =	wrdreg s28;
	s28 =	spop (v2sf);
	v2 =	vld [tilespmem:s21+$0x10]  }
0x2e4: {  	s25 =	spop (v2sf);
	v5 =	vld [tilespmem:s5+$0x40];
	[tilespmem:s23+$0x2AE0] =	vst v3  }
0x2e5: {  	[smem:$0x7F1] =	sst s28;
	s28 =	spop (v2sf);
	[tilespmem:s22+$0x2FA0] =	vst v4  }
0x2e6: {  	[dreg:$0x1f] =	wrdreg s25;
	s25 =	spop (v2sf);
	v3 =	vld [tilespmem:s13+$0x70];
	[tilespmem:s17+$0x2CF0] =	vst v6  }
0x2e7: {  	s18 =	spop (v2sf);
	v4 =	vld [tilespmem:s24+$0x30];
	[tilespmem:s31+$0x2A40] =	vst v7  }
0x2e8: {  	[tilespmem:s15+$0x2D90] =	vst v2;
	v6 =	vld [tilespmem:s18+$0x0]  }
0x2e9: {  	v7 =	vld [tilespmem:s12+$0x50];
	[tilespmem:s8+$0x2840] =	vst v5  }
0x2ea: {  	v2 =	vld [tilespmem:s21+$0x20]  }
0x2eb: {  	v5 =	vld [tilespmem:s5+$0x50];
	[tilespmem:s23+$0x2AF0] =	vst v3  }
0x2ec: {  	[tilespmem:s22+$0x2FB0] =	vst v4  }
0x2ed: {  	v3 =	vld [tilespmem:s7+$0x0];
	[tilespmem:s17+$0x2D00] =	vst v6  }
0x2ee: {  	v4 =	vld [tilespmem:s24+$0x40];
	[tilespmem:s31+$0x2A50] =	vst v7  }
0x2ef: {  	(v2sf) =	vpush v0, $0x5;
	[tilespmem:s15+$0x2DA0] =	vst v2;
	v6 =	vld [tilespmem:s18+$0x10]  }
0x2f0: {  	v7 =	vld [tilespmem:s12+$0x60];
	[tilespmem:s8+$0x2850] =	vst v5  }
0x2f1: {  	v2 =	vld [tilespmem:s21+$0x30]  }
0x2f2: {  	v5 =	vld [tilespmem:s5+$0x60];
	[tilespmem:s23+$0x2B00] =	vst v3  }
0x2f3: {  	[tilespmem:s22+$0x2FC0] =	vst v4  }
0x2f4: {  	s11 =	smov.u32 s6;
	s13 =	smov.u32 s20;
	s20 =	sor.u32 $0x1, s2;
	v3 =	vld [tilespmem:s7+$0x10];
	[tilespmem:s17+$0x2D10] =	vst v6  }
0x2f5: {  	s6 =	smov.u32 s21;
	[dreg:$0x1b] =	wrdreg s28;
	s21 =	sshll.u32 s20, $0x4;
	v4 =	vld [tilespmem:s24+$0x50];
	[tilespmem:s31+$0x2A60] =	vst v7  }
0x2f6: {  	s28 =	smov.u32 s30;
	s30 =	smov.u32 s26;
	s26 =	sand.u32 $0x80, s21;
	[tilespmem:s15+$0x2DB0] =	vst v2;
	v6 =	vld [tilespmem:s18+$0x20]  }
0x2f7: {  	s21 =	sand.u32 $0x70, s21;
	s26 =	sadd.s32 s26, s4;
	v7 =	vld [tilespmem:s12+$0x70];
	[tilespmem:s8+$0x2860] =	vst v5  }
0x2f8: {  	s4 =	sadd.s32 s21, s26;
	v2 =	vld [tilespmem:s6+$0x40]  }
0x2f9: {  	v5 =	vld [tilespmem:s4+$0x0];
	[tilespmem:s23+$0x2B10] =	vst v3  }
0x2fa: {  	v3 =	vld [tilespmem:s5+$0x70];
	[tilespmem:s22+$0x2FD0] =	vst v4  }
0x2fb: {  	[tilespmem:s17+$0x2D20] =	vst v6  }
0x2fc: {  	v4 =	vld [tilespmem:s24+$0x60];
	[tilespmem:s31+$0x2A70] =	vst v7  }
0x2fd: {  	[tilespmem:s15+$0x2DC0] =	vst v2;
	v6 =	vld [tilespmem:s18+$0x30]  }
0x2fe: {  	s5 =	spop (v2sf);
	v2 =	vshll.u32 v5, $0x9;
	v5 =	vld [tilespmem:s7+$0x20]  }
0x2ff: {  	v7 =	vld [tilespmem:s5+$0x0];
	[tilespmem:s8+$0x2870] =	vst v3  }
0x300: {  	v3 =	vld [tilespmem:s6+$0x50]  }
0x301: {  	v8 =	vld [tilespmem:s29+$0x0];
	[tilespmem:s22+$0x2FE0] =	vst v4  }
0x302: {  	[tilespmem:s17+$0x2D30] =	vst v6  }
0x303: {  	[tilespmem:s23+$0x2B20] =	vst v5;
	v4 =	vld [tilespmem:s24+$0x70]  }
0x304: {  	v2 =	vshra.s32 v2, $0x2;
	[tilespmem:s31+$0x2A80] =	vst v7;
	v7 =	vld [tilespmem:s7+$0x30]  }
0x305: {  	(v2sf) =	vpush v2, $0x0;
	[tilespmem:s15+$0x2DD0] =	vst v3;
	v6 =	vld [tilespmem:s18+$0x40]  }
0x306: {  	v5 =	vld [tilespmem:s5+$0x10];
	[tilespmem:s8+$0x2880] =	vst v8  }
0x307: {  	v3 =	vld [tilespmem:s6+$0x60]  }
0x308: {  	v8 =	vld [tilespmem:s29+$0x10];
	[tilespmem:s22+$0x2FF0] =	vst v4  }
0x309: {  	s22 =	smov.u32 s17;
	v4 =	vld [tilespmem:s1+$0x70];
	[tilespmem:s23+$0x2B30] =	vst v7  }
0x30a: {  	s17 =	smov.u32 s31;
	[tilespmem:s22+$0x2D40] =	vst v6  }
0x30b: {  	v7 =	vld [tilespmem:s7+$0x40];
	[tilespmem:s17+$0x2A90] =	vst v5  }
0x30c: {  	v5 =	vld [tilespmem:s18+$0x50]  }
0x30d: {  	[tilespmem:s15+$0x2DE0] =	vst v3;
	v6 =	vld [tilespmem:s5+$0x20]  }
0x30e: {  	[tilespmem:s8+$0x2890] =	vst v8  }
0x30f: {  	v3 =	vld [tilespmem:s6+$0x70]  }
0x310: {  	v8 =	vld [tilespmem:s29+$0x20];
	[tilespmem:s19+$0x2FF0] =	vst v4  }
0x311: {  	(v2sf) =	vpush v1, $0xB;
	[tilespmem:s22+$0x2D50] =	vst v5  }
0x312: {  	s19 =	smov.u32 s15;
	s15 =	smov.u32 s23;
	[tilespmem:s17+$0x2AA0] =	vst v6  }
0x313: {  	[tilespmem:s15+$0x2B40] =	vst v7;
	v4 =	vld [tilespmem:s18+$0x60]  }
0x314: {  	s23 =	smov.u32 s8;
	s6 =	spop (v2sf);
	[tilespmem:s19+$0x2DF0] =	vst v3;
	v5 =	vld [tilespmem:s5+$0x30]  }
0x315: {  	v6 =	vld [tilespmem:s6+$0x0];
	[tilespmem:s23+$0x28A0] =	vst v8  }
0x316: {  	s21 =	rddreg [dreg:$0x7];
	s24 =	smov.u32 s25;
	v3 =	vld [tilespmem:s7+$0x50]  }
0x317: {  	[dreg:$0x7] =	wrdreg s24;
	v7 =	vld [tilespmem:s29+$0x30]  }
0x318: {  	s20 =	sshll.u32 s20, $0xB;
	s24 =	rddreg [dreg:$0x8];
	[tilespmem:s22+$0x2D60] =	vst v4  }
0x319: {  	s31 =	sand.u32 $0x3FFFF800, s20;
	v8 =	vld [tilespmem:s24+$0x0];
	[tilespmem:s17+$0x2AB0] =	vst v5  }
0x31a: {  	v4 =	vld [tilespmem:s18+$0x70];
	[tilespmem:s31+$0x2800] =	vst v6  }
0x31b: {  	[tilespmem:s15+$0x2B50] =	vst v3;
	v5 =	vld [tilespmem:s5+$0x40]  }
0x31c: {  	[tilespmem:s23+$0x28B0] =	vst v7;
	v6 =	vld [tilespmem:s6+$0x10]  }
0x31d: {  	v3 =	vld [tilespmem:s7+$0x60]  }
0x31e: {  	v7 =	vld [tilespmem:s29+$0x40];
	[tilespmem:s19+$0x2E00] =	vst v8  }
0x31f: {  	s25 =	rddreg [dreg:$0xd];
	[tilespmem:s22+$0x2D70] =	vst v4  }
0x320: {  	s26 =	smov.u32 s21;
	s21 =	smov.u32 s25;
	s25 =	spop (v2sf);
	v8 =	vld [tilespmem:s24+$0x10];
	[tilespmem:s17+$0x2AC0] =	vst v5  }
0x321: {  	v4 =	vld [tilespmem:s25+$0x0];
	[tilespmem:s31+$0x2810] =	vst v6  }
0x322: {  	[tilespmem:s15+$0x2B60] =	vst v3;
	v5 =	vld [tilespmem:s5+$0x50]  }
0x323: {  	[tilespmem:s23+$0x28C0] =	vst v7;
	v6 =	vld [tilespmem:s6+$0x20]  }
0x324: {  	v3 =	vld [tilespmem:s7+$0x70]  }
0x325: {  	v7 =	vld [tilespmem:s29+$0x50];
	[tilespmem:s19+$0x2E10] =	vst v8  }
0x326: {  	[tilespmem:s22+$0x2D80] =	vst v4  }
0x327: {  	(v2sf) =	vpush v0, $0x6;
	v8 =	vld [tilespmem:s24+$0x20];
	[tilespmem:s17+$0x2AD0] =	vst v5  }
0x328: {  	v4 =	vld [tilespmem:s25+$0x10];
	[tilespmem:s31+$0x2820] =	vst v6  }
0x329: {  	[tilespmem:s15+$0x2B70] =	vst v3;
	v5 =	vld [tilespmem:s5+$0x60]  }
0x32a: {  	s7 =	smov.u32 s0;
	s0 =	rddreg [dreg:$0x14];
	[tilespmem:s23+$0x28D0] =	vst v7;
	v6 =	vld [tilespmem:s6+$0x30]  }
0x32b: {  	v3 =	vld [tilespmem:s0+$0x0]  }
0x32c: {  	v7 =	vld [tilespmem:s29+$0x60];
	[tilespmem:s19+$0x2E20] =	vst v8  }
0x32d: {  	[tilespmem:s22+$0x2D90] =	vst v4  }
0x32e: {  	v8 =	vld [tilespmem:s24+$0x30];
	[tilespmem:s17+$0x2AE0] =	vst v5  }
0x32f: {  	v4 =	vld [tilespmem:s25+$0x20];
	[tilespmem:s31+$0x2830] =	vst v6  }
0x330: {  	[tilespmem:s15+$0x2B80] =	vst v3;
	v5 =	vld [tilespmem:s5+$0x70]  }
0x331: {  	[tilespmem:s23+$0x28E0] =	vst v7;
	v6 =	vld [tilespmem:s6+$0x40]  }
0x332: {  	v3 =	vld [tilespmem:s0+$0x10]  }
0x333: {  	v7 =	vld [tilespmem:s29+$0x70];
	[tilespmem:s19+$0x2E30] =	vst v8  }
0x334: {  	[tilespmem:s22+$0x2DA0] =	vst v4  }
0x335: {  	v8 =	vld [tilespmem:s24+$0x40];
	[tilespmem:s17+$0x2AF0] =	vst v5  }
0x336: {  	s5 =	spop (v2sf);
	v4 =	vld [tilespmem:s25+$0x30];
	[tilespmem:s31+$0x2840] =	vst v6  }
0x337: {  	[tilespmem:s15+$0x2B90] =	vst v3;
	v5 =	vld [tilespmem:s5+$0x0]  }
0x338: {  	[tilespmem:s23+$0x28F0] =	vst v7;
	v6 =	vld [tilespmem:s6+$0x50]  }
0x339: {  	v3 =	vld [tilespmem:s0+$0x20]  }
0x33a: {  	v7 =	vld [tilespmem:s16+$0x0];
	[tilespmem:s19+$0x2E40] =	vst v8  }
0x33b: {  	[tilespmem:s22+$0x2DB0] =	vst v4  }
0x33c: {  	v8 =	vld [tilespmem:s24+$0x50];
	[tilespmem:s17+$0x2B00] =	vst v5  }
0x33d: {  	(v2sf) =	vpush v2, $0x1;
	v4 =	vld [tilespmem:s25+$0x40];
	[tilespmem:s31+$0x2850] =	vst v6  }
0x33e: {  	[tilespmem:s15+$0x2BA0] =	vst v3;
	v5 =	vld [tilespmem:s5+$0x10]  }
0x33f: {  	[tilespmem:s23+$0x2900] =	vst v7;
	v6 =	vld [tilespmem:s6+$0x60]  }
0x340: {  	v3 =	vld [tilespmem:s0+$0x30]  }
0x341: {  	v7 =	vld [tilespmem:s16+$0x10];
	[tilespmem:s19+$0x2E50] =	vst v8  }
0x342: {  	[tilespmem:s22+$0x2DC0] =	vst v4  }
0x343: {  	v8 =	vld [tilespmem:s24+$0x60];
	[tilespmem:s17+$0x2B10] =	vst v5  }
0x344: {  	v4 =	vld [tilespmem:s25+$0x50];
	[tilespmem:s31+$0x2860] =	vst v6  }
0x345: {  	[tilespmem:s15+$0x2BB0] =	vst v3;
	v5 =	vld [tilespmem:s5+$0x20]  }
0x346: {  	[tilespmem:s23+$0x2910] =	vst v7;
	v6 =	vld [tilespmem:s6+$0x70]  }
0x347: {  	v3 =	vld [tilespmem:s0+$0x40]  }
0x348: {  	v7 =	vld [tilespmem:s16+$0x20];
	[tilespmem:s19+$0x2E60] =	vst v8  }
0x349: {  	(v2sf) =	vpush v1, $0xC;
	[tilespmem:s22+$0x2DD0] =	vst v4  }
0x34a: {  	v8 =	vld [tilespmem:s24+$0x70];
	[tilespmem:s17+$0x2B20] =	vst v5  }
0x34b: {  	v4 =	vld [tilespmem:s25+$0x60];
	[tilespmem:s31+$0x2870] =	vst v6  }
0x34c: {  	s20 =	spop (v2sf);
	[tilespmem:s15+$0x2BC0] =	vst v3;
	v5 =	vld [tilespmem:s5+$0x30]  }
0x34d: {  	[tilespmem:s23+$0x2920] =	vst v7;
	v6 =	vld [tilespmem:s20+$0x0]  }
0x34e: {  	v3 =	vld [tilespmem:s0+$0x50]  }
0x34f: {  	v7 =	vld [tilespmem:s16+$0x30];
	[tilespmem:s19+$0x2E70] =	vst v8  }
0x350: {  	s24 =	rddreg [dreg:$0x3];
	[tilespmem:s22+$0x2DE0] =	vst v4  }
0x351: {  	v8 =	vld [tilespmem:s24+$0x0];
	[tilespmem:s17+$0x2B30] =	vst v5  }
0x352: {  	v4 =	vld [tilespmem:s25+$0x70];
	[tilespmem:s31+$0x2880] =	vst v6  }
0x353: {  	[tilespmem:s15+$0x2BD0] =	vst v3;
	v5 =	vld [tilespmem:s5+$0x40]  }
0x354: {  	[tilespmem:s23+$0x2930] =	vst v7;
	v6 =	vld [tilespmem:s20+$0x10]  }
0x355: {  	v3 =	vld [tilespmem:s0+$0x60]  }
0x356: {  	v7 =	vld [tilespmem:s16+$0x40];
	[tilespmem:s19+$0x2E80] =	vst v8  }
0x357: {  	[tilespmem:s22+$0x2DF0] =	vst v4  }
0x358: {  	s4 =	smov.u32 s3;
	s3 =	spop (v2sf);
	v8 =	vld [tilespmem:s24+$0x10];
	[tilespmem:s17+$0x2B40] =	vst v5  }
0x359: {  	v4 =	vld [tilespmem:s3+$0x0];
	[tilespmem:s31+$0x2890] =	vst v6  }
0x35a: {  	[tilespmem:s15+$0x2BE0] =	vst v3;
	v5 =	vld [tilespmem:s5+$0x50]  }
0x35b: {  	[tilespmem:s23+$0x2940] =	vst v7;
	v6 =	vld [tilespmem:s20+$0x20]  }
0x35c: {  	v3 =	vld [tilespmem:s0+$0x70]  }
0x35d: {  	v7 =	vld [tilespmem:s16+$0x50];
	[tilespmem:s19+$0x2E90] =	vst v8  }
0x35e: {  	[tilespmem:s22+$0x2E00] =	vst v4  }
0x35f: {  	(v2sf) =	vpush v0, $0x7;
	v8 =	vld [tilespmem:s24+$0x20];
	[tilespmem:s17+$0x2B50] =	vst v5  }
0x360: {  	v4 =	vld [tilespmem:s3+$0x10];
	[tilespmem:s31+$0x28A0] =	vst v6  }
0x361: {  	[tilespmem:s15+$0x2BF0] =	vst v3;
	v5 =	vld [tilespmem:s5+$0x60]  }
0x362: {  	s8 =	smov.u32 s11;
	s11 =	smov.u32 s10;
	s10 =	rddreg [dreg:$0x12];
	[tilespmem:s23+$0x2950] =	vst v7;
	v6 =	vld [tilespmem:s20+$0x30]  }
0x363: {  	v3 =	vld [tilespmem:s10+$0x0]  }
0x364: {  	v7 =	vld [tilespmem:s16+$0x60];
	[tilespmem:s19+$0x2EA0] =	vst v8  }
0x365: {  	[tilespmem:s22+$0x2E10] =	vst v4  }
0x366: {  	v8 =	vld [tilespmem:s24+$0x30];
	[tilespmem:s17+$0x2B60] =	vst v5  }
0x367: {  	v4 =	vld [tilespmem:s3+$0x20];
	[tilespmem:s31+$0x28B0] =	vst v6  }
0x368: {  	[tilespmem:s15+$0x2C00] =	vst v3;
	v5 =	vld [tilespmem:s5+$0x70]  }
0x369: {  	[tilespmem:s23+$0x2960] =	vst v7;
	v6 =	vld [tilespmem:s20+$0x40]  }
0x36a: {  	v3 =	vld [tilespmem:s10+$0x10]  }
0x36b: {  	v7 =	vld [tilespmem:s16+$0x70];
	[tilespmem:s19+$0x2EB0] =	vst v8  }
0x36c: {  	[tilespmem:s22+$0x2E20] =	vst v4  }
0x36d: {  	v8 =	vld [tilespmem:s24+$0x40];
	[tilespmem:s17+$0x2B70] =	vst v5  }
0x36e: {  	s0 =	spop (v2sf);
	v4 =	vld [tilespmem:s3+$0x30];
	[tilespmem:s31+$0x28C0] =	vst v6  }
0x36f: {  	[tilespmem:s15+$0x2C10] =	vst v3;
	v5 =	vld [tilespmem:s0+$0x0]  }
0x370: {  	[tilespmem:s23+$0x2970] =	vst v7;
	v6 =	vld [tilespmem:s20+$0x50]  }
0x371: {  	v3 =	vld [tilespmem:s10+$0x20]  }
0x372: {  	v7 =	vld [tilespmem:s14+$0x0];
	[tilespmem:s19+$0x2EC0] =	vst v8  }
0x373: {  	[tilespmem:s22+$0x2E30] =	vst v4  }
0x374: {  	v8 =	vld [tilespmem:s24+$0x50];
	[tilespmem:s17+$0x2B80] =	vst v5  }
0x375: {  	(v2sf) =	vpush v2, $0x2;
	v4 =	vld [tilespmem:s3+$0x40];
	[tilespmem:s31+$0x28D0] =	vst v6  }
0x376: {  	[tilespmem:s15+$0x2C20] =	vst v3;
	v5 =	vld [tilespmem:s0+$0x10]  }
0x377: {  	[tilespmem:s23+$0x2980] =	vst v7;
	v6 =	vld [tilespmem:s20+$0x60]  }
0x378: {  	v3 =	vld [tilespmem:s10+$0x30]  }
0x379: {  	v7 =	vld [tilespmem:s14+$0x10];
	[tilespmem:s19+$0x2ED0] =	vst v8  }
0x37a: {  	[tilespmem:s22+$0x2E40] =	vst v4  }
0x37b: {  	v8 =	vld [tilespmem:s24+$0x60];
	[tilespmem:s17+$0x2B90] =	vst v5  }
0x37c: {  	v4 =	vld [tilespmem:s3+$0x50];
	[tilespmem:s31+$0x28E0] =	vst v6  }
0x37d: {  	[tilespmem:s15+$0x2C30] =	vst v3;
	v5 =	vld [tilespmem:s0+$0x20]  }
0x37e: {  	[tilespmem:s23+$0x2990] =	vst v7;
	v6 =	vld [tilespmem:s20+$0x70]  }
0x37f: {  	v3 =	vld [tilespmem:s10+$0x40]  }
0x380: {  	s25 =	sld [smem:$0x7F2];
	v7 =	vld [tilespmem:s14+$0x20];
	[tilespmem:s19+$0x2EE0] =	vst v8  }
0x381: {  	(v2sf) =	vpush v1, $0xD;
	[tilespmem:s22+$0x2E50] =	vst v4  }
0x382: {  	v8 =	vld [tilespmem:s24+$0x70];
	[tilespmem:s17+$0x2BA0] =	vst v5  }
0x383: {  	s29 =	smov.u32 s25;
	v4 =	vld [tilespmem:s3+$0x60];
	[tilespmem:s31+$0x28F0] =	vst v6  }
0x384: {  	[dreg:$0x14] =	wrdreg s29;
	s29 =	spop (v2sf);
	[tilespmem:s15+$0x2C40] =	vst v3;
	v5 =	vld [tilespmem:s0+$0x30]  }
0x385: {  	[tilespmem:s23+$0x29A0] =	vst v7;
	v6 =	vld [tilespmem:s29+$0x0]  }
0x386: {  	v3 =	vld [tilespmem:s10+$0x50]  }
0x387: {  	v7 =	vld [tilespmem:s14+$0x30];
	[tilespmem:s19+$0x2EF0] =	vst v8  }
0x388: {  	[tilespmem:s22+$0x2E60] =	vst v4  }
0x389: {  	v8 =	vld [tilespmem:s28+$0x0];
	[tilespmem:s17+$0x2BB0] =	vst v5  }
0x38a: {  	v4 =	vld [tilespmem:s3+$0x70];
	[tilespmem:s31+$0x2900] =	vst v6  }
0x38b: {  	[tilespmem:s15+$0x2C50] =	vst v3;
	v5 =	vld [tilespmem:s0+$0x40]  }
0x38c: {  	[tilespmem:s23+$0x29B0] =	vst v7;
	v6 =	vld [tilespmem:s29+$0x10]  }
0x38d: {  	v3 =	vld [tilespmem:s10+$0x60]  }
0x38e: {  	v7 =	vld [tilespmem:s14+$0x40];
	[tilespmem:s19+$0x2F00] =	vst v8  }
0x38f: {  	[tilespmem:s22+$0x2E70] =	vst v4  }
0x390: {  	[dreg:$0x8] =	wrdreg s8;
	s8 =	spop (v2sf);
	v8 =	vld [tilespmem:s28+$0x10];
	[tilespmem:s17+$0x2BC0] =	vst v5  }
0x391: {  	v4 =	vld [tilespmem:s8+$0x0];
	[tilespmem:s31+$0x2910] =	vst v6  }
0x392: {  	[tilespmem:s15+$0x2C60] =	vst v3;
	v5 =	vld [tilespmem:s0+$0x50]  }
0x393: {  	[tilespmem:s23+$0x29C0] =	vst v7;
	v6 =	vld [tilespmem:s29+$0x20]  }
0x394: {  	v3 =	vld [tilespmem:s10+$0x70]  }
0x395: {  	v7 =	vld [tilespmem:s14+$0x50];
	[tilespmem:s19+$0x2F10] =	vst v8  }
0x396: {  	s18 =	sld [smem:$0x7F1];
	[tilespmem:s22+$0x2E80] =	vst v4  }
0x397: {  	(v2sf) =	vpush v0, $0x8;
	v8 =	vld [tilespmem:s28+$0x20];
	[tilespmem:s17+$0x2BD0] =	vst v5  }
0x398: {  	v4 =	vld [tilespmem:s8+$0x10];
	[tilespmem:s31+$0x2920] =	vst v6  }
0x399: {  	s6 =	smov.u32 s18;
	s18 =	rddreg [dreg:$0xa];
	[tilespmem:s15+$0x2C70] =	vst v3;
	v5 =	vld [tilespmem:s0+$0x60]  }
0x39a: {  	s20 =	smov.u32 s18;
	s18 =	rddreg [dreg:$0x11];
	[tilespmem:s23+$0x29D0] =	vst v7;
	v6 =	vld [tilespmem:s29+$0x30]  }
0x39b: {  	v3 =	vld [tilespmem:s18+$0x0]  }
0x39c: {  	v7 =	vld [tilespmem:s14+$0x60];
	[tilespmem:s19+$0x2F20] =	vst v8  }
0x39d: {  	[tilespmem:s22+$0x2E90] =	vst v4  }
0x39e: {  	v8 =	vld [tilespmem:s28+$0x30];
	[tilespmem:s17+$0x2BE0] =	vst v5  }
0x39f: {  	v4 =	vld [tilespmem:s8+$0x20];
	[tilespmem:s31+$0x2930] =	vst v6  }
0x3a0: {  	[tilespmem:s15+$0x2C80] =	vst v3;
	v5 =	vld [tilespmem:s0+$0x70]  }
0x3a1: {  	[tilespmem:s23+$0x29E0] =	vst v7;
	v6 =	vld [tilespmem:s29+$0x40]  }
0x3a2: {  	v3 =	vld [tilespmem:s18+$0x10]  }
0x3a3: {  	v7 =	vld [tilespmem:s14+$0x70];
	[tilespmem:s19+$0x2F30] =	vst v8  }
0x3a4: {  	[tilespmem:s22+$0x2EA0] =	vst v4  }
0x3a5: {  	v8 =	vld [tilespmem:s28+$0x40];
	[tilespmem:s17+$0x2BF0] =	vst v5  }
0x3a6: {  	s0 =	spop (v2sf);
	v4 =	vld [tilespmem:s8+$0x30];
	[tilespmem:s31+$0x2940] =	vst v6  }
0x3a7: {  	[tilespmem:s15+$0x2C90] =	vst v3;
	v5 =	vld [tilespmem:s0+$0x0]  }
0x3a8: {  	[tilespmem:s23+$0x29F0] =	vst v7;
	v6 =	vld [tilespmem:s29+$0x50]  }
0x3a9: {  	v3 =	vld [tilespmem:s18+$0x20]  }
0x3aa: {  	v7 =	vld [tilespmem:s9+$0x0];
	[tilespmem:s19+$0x2F40] =	vst v8  }
0x3ab: {  	[tilespmem:s22+$0x2EB0] =	vst v4  }
0x3ac: {  	v8 =	vld [tilespmem:s28+$0x50];
	[tilespmem:s17+$0x2C00] =	vst v5  }
0x3ad: {  	(v2sf) =	vpush v2, $0x3;
	v4 =	vld [tilespmem:s8+$0x40];
	[tilespmem:s31+$0x2950] =	vst v6  }
0x3ae: {  	[tilespmem:s15+$0x2CA0] =	vst v3;
	v5 =	vld [tilespmem:s0+$0x10]  }
0x3af: {  	[tilespmem:s23+$0x2A00] =	vst v7;
	v6 =	vld [tilespmem:s29+$0x60]  }
0x3b0: {  	v3 =	vld [tilespmem:s18+$0x30]  }
0x3b1: {  	v7 =	vld [tilespmem:s9+$0x10];
	[tilespmem:s19+$0x2F50] =	vst v8  }
0x3b2: {  	[tilespmem:s22+$0x2EC0] =	vst v4  }
0x3b3: {  	v8 =	vld [tilespmem:s28+$0x60];
	[tilespmem:s17+$0x2C10] =	vst v5  }
0x3b4: {  	v4 =	vld [tilespmem:s8+$0x50];
	[tilespmem:s31+$0x2960] =	vst v6  }
0x3b5: {  	[tilespmem:s15+$0x2CB0] =	vst v3;
	v5 =	vld [tilespmem:s0+$0x20]  }
0x3b6: {  	[tilespmem:s23+$0x2A10] =	vst v7;
	v6 =	vld [tilespmem:s29+$0x70]  }
0x3b7: {  	v3 =	vld [tilespmem:s18+$0x40]  }
0x3b8: {  	v7 =	vld [tilespmem:s9+$0x20];
	[tilespmem:s19+$0x2F60] =	vst v8  }
0x3b9: {  	(v2sf) =	vpush v1, $0xE;
	[tilespmem:s22+$0x2ED0] =	vst v4  }
0x3ba: {  	v8 =	vld [tilespmem:s28+$0x70];
	[tilespmem:s17+$0x2C20] =	vst v5  }
0x3bb: {  	v4 =	vld [tilespmem:s8+$0x60];
	[tilespmem:s31+$0x2970] =	vst v6  }
0x3bc: {  	s14 =	spop (v2sf);
	[tilespmem:s15+$0x2CC0] =	vst v3;
	v5 =	vld [tilespmem:s0+$0x30]  }
0x3bd: {  	[tilespmem:s23+$0x2A20] =	vst v7;
	v6 =	vld [tilespmem:s14+$0x0]  }
0x3be: {  	v3 =	vld [tilespmem:s18+$0x50]  }
0x3bf: {  	v7 =	vld [tilespmem:s9+$0x30];
	[tilespmem:s19+$0x2F70] =	vst v8  }
0x3c0: {  	s12 =	smov.u32 s30;
	[tilespmem:s22+$0x2EE0] =	vst v4  }
0x3c1: {  	v8 =	vld [tilespmem:s12+$0x0];
	[tilespmem:s17+$0x2C30] =	vst v5  }
0x3c2: {  	v4 =	vld [tilespmem:s8+$0x70];
	[tilespmem:s31+$0x2980] =	vst v6  }
0x3c3: {  	[tilespmem:s15+$0x2CD0] =	vst v3;
	v5 =	vld [tilespmem:s0+$0x40]  }
0x3c4: {  	[tilespmem:s23+$0x2A30] =	vst v7;
	v6 =	vld [tilespmem:s14+$0x10]  }
0x3c5: {  	v3 =	vld [tilespmem:s18+$0x60]  }
0x3c6: {  	v7 =	vld [tilespmem:s9+$0x40];
	[tilespmem:s19+$0x2F80] =	vst v8  }
0x3c7: {  	s10 =	rddreg [dreg:$0x1d];
	[tilespmem:s22+$0x2EF0] =	vst v4  }
0x3c8: {  	s16 =	smov.u32 s10;
	s10 =	spop (v2sf);
	v8 =	vld [tilespmem:s12+$0x10];
	[tilespmem:s17+$0x2C40] =	vst v5  }
0x3c9: {  	v4 =	vld [tilespmem:s10+$0x0];
	[tilespmem:s31+$0x2990] =	vst v6  }
0x3ca: {  	[tilespmem:s15+$0x2CE0] =	vst v3;
	v5 =	vld [tilespmem:s0+$0x50]  }
0x3cb: {  	[tilespmem:s23+$0x2A40] =	vst v7;
	v6 =	vld [tilespmem:s14+$0x20]  }
0x3cc: {  	v3 =	vld [tilespmem:s18+$0x70]  }
0x3cd: {  	v63 =	vld [tilespmem:s9+$0x50];
	[tilespmem:s19+$0x2F90] =	vst v8  }
0x3ce: {  	[dreg:$0xd] =	wrdreg s4;
	[tilespmem:s22+$0x2F00] =	vst v4  }
0x3cf: {  	[dreg:$0x3] =	wrdreg s20;
	v8 =	vld [tilespmem:s12+$0x20];
	[tilespmem:s17+$0x2C50] =	vst v5  }
0x3d0: {  	s24 =	rddreg [dreg:$0x1f];
	v4 =	vld [tilespmem:s10+$0x10];
	[tilespmem:s31+$0x29A0] =	vst v6  }
0x3d1: {  	s20 =	rddreg [dreg:$0x9];
	[tilespmem:s15+$0x2CF0] =	vst v3;
	v10 =	vld [tilespmem:s0+$0x60]  }
0x3d2: {  	p1 =	slt.u32 s2, $0xE;
	s25 =	smov.u32 s24;
	s24 =	rddreg [dreg:$0x1b];
	[tilespmem:s23+$0x2A50] =	vst v63  }
.Ltmp0:
0x3d3: {  	[dreg:$0xa] =	wrdreg s25;
	s25 =	smov.u32 s24;
	v6 =	vld [tilespmem:s11+$0x0];
	(pc) =	sbr.rel @p1 .LBB2_3-.Ltmp0, $4  }
0x3d4: {  	[dreg:$0x9] =	wrdreg s25;
	v5 =	vld [tilespmem:s9+$0x60];
	[tilespmem:s19+$0x2FA0] =	vst v8  }
0x3d5: {  	s28 =	rddreg [dreg:$0x19];
	v7 =	vld [tilespmem:s14+$0x30];
	[tilespmem:s22+$0x2F10] =	vst v4  }
0x3d6: {  	[dreg:$0x12] =	wrdreg s16;
	s29 =	smov.u32 s28;
	v3 =	vld [tilespmem:s12+$0x30];
	[tilespmem:s17+$0x2C60] =	vst v10  }
0x3d7: {  	s2 =	sadd.s32 $0x2, s2;
	s30 =	smov.u32 s20;
	(v2sf) =	vpush v0, $0x9;
	[dreg:$0x11] =	wrdreg s29;
	v4 =	vld [tilespmem:s10+$0x20]  }
0x3d8: {  	_ =	sdelay $0x2  }
0x3d9: {  	[tilespmem:s31+$0x29B0] =	vst v7  }
0x3da: {  	v7 =	vld [tilespmem:s14+$0x40]  }
0x3db: {  	[tilespmem:s15+$0x2D00] =	vst v6  }
0x3dc: {  	v6 =	vld [tilespmem:s11+$0x10];
	_ =	sdelay $0x2  }
0x3dd: {  	v8 =	vld [tilespmem:s0+$0x70];
	[tilespmem:s31+$0x29C0] =	vst v7  }
0x3de: {  	v7 =	vld [tilespmem:s14+$0x50]  }
0x3df: {  	[tilespmem:s15+$0x2D10] =	vst v6  }
0x3e0: {  	(v2sf) =	vpush v2, $0x4;
	v6 =	vld [tilespmem:s11+$0x20]  }
0x3e1: {  	[tilespmem:s23+$0x2A60] =	vst v5  }
0x3e2: {  	[tilespmem:s17+$0x2C70] =	vst v8;
	v8 =	vld [tilespmem:s9+$0x70];
	s24 =	spop (v2sf)  }
0x3e3: {  	[tilespmem:s31+$0x29D0] =	vst v7;
	v5 =	vld [tilespmem:s24+$0x0]  }
0x3e4: {  	v7 =	vld [tilespmem:s14+$0x60]  }
0x3e5: {  	[tilespmem:s15+$0x2D20] =	vst v6  }
0x3e6: {  	v6 =	vld [tilespmem:s11+$0x30]  }
0x3e7: {  	[tilespmem:s23+$0x2A70] =	vst v8  }
0x3e8: {  	v8 =	vld [tilespmem:s13+$0x0];
	[tilespmem:s17+$0x2C80] =	vst v5  }
0x3e9: {  	[tilespmem:s31+$0x29E0] =	vst v7;
	v5 =	vld [tilespmem:s24+$0x10]  }
0x3ea: {  	v7 =	vld [tilespmem:s14+$0x70]  }
0x3eb: {  	[tilespmem:s15+$0x2D30] =	vst v6  }
0x3ec: {  	v6 =	vld [tilespmem:s11+$0x40]  }
0x3ed: {  	[tilespmem:s23+$0x2A80] =	vst v8  }
0x3ee: {  	v8 =	vld [tilespmem:s13+$0x10];
	[tilespmem:s17+$0x2C90] =	vst v5  }
0x3ef: {  	s3 =	spop (v2sf);
	[tilespmem:s31+$0x29F0] =	vst v7;
	v5 =	vld [tilespmem:s24+$0x20]  }
0x3f0: {  	v7 =	vld [tilespmem:s3+$0x0]  }
0x3f1: {  	[tilespmem:s15+$0x2D40] =	vst v6  }
0x3f2: {  	v6 =	vld [tilespmem:s11+$0x50]  }
0x3f3: {  	[tilespmem:s23+$0x2A90] =	vst v8  }
0x3f4: {  	v8 =	vld [tilespmem:s13+$0x20];
	[tilespmem:s17+$0x2CA0] =	vst v5  }
0x3f5: {  	[tilespmem:s31+$0x2A00] =	vst v7;
	v5 =	vld [tilespmem:s24+$0x30]  }
0x3f6: {  	v7 =	vld [tilespmem:s3+$0x10]  }
0x3f7: {  	[tilespmem:s15+$0x2D50] =	vst v6  }
0x3f8: {  	v6 =	vld [tilespmem:s11+$0x60]  }
0x3f9: {  	[tilespmem:s23+$0x2AA0] =	vst v8  }
0x3fa: {  	v8 =	vld [tilespmem:s13+$0x30];
	[tilespmem:s17+$0x2CB0] =	vst v5  }
0x3fb: {  	[tilespmem:s31+$0x2A10] =	vst v7;
	v5 =	vld [tilespmem:s24+$0x40]  }
0x3fc: {  	v7 =	vld [tilespmem:s3+$0x20]  }
0x3fd: {  	[tilespmem:s15+$0x2D60] =	vst v6  }
0x3fe: {  	v6 =	vld [tilespmem:s11+$0x70]  }
0x3ff: {  	[tilespmem:s23+$0x2AB0] =	vst v8  }
0x400: {  	(v2sf) =	vpush v1, $0xF;
	v1 =	vld [tilespmem:s13+$0x40];
	[tilespmem:s17+$0x2CC0] =	vst v5  }
0x401: {  	[tilespmem:s31+$0x2A20] =	vst v7;
	v5 =	vld [tilespmem:s24+$0x50]  }
0x402: {  	v7 =	vld [tilespmem:s3+$0x30]  }
0x403: {  	(v2sf) =	vpush v0, $0xA;
	[tilespmem:s15+$0x2D70] =	vst v6  }
0x404: {  	v6 =	vld [tilespmem:s21+$0x0]  }
0x405: {  	[tilespmem:s23+$0x2AC0] =	vst v1  }
0x406: {  	[tilespmem:s17+$0x2CD0] =	vst v5;
	v5 =	vld [tilespmem:s13+$0x50]  }
0x407: {  	[tilespmem:s31+$0x2A30] =	vst v7;
	v1 =	vld [tilespmem:s24+$0x60]  }
0x408: {  	v7 =	vld [tilespmem:s3+$0x40]  }
0x409: {  	[tilespmem:s15+$0x2D80] =	vst v6  }
0x40a: {  	v6 =	vld [tilespmem:s21+$0x10]  }
0x40b: {  	[tilespmem:s23+$0x2AD0] =	vst v5  }
0x40c: {  	[tilespmem:s17+$0x2CE0] =	vst v1;
	v5 =	vld [tilespmem:s13+$0x60]  }
0x40d: {  	[tilespmem:s31+$0x2A40] =	vst v7;
	v1 =	vld [tilespmem:s24+$0x70]  }
0x40e: {  	v7 =	vld [tilespmem:s3+$0x50]  }
0x40f: {  	[tilespmem:s15+$0x2D90] =	vst v6  }
0x410: {  	(v2sf) =	vpush v2, $0x5;
	v6 =	vld [tilespmem:s21+$0x20]  }
0x411: {  	s25 =	spop (v2sf);
	[tilespmem:s23+$0x2AE0] =	vst v5  }
0x412: {  	s2 =	spop (v2sf);
	[tilespmem:s17+$0x2CF0] =	vst v1;
	v5 =	vld [tilespmem:s13+$0x70]  }
0x413: {  	[tilespmem:s31+$0x2A50] =	vst v7;
	v1 =	vld [tilespmem:s2+$0x0]  }
0x414: {  	[tilespmem:s22+$0x2F20] =	vst v4;
	v4 =	vld [tilespmem:s3+$0x60]  }
0x415: {  	[tilespmem:s15+$0x2DA0] =	vst v6  }
0x416: {  	v6 =	vld [tilespmem:s21+$0x30]  }
0x417: {  	v7 =	vld [tilespmem:s10+$0x30];
	[tilespmem:s23+$0x2AF0] =	vst v5  }
0x418: {  	[tilespmem:s17+$0x2D00] =	vst v1;
	v5 =	vld [tilespmem:s7+$0x0]  }
0x419: {  	[tilespmem:s31+$0x2A60] =	vst v4;
	v1 =	vld [tilespmem:s2+$0x10]  }
0x41a: {  	v4 =	vld [tilespmem:s3+$0x70]  }
0x41b: {  	[tilespmem:s15+$0x2DB0] =	vst v6  }
0x41c: {  	[tilespmem:s22+$0x2F30] =	vst v7;
	v6 =	vld [tilespmem:s21+$0x40]  }
0x41d: {  	v7 =	vld [tilespmem:s10+$0x40];
	[tilespmem:s23+$0x2B00] =	vst v5  }
0x41e: {  	[tilespmem:s17+$0x2D10] =	vst v1;
	v5 =	vld [tilespmem:s7+$0x10]  }
0x41f: {  	s1 =	spop (v2sf);
	[tilespmem:s31+$0x2A70] =	vst v4;
	v1 =	vld [tilespmem:s2+$0x20]  }
0x420: {  	v4 =	vld [tilespmem:s1+$0x0]  }
0x421: {  	[tilespmem:s15+$0x2DC0] =	vst v6  }
0x422: {  	[tilespmem:s22+$0x2F40] =	vst v7;
	v6 =	vld [tilespmem:s21+$0x50]  }
0x423: {  	v7 =	vld [tilespmem:s10+$0x50];
	[tilespmem:s23+$0x2B10] =	vst v5  }
0x424: {  	[tilespmem:s17+$0x2D20] =	vst v1;
	v5 =	vld [tilespmem:s7+$0x20]  }
0x425: {  	[tilespmem:s31+$0x2A80] =	vst v4;
	v1 =	vld [tilespmem:s2+$0x30]  }
0x426: {  	v4 =	vld [tilespmem:s1+$0x10]  }
0x427: {  	[tilespmem:s15+$0x2DD0] =	vst v6  }
0x428: {  	[tilespmem:s22+$0x2F50] =	vst v7;
	v6 =	vld [tilespmem:s21+$0x60]  }
0x429: {  	v7 =	vld [tilespmem:s10+$0x60];
	[tilespmem:s23+$0x2B20] =	vst v5  }
0x42a: {  	[tilespmem:s17+$0x2D30] =	vst v1;
	v5 =	vld [tilespmem:s7+$0x30]  }
0x42b: {  	[tilespmem:s31+$0x2A90] =	vst v4;
	v1 =	vld [tilespmem:s2+$0x40]  }
0x42c: {  	v4 =	vld [tilespmem:s1+$0x20]  }
0x42d: {  	[tilespmem:s15+$0x2DE0] =	vst v6  }
0x42e: {  	[tilespmem:s22+$0x2F60] =	vst v7;
	v6 =	vld [tilespmem:s21+$0x70]  }
0x42f: {  	v7 =	vld [tilespmem:s10+$0x70];
	[tilespmem:s23+$0x2B30] =	vst v5  }
0x430: {  	[tilespmem:s17+$0x2D40] =	vst v1;
	v5 =	vld [tilespmem:s7+$0x40]  }
0x431: {  	[tilespmem:s31+$0x2AA0] =	vst v4;
	v1 =	vld [tilespmem:s2+$0x50]  }
0x432: {  	v4 =	vld [tilespmem:s1+$0x30]  }
0x433: {  	(v2sf) =	vpush v0, $0xB;
	[tilespmem:s15+$0x2DF0] =	vst v6  }
0x434: {  	[tilespmem:s22+$0x2F70] =	vst v7  }
0x435: {  	v7 =	vld [tilespmem:s25+$0x0];
	[tilespmem:s23+$0x2B40] =	vst v5  }
0x436: {  	[tilespmem:s17+$0x2D50] =	vst v1;
	v5 =	vld [tilespmem:s7+$0x50]  }
0x437: {  	v1 =	vld [tilespmem:s2+$0x60];
	s4 =	rddreg [dreg:$0x8];
	[tilespmem:s31+$0x2AB0] =	vst v4  }
0x438: {  	v4 =	vld [tilespmem:s1+$0x40];
	_ =	sdelay $0x1  }
0x439: {  	[tilespmem:s22+$0x2F80] =	vst v7;
	v6 =	vld [tilespmem:s4+$0x0]  }
0x43a: {  	v7 =	vld [tilespmem:s25+$0x10];
	[tilespmem:s23+$0x2B50] =	vst v5  }
0x43b: {  	[tilespmem:s17+$0x2D60] =	vst v1;
	v5 =	vld [tilespmem:s7+$0x60]  }
0x43c: {  	v1 =	vld [tilespmem:s2+$0x70];
	[tilespmem:s31+$0x2AC0] =	vst v4  }
0x43d: {  	v4 =	vld [tilespmem:s1+$0x50]  }
0x43e: {  	[tilespmem:s15+$0x2E00] =	vst v6  }
0x43f: {  	(v2sf) =	vpush v2, $0x6;
	[tilespmem:s22+$0x2F90] =	vst v7;
	v6 =	vld [tilespmem:s4+$0x10]  }
0x440: {  	v7 =	vld [tilespmem:s25+$0x20];
	[tilespmem:s23+$0x2B60] =	vst v5  }
0x441: {  	s28 =	spop (v2sf);
	[tilespmem:s17+$0x2D70] =	vst v1;
	v5 =	vld [tilespmem:s7+$0x70]  }
0x442: {  	v1 =	vld [tilespmem:s28+$0x0];
	[tilespmem:s31+$0x2AD0] =	vst v4  }
0x443: {  	v4 =	vld [tilespmem:s1+$0x60]  }
0x444: {  	[tilespmem:s15+$0x2E10] =	vst v6  }
0x445: {  	[tilespmem:s22+$0x2FA0] =	vst v7  }
0x446: {  	[tilespmem:s23+$0x2B70] =	vst v5  }
0x447: {  	[tilespmem:s17+$0x2D80] =	vst v1  }
0x448: {  	s5 =	rddreg [dreg:$0x14];
	[tilespmem:s31+$0x2AE0] =	vst v4  }
0x449: {  	v4 =	vld [tilespmem:s1+$0x70];
	_ =	sdelay $0x4  }
0x44a: {  	s7 =	spop (v2sf);
	[tilespmem:s31+$0x2AF0] =	vst v4  }
0x44b: {  	v4 =	vld [tilespmem:s7+$0x0];
	_ =	sdelay $0x4  }
0x44c: {  	[tilespmem:s31+$0x2B00] =	vst v4  }
0x44d: {  	v4 =	vld [tilespmem:s7+$0x10];
	_ =	sdelay $0x4  }
0x44e: {  	[tilespmem:s31+$0x2B10] =	vst v4  }
0x44f: {  	v4 =	vld [tilespmem:s7+$0x20];
	_ =	sdelay $0x4  }
0x450: {  	[tilespmem:s31+$0x2B20] =	vst v4  }
0x451: {  	v4 =	vld [tilespmem:s7+$0x30];
	_ =	sdelay $0x4  }
0x452: {  	[tilespmem:s31+$0x2B30] =	vst v4  }
0x453: {  	v4 =	vld [tilespmem:s7+$0x40];
	_ =	sdelay $0x4  }
0x454: {  	[tilespmem:s31+$0x2B40] =	vst v4  }
0x455: {  	v4 =	vld [tilespmem:s7+$0x50]  }
0x456: {  	(v2sf) =	vpush v0, $0xC  }
0x457: {  	(v2sf) =	vpush v2, $0x7;
	_ =	sdelay $0x2  }
0x458: {  	[tilespmem:s31+$0x2B50] =	vst v4  }
0x459: {  	v4 =	vld [tilespmem:s7+$0x60];
	_ =	sdelay $0x4  }
0x45a: {  	[tilespmem:s31+$0x2B60] =	vst v4  }
0x45b: {  	v4 =	vld [tilespmem:s7+$0x70];
	_ =	sdelay $0x2  }
0x45c: {  	v6 =	vld [tilespmem:s4+$0x20]  }
0x45d: {  	s8 =	spop (v2sf)  }
0x45e: {  	s9 =	spop (v2sf);
	v5 =	vld [tilespmem:s5+$0x0];
	[tilespmem:s31+$0x2B70] =	vst v4  }
0x45f: {  	v4 =	vld [tilespmem:s9+$0x0]  }
0x460: {  	v7 =	vld [tilespmem:s25+$0x30]  }
0x461: {  	v1 =	vld [tilespmem:s28+$0x10];
	[tilespmem:s15+$0x2E20] =	vst v6  }
0x462: {  	[tilespmem:s19+$0x2FB0] =	vst v3  }
0x463: {  	v6 =	vld [tilespmem:s4+$0x30];
	[tilespmem:s23+$0x2B80] =	vst v5  }
0x464: {  	v3 =	vld [tilespmem:s5+$0x10];
	[tilespmem:s31+$0x2B80] =	vst v4  }
0x465: {  	[tilespmem:s22+$0x2FB0] =	vst v7;
	v4 =	vld [tilespmem:s9+$0x10]  }
0x466: {  	v7 =	vld [tilespmem:s25+$0x40];
	[tilespmem:s17+$0x2D90] =	vst v1  }
0x467: {  	v1 =	vld [tilespmem:s28+$0x20]  }
0x468: {  	v5 =	vld [tilespmem:s12+$0x40];
	[tilespmem:s15+$0x2E30] =	vst v6  }
0x469: {  	v6 =	vld [tilespmem:s4+$0x40];
	[tilespmem:s23+$0x2B90] =	vst v3  }
0x46a: {  	v3 =	vld [tilespmem:s5+$0x20];
	[tilespmem:s31+$0x2B90] =	vst v4  }
0x46b: {  	[tilespmem:s22+$0x2FC0] =	vst v7;
	v4 =	vld [tilespmem:s9+$0x20]  }
0x46c: {  	v7 =	vld [tilespmem:s25+$0x50];
	[tilespmem:s17+$0x2DA0] =	vst v1  }
0x46d: {  	[tilespmem:s19+$0x2FC0] =	vst v5;
	v1 =	vld [tilespmem:s28+$0x30]  }
0x46e: {  	v5 =	vld [tilespmem:s12+$0x50];
	[tilespmem:s15+$0x2E40] =	vst v6  }
0x46f: {  	v6 =	vld [tilespmem:s4+$0x50];
	[tilespmem:s23+$0x2BA0] =	vst v3  }
0x470: {  	v3 =	vld [tilespmem:s5+$0x30];
	[tilespmem:s31+$0x2BA0] =	vst v4  }
0x471: {  	[tilespmem:s22+$0x2FD0] =	vst v7;
	v4 =	vld [tilespmem:s9+$0x30]  }
0x472: {  	v7 =	vld [tilespmem:s25+$0x60];
	[tilespmem:s17+$0x2DB0] =	vst v1  }
0x473: {  	[tilespmem:s19+$0x2FD0] =	vst v5;
	v1 =	vld [tilespmem:s28+$0x40]  }
0x474: {  	v5 =	vld [tilespmem:s12+$0x60];
	[tilespmem:s15+$0x2E50] =	vst v6  }
0x475: {  	v6 =	vld [tilespmem:s4+$0x60];
	[tilespmem:s23+$0x2BB0] =	vst v3  }
0x476: {  	v3 =	vld [tilespmem:s5+$0x40];
	[tilespmem:s31+$0x2BB0] =	vst v4  }
0x477: {  	[tilespmem:s22+$0x2FE0] =	vst v7;
	v4 =	vld [tilespmem:s9+$0x40]  }
0x478: {  	v7 =	vld [tilespmem:s25+$0x70];
	[tilespmem:s17+$0x2DC0] =	vst v1  }
0x479: {  	[tilespmem:s19+$0x2FE0] =	vst v5;
	v1 =	vld [tilespmem:s28+$0x50]  }
0x47a: {  	v5 =	vld [tilespmem:s12+$0x70];
	[tilespmem:s15+$0x2E60] =	vst v6  }
0x47b: {  	v6 =	vld [tilespmem:s4+$0x70];
	[tilespmem:s23+$0x2BC0] =	vst v3  }
0x47c: {  	v3 =	vld [tilespmem:s5+$0x50];
	[tilespmem:s31+$0x2BC0] =	vst v4  }
0x47d: {  	[tilespmem:s22+$0x2FF0] =	vst v7;
	v4 =	vld [tilespmem:s9+$0x50]  }
0x47e: {  	[tilespmem:s17+$0x2DD0] =	vst v1  }
0x47f: {  	(v2sf) =	vpush v0, $0xD;
	[tilespmem:s19+$0x2FF0] =	vst v5  }
0x480: {  	(v2sf) =	vpush v2, $0x8;
	[tilespmem:s15+$0x2E70] =	vst v6  }
0x481: {  	[tilespmem:s23+$0x2BD0] =	vst v3  }
0x482: {  	v1 =	vld [tilespmem:s28+$0x60];
	[tilespmem:s31+$0x2BD0] =	vst v4  }
0x483: {  	v3 =	vld [tilespmem:s9+$0x60]  }
0x484: {  	v4 =	vld [tilespmem:s5+$0x60];
	_ =	sdelay $0x3  }
0x485: {  	[tilespmem:s31+$0x2BE0] =	vst v3  }
0x486: {  	[tilespmem:s23+$0x2BE0] =	vst v4;
	v3 =	vld [tilespmem:s9+$0x70]  }
0x487: {  	v4 =	vld [tilespmem:s5+$0x70];
	_ =	sdelay $0x3  }
0x488: {  	s10 =	spop (v2sf);
	[tilespmem:s31+$0x2BF0] =	vst v3  }
0x489: {  	s11 =	spop (v2sf);
	[tilespmem:s23+$0x2BF0] =	vst v4  }
0x48a: {  	v3 =	vld [tilespmem:s11+$0x0];
	s12 =	rddreg [dreg:$0x12]  }
0x48b: {  	v4 =	vld [tilespmem:s12+$0x0];
	_ =	sdelay $0x3  }
0x48c: {  	[tilespmem:s31+$0x2C00] =	vst v3  }
0x48d: {  	[tilespmem:s23+$0x2C00] =	vst v4;
	v3 =	vld [tilespmem:s11+$0x10]  }
0x48e: {  	v4 =	vld [tilespmem:s12+$0x10];
	_ =	sdelay $0x3  }
0x48f: {  	[tilespmem:s31+$0x2C10] =	vst v3  }
0x490: {  	[tilespmem:s23+$0x2C10] =	vst v4;
	v3 =	vld [tilespmem:s11+$0x20]  }
0x491: {  	v4 =	vld [tilespmem:s12+$0x20];
	_ =	sdelay $0x3  }
0x492: {  	[tilespmem:s31+$0x2C20] =	vst v3  }
0x493: {  	[tilespmem:s23+$0x2C20] =	vst v4;
	v3 =	vld [tilespmem:s11+$0x30]  }
0x494: {  	v4 =	vld [tilespmem:s12+$0x30];
	_ =	sdelay $0x3  }
0x495: {  	[tilespmem:s31+$0x2C30] =	vst v3  }
0x496: {  	[tilespmem:s23+$0x2C30] =	vst v4;
	v3 =	vld [tilespmem:s11+$0x40]  }
0x497: {  	v4 =	vld [tilespmem:s12+$0x40];
	_ =	sdelay $0x3  }
0x498: {  	[tilespmem:s31+$0x2C40] =	vst v3  }
0x499: {  	[tilespmem:s23+$0x2C40] =	vst v4;
	v3 =	vld [tilespmem:s11+$0x50]  }
0x49a: {  	v4 =	vld [tilespmem:s12+$0x50]  }
0x49b: {  	(v2sf) =	vpush v0, $0xE  }
0x49c: {  	(v2sf) =	vpush v2, $0x9;
	_ =	sdelay $0x1  }
0x49d: {  	[tilespmem:s31+$0x2C50] =	vst v3  }
0x49e: {  	[tilespmem:s23+$0x2C50] =	vst v4;
	v3 =	vld [tilespmem:s11+$0x60]  }
0x49f: {  	v4 =	vld [tilespmem:s12+$0x60];
	_ =	sdelay $0x3  }
0x4a0: {  	[tilespmem:s31+$0x2C60] =	vst v3  }
0x4a1: {  	[tilespmem:s23+$0x2C60] =	vst v4;
	v3 =	vld [tilespmem:s11+$0x70]  }
0x4a2: {  	v4 =	vld [tilespmem:s12+$0x70];
	_ =	sdelay $0x3  }
0x4a3: {  	s13 =	spop (v2sf);
	[tilespmem:s31+$0x2C70] =	vst v3  }
0x4a4: {  	s14 =	spop (v2sf);
	[tilespmem:s23+$0x2C70] =	vst v4  }
0x4a5: {  	v3 =	vld [tilespmem:s14+$0x0];
	s16 =	rddreg [dreg:$0x11]  }
0x4a6: {  	v4 =	vld [tilespmem:s16+$0x0];
	_ =	sdelay $0x3  }
0x4a7: {  	[tilespmem:s31+$0x2C80] =	vst v3  }
0x4a8: {  	v3 =	vld [tilespmem:s14+$0x10];
	[tilespmem:s23+$0x2C80] =	vst v4  }
0x4a9: {  	v4 =	vld [tilespmem:s16+$0x10];
	_ =	sdelay $0x3  }
0x4aa: {  	[tilespmem:s31+$0x2C90] =	vst v3  }
0x4ab: {  	v3 =	vld [tilespmem:s14+$0x20];
	[tilespmem:s23+$0x2C90] =	vst v4  }
0x4ac: {  	v4 =	vld [tilespmem:s16+$0x20];
	_ =	sdelay $0x3  }
0x4ad: {  	[tilespmem:s31+$0x2CA0] =	vst v3  }
0x4ae: {  	v3 =	vld [tilespmem:s14+$0x30];
	[tilespmem:s23+$0x2CA0] =	vst v4  }
0x4af: {  	v4 =	vld [tilespmem:s16+$0x30];
	_ =	sdelay $0x3  }
0x4b0: {  	[tilespmem:s31+$0x2CB0] =	vst v3  }
0x4b1: {  	v3 =	vld [tilespmem:s14+$0x40];
	[tilespmem:s23+$0x2CB0] =	vst v4  }
0x4b2: {  	v4 =	vld [tilespmem:s16+$0x40];
	_ =	sdelay $0x3  }
0x4b3: {  	[tilespmem:s31+$0x2CC0] =	vst v3  }
0x4b4: {  	v3 =	vld [tilespmem:s14+$0x50];
	[tilespmem:s23+$0x2CC0] =	vst v4  }
0x4b5: {  	v4 =	vld [tilespmem:s16+$0x50]  }
0x4b6: {  	(v2sf) =	vpush v0, $0xF  }
0x4b7: {  	(v2sf) =	vpush v2, $0xA;
	_ =	sdelay $0x1  }
0x4b8: {  	[tilespmem:s31+$0x2CD0] =	vst v3  }
0x4b9: {  	v0 =	vld [tilespmem:s14+$0x60];
	[tilespmem:s23+$0x2CD0] =	vst v4  }
0x4ba: {  	v3 =	vld [tilespmem:s16+$0x60];
	_ =	sdelay $0x3  }
0x4bb: {  	[tilespmem:s31+$0x2CE0] =	vst v0  }
0x4bc: {  	v0 =	vld [tilespmem:s14+$0x70];
	[tilespmem:s23+$0x2CE0] =	vst v3  }
0x4bd: {  	v3 =	vld [tilespmem:s16+$0x70];
	_ =	sdelay $0x3  }
0x4be: {  	s18 =	spop (v2sf);
	[tilespmem:s31+$0x2CF0] =	vst v0  }
0x4bf: {  	s19 =	spop (v2sf);
	[tilespmem:s23+$0x2CF0] =	vst v3  }
0x4c0: {  	v0 =	vld [tilespmem:s19+$0x0];
	s5 =	rddreg [dreg:$0xf]  }
0x4c1: {  	v3 =	vld [tilespmem:s5+$0x0];
	_ =	sdelay $0x3  }
0x4c2: {  	[tilespmem:s31+$0x2D00] =	vst v0  }
0x4c3: {  	v0 =	vld [tilespmem:s19+$0x10];
	[tilespmem:s23+$0x2D00] =	vst v3  }
0x4c4: {  	v3 =	vld [tilespmem:s5+$0x10];
	_ =	sdelay $0x3  }
0x4c5: {  	[tilespmem:s31+$0x2D10] =	vst v0  }
0x4c6: {  	v0 =	vld [tilespmem:s19+$0x20];
	[tilespmem:s23+$0x2D10] =	vst v3  }
0x4c7: {  	v3 =	vld [tilespmem:s5+$0x20];
	_ =	sdelay $0x3  }
0x4c8: {  	[tilespmem:s31+$0x2D20] =	vst v0  }
0x4c9: {  	v0 =	vld [tilespmem:s19+$0x30];
	[tilespmem:s23+$0x2D20] =	vst v3  }
0x4ca: {  	v3 =	vld [tilespmem:s5+$0x30];
	_ =	sdelay $0x3  }
0x4cb: {  	[tilespmem:s31+$0x2D30] =	vst v0  }
0x4cc: {  	v0 =	vld [tilespmem:s19+$0x40];
	[tilespmem:s23+$0x2D30] =	vst v3  }
0x4cd: {  	v3 =	vld [tilespmem:s5+$0x40];
	_ =	sdelay $0x3  }
0x4ce: {  	[tilespmem:s31+$0x2D40] =	vst v0  }
0x4cf: {  	v0 =	vld [tilespmem:s19+$0x50];
	[tilespmem:s23+$0x2D40] =	vst v3  }
0x4d0: {  	v3 =	vld [tilespmem:s5+$0x50];
	_ =	sdelay $0x1  }
0x4d1: {  	(v2sf) =	vpush v2, $0xB;
	_ =	sdelay $0x1  }
0x4d2: {  	[tilespmem:s31+$0x2D50] =	vst v0  }
0x4d3: {  	v0 =	vld [tilespmem:s19+$0x60];
	[tilespmem:s23+$0x2D50] =	vst v3  }
0x4d4: {  	v3 =	vld [tilespmem:s5+$0x60];
	_ =	sdelay $0x3  }
0x4d5: {  	[tilespmem:s31+$0x2D60] =	vst v0  }
0x4d6: {  	v0 =	vld [tilespmem:s19+$0x70];
	[tilespmem:s23+$0x2D60] =	vst v3  }
0x4d7: {  	v3 =	vld [tilespmem:s5+$0x70];
	_ =	sdelay $0x3  }
0x4d8: {  	[tilespmem:s31+$0x2D70] =	vst v0  }
0x4d9: {  	s20 =	spop (v2sf);
	[tilespmem:s23+$0x2D70] =	vst v3  }
0x4da: {  	v0 =	vld [tilespmem:s20+$0x0];
	s21 =	rddreg [dreg:$0xd]  }
0x4db: {  	v3 =	vld [tilespmem:s21+$0x0];
	_ =	sdelay $0x3  }
0x4dc: {  	[tilespmem:s31+$0x2D80] =	vst v0  }
0x4dd: {  	v0 =	vld [tilespmem:s20+$0x10];
	[tilespmem:s23+$0x2D80] =	vst v3  }
0x4de: {  	v3 =	vld [tilespmem:s21+$0x10];
	_ =	sdelay $0x3  }
0x4df: {  	[tilespmem:s31+$0x2D90] =	vst v0  }
0x4e0: {  	v0 =	vld [tilespmem:s20+$0x20];
	[tilespmem:s23+$0x2D90] =	vst v3  }
0x4e1: {  	v3 =	vld [tilespmem:s21+$0x20];
	_ =	sdelay $0x3  }
0x4e2: {  	[tilespmem:s31+$0x2DA0] =	vst v0  }
0x4e3: {  	v0 =	vld [tilespmem:s20+$0x30];
	[tilespmem:s23+$0x2DA0] =	vst v3  }
0x4e4: {  	v3 =	vld [tilespmem:s21+$0x30];
	_ =	sdelay $0x3  }
0x4e5: {  	[tilespmem:s31+$0x2DB0] =	vst v0  }
0x4e6: {  	v0 =	vld [tilespmem:s20+$0x40];
	[tilespmem:s23+$0x2DB0] =	vst v3  }
0x4e7: {  	v3 =	vld [tilespmem:s21+$0x40];
	_ =	sdelay $0x3  }
0x4e8: {  	[tilespmem:s31+$0x2DC0] =	vst v0  }
0x4e9: {  	v0 =	vld [tilespmem:s20+$0x50];
	[tilespmem:s23+$0x2DC0] =	vst v3  }
0x4ea: {  	v3 =	vld [tilespmem:s21+$0x50]  }
0x4eb: {  	(v2sf) =	vpush v2, $0xC;
	_ =	sdelay $0x2  }
0x4ec: {  	[tilespmem:s31+$0x2DD0] =	vst v0  }
0x4ed: {  	v0 =	vld [tilespmem:s20+$0x60];
	[tilespmem:s23+$0x2DD0] =	vst v3  }
0x4ee: {  	v3 =	vld [tilespmem:s21+$0x60];
	_ =	sdelay $0x2  }
0x4ef: {  	[tilespmem:s17+$0x2DE0] =	vst v1  }
0x4f0: {  	v1 =	vld [tilespmem:s28+$0x70];
	[tilespmem:s31+$0x2DE0] =	vst v0  }
0x4f1: {  	v0 =	vld [tilespmem:s20+$0x70];
	[tilespmem:s23+$0x2DE0] =	vst v3  }
0x4f2: {  	v3 =	vld [tilespmem:s21+$0x70];
	_ =	sdelay $0x2  }
0x4f3: {  	[tilespmem:s17+$0x2DF0] =	vst v1  }
0x4f4: {  	s22 =	spop (v2sf);
	v1 =	vld [tilespmem:s8+$0x0];
	[tilespmem:s31+$0x2DF0] =	vst v0  }
0x4f5: {  	v0 =	vld [tilespmem:s22+$0x0];
	[tilespmem:s23+$0x2DF0] =	vst v3  }
0x4f6: {  	v3 =	vld [tilespmem:s6+$0x0];
	_ =	sdelay $0x2  }
0x4f7: {  	[tilespmem:s17+$0x2E00] =	vst v1  }
0x4f8: {  	v1 =	vld [tilespmem:s8+$0x10];
	[tilespmem:s31+$0x2E00] =	vst v0  }
0x4f9: {  	v0 =	vld [tilespmem:s22+$0x10];
	[tilespmem:s23+$0x2E00] =	vst v3  }
0x4fa: {  	v3 =	vld [tilespmem:s6+$0x10];
	_ =	sdelay $0x2  }
0x4fb: {  	[tilespmem:s17+$0x2E10] =	vst v1  }
0x4fc: {  	v1 =	vld [tilespmem:s8+$0x20];
	[tilespmem:s31+$0x2E10] =	vst v0  }
0x4fd: {  	v0 =	vld [tilespmem:s22+$0x20];
	[tilespmem:s23+$0x2E10] =	vst v3  }
0x4fe: {  	v3 =	vld [tilespmem:s6+$0x20];
	_ =	sdelay $0x2  }
0x4ff: {  	[tilespmem:s17+$0x2E20] =	vst v1  }
0x500: {  	v1 =	vld [tilespmem:s8+$0x30];
	[tilespmem:s31+$0x2E20] =	vst v0  }
0x501: {  	v0 =	vld [tilespmem:s22+$0x30];
	[tilespmem:s23+$0x2E20] =	vst v3  }
0x502: {  	v3 =	vld [tilespmem:s6+$0x30];
	_ =	sdelay $0x2  }
0x503: {  	[tilespmem:s17+$0x2E30] =	vst v1  }
0x504: {  	v1 =	vld [tilespmem:s8+$0x40];
	[tilespmem:s31+$0x2E30] =	vst v0  }
0x505: {  	v0 =	vld [tilespmem:s22+$0x40];
	[tilespmem:s23+$0x2E30] =	vst v3  }
0x506: {  	v3 =	vld [tilespmem:s6+$0x40];
	_ =	sdelay $0x2  }
0x507: {  	[tilespmem:s17+$0x2E40] =	vst v1  }
0x508: {  	v1 =	vld [tilespmem:s8+$0x50];
	[tilespmem:s31+$0x2E40] =	vst v0  }
0x509: {  	v0 =	vld [tilespmem:s22+$0x50];
	[tilespmem:s23+$0x2E40] =	vst v3  }
0x50a: {  	v3 =	vld [tilespmem:s6+$0x50];
	_ =	sdelay $0x1  }
0x50b: {  	(v2sf) =	vpush v2, $0xD  }
0x50c: {  	[tilespmem:s17+$0x2E50] =	vst v1  }
0x50d: {  	v1 =	vld [tilespmem:s8+$0x60];
	[tilespmem:s31+$0x2E50] =	vst v0  }
0x50e: {  	v0 =	vld [tilespmem:s22+$0x60];
	[tilespmem:s23+$0x2E50] =	vst v3  }
0x50f: {  	v3 =	vld [tilespmem:s6+$0x60];
	_ =	sdelay $0x2  }
0x510: {  	[tilespmem:s17+$0x2E60] =	vst v1  }
0x511: {  	v1 =	vld [tilespmem:s8+$0x70];
	[tilespmem:s31+$0x2E60] =	vst v0  }
0x512: {  	v0 =	vld [tilespmem:s22+$0x70];
	[tilespmem:s23+$0x2E60] =	vst v3  }
0x513: {  	v3 =	vld [tilespmem:s6+$0x70];
	_ =	sdelay $0x2  }
0x514: {  	[tilespmem:s17+$0x2E70] =	vst v1  }
0x515: {  	v1 =	vld [tilespmem:s10+$0x0];
	s24 =	rddreg [dreg:$0x3];
	[tilespmem:s31+$0x2E70] =	vst v0  }
0x516: {  	s25 =	spop (v2sf);
	v4 =	vld [tilespmem:s24+$0x0];
	[tilespmem:s23+$0x2E70] =	vst v3  }
0x517: {  	v0 =	vld [tilespmem:s25+$0x0];
	s28 =	rddreg [dreg:$0xa]  }
0x518: {  	v3 =	vld [tilespmem:s28+$0x0];
	_ =	sdelay $0x1  }
0x519: {  	[tilespmem:s17+$0x2E80] =	vst v1  }
0x51a: {  	[tilespmem:s15+$0x2E80] =	vst v4;
	v1 =	vld [tilespmem:s10+$0x10]  }
0x51b: {  	v4 =	vld [tilespmem:s24+$0x10];
	[tilespmem:s31+$0x2E80] =	vst v0  }
0x51c: {  	v0 =	vld [tilespmem:s25+$0x10];
	[tilespmem:s23+$0x2E80] =	vst v3  }
0x51d: {  	v3 =	vld [tilespmem:s28+$0x10];
	_ =	sdelay $0x1  }
0x51e: {  	[tilespmem:s17+$0x2E90] =	vst v1  }
0x51f: {  	[tilespmem:s15+$0x2E90] =	vst v4;
	v1 =	vld [tilespmem:s10+$0x20]  }
0x520: {  	v4 =	vld [tilespmem:s24+$0x20];
	[tilespmem:s31+$0x2E90] =	vst v0  }
0x521: {  	v0 =	vld [tilespmem:s25+$0x20];
	[tilespmem:s23+$0x2E90] =	vst v3  }
0x522: {  	v3 =	vld [tilespmem:s28+$0x20];
	_ =	sdelay $0x1  }
0x523: {  	[tilespmem:s17+$0x2EA0] =	vst v1  }
0x524: {  	[tilespmem:s15+$0x2EA0] =	vst v4;
	v1 =	vld [tilespmem:s10+$0x30]  }
0x525: {  	v4 =	vld [tilespmem:s24+$0x30];
	[tilespmem:s31+$0x2EA0] =	vst v0  }
0x526: {  	v0 =	vld [tilespmem:s25+$0x30];
	[tilespmem:s23+$0x2EA0] =	vst v3  }
0x527: {  	v3 =	vld [tilespmem:s28+$0x30];
	_ =	sdelay $0x1  }
0x528: {  	[tilespmem:s17+$0x2EB0] =	vst v1  }
0x529: {  	[tilespmem:s15+$0x2EB0] =	vst v4;
	v1 =	vld [tilespmem:s10+$0x40]  }
0x52a: {  	v4 =	vld [tilespmem:s24+$0x40];
	[tilespmem:s31+$0x2EB0] =	vst v0  }
0x52b: {  	v0 =	vld [tilespmem:s25+$0x40];
	[tilespmem:s23+$0x2EB0] =	vst v3  }
0x52c: {  	v3 =	vld [tilespmem:s28+$0x40];
	_ =	sdelay $0x1  }
0x52d: {  	[tilespmem:s17+$0x2EC0] =	vst v1  }
0x52e: {  	[tilespmem:s15+$0x2EC0] =	vst v4;
	v1 =	vld [tilespmem:s10+$0x50]  }
0x52f: {  	v4 =	vld [tilespmem:s24+$0x50];
	[tilespmem:s31+$0x2EC0] =	vst v0  }
0x530: {  	v0 =	vld [tilespmem:s25+$0x50];
	[tilespmem:s23+$0x2EC0] =	vst v3  }
0x531: {  	v3 =	vld [tilespmem:s28+$0x50];
	_ =	sdelay $0x1  }
0x532: {  	(v2sf) =	vpush v2, $0xE;
	[tilespmem:s17+$0x2ED0] =	vst v1  }
0x533: {  	[tilespmem:s15+$0x2ED0] =	vst v4;
	v1 =	vld [tilespmem:s10+$0x60]  }
0x534: {  	v4 =	vld [tilespmem:s24+$0x60];
	[tilespmem:s31+$0x2ED0] =	vst v0  }
0x535: {  	v0 =	vld [tilespmem:s25+$0x60];
	[tilespmem:s23+$0x2ED0] =	vst v3  }
0x536: {  	v3 =	vld [tilespmem:s28+$0x60];
	_ =	sdelay $0x1  }
0x537: {  	[tilespmem:s17+$0x2EE0] =	vst v1  }
0x538: {  	[tilespmem:s15+$0x2EE0] =	vst v4;
	v1 =	vld [tilespmem:s10+$0x70]  }
0x539: {  	v4 =	vld [tilespmem:s24+$0x70];
	[tilespmem:s31+$0x2EE0] =	vst v0  }
0x53a: {  	v0 =	vld [tilespmem:s25+$0x70];
	[tilespmem:s23+$0x2EE0] =	vst v3  }
0x53b: {  	v3 =	vld [tilespmem:s28+$0x70];
	_ =	sdelay $0x1  }
0x53c: {  	[tilespmem:s17+$0x2EF0] =	vst v1  }
0x53d: {  	[tilespmem:s15+$0x2EF0] =	vst v4  }
0x53e: {  	v1 =	vld [tilespmem:s13+$0x0];
	[tilespmem:s31+$0x2EF0] =	vst v0  }
0x53f: {  	s3 =	spop (v2sf);
	v4 =	vld [tilespmem:s30+$0x0];
	[tilespmem:s23+$0x2EF0] =	vst v3  }
0x540: {  	v0 =	vld [tilespmem:s3+$0x0];
	s4 =	rddreg [dreg:$0x9]  }
0x541: {  	v3 =	vld [tilespmem:s4+$0x0];
	_ =	sdelay $0x1  }
0x542: {  	[tilespmem:s17+$0x2F00] =	vst v1  }
0x543: {  	[tilespmem:s15+$0x2F00] =	vst v4;
	v1 =	vld [tilespmem:s13+$0x10]  }
0x544: {  	[tilespmem:s31+$0x2F00] =	vst v0;
	v4 =	vld [tilespmem:s30+$0x10]  }
0x545: {  	v0 =	vld [tilespmem:s3+$0x10];
	[tilespmem:s23+$0x2F00] =	vst v3  }
0x546: {  	v3 =	vld [tilespmem:s4+$0x10];
	_ =	sdelay $0x1  }
0x547: {  	[tilespmem:s17+$0x2F10] =	vst v1  }
0x548: {  	[tilespmem:s15+$0x2F10] =	vst v4;
	v1 =	vld [tilespmem:s13+$0x20]  }
0x549: {  	[tilespmem:s31+$0x2F10] =	vst v0;
	v4 =	vld [tilespmem:s30+$0x20]  }
0x54a: {  	v0 =	vld [tilespmem:s3+$0x20];
	[tilespmem:s23+$0x2F10] =	vst v3  }
0x54b: {  	v3 =	vld [tilespmem:s4+$0x20];
	_ =	sdelay $0x1  }
0x54c: {  	[tilespmem:s17+$0x2F20] =	vst v1  }
0x54d: {  	[tilespmem:s15+$0x2F20] =	vst v4;
	v1 =	vld [tilespmem:s13+$0x30]  }
0x54e: {  	[tilespmem:s31+$0x2F20] =	vst v0;
	v4 =	vld [tilespmem:s30+$0x30]  }
0x54f: {  	v0 =	vld [tilespmem:s3+$0x30];
	[tilespmem:s23+$0x2F20] =	vst v3  }
0x550: {  	v3 =	vld [tilespmem:s4+$0x30];
	_ =	sdelay $0x1  }
0x551: {  	[tilespmem:s17+$0x2F30] =	vst v1  }
0x552: {  	[tilespmem:s15+$0x2F30] =	vst v4;
	v1 =	vld [tilespmem:s13+$0x40]  }
0x553: {  	[tilespmem:s31+$0x2F30] =	vst v0;
	v4 =	vld [tilespmem:s30+$0x40]  }
0x554: {  	v0 =	vld [tilespmem:s3+$0x40];
	[tilespmem:s23+$0x2F30] =	vst v3  }
0x555: {  	v3 =	vld [tilespmem:s4+$0x40];
	_ =	sdelay $0x1  }
0x556: {  	[tilespmem:s17+$0x2F40] =	vst v1  }
0x557: {  	[tilespmem:s15+$0x2F40] =	vst v4;
	v1 =	vld [tilespmem:s13+$0x50]  }
0x558: {  	[tilespmem:s31+$0x2F40] =	vst v0;
	v4 =	vld [tilespmem:s30+$0x50]  }
0x559: {  	v0 =	vld [tilespmem:s3+$0x50];
	[tilespmem:s23+$0x2F40] =	vst v3  }
0x55a: {  	v3 =	vld [tilespmem:s4+$0x50];
	_ =	sdelay $0x1  }
0x55b: {  	(v2sf) =	vpush v2, $0xF;
	[tilespmem:s17+$0x2F50] =	vst v1  }
0x55c: {  	[tilespmem:s15+$0x2F50] =	vst v4;
	v1 =	vld [tilespmem:s13+$0x60]  }
0x55d: {  	[tilespmem:s31+$0x2F50] =	vst v0;
	v2 =	vld [tilespmem:s30+$0x60]  }
0x55e: {  	v0 =	vld [tilespmem:s3+$0x60];
	[tilespmem:s23+$0x2F50] =	vst v3  }
0x55f: {  	v3 =	vld [tilespmem:s4+$0x60];
	_ =	sdelay $0x1  }
0x560: {  	[tilespmem:s17+$0x2F60] =	vst v1  }
0x561: {  	[tilespmem:s15+$0x2F60] =	vst v2;
	v1 =	vld [tilespmem:s13+$0x70]  }
0x562: {  	[tilespmem:s31+$0x2F60] =	vst v0;
	v2 =	vld [tilespmem:s30+$0x70]  }
0x563: {  	v0 =	vld [tilespmem:s3+$0x70];
	[tilespmem:s23+$0x2F60] =	vst v3  }
0x564: {  	v3 =	vld [tilespmem:s4+$0x70];
	_ =	sdelay $0x1  }
0x565: {  	[tilespmem:s17+$0x2F70] =	vst v1  }
0x566: {  	[tilespmem:s15+$0x2F70] =	vst v2  }
0x567: {  	[tilespmem:s31+$0x2F70] =	vst v0;
	v1 =	vld [tilespmem:s18+$0x0]  }
0x568: {  	s5 =	spop (v2sf);
	v2 =	vld [tilespmem:s26+$0x0];
	[tilespmem:s23+$0x2F70] =	vst v3  }
0x569: {  	v0 =	vld [tilespmem:s5+$0x0];
	s6 =	rddreg [dreg:$0x7]  }
0x56a: {  	v3 =	vld [tilespmem:s6+$0x0];
	_ =	sdelay $0x1  }
0x56b: {  	[tilespmem:s17+$0x2F80] =	vst v1  }
0x56c: {  	[tilespmem:s15+$0x2F80] =	vst v2;
	v1 =	vld [tilespmem:s18+$0x10]  }
0x56d: {  	[tilespmem:s31+$0x2F80] =	vst v0;
	v2 =	vld [tilespmem:s26+$0x10]  }
0x56e: {  	v0 =	vld [tilespmem:s5+$0x10];
	[tilespmem:s23+$0x2F80] =	vst v3  }
0x56f: {  	v3 =	vld [tilespmem:s6+$0x10];
	_ =	sdelay $0x1  }
0x570: {  	[tilespmem:s17+$0x2F90] =	vst v1  }
0x571: {  	[tilespmem:s15+$0x2F90] =	vst v2;
	v1 =	vld [tilespmem:s18+$0x20]  }
0x572: {  	[tilespmem:s31+$0x2F90] =	vst v0;
	v2 =	vld [tilespmem:s26+$0x20]  }
0x573: {  	v0 =	vld [tilespmem:s5+$0x20];
	[tilespmem:s23+$0x2F90] =	vst v3  }
0x574: {  	v3 =	vld [tilespmem:s6+$0x20];
	_ =	sdelay $0x1  }
0x575: {  	[tilespmem:s17+$0x2FA0] =	vst v1  }
0x576: {  	[tilespmem:s15+$0x2FA0] =	vst v2;
	v1 =	vld [tilespmem:s18+$0x30]  }
0x577: {  	[tilespmem:s31+$0x2FA0] =	vst v0;
	v2 =	vld [tilespmem:s26+$0x30]  }
0x578: {  	v0 =	vld [tilespmem:s5+$0x30];
	[tilespmem:s23+$0x2FA0] =	vst v3  }
0x579: {  	v3 =	vld [tilespmem:s6+$0x30];
	_ =	sdelay $0x1  }
0x57a: {  	[tilespmem:s17+$0x2FB0] =	vst v1  }
0x57b: {  	[tilespmem:s15+$0x2FB0] =	vst v2;
	v1 =	vld [tilespmem:s18+$0x40]  }
0x57c: {  	[tilespmem:s31+$0x2FB0] =	vst v0;
	v2 =	vld [tilespmem:s26+$0x40]  }
0x57d: {  	v0 =	vld [tilespmem:s5+$0x40];
	[tilespmem:s23+$0x2FB0] =	vst v3  }
0x57e: {  	v3 =	vld [tilespmem:s6+$0x40];
	_ =	sdelay $0x1  }
0x57f: {  	[tilespmem:s17+$0x2FC0] =	vst v1  }
0x580: {  	[tilespmem:s15+$0x2FC0] =	vst v2;
	v1 =	vld [tilespmem:s18+$0x50]  }
0x581: {  	[tilespmem:s31+$0x2FC0] =	vst v0;
	v2 =	vld [tilespmem:s26+$0x50]  }
0x582: {  	v0 =	vld [tilespmem:s5+$0x50];
	[tilespmem:s23+$0x2FC0] =	vst v3  }
0x583: {  	v3 =	vld [tilespmem:s6+$0x50];
	_ =	sdelay $0x1  }
0x584: {  	[tilespmem:s17+$0x2FD0] =	vst v1  }
0x585: {  	[tilespmem:s15+$0x2FD0] =	vst v2;
	v1 =	vld [tilespmem:s18+$0x60]  }
0x586: {  	[tilespmem:s31+$0x2FD0] =	vst v0;
	v2 =	vld [tilespmem:s26+$0x60]  }
0x587: {  	v0 =	vld [tilespmem:s5+$0x60];
	[tilespmem:s23+$0x2FD0] =	vst v3  }
0x588: {  	v3 =	vld [tilespmem:s6+$0x60];
	_ =	sdelay $0x1  }
0x589: {  	[tilespmem:s17+$0x2FE0] =	vst v1  }
0x58a: {  	[tilespmem:s15+$0x2FE0] =	vst v2;
	v1 =	vld [tilespmem:s18+$0x70]  }
0x58b: {  	[tilespmem:s31+$0x2FE0] =	vst v0;
	v2 =	vld [tilespmem:s26+$0x70]  }
0x58c: {  	v0 =	vld [tilespmem:s5+$0x70];
	[tilespmem:s23+$0x2FE0] =	vst v3  }
0x58d: {  	v3 =	vld [tilespmem:s6+$0x70];
	_ =	sdelay $0x1  }
0x58e: {  	[tilespmem:s17+$0x2FF0] =	vst v1  }
0x58f: {  	[tilespmem:s15+$0x2FF0] =	vst v2  }
0x590: {  	[tilespmem:s31+$0x2FF0] =	vst v0  }
0x591: {  	s7 =	sld [smem:$0x7F6];
	[tilespmem:s23+$0x2FF0] =	vst v3  }
0x592: {  	s8 =	sld [smem:$0x7FC];
	_ =	sdelay $0x1  }
0x593: {  	s0 =	sshll.u32 s7, $0xD;
	s11 =	sld [smem:$0x7F7]  }
0x594: {  	s9 =	simm.s32 $0x0;
	s10 =	simm.s32 $0x2800;
	s0 =	sadd.s32 s0, s8  }
0x595: {  	[hbm4b:s0+s9] =	stream.linear.scatter [tilespmem:s10], [sflag:$0x1], $0x8000, $0x38;
	[tilespmem:$0x12800] =	vst v63  }
0x596: {  	s0 =	sor.u32 $0x1, s11  }
0x597: {  	[smem:$0x7ED] =	sst s0;
	s0 =	sshll.u32 s0, $0x8  }
0x598: {  	s1 =	simm.s32 @!p0 $0x2;
	s12 =	simm.s32 $0x0;
	s0 =	sand.u32 $0x3FFFFF00, s0  }
0x599: {  	s13 =	sand.u32 $0x80, s12;
	_ =	swait.ge @!p0 [sflag:s1], $0x8000;
	s30 =	sadd.s32 $0x800, s0  }
0x59a: {  	s2 =	sand.u32 $0x60, s12;
	[sflag:s1] =	ssyncset.done @!p0 $0x0;
	s0 =	sadd.s32 s13, s30  }
0x59b: {  	[sflag:s1] =	ssyncadd.s32 @!p0 $0xFFFF8000;
	s0 =	sadd.s32 s2, s0  }
0x59c: {  	v0 =	vld [tilespmem:s0+$0x0];
	_ =	sdelay $0x4  }
0x59d: {  	v0 =	vshll.u32 v0, $0x9  }
0x59e: {  	v0 =	vshra.s32 v0, $0x2  }
0x59f: {  	(v2sf) =	vpush v0, $0x0;
	_ =	sdelay $0xe  }
0x5a0: {  	s14 =	spop (v2sf)  }
0x5a1: {  	v1 =	vld [tilespmem:s14+$0x0];
	_ =	sdelay $0x2  }
0x5a2: {  	s15 =	simm.s32 $0x0  }
0x5a3: {  	s22 =	sand.u32 $0x3FFFF800, s15  }
0x5a4: {  	[tilespmem:s22+$0xA800] =	vst v1  }
0x5a5: {  	v1 =	vld [tilespmem:s14+$0x10];
	_ =	sdelay $0x4  }
0x5a6: {  	[tilespmem:s22+$0xA810] =	vst v1  }
0x5a7: {  	v1 =	vld [tilespmem:s14+$0x20];
	_ =	sdelay $0x4  }
0x5a8: {  	[tilespmem:s22+$0xA820] =	vst v1  }
0x5a9: {  	v1 =	vld [tilespmem:s14+$0x30];
	_ =	sdelay $0x4  }
0x5aa: {  	[tilespmem:s22+$0xA830] =	vst v1  }
0x5ab: {  	v1 =	vld [tilespmem:s14+$0x40];
	_ =	sdelay $0x3  }
0x5ac: {  	(v2sf) =	vpush v0, $0x1  }
0x5ad: {  	s16 =	simm.s32 $0x0;
	(v2sf) =	vpush v0, $0x2;
	[tilespmem:s22+$0xA840] =	vst v1  }
0x5ae: {  	s17 =	sor.u32 $0x1, s16;
	(v2sf) =	vpush v0, $0x3;
	v1 =	vld [tilespmem:s14+$0x50]  }
0x5af: {  	s1 =	sshll.u32 s17, $0x4;
	(v2sf) =	vpush v0, $0x4  }
0x5b0: {  	s18 =	sand.u32 $0x80, s1;
	(v2sf) =	vpush v0, $0x5  }
0x5b1: {  	s1 =	sand.u32 $0x70, s1;
	s2 =	sadd.s32 s18, s30;
	(v2sf) =	vpush v0, $0x6  }
0x5b2: {  	s1 =	sadd.s32 s1, s2;
	(v2sf) =	vpush v0, $0x7  }
0x5b3: {  	v2 =	vld [tilespmem:s1+$0x0];
	(v2sf) =	vpush v0, $0x8;
	[tilespmem:s22+$0xA850] =	vst v1  }
0x5b4: {  	(v2sf) =	vpush v0, $0x9;
	v1 =	vld [tilespmem:s14+$0x60]  }
0x5b5: {  	(v2sf) =	vpush v0, $0xA  }
0x5b6: {  	(v2sf) =	vpush v0, $0xB  }
0x5b7: {  	(v2sf) =	vpush v0, $0xC  }
0x5b8: {  	(v2sf) =	vpush v0, $0xD  }
0x5b9: {  	(v2sf) =	vpush v0, $0xE;
	[tilespmem:s22+$0xA860] =	vst v1;
	v1 =	vshll.u32 v2, $0x9  }
0x5ba: {  	(v2sf) =	vpush v0, $0xF;
	v3 =	vld [tilespmem:s14+$0x70];
	v1 =	vshra.s32 v1, $0x2  }
0x5bb: {  	s19 =	spop (v2sf);
	(v2sf) =	vpush v1, $0x0  }
0x5bc: {  	s8 =	spop (v2sf)  }
0x5bd: {  	s20 =	spop (v2sf)  }
0x5be: {  	s21 =	spop (v2sf)  }
0x5bf: {  	s24 =	spop (v2sf);
	[tilespmem:s22+$0xA870] =	vst v3  }
0x5c0: {  	s9 =	spop (v2sf);
	v0 =	vld [tilespmem:s19+$0x0]  }
0x5c1: {  	s6 =	spop (v2sf)  }
0x5c2: {  	s4 =	spop (v2sf)  }
0x5c3: {  	s3 =	spop (v2sf)  }
0x5c4: {  	s1 =	spop (v2sf)  }
0x5c5: {  	s0 =	spop (v2sf);
	[tilespmem:s22+$0xA880] =	vst v0  }
0x5c6: {  	s15 =	spop (v2sf);
	v0 =	vld [tilespmem:s19+$0x10]  }
0x5c7: {  	s25 =	spop (v2sf)  }
0x5c8: {  	s26 =	spop (v2sf);
	[smem:$0x7EF] =	sst s25  }
0x5c9: {  	s28 =	spop (v2sf);
	[smem:$0x7F0] =	sst s26  }
0x5ca: {  	[smem:$0x7EE] =	sst s28;
	s13 =	spop (v2sf)  }
0x5cb: {  	[tilespmem:s22+$0xA890] =	vst v0;
	v2 =	vld [tilespmem:s13+$0x0]  }
0x5cc: {  	v0 =	vld [tilespmem:s19+$0x20];
	_ =	sdelay $0x1  }
0x5cd: {  	s10 =	sshll.u32 s17, $0xB  }
0x5ce: {  	s23 =	sand.u32 $0x3FFFF800, s10  }
0x5cf: {  	[tilespmem:s23+$0xA800] =	vst v2  }
0x5d0: {  	[tilespmem:s22+$0xA8A0] =	vst v0;
	v2 =	vld [tilespmem:s13+$0x10]  }
0x5d1: {  	v0 =	vld [tilespmem:s19+$0x30];
	_ =	sdelay $0x3  }
0x5d2: {  	[tilespmem:s23+$0xA810] =	vst v2  }
0x5d3: {  	[tilespmem:s22+$0xA8B0] =	vst v0;
	v2 =	vld [tilespmem:s13+$0x20]  }
0x5d4: {  	v0 =	vld [tilespmem:s19+$0x40];
	_ =	sdelay $0x3  }
0x5d5: {  	[tilespmem:s23+$0xA820] =	vst v2  }
0x5d6: {  	[tilespmem:s22+$0xA8C0] =	vst v0;
	v2 =	vld [tilespmem:s13+$0x30]  }
0x5d7: {  	v0 =	vld [tilespmem:s19+$0x50];
	_ =	sdelay $0x3  }
0x5d8: {  	[tilespmem:s23+$0xA830] =	vst v2  }
0x5d9: {  	[tilespmem:s22+$0xA8D0] =	vst v0;
	v0 =	vld [tilespmem:s13+$0x40];
	_ =	sdelay $0x2  }
0x5da: {  	v2 =	vld [tilespmem:s19+$0x60];
	_ =	sdelay $0x1  }
0x5db: {  	[tilespmem:s23+$0xA840] =	vst v0  }
0x5dc: {  	v0 =	vld [tilespmem:s13+$0x50];
	_ =	sdelay $0x1  }
0x5dd: {  	(v2sf) =	vpush v1, $0x1;
	[tilespmem:s22+$0xA8E0] =	vst v2  }
0x5de: {  	v2 =	vld [tilespmem:s19+$0x70];
	_ =	sdelay $0x1  }
0x5df: {  	[tilespmem:s23+$0xA850] =	vst v0  }
0x5e0: {  	v0 =	vld [tilespmem:s13+$0x60];
	_ =	sdelay $0x1  }
0x5e1: {  	[tilespmem:s22+$0xA8F0] =	vst v2  }
0x5e2: {  	v2 =	vld [tilespmem:s8+$0x0];
	_ =	sdelay $0x1  }
0x5e3: {  	[tilespmem:s23+$0xA860] =	vst v0  }
0x5e4: {  	v0 =	vld [tilespmem:s13+$0x70];
	_ =	sdelay $0x1  }
0x5e5: {  	[tilespmem:s22+$0xA900] =	vst v2  }
0x5e6: {  	v2 =	vld [tilespmem:s8+$0x10];
	_ =	sdelay $0x1  }
0x5e7: {  	s14 =	spop (v2sf);
	[tilespmem:s23+$0xA870] =	vst v0  }
0x5e8: {  	v0 =	vld [tilespmem:s14+$0x0];
	_ =	sdelay $0x1  }
0x5e9: {  	[tilespmem:s22+$0xA910] =	vst v2  }
0x5ea: {  	v2 =	vld [tilespmem:s8+$0x20];
	_ =	sdelay $0x1  }
0x5eb: {  	[tilespmem:s23+$0xA880] =	vst v0  }
0x5ec: {  	v0 =	vld [tilespmem:s14+$0x10];
	_ =	sdelay $0x1  }
0x5ed: {  	[tilespmem:s22+$0xA920] =	vst v2  }
0x5ee: {  	v2 =	vld [tilespmem:s8+$0x30];
	_ =	sdelay $0x1  }
0x5ef: {  	[tilespmem:s23+$0xA890] =	vst v0  }
0x5f0: {  	v0 =	vld [tilespmem:s14+$0x20];
	_ =	sdelay $0x1  }
0x5f1: {  	[tilespmem:s22+$0xA930] =	vst v2  }
0x5f2: {  	v2 =	vld [tilespmem:s8+$0x40];
	_ =	sdelay $0x1  }
0x5f3: {  	[tilespmem:s23+$0xA8A0] =	vst v0  }
0x5f4: {  	v0 =	vld [tilespmem:s14+$0x30];
	_ =	sdelay $0x1  }
0x5f5: {  	[tilespmem:s22+$0xA940] =	vst v2  }
0x5f6: {  	v2 =	vld [tilespmem:s8+$0x50];
	_ =	sdelay $0x1  }
0x5f7: {  	[tilespmem:s23+$0xA8B0] =	vst v0  }
0x5f8: {  	v0 =	vld [tilespmem:s14+$0x40];
	_ =	sdelay $0x1  }
0x5f9: {  	[tilespmem:s22+$0xA950] =	vst v2  }
0x5fa: {  	v2 =	vld [tilespmem:s8+$0x60];
	_ =	sdelay $0x1  }
0x5fb: {  	[tilespmem:s23+$0xA8C0] =	vst v0  }
0x5fc: {  	v0 =	vld [tilespmem:s14+$0x50];
	_ =	sdelay $0x1  }
0x5fd: {  	(v2sf) =	vpush v1, $0x2;
	[tilespmem:s22+$0xA960] =	vst v2  }
0x5fe: {  	v2 =	vld [tilespmem:s8+$0x70];
	_ =	sdelay $0x1  }
0x5ff: {  	[tilespmem:s23+$0xA8D0] =	vst v0  }
0x600: {  	v0 =	vld [tilespmem:s14+$0x60];
	_ =	sdelay $0x1  }
0x601: {  	[tilespmem:s22+$0xA970] =	vst v2  }
0x602: {  	v2 =	vld [tilespmem:s20+$0x0];
	_ =	sdelay $0x1  }
0x603: {  	[tilespmem:s23+$0xA8E0] =	vst v0  }
0x604: {  	v0 =	vld [tilespmem:s14+$0x70];
	_ =	sdelay $0x1  }
0x605: {  	[tilespmem:s22+$0xA980] =	vst v2  }
0x606: {  	v2 =	vld [tilespmem:s20+$0x10];
	_ =	sdelay $0x1  }
0x607: {  	s16 =	spop (v2sf);
	[tilespmem:s23+$0xA8F0] =	vst v0  }
0x608: {  	v0 =	vld [tilespmem:s16+$0x0];
	_ =	sdelay $0x1  }
0x609: {  	[tilespmem:s22+$0xA990] =	vst v2  }
0x60a: {  	v2 =	vld [tilespmem:s20+$0x20];
	_ =	sdelay $0x1  }
0x60b: {  	[tilespmem:s23+$0xA900] =	vst v0  }
0x60c: {  	v0 =	vld [tilespmem:s16+$0x10];
	_ =	sdelay $0x1  }
0x60d: {  	[tilespmem:s22+$0xA9A0] =	vst v2  }
0x60e: {  	v2 =	vld [tilespmem:s20+$0x30];
	_ =	sdelay $0x1  }
0x60f: {  	[tilespmem:s23+$0xA910] =	vst v0  }
0x610: {  	v0 =	vld [tilespmem:s16+$0x20];
	_ =	sdelay $0x1  }
0x611: {  	[tilespmem:s22+$0xA9B0] =	vst v2  }
0x612: {  	v2 =	vld [tilespmem:s20+$0x40];
	_ =	sdelay $0x1  }
0x613: {  	[tilespmem:s23+$0xA920] =	vst v0  }
0x614: {  	v0 =	vld [tilespmem:s16+$0x30];
	_ =	sdelay $0x1  }
0x615: {  	[tilespmem:s22+$0xA9C0] =	vst v2  }
0x616: {  	v2 =	vld [tilespmem:s20+$0x50];
	_ =	sdelay $0x1  }
0x617: {  	[tilespmem:s23+$0xA930] =	vst v0  }
0x618: {  	v0 =	vld [tilespmem:s16+$0x40];
	_ =	sdelay $0x1  }
0x619: {  	[tilespmem:s22+$0xA9D0] =	vst v2  }
0x61a: {  	v2 =	vld [tilespmem:s20+$0x60];
	_ =	sdelay $0x1  }
0x61b: {  	[tilespmem:s23+$0xA940] =	vst v0  }
0x61c: {  	v0 =	vld [tilespmem:s16+$0x50];
	_ =	sdelay $0x1  }
0x61d: {  	(v2sf) =	vpush v1, $0x3;
	[tilespmem:s22+$0xA9E0] =	vst v2  }
0x61e: {  	v2 =	vld [tilespmem:s20+$0x70];
	_ =	sdelay $0x1  }
0x61f: {  	[tilespmem:s23+$0xA950] =	vst v0  }
0x620: {  	v0 =	vld [tilespmem:s16+$0x60];
	_ =	sdelay $0x1  }
0x621: {  	[tilespmem:s22+$0xA9F0] =	vst v2  }
0x622: {  	v2 =	vld [tilespmem:s21+$0x0];
	_ =	sdelay $0x1  }
0x623: {  	[tilespmem:s23+$0xA960] =	vst v0  }
0x624: {  	v0 =	vld [tilespmem:s16+$0x70];
	_ =	sdelay $0x1  }
0x625: {  	[tilespmem:s22+$0xAA00] =	vst v2  }
0x626: {  	v2 =	vld [tilespmem:s21+$0x10];
	_ =	sdelay $0x1  }
0x627: {  	s17 =	spop (v2sf);
	[tilespmem:s23+$0xA970] =	vst v0  }
0x628: {  	v0 =	vld [tilespmem:s17+$0x0];
	_ =	sdelay $0x1  }
0x629: {  	[tilespmem:s22+$0xAA10] =	vst v2  }
0x62a: {  	v2 =	vld [tilespmem:s21+$0x20];
	_ =	sdelay $0x1  }
0x62b: {  	[tilespmem:s23+$0xA980] =	vst v0  }
0x62c: {  	v0 =	vld [tilespmem:s17+$0x10];
	_ =	sdelay $0x1  }
0x62d: {  	[tilespmem:s22+$0xAA20] =	vst v2  }
0x62e: {  	v2 =	vld [tilespmem:s21+$0x30];
	_ =	sdelay $0x1  }
0x62f: {  	[tilespmem:s23+$0xA990] =	vst v0  }
0x630: {  	v0 =	vld [tilespmem:s17+$0x20];
	_ =	sdelay $0x1  }
0x631: {  	[tilespmem:s22+$0xAA30] =	vst v2  }
0x632: {  	v2 =	vld [tilespmem:s21+$0x40];
	_ =	sdelay $0x1  }
0x633: {  	[tilespmem:s23+$0xA9A0] =	vst v0  }
0x634: {  	v0 =	vld [tilespmem:s17+$0x30];
	_ =	sdelay $0x1  }
0x635: {  	[tilespmem:s22+$0xAA40] =	vst v2  }
0x636: {  	v2 =	vld [tilespmem:s21+$0x50];
	_ =	sdelay $0x1  }
0x637: {  	[tilespmem:s23+$0xA9B0] =	vst v0  }
0x638: {  	v0 =	vld [tilespmem:s17+$0x40]  }
0x639: {  	s18 =	simm.s32 $0x20  }
0x63a: {  	s19 =	sand.u32 $0x80, s18;
	[tilespmem:s22+$0xAA50] =	vst v2  }
0x63b: {  	s10 =	sadd.s32 s19, s30;
	s8 =	sand.u32 $0x60, s18;
	v2 =	vld [tilespmem:s21+$0x60]  }
0x63c: {  	s8 =	sadd.s32 s8, s10  }
0x63d: {  	v3 =	vld [tilespmem:s8+$0x0];
	[tilespmem:s23+$0xA9C0] =	vst v0  }
0x63e: {  	v0 =	vld [tilespmem:s17+$0x50];
	_ =	sdelay $0x1  }
0x63f: {  	(v2sf) =	vpush v1, $0x4;
	[tilespmem:s22+$0xAA60] =	vst v2  }
0x640: {  	v2 =	vld [tilespmem:s21+$0x70]  }
0x641: {  	v3 =	vshll.u32 v3, $0x9  }
0x642: {  	v3 =	vshra.s32 v3, $0x2;
	[tilespmem:s23+$0xA9D0] =	vst v0  }
0x643: {  	(v2sf) =	vpush v3, $0x0;
	v0 =	vld [tilespmem:s17+$0x60];
	_ =	sdelay $0x1  }
0x644: {  	[tilespmem:s22+$0xAA70] =	vst v2  }
0x645: {  	v2 =	vld [tilespmem:s24+$0x0];
	_ =	sdelay $0x1  }
0x646: {  	[tilespmem:s23+$0xA9E0] =	vst v0  }
0x647: {  	v0 =	vld [tilespmem:s17+$0x70];
	_ =	sdelay $0x1  }
0x648: {  	[tilespmem:s22+$0xAA80] =	vst v2  }
0x649: {  	v2 =	vld [tilespmem:s24+$0x10];
	_ =	sdelay $0x1  }
0x64a: {  	s18 =	spop (v2sf);
	[tilespmem:s23+$0xA9F0] =	vst v0  }
0x64b: {  	v0 =	vld [tilespmem:s18+$0x0];
	_ =	sdelay $0x1  }
0x64c: {  	[tilespmem:s22+$0xAA90] =	vst v2  }
0x64d: {  	s13 =	spop (v2sf);
	v2 =	vld [tilespmem:s24+$0x20]  }
0x64e: {  	v4 =	vld [tilespmem:s13+$0x0]  }
0x64f: {  	[tilespmem:s23+$0xAA00] =	vst v0  }
0x650: {  	v0 =	vld [tilespmem:s18+$0x10]  }
0x651: {  	s20 =	simm.s32 $0x1000  }
0x652: {  	s16 =	sand.u32 $0x3FFFF800, s20;
	[tilespmem:s22+$0xAAA0] =	vst v2  }
0x653: {  	[tilespmem:s16+$0xA800] =	vst v4;
	v2 =	vld [tilespmem:s24+$0x30]  }
0x654: {  	v4 =	vld [tilespmem:s13+$0x10]  }
0x655: {  	[tilespmem:s23+$0xAA10] =	vst v0  }
0x656: {  	v0 =	vld [tilespmem:s18+$0x20];
	_ =	sdelay $0x1  }
0x657: {  	[tilespmem:s22+$0xAAB0] =	vst v2  }
0x658: {  	[tilespmem:s16+$0xA810] =	vst v4;
	v2 =	vld [tilespmem:s24+$0x40]  }
0x659: {  	(v2sf) =	vpush v3, $0x1;
	v4 =	vld [tilespmem:s13+$0x20]  }
0x65a: {  	(v2sf) =	vpush v3, $0x2;
	[tilespmem:s23+$0xAA20] =	vst v0  }
0x65b: {  	(v2sf) =	vpush v3, $0x3;
	v0 =	vld [tilespmem:s18+$0x30]  }
0x65c: {  	(v2sf) =	vpush v3, $0x4  }
0x65d: {  	(v2sf) =	vpush v3, $0x5;
	[tilespmem:s22+$0xAAC0] =	vst v2  }
0x65e: {  	(v2sf) =	vpush v3, $0x6;
	[tilespmem:s16+$0xA820] =	vst v4;
	v2 =	vld [tilespmem:s24+$0x50]  }
0x65f: {  	(v2sf) =	vpush v3, $0x7;
	v4 =	vld [tilespmem:s13+$0x30]  }
0x660: {  	(v2sf) =	vpush v3, $0x8;
	[tilespmem:s23+$0xAA30] =	vst v0  }
0x661: {  	(v2sf) =	vpush v3, $0x9;
	v0 =	vld [tilespmem:s18+$0x40]  }
0x662: {  	(v2sf) =	vpush v3, $0xA  }
0x663: {  	(v2sf) =	vpush v3, $0xB;
	[tilespmem:s22+$0xAAD0] =	vst v2  }
0x664: {  	(v2sf) =	vpush v3, $0xC;
	[tilespmem:s16+$0xA830] =	vst v4;
	v2 =	vld [tilespmem:s24+$0x60]  }
0x665: {  	(v2sf) =	vpush v3, $0xD;
	v4 =	vld [tilespmem:s13+$0x40]  }
0x666: {  	(v2sf) =	vpush v3, $0xE;
	[tilespmem:s23+$0xAA40] =	vst v0  }
0x667: {  	(v2sf) =	vpush v3, $0xF;
	v0 =	vld [tilespmem:s18+$0x50]  }
0x668: {  	s10 =	spop (v2sf)  }
0x669: {  	(v2sf) =	vpush v1, $0x5;
	s12 =	spop (v2sf);
	[tilespmem:s22+$0xAAE0] =	vst v2  }
0x66a: {  	s11 =	spop (v2sf);
	[tilespmem:s16+$0xA840] =	vst v4;
	v2 =	vld [tilespmem:s24+$0x70]  }
0x66b: {  	s7 =	spop (v2sf);
	v3 =	vld [tilespmem:s13+$0x50]  }
0x66c: {  	s17 =	spop (v2sf);
	[tilespmem:s23+$0xAA50] =	vst v0  }
0x66d: {  	s2 =	spop (v2sf);
	v0 =	vld [tilespmem:s18+$0x60]  }
0x66e: {  	s19 =	spop (v2sf)  }
0x66f: {  	s21 =	simm.s32 $0x2;
	s14 =	spop (v2sf);
	[tilespmem:s22+$0xAAF0] =	vst v2  }
0x670: {  	[tilespmem:s16+$0xA850] =	vst v3;
	s20 =	sor.u32 $0x1, s21;
	s5 =	spop (v2sf);
	v2 =	vld [tilespmem:s9+$0x0]  }
0x671: {  	v3 =	vld [tilespmem:s13+$0x60];
	s26 =	spop (v2sf);
	s24 =	sshll.u32 s20, $0x4  }
0x672: {  	s25 =	sand.u32 $0x80, s24;
	s28 =	sand.u32 $0x70, s24;
	s24 =	spop (v2sf);
	[tilespmem:s23+$0xAA60] =	vst v0  }
0x673: {  	s8 =	sadd.s32 s25, s30;
	s21 =	spop (v2sf);
	v0 =	vld [tilespmem:s18+$0x70]  }
0x674: {  	s31 =	spop (v2sf);
	s18 =	sadd.s32 s28, s8;
	[dreg:$0x4] =	wrdreg s21  }
0x675: {  	s29 =	spop (v2sf);
	v4 =	vld [tilespmem:s18+$0x0];
	[tilespmem:s22+$0xAB00] =	vst v2  }
0x676: {  	s25 =	spop (v2sf);
	[tilespmem:s16+$0xA860] =	vst v3;
	v2 =	vld [tilespmem:s9+$0x10]  }
0x677: {  	v3 =	vld [tilespmem:s13+$0x70];
	[dreg:$0x17] =	wrdreg s25  }
0x678: {  	s28 =	spop (v2sf);
	[tilespmem:s23+$0xAA70] =	vst v0  }
0x679: {  	v5 =	vld [tilespmem:s28+$0x0]  }
0x67a: {  	v0 =	vshll.u32 v4, $0x9  }
0x67b: {  	[tilespmem:s22+$0xAB10] =	vst v2;
	v0 =	vshra.s32 v0, $0x2  }
0x67c: {  	[tilespmem:s16+$0xA870] =	vst v3;
	v2 =	vld [tilespmem:s9+$0x20];
	(v2sf) =	vpush v0, $0x0  }
0x67d: {  	v3 =	vld [tilespmem:s10+$0x0]  }
0x67e: {  	[tilespmem:s23+$0xAA80] =	vst v5  }
0x67f: {  	v4 =	vld [tilespmem:s28+$0x10];
	_ =	sdelay $0x1  }
0x680: {  	[tilespmem:s22+$0xAB20] =	vst v2  }
0x681: {  	[tilespmem:s16+$0xA880] =	vst v3;
	v2 =	vld [tilespmem:s9+$0x30]  }
0x682: {  	v3 =	vld [tilespmem:s10+$0x10]  }
0x683: {  	[tilespmem:s23+$0xAA90] =	vst v4  }
0x684: {  	v4 =	vld [tilespmem:s28+$0x20];
	_ =	sdelay $0x1  }
0x685: {  	[tilespmem:s22+$0xAB30] =	vst v2  }
0x686: {  	[tilespmem:s16+$0xA890] =	vst v3;
	v2 =	vld [tilespmem:s9+$0x40]  }
0x687: {  	v3 =	vld [tilespmem:s10+$0x20]  }
0x688: {  	[tilespmem:s23+$0xAAA0] =	vst v4  }
0x689: {  	s8 =	spop (v2sf);
	v4 =	vld [tilespmem:s28+$0x30]  }
0x68a: {  	v5 =	vld [tilespmem:s8+$0x0]  }
0x68b: {  	[tilespmem:s22+$0xAB40] =	vst v2  }
0x68c: {  	[tilespmem:s16+$0xA8A0] =	vst v3;
	v2 =	vld [tilespmem:s9+$0x50]  }
0x68d: {  	s21 =	sshll.u32 s20, $0xB;
	v3 =	vld [tilespmem:s10+$0x30]  }
0x68e: {  	s18 =	sand.u32 $0x3FFFF800, s21;
	[tilespmem:s23+$0xAAB0] =	vst v4  }
0x68f: {  	[tilespmem:s18+$0xA800] =	vst v5;
	v4 =	vld [tilespmem:s28+$0x40]  }
0x690: {  	v5 =	vld [tilespmem:s8+$0x10]  }
0x691: {  	[tilespmem:s22+$0xAB50] =	vst v2  }
0x692: {  	[tilespmem:s16+$0xA8B0] =	vst v3;
	v2 =	vld [tilespmem:s9+$0x60]  }
0x693: {  	v3 =	vld [tilespmem:s10+$0x40]  }
0x694: {  	[tilespmem:s23+$0xAAC0] =	vst v4  }
0x695: {  	[tilespmem:s18+$0xA810] =	vst v5;
	v4 =	vld [tilespmem:s28+$0x50]  }
0x696: {  	v5 =	vld [tilespmem:s8+$0x20]  }
0x697: {  	(v2sf) =	vpush v1, $0x6;
	[tilespmem:s22+$0xAB60] =	vst v2  }
0x698: {  	[tilespmem:s16+$0xA8C0] =	vst v3;
	v2 =	vld [tilespmem:s9+$0x70]  }
0x699: {  	v3 =	vld [tilespmem:s10+$0x50]  }
0x69a: {  	[tilespmem:s23+$0xAAD0] =	vst v4  }
0x69b: {  	[tilespmem:s18+$0xA820] =	vst v5;
	v4 =	vld [tilespmem:s28+$0x60]  }
0x69c: {  	v5 =	vld [tilespmem:s8+$0x30]  }
0x69d: {  	[tilespmem:s22+$0xAB70] =	vst v2  }
0x69e: {  	[tilespmem:s16+$0xA8D0] =	vst v3;
	v2 =	vld [tilespmem:s6+$0x0]  }
0x69f: {  	v3 =	vld [tilespmem:s10+$0x60]  }
0x6a0: {  	[tilespmem:s23+$0xAAE0] =	vst v4  }
0x6a1: {  	[tilespmem:s18+$0xA830] =	vst v5;
	v4 =	vld [tilespmem:s28+$0x70]  }
0x6a2: {  	v5 =	vld [tilespmem:s8+$0x40]  }
0x6a3: {  	[tilespmem:s22+$0xAB80] =	vst v2  }
0x6a4: {  	[tilespmem:s16+$0xA8E0] =	vst v3;
	v2 =	vld [tilespmem:s6+$0x10]  }
0x6a5: {  	v3 =	vld [tilespmem:s10+$0x70]  }
0x6a6: {  	s28 =	spop (v2sf);
	[tilespmem:s23+$0xAAF0] =	vst v4  }
0x6a7: {  	[tilespmem:s18+$0xA840] =	vst v5;
	v4 =	vld [tilespmem:s28+$0x0]  }
0x6a8: {  	v5 =	vld [tilespmem:s8+$0x50]  }
0x6a9: {  	[tilespmem:s22+$0xAB90] =	vst v2  }
0x6aa: {  	(v2sf) =	vpush v0, $0x1;
	[tilespmem:s16+$0xA8F0] =	vst v3;
	v2 =	vld [tilespmem:s6+$0x20]  }
0x6ab: {  	v3 =	vld [tilespmem:s12+$0x0]  }
0x6ac: {  	[tilespmem:s23+$0xAB00] =	vst v4  }
0x6ad: {  	[tilespmem:s18+$0xA850] =	vst v5;
	v4 =	vld [tilespmem:s28+$0x10]  }
0x6ae: {  	v5 =	vld [tilespmem:s8+$0x60]  }
0x6af: {  	[tilespmem:s22+$0xABA0] =	vst v2  }
0x6b0: {  	[tilespmem:s16+$0xA900] =	vst v3;
	v2 =	vld [tilespmem:s6+$0x30]  }
0x6b1: {  	v3 =	vld [tilespmem:s12+$0x10]  }
0x6b2: {  	[tilespmem:s23+$0xAB10] =	vst v4  }
0x6b3: {  	[tilespmem:s18+$0xA860] =	vst v5;
	v4 =	vld [tilespmem:s28+$0x20]  }
0x6b4: {  	v5 =	vld [tilespmem:s8+$0x70]  }
0x6b5: {  	[tilespmem:s22+$0xABB0] =	vst v2  }
0x6b6: {  	[tilespmem:s16+$0xA910] =	vst v3;
	v2 =	vld [tilespmem:s6+$0x40]  }
0x6b7: {  	v3 =	vld [tilespmem:s12+$0x20]  }
0x6b8: {  	[tilespmem:s23+$0xAB20] =	vst v4  }
0x6b9: {  	s8 =	spop (v2sf);
	[tilespmem:s18+$0xA870] =	vst v5;
	v4 =	vld [tilespmem:s28+$0x30]  }
0x6ba: {  	v5 =	vld [tilespmem:s8+$0x0]  }
0x6bb: {  	[tilespmem:s22+$0xABC0] =	vst v2  }
0x6bc: {  	[tilespmem:s16+$0xA920] =	vst v3;
	v2 =	vld [tilespmem:s6+$0x50]  }
0x6bd: {  	v3 =	vld [tilespmem:s12+$0x30]  }
0x6be: {  	[tilespmem:s23+$0xAB30] =	vst v4  }
0x6bf: {  	[tilespmem:s18+$0xA880] =	vst v5;
	v4 =	vld [tilespmem:s28+$0x40]  }
0x6c0: {  	v5 =	vld [tilespmem:s8+$0x10]  }
0x6c1: {  	[tilespmem:s22+$0xABD0] =	vst v2  }
0x6c2: {  	[tilespmem:s16+$0xA930] =	vst v3;
	v2 =	vld [tilespmem:s6+$0x60]  }
0x6c3: {  	v3 =	vld [tilespmem:s12+$0x40]  }
0x6c4: {  	[tilespmem:s23+$0xAB40] =	vst v4  }
0x6c5: {  	[tilespmem:s18+$0xA890] =	vst v5;
	v4 =	vld [tilespmem:s28+$0x50]  }
0x6c6: {  	v5 =	vld [tilespmem:s8+$0x20]  }
0x6c7: {  	(v2sf) =	vpush v1, $0x7;
	[tilespmem:s22+$0xABE0] =	vst v2  }
0x6c8: {  	[tilespmem:s16+$0xA940] =	vst v3;
	v2 =	vld [tilespmem:s6+$0x70]  }
0x6c9: {  	v3 =	vld [tilespmem:s12+$0x50]  }
0x6ca: {  	[tilespmem:s23+$0xAB50] =	vst v4  }
0x6cb: {  	[tilespmem:s18+$0xA8A0] =	vst v5;
	v4 =	vld [tilespmem:s28+$0x60]  }
0x6cc: {  	v5 =	vld [tilespmem:s8+$0x30]  }
0x6cd: {  	[tilespmem:s22+$0xABF0] =	vst v2  }
0x6ce: {  	[tilespmem:s16+$0xA950] =	vst v3;
	v2 =	vld [tilespmem:s4+$0x0]  }
0x6cf: {  	v3 =	vld [tilespmem:s12+$0x60]  }
0x6d0: {  	[tilespmem:s23+$0xAB60] =	vst v4  }
0x6d1: {  	[tilespmem:s18+$0xA8B0] =	vst v5;
	v4 =	vld [tilespmem:s28+$0x70]  }
0x6d2: {  	v5 =	vld [tilespmem:s8+$0x40]  }
0x6d3: {  	[tilespmem:s22+$0xAC00] =	vst v2  }
0x6d4: {  	[tilespmem:s16+$0xA960] =	vst v3;
	v2 =	vld [tilespmem:s4+$0x10]  }
0x6d5: {  	v3 =	vld [tilespmem:s12+$0x70]  }
0x6d6: {  	s13 =	spop (v2sf);
	[tilespmem:s23+$0xAB70] =	vst v4  }
0x6d7: {  	[tilespmem:s18+$0xA8C0] =	vst v5;
	v4 =	vld [tilespmem:s13+$0x0]  }
0x6d8: {  	v5 =	vld [tilespmem:s8+$0x50]  }
0x6d9: {  	[tilespmem:s22+$0xAC10] =	vst v2  }
0x6da: {  	(v2sf) =	vpush v0, $0x2;
	[tilespmem:s16+$0xA970] =	vst v3;
	v2 =	vld [tilespmem:s4+$0x20]  }
0x6db: {  	v3 =	vld [tilespmem:s11+$0x0]  }
0x6dc: {  	[tilespmem:s23+$0xAB80] =	vst v4  }
0x6dd: {  	[tilespmem:s18+$0xA8D0] =	vst v5;
	v4 =	vld [tilespmem:s13+$0x10]  }
0x6de: {  	v5 =	vld [tilespmem:s8+$0x60]  }
0x6df: {  	[tilespmem:s22+$0xAC20] =	vst v2  }
0x6e0: {  	[tilespmem:s16+$0xA980] =	vst v3;
	v2 =	vld [tilespmem:s4+$0x30]  }
0x6e1: {  	v3 =	vld [tilespmem:s11+$0x10]  }
0x6e2: {  	[tilespmem:s23+$0xAB90] =	vst v4  }
0x6e3: {  	[tilespmem:s18+$0xA8E0] =	vst v5;
	v4 =	vld [tilespmem:s13+$0x20]  }
0x6e4: {  	v5 =	vld [tilespmem:s8+$0x70]  }
0x6e5: {  	[tilespmem:s22+$0xAC30] =	vst v2  }
0x6e6: {  	[tilespmem:s16+$0xA990] =	vst v3;
	v2 =	vld [tilespmem:s4+$0x40]  }
0x6e7: {  	v3 =	vld [tilespmem:s11+$0x20]  }
0x6e8: {  	[tilespmem:s23+$0xABA0] =	vst v4  }
0x6e9: {  	s20 =	spop (v2sf);
	[tilespmem:s18+$0xA8F0] =	vst v5;
	v4 =	vld [tilespmem:s13+$0x30]  }
0x6ea: {  	v5 =	vld [tilespmem:s20+$0x0]  }
0x6eb: {  	[tilespmem:s22+$0xAC40] =	vst v2  }
0x6ec: {  	[tilespmem:s16+$0xA9A0] =	vst v3;
	v2 =	vld [tilespmem:s4+$0x50]  }
0x6ed: {  	v3 =	vld [tilespmem:s11+$0x30]  }
0x6ee: {  	[tilespmem:s23+$0xABB0] =	vst v4  }
0x6ef: {  	[tilespmem:s18+$0xA900] =	vst v5;
	v4 =	vld [tilespmem:s13+$0x40]  }
0x6f0: {  	v5 =	vld [tilespmem:s20+$0x10]  }
0x6f1: {  	[tilespmem:s22+$0xAC50] =	vst v2  }
0x6f2: {  	[tilespmem:s16+$0xA9B0] =	vst v3;
	v2 =	vld [tilespmem:s4+$0x60]  }
0x6f3: {  	v3 =	vld [tilespmem:s11+$0x40]  }
0x6f4: {  	[tilespmem:s23+$0xABC0] =	vst v4  }
0x6f5: {  	[tilespmem:s18+$0xA910] =	vst v5;
	v4 =	vld [tilespmem:s13+$0x50]  }
0x6f6: {  	v5 =	vld [tilespmem:s20+$0x20]  }
0x6f7: {  	(v2sf) =	vpush v1, $0x8;
	[tilespmem:s22+$0xAC60] =	vst v2  }
0x6f8: {  	[tilespmem:s16+$0xA9C0] =	vst v3;
	v2 =	vld [tilespmem:s4+$0x70]  }
0x6f9: {  	v3 =	vld [tilespmem:s11+$0x50]  }
0x6fa: {  	[tilespmem:s23+$0xABD0] =	vst v4  }
0x6fb: {  	[tilespmem:s18+$0xA920] =	vst v5;
	v4 =	vld [tilespmem:s13+$0x60]  }
0x6fc: {  	v5 =	vld [tilespmem:s20+$0x30]  }
0x6fd: {  	[tilespmem:s22+$0xAC70] =	vst v2  }
0x6fe: {  	[tilespmem:s16+$0xA9D0] =	vst v3;
	v2 =	vld [tilespmem:s3+$0x0]  }
0x6ff: {  	v3 =	vld [tilespmem:s11+$0x60]  }
0x700: {  	[tilespmem:s23+$0xABE0] =	vst v4  }
0x701: {  	[tilespmem:s18+$0xA930] =	vst v5;
	v4 =	vld [tilespmem:s13+$0x70]  }
0x702: {  	v5 =	vld [tilespmem:s20+$0x40]  }
0x703: {  	[tilespmem:s22+$0xAC80] =	vst v2  }
0x704: {  	[tilespmem:s16+$0xA9E0] =	vst v3;
	v2 =	vld [tilespmem:s3+$0x10]  }
0x705: {  	v3 =	vld [tilespmem:s11+$0x70]  }
0x706: {  	s21 =	spop (v2sf);
	[tilespmem:s23+$0xABF0] =	vst v4  }
0x707: {  	[tilespmem:s18+$0xA940] =	vst v5;
	v4 =	vld [tilespmem:s21+$0x0]  }
0x708: {  	v5 =	vld [tilespmem:s20+$0x50]  }
0x709: {  	[tilespmem:s22+$0xAC90] =	vst v2  }
0x70a: {  	(v2sf) =	vpush v0, $0x3;
	[tilespmem:s16+$0xA9F0] =	vst v3;
	v2 =	vld [tilespmem:s3+$0x20]  }
0x70b: {  	v3 =	vld [tilespmem:s7+$0x0]  }
0x70c: {  	[tilespmem:s23+$0xAC00] =	vst v4  }
0x70d: {  	[tilespmem:s18+$0xA950] =	vst v5;
	v4 =	vld [tilespmem:s21+$0x10]  }
0x70e: {  	v5 =	vld [tilespmem:s20+$0x60]  }
0x70f: {  	[tilespmem:s22+$0xACA0] =	vst v2  }
0x710: {  	[tilespmem:s16+$0xAA00] =	vst v3;
	v2 =	vld [tilespmem:s3+$0x30]  }
0x711: {  	v3 =	vld [tilespmem:s7+$0x10]  }
0x712: {  	[tilespmem:s23+$0xAC10] =	vst v4  }
0x713: {  	[tilespmem:s18+$0xA960] =	vst v5;
	v4 =	vld [tilespmem:s21+$0x20]  }
0x714: {  	v5 =	vld [tilespmem:s20+$0x70]  }
0x715: {  	[tilespmem:s22+$0xACB0] =	vst v2  }
0x716: {  	[tilespmem:s16+$0xAA10] =	vst v3;
	v2 =	vld [tilespmem:s3+$0x40]  }
0x717: {  	v3 =	vld [tilespmem:s7+$0x20]  }
0x718: {  	[tilespmem:s23+$0xAC20] =	vst v4  }
0x719: {  	s12 =	smov.u32 s24;
	s24 =	spop (v2sf);
	[tilespmem:s18+$0xA970] =	vst v5;
	v4 =	vld [tilespmem:s21+$0x30]  }
0x71a: {  	v5 =	vld [tilespmem:s24+$0x0]  }
0x71b: {  	[tilespmem:s22+$0xACC0] =	vst v2  }
0x71c: {  	[tilespmem:s16+$0xAA20] =	vst v3;
	v2 =	vld [tilespmem:s3+$0x50]  }
0x71d: {  	v3 =	vld [tilespmem:s7+$0x30]  }
0x71e: {  	[tilespmem:s23+$0xAC30] =	vst v4  }
0x71f: {  	[tilespmem:s18+$0xA980] =	vst v5;
	v4 =	vld [tilespmem:s21+$0x40]  }
0x720: {  	v5 =	vld [tilespmem:s24+$0x10]  }
0x721: {  	[tilespmem:s22+$0xACD0] =	vst v2  }
0x722: {  	[tilespmem:s16+$0xAA30] =	vst v3;
	v2 =	vld [tilespmem:s3+$0x60]  }
0x723: {  	v3 =	vld [tilespmem:s7+$0x40]  }
0x724: {  	[tilespmem:s23+$0xAC40] =	vst v4  }
0x725: {  	[tilespmem:s18+$0xA990] =	vst v5;
	v4 =	vld [tilespmem:s21+$0x50]  }
0x726: {  	v5 =	vld [tilespmem:s24+$0x20]  }
0x727: {  	(v2sf) =	vpush v1, $0x9;
	[tilespmem:s22+$0xACE0] =	vst v2  }
0x728: {  	[tilespmem:s16+$0xAA40] =	vst v3;
	v2 =	vld [tilespmem:s3+$0x70]  }
0x729: {  	v3 =	vld [tilespmem:s7+$0x50]  }
0x72a: {  	[tilespmem:s23+$0xAC50] =	vst v4  }
0x72b: {  	[tilespmem:s18+$0xA9A0] =	vst v5;
	v4 =	vld [tilespmem:s21+$0x60]  }
0x72c: {  	v5 =	vld [tilespmem:s24+$0x30]  }
0x72d: {  	[tilespmem:s22+$0xACF0] =	vst v2  }
0x72e: {  	[tilespmem:s16+$0xAA50] =	vst v3;
	v2 =	vld [tilespmem:s1+$0x0]  }
0x72f: {  	s25 =	simm.s32 $0x40;
	v3 =	vld [tilespmem:s7+$0x60]  }
0x730: {  	s28 =	sand.u32 $0x80, s25;
	[tilespmem:s23+$0xAC60] =	vst v4  }
0x731: {  	s6 =	sadd.s32 s28, s30;
	s3 =	sand.u32 $0x60, s25;
	[tilespmem:s18+$0xA9B0] =	vst v5;
	v4 =	vld [tilespmem:s21+$0x70]  }
0x732: {  	s3 =	sadd.s32 s3, s6;
	v5 =	vld [tilespmem:s24+$0x40]  }
0x733: {  	v6 =	vld [tilespmem:s3+$0x0];
	[tilespmem:s22+$0xAD00] =	vst v2  }
0x734: {  	[tilespmem:s16+$0xAA60] =	vst v3;
	v2 =	vld [tilespmem:s1+$0x10]  }
0x735: {  	v3 =	vld [tilespmem:s7+$0x70]  }
0x736: {  	s28 =	spop (v2sf);
	[tilespmem:s23+$0xAC70] =	vst v4  }
0x737: {  	[tilespmem:s18+$0xA9C0] =	vst v5;
	v4 =	vld [tilespmem:s28+$0x0]  }
0x738: {  	v5 =	vld [tilespmem:s24+$0x50]  }
0x739: {  	[tilespmem:s22+$0xAD10] =	vst v2  }
0x73a: {  	(v2sf) =	vpush v0, $0x4;
	[tilespmem:s16+$0xAA70] =	vst v3;
	v3 =	vshll.u32 v6, $0x9  }
0x73b: {  	v2 =	vld [tilespmem:s1+$0x20];
	v3 =	vshra.s32 v3, $0x2  }
0x73c: {  	v6 =	vld [tilespmem:s17+$0x0];
	(v2sf) =	vpush v3, $0x0;
	[tilespmem:s23+$0xAC80] =	vst v4  }
0x73d: {  	[tilespmem:s18+$0xA9D0] =	vst v5;
	v4 =	vld [tilespmem:s28+$0x10]  }
0x73e: {  	v5 =	vld [tilespmem:s24+$0x60];
	_ =	sdelay $0x1  }
0x73f: {  	[tilespmem:s22+$0xAD20] =	vst v2  }
0x740: {  	[tilespmem:s16+$0xAA80] =	vst v6;
	v2 =	vld [tilespmem:s1+$0x30]  }
0x741: {  	v6 =	vld [tilespmem:s17+$0x10];
	[tilespmem:s23+$0xAC90] =	vst v4  }
0x742: {  	[tilespmem:s18+$0xA9E0] =	vst v5;
	v4 =	vld [tilespmem:s28+$0x20]  }
0x743: {  	v5 =	vld [tilespmem:s24+$0x70]  }
0x744: {  	(v2sf) =	vpush v3, $0x1  }
0x745: {  	(v2sf) =	vpush v3, $0x2;
	[tilespmem:s22+$0xAD30] =	vst v2  }
0x746: {  	(v2sf) =	vpush v3, $0x3;
	[tilespmem:s16+$0xAA90] =	vst v6;
	v2 =	vld [tilespmem:s1+$0x40]  }
0x747: {  	(v2sf) =	vpush v3, $0x4;
	v6 =	vld [tilespmem:s17+$0x20];
	[tilespmem:s23+$0xACA0] =	vst v4  }
0x748: {  	s7 =	smov.u32 s26;
	s26 =	spop (v2sf);
	(v2sf) =	vpush v3, $0x5;
	[tilespmem:s18+$0xA9F0] =	vst v5;
	v4 =	vld [tilespmem:s28+$0x30]  }
0x749: {  	(v2sf) =	vpush v3, $0x6;
	v5 =	vld [tilespmem:s26+$0x0]  }
0x74a: {  	(v2sf) =	vpush v3, $0x7;
	s20 =	spop (v2sf)  }
0x74b: {  	(v2sf) =	vpush v3, $0x8;
	[tilespmem:s22+$0xAD40] =	vst v2;
	v2 =	vld [tilespmem:s20+$0x0]  }
0x74c: {  	v7 =	vld [tilespmem:s1+$0x50];
	[tilespmem:s16+$0xAAA0] =	vst v6  }
0x74d: {  	v6 =	vld [tilespmem:s17+$0x30];
	[tilespmem:s23+$0xACB0] =	vst v4  }
0x74e: {  	s4 =	simm.s32 $0x2000;
	[tilespmem:s18+$0xAA00] =	vst v5;
	v4 =	vld [tilespmem:s28+$0x40]  }
0x74f: {  	s25 =	sand.u32 $0x3FFFF800, s4;
	v5 =	vld [tilespmem:s26+$0x10]  }
0x750: {  	(v2sf) =	vpush v3, $0x9;
	[tilespmem:s25+$0xA800] =	vst v2  }
0x751: {  	(v2sf) =	vpush v3, $0xA;
	[tilespmem:s22+$0xAD50] =	vst v7  }
0x752: {  	(v2sf) =	vpush v3, $0xB;
	v2 =	vld [tilespmem:s20+$0x10];
	[tilespmem:s16+$0xAAB0] =	vst v6  }
0x753: {  	(v2sf) =	vpush v3, $0xC;
	v7 =	vld [tilespmem:s1+$0x60];
	[tilespmem:s23+$0xACC0] =	vst v4  }
0x754: {  	(v2sf) =	vpush v3, $0xD;
	[tilespmem:s18+$0xAA10] =	vst v5;
	v5 =	vld [tilespmem:s17+$0x40]  }
0x755: {  	s3 =	spop (v2sf);
	(v2sf) =	vpush v3, $0xE;
	v4 =	vld [tilespmem:s28+$0x50]  }
0x756: {  	s10 =	spop (v2sf);
	(v2sf) =	vpush v3, $0xF;
	v3 =	vld [tilespmem:s26+$0x20]  }
0x757: {  	s4 =	spop (v2sf);
	[tilespmem:s25+$0xA810] =	vst v2  }
0x758: {  	s9 =	spop (v2sf);
	[tilespmem:s22+$0xAD60] =	vst v7;
	v2 =	vld [tilespmem:s20+$0x20]  }
0x759: {  	s13 =	spop (v2sf);
	[tilespmem:s16+$0xAAC0] =	vst v5  }
0x75a: {  	s21 =	spop (v2sf);
	v6 =	vld [tilespmem:s1+$0x70];
	[tilespmem:s23+$0xACD0] =	vst v4  }
0x75b: {  	s6 =	spop (v2sf);
	(v2sf) =	vpush v1, $0xA;
	[tilespmem:s18+$0xAA20] =	vst v3;
	v3 =	vld [tilespmem:s28+$0x60]  }
0x75c: {  	v4 =	vld [tilespmem:s26+$0x30];
	[dreg:$0x16] =	wrdreg s6  }
0x75d: {  	s8 =	spop (v2sf);
	[tilespmem:s25+$0xA820] =	vst v2  }
0x75e: {  	v5 =	vld [tilespmem:s17+$0x50];
	[dreg:$0x15] =	wrdreg s8  }
0x75f: {  	s11 =	spop (v2sf);
	[tilespmem:s22+$0xAD70] =	vst v6  }
0x760: {  	v2 =	vld [tilespmem:s20+$0x30];
	[dreg:$0x13] =	wrdreg s11  }
0x761: {  	s24 =	spop (v2sf);
	[tilespmem:s23+$0xACE0] =	vst v3  }
0x762: {  	v6 =	vld [tilespmem:s0+$0x0];
	[dreg:$0x10] =	wrdreg s24  }
0x763: {  	s6 =	spop (v2sf);
	[tilespmem:s18+$0xAA30] =	vst v4  }
0x764: {  	s8 =	spop (v2sf);
	v3 =	vld [tilespmem:s28+$0x70];
	[dreg:$0xe] =	wrdreg s6  }
0x765: {  	v4 =	vld [tilespmem:s26+$0x40];
	[dreg:$0xc] =	wrdreg s8  }
0x766: {  	s11 =	spop (v2sf);
	[tilespmem:s16+$0xAAD0] =	vst v5  }
0x767: {  	[dreg:$0xb] =	wrdreg s11  }
0x768: {  	s11 =	spop (v2sf);
	v5 =	vld [tilespmem:s17+$0x60];
	[tilespmem:s25+$0xA830] =	vst v2  }
0x769: {  	[tilespmem:s22+$0xAD80] =	vst v6;
	s6 =	spop (v2sf);
	v2 =	vld [tilespmem:s20+$0x40]  }
0x76a: {  	[tilespmem:s23+$0xACF0] =	vst v3;
	v6 =	vld [tilespmem:s0+$0x10];
	s28 =	spop (v2sf)  }
0x76b: {  	[tilespmem:s18+$0xAA40] =	vst v4;
	v3 =	vld [tilespmem:s28+$0x0]  }
0x76c: {  	v4 =	vld [tilespmem:s26+$0x50]  }
0x76d: {  	[tilespmem:s16+$0xAAE0] =	vst v5  }
0x76e: {  	v5 =	vld [tilespmem:s17+$0x70];
	[tilespmem:s25+$0xA840] =	vst v2  }
0x76f: {  	(v2sf) =	vpush v0, $0x5;
	[tilespmem:s22+$0xAD90] =	vst v6;
	v2 =	vld [tilespmem:s20+$0x50]  }
0x770: {  	v6 =	vld [tilespmem:s0+$0x20];
	[tilespmem:s23+$0xAD00] =	vst v3  }
0x771: {  	[tilespmem:s18+$0xAA50] =	vst v4;
	v3 =	vld [tilespmem:s28+$0x10]  }
0x772: {  	v4 =	vld [tilespmem:s26+$0x60]  }
0x773: {  	[tilespmem:s16+$0xAAF0] =	vst v5  }
0x774: {  	s24 =	simm.s32 $0x4;
	[tilespmem:s25+$0xA850] =	vst v2  }
0x775: {  	s17 =	sor.u32 $0x1, s24;
	v5 =	vld [tilespmem:s2+$0x0];
	[tilespmem:s22+$0xADA0] =	vst v6  }
0x776: {  	s1 =	sshll.u32 s17, $0x4;
	v2 =	vld [tilespmem:s20+$0x60];
	[tilespmem:s23+$0xAD10] =	vst v3  }
0x777: {  	s8 =	sand.u32 $0x80, s1;
	v6 =	vld [tilespmem:s0+$0x30];
	[tilespmem:s18+$0xAA60] =	vst v4  }
0x778: {  	s1 =	sand.u32 $0x70, s1;
	s24 =	sadd.s32 s8, s30;
	v3 =	vld [tilespmem:s28+$0x20];
	[dreg:$0x6] =	wrdreg s30  }
0x779: {  	s1 =	sadd.s32 s1, s24;
	v4 =	vld [tilespmem:s26+$0x70]  }
0x77a: {  	s24 =	sld [smem:$0x7EE];
	v7 =	vld [tilespmem:s1+$0x0];
	[tilespmem:s16+$0xAB00] =	vst v5  }
0x77b: {  	v5 =	vld [tilespmem:s2+$0x10];
	[tilespmem:s25+$0xA860] =	vst v2  }
0x77c: {  	[tilespmem:s22+$0xADB0] =	vst v6;
	v2 =	vld [tilespmem:s20+$0x70]  }
0x77d: {  	v6 =	vld [tilespmem:s0+$0x40];
	[tilespmem:s23+$0xAD20] =	vst v3  }
0x77e: {  	s1 =	spop (v2sf);
	v3 =	vld [tilespmem:s28+$0x30];
	[tilespmem:s18+$0xAA70] =	vst v4  }
0x77f: {  	v4 =	vld [tilespmem:s1+$0x0]  }
0x780: {  	[tilespmem:s16+$0xAB10] =	vst v5;
	v5 =	vshll.u32 v7, $0x9  }
0x781: {  	v7 =	vld [tilespmem:s2+$0x20];
	[tilespmem:s25+$0xA870] =	vst v2;
	v2 =	vshra.s32 v5, $0x2  }
0x782: {  	[tilespmem:s22+$0xADC0] =	vst v6;
	v5 =	vld [tilespmem:s3+$0x0];
	(v2sf) =	vpush v2, $0x0  }
0x783: {  	v6 =	vld [tilespmem:s0+$0x50];
	[tilespmem:s23+$0xAD30] =	vst v3  }
0x784: {  	v3 =	vld [tilespmem:s28+$0x40];
	[tilespmem:s18+$0xAA80] =	vst v4  }
0x785: {  	v4 =	vld [tilespmem:s1+$0x10]  }
0x786: {  	[tilespmem:s16+$0xAB20] =	vst v7  }
0x787: {  	v7 =	vld [tilespmem:s2+$0x30];
	[tilespmem:s25+$0xA880] =	vst v5  }
0x788: {  	[tilespmem:s22+$0xADD0] =	vst v6;
	v5 =	vld [tilespmem:s3+$0x10]  }
0x789: {  	v6 =	vld [tilespmem:s0+$0x60];
	[tilespmem:s23+$0xAD40] =	vst v3  }
0x78a: {  	v3 =	vld [tilespmem:s28+$0x50];
	[tilespmem:s18+$0xAA90] =	vst v4  }
0x78b: {  	v4 =	vld [tilespmem:s1+$0x20]  }
0x78c: {  	(v2sf) =	vpush v1, $0xB;
	[tilespmem:s16+$0xAB30] =	vst v7  }
0x78d: {  	v7 =	vld [tilespmem:s2+$0x40];
	[tilespmem:s25+$0xA890] =	vst v5  }
0x78e: {  	[tilespmem:s22+$0xADE0] =	vst v6;
	v5 =	vld [tilespmem:s3+$0x20]  }
0x78f: {  	v6 =	vld [tilespmem:s0+$0x70];
	[tilespmem:s23+$0xAD50] =	vst v3  }
0x790: {  	v3 =	vld [tilespmem:s28+$0x60];
	[tilespmem:s18+$0xAAA0] =	vst v4  }
0x791: {  	v4 =	vld [tilespmem:s1+$0x30];
	s8 =	spop (v2sf)  }
0x792: {  	[tilespmem:s16+$0xAB40] =	vst v7;
	v7 =	vld [tilespmem:s8+$0x0]  }
0x793: {  	[tilespmem:s25+$0xA8A0] =	vst v5;
	v5 =	vld [tilespmem:s2+$0x50]  }
0x794: {  	[tilespmem:s22+$0xADF0] =	vst v6;
	v6 =	vld [tilespmem:s3+$0x30]  }
0x795: {  	s26 =	sshll.u32 s17, $0xB;
	v8 =	vld [tilespmem:s15+$0x0];
	[tilespmem:s23+$0xAD60] =	vst v3  }
0x796: {  	s0 =	sand.u32 $0x3FFFF800, s26;
	v3 =	vld [tilespmem:s28+$0x70];
	[tilespmem:s18+$0xAAB0] =	vst v4  }
0x797: {  	[tilespmem:s0+$0xA800] =	vst v7;
	v4 =	vld [tilespmem:s1+$0x40]  }
0x798: {  	v7 =	vld [tilespmem:s8+$0x10];
	[tilespmem:s16+$0xAB50] =	vst v5  }
0x799: {  	[tilespmem:s25+$0xA8B0] =	vst v6;
	v5 =	vld [tilespmem:s2+$0x60]  }
0x79a: {  	[tilespmem:s22+$0xAE00] =	vst v8;
	v6 =	vld [tilespmem:s3+$0x40]  }
0x79b: {  	s30 =	spop (v2sf);
	v8 =	vld [tilespmem:s15+$0x10];
	[tilespmem:s23+$0xAD70] =	vst v3  }
0x79c: {  	v3 =	vld [tilespmem:s30+$0x0];
	[tilespmem:s18+$0xAAC0] =	vst v4  }
0x79d: {  	[tilespmem:s0+$0xA810] =	vst v7;
	v4 =	vld [tilespmem:s1+$0x50]  }
0x79e: {  	v7 =	vld [tilespmem:s8+$0x20];
	[tilespmem:s16+$0xAB60] =	vst v5  }
0x79f: {  	(v2sf) =	vpush v0, $0x6;
	v5 =	vld [tilespmem:s2+$0x70];
	[tilespmem:s25+$0xA8C0] =	vst v6  }
0x7a0: {  	[tilespmem:s22+$0xAE10] =	vst v8;
	v6 =	vld [tilespmem:s3+$0x50]  }
0x7a1: {  	v8 =	vld [tilespmem:s15+$0x20];
	[tilespmem:s23+$0xAD80] =	vst v3  }
0x7a2: {  	v3 =	vld [tilespmem:s30+$0x10];
	[tilespmem:s18+$0xAAD0] =	vst v4  }
0x7a3: {  	[tilespmem:s0+$0xA820] =	vst v7;
	v4 =	vld [tilespmem:s1+$0x60]  }
0x7a4: {  	v7 =	vld [tilespmem:s8+$0x30];
	[tilespmem:s16+$0xAB70] =	vst v5  }
0x7a5: {  	[tilespmem:s25+$0xA8D0] =	vst v6;
	v5 =	vld [tilespmem:s19+$0x0]  }
0x7a6: {  	[tilespmem:s22+$0xAE20] =	vst v8;
	v6 =	vld [tilespmem:s3+$0x60]  }
0x7a7: {  	v8 =	vld [tilespmem:s15+$0x30];
	[tilespmem:s23+$0xAD90] =	vst v3  }
0x7a8: {  	v3 =	vld [tilespmem:s30+$0x20];
	[tilespmem:s18+$0xAAE0] =	vst v4  }
0x7a9: {  	v4 =	vld [tilespmem:s1+$0x70];
	[tilespmem:s0+$0xA830] =	vst v7  }
0x7aa: {  	v7 =	vld [tilespmem:s8+$0x40];
	[tilespmem:s16+$0xAB80] =	vst v5  }
0x7ab: {  	[tilespmem:s25+$0xA8E0] =	vst v6;
	v5 =	vld [tilespmem:s19+$0x10]  }
0x7ac: {  	[tilespmem:s22+$0xAE30] =	vst v8;
	v6 =	vld [tilespmem:s3+$0x70]  }
0x7ad: {  	v8 =	vld [tilespmem:s15+$0x40];
	[tilespmem:s23+$0xADA0] =	vst v3  }
0x7ae: {  	s3 =	spop (v2sf);
	v3 =	vld [tilespmem:s30+$0x30];
	[tilespmem:s18+$0xAAF0] =	vst v4  }
0x7af: {  	[tilespmem:s0+$0xA840] =	vst v7;
	v4 =	vld [tilespmem:s3+$0x0]  }
0x7b0: {  	v7 =	vld [tilespmem:s8+$0x50];
	[tilespmem:s16+$0xAB90] =	vst v5  }
0x7b1: {  	[tilespmem:s25+$0xA8F0] =	vst v6;
	v5 =	vld [tilespmem:s19+$0x20]  }
0x7b2: {  	[tilespmem:s22+$0xAE40] =	vst v8;
	v6 =	vld [tilespmem:s10+$0x0]  }
0x7b3: {  	v8 =	vld [tilespmem:s15+$0x50];
	[tilespmem:s23+$0xADB0] =	vst v3  }
0x7b4: {  	v3 =	vld [tilespmem:s30+$0x40];
	[tilespmem:s18+$0xAB00] =	vst v4  }
0x7b5: {  	(v2sf) =	vpush v2, $0x1;
	[tilespmem:s0+$0xA850] =	vst v7;
	v4 =	vld [tilespmem:s3+$0x10]  }
0x7b6: {  	v7 =	vld [tilespmem:s8+$0x60];
	[tilespmem:s16+$0xABA0] =	vst v5  }
0x7b7: {  	[tilespmem:s25+$0xA900] =	vst v6;
	v5 =	vld [tilespmem:s19+$0x30]  }
0x7b8: {  	[tilespmem:s22+$0xAE50] =	vst v8;
	v6 =	vld [tilespmem:s10+$0x10]  }
0x7b9: {  	v8 =	vld [tilespmem:s15+$0x60];
	[tilespmem:s23+$0xADC0] =	vst v3  }
0x7ba: {  	v3 =	vld [tilespmem:s30+$0x50];
	[tilespmem:s18+$0xAB10] =	vst v4  }
0x7bb: {  	[tilespmem:s0+$0xA860] =	vst v7;
	v4 =	vld [tilespmem:s3+$0x20]  }
0x7bc: {  	v7 =	vld [tilespmem:s8+$0x70];
	[tilespmem:s16+$0xABB0] =	vst v5  }
0x7bd: {  	[tilespmem:s25+$0xA910] =	vst v6;
	v5 =	vld [tilespmem:s19+$0x40]  }
0x7be: {  	[tilespmem:s22+$0xAE60] =	vst v8;
	v6 =	vld [tilespmem:s10+$0x20]  }
0x7bf: {  	(v2sf) =	vpush v1, $0xC;
	v8 =	vld [tilespmem:s15+$0x70];
	[tilespmem:s23+$0xADD0] =	vst v3  }
0x7c0: {  	[tilespmem:s18+$0xAB20] =	vst v4  }
0x7c1: {  	[tilespmem:s0+$0xA870] =	vst v7  }
0x7c2: {  	[tilespmem:s16+$0xABC0] =	vst v5  }
0x7c3: {  	v3 =	vld [tilespmem:s30+$0x60];
	[tilespmem:s25+$0xA920] =	vst v6  }
0x7c4: {  	s8 =	spop (v2sf);
	v4 =	vld [tilespmem:s3+$0x30];
	[tilespmem:s22+$0xAE70] =	vst v8  }
0x7c5: {  	v7 =	vld [tilespmem:s8+$0x0];
	s15 =	sld [smem:$0x7EF]  }
0x7c6: {  	v5 =	vld [tilespmem:s19+$0x50]  }
0x7c7: {  	v6 =	vld [tilespmem:s10+$0x30]  }
0x7c8: {  	[tilespmem:s23+$0xADE0] =	vst v3;
	v8 =	vld [tilespmem:s15+$0x0]  }
0x7c9: {  	v3 =	vld [tilespmem:s30+$0x70];
	[tilespmem:s18+$0xAB30] =	vst v4  }
0x7ca: {  	[tilespmem:s0+$0xA880] =	vst v7;
	v4 =	vld [tilespmem:s3+$0x40]  }
0x7cb: {  	v7 =	vld [tilespmem:s8+$0x10];
	[tilespmem:s16+$0xABD0] =	vst v5  }
0x7cc: {  	[tilespmem:s25+$0xA930] =	vst v6;
	v5 =	vld [tilespmem:s19+$0x60]  }
0x7cd: {  	v6 =	vld [tilespmem:s10+$0x40];
	[tilespmem:s22+$0xAE80] =	vst v8  }
0x7ce: {  	s17 =	spop (v2sf);
	[tilespmem:s23+$0xADF0] =	vst v3;
	v8 =	vld [tilespmem:s15+$0x10]  }
0x7cf: {  	v3 =	vld [tilespmem:s17+$0x0];
	[tilespmem:s18+$0xAB40] =	vst v4  }
0x7d0: {  	[tilespmem:s0+$0xA890] =	vst v7;
	v4 =	vld [tilespmem:s3+$0x50]  }
0x7d1: {  	v7 =	vld [tilespmem:s8+$0x20];
	[tilespmem:s16+$0xABE0] =	vst v5  }
0x7d2: {  	(v2sf) =	vpush v0, $0x7;
	v5 =	vld [tilespmem:s19+$0x70];
	[tilespmem:s25+$0xA940] =	vst v6  }
0x7d3: {  	v6 =	vld [tilespmem:s10+$0x50];
	[tilespmem:s22+$0xAE90] =	vst v8  }
0x7d4: {  	[tilespmem:s23+$0xAE00] =	vst v3;
	v8 =	vld [tilespmem:s15+$0x20]  }
0x7d5: {  	v3 =	vld [tilespmem:s17+$0x10];
	[tilespmem:s18+$0xAB50] =	vst v4  }
0x7d6: {  	[tilespmem:s0+$0xA8A0] =	vst v7;
	v4 =	vld [tilespmem:s3+$0x60]  }
0x7d7: {  	v7 =	vld [tilespmem:s8+$0x30];
	[tilespmem:s16+$0xABF0] =	vst v5  }
0x7d8: {  	[tilespmem:s25+$0xA950] =	vst v6;
	v5 =	vld [tilespmem:s14+$0x0]  }
0x7d9: {  	v6 =	vld [tilespmem:s10+$0x60];
	[tilespmem:s22+$0xAEA0] =	vst v8  }
0x7da: {  	[tilespmem:s23+$0xAE10] =	vst v3;
	v8 =	vld [tilespmem:s15+$0x30]  }
0x7db: {  	v3 =	vld [tilespmem:s17+$0x20];
	[tilespmem:s18+$0xAB60] =	vst v4  }
0x7dc: {  	v4 =	vld [tilespmem:s3+$0x70];
	[tilespmem:s0+$0xA8B0] =	vst v7  }
0x7dd: {  	v7 =	vld [tilespmem:s8+$0x40];
	[tilespmem:s16+$0xAC00] =	vst v5  }
0x7de: {  	[tilespmem:s25+$0xA960] =	vst v6;
	v5 =	vld [tilespmem:s14+$0x10]  }
0x7df: {  	v6 =	vld [tilespmem:s10+$0x70];
	[tilespmem:s22+$0xAEB0] =	vst v8  }
0x7e0: {  	[tilespmem:s23+$0xAE20] =	vst v3;
	v8 =	vld [tilespmem:s15+$0x40]  }
0x7e1: {  	s20 =	spop (v2sf);
	v3 =	vld [tilespmem:s17+$0x30];
	[tilespmem:s18+$0xAB70] =	vst v4  }
0x7e2: {  	[tilespmem:s0+$0xA8C0] =	vst v7;
	v4 =	vld [tilespmem:s20+$0x0]  }
0x7e3: {  	v7 =	vld [tilespmem:s8+$0x50];
	[tilespmem:s16+$0xAC10] =	vst v5  }
0x7e4: {  	[tilespmem:s25+$0xA970] =	vst v6;
	v5 =	vld [tilespmem:s14+$0x20]  }
0x7e5: {  	v6 =	vld [tilespmem:s4+$0x0];
	[tilespmem:s22+$0xAEC0] =	vst v8  }
0x7e6: {  	[tilespmem:s23+$0xAE30] =	vst v3;
	v8 =	vld [tilespmem:s15+$0x50]  }
0x7e7: {  	(v2sf) =	vpush v2, $0x2;
	v3 =	vld [tilespmem:s17+$0x40];
	[tilespmem:s18+$0xAB80] =	vst v4  }
0x7e8: {  	[tilespmem:s0+$0xA8D0] =	vst v7;
	v4 =	vld [tilespmem:s20+$0x10]  }
0x7e9: {  	v7 =	vld [tilespmem:s8+$0x60];
	[tilespmem:s16+$0xAC20] =	vst v5  }
0x7ea: {  	[tilespmem:s25+$0xA980] =	vst v6;
	v5 =	vld [tilespmem:s14+$0x30]  }
0x7eb: {  	v6 =	vld [tilespmem:s4+$0x10];
	[tilespmem:s22+$0xAED0] =	vst v8  }
0x7ec: {  	[tilespmem:s23+$0xAE40] =	vst v3;
	v8 =	vld [tilespmem:s15+$0x60]  }
0x7ed: {  	v3 =	vld [tilespmem:s17+$0x50];
	[tilespmem:s18+$0xAB90] =	vst v4  }
0x7ee: {  	[tilespmem:s0+$0xA8E0] =	vst v7;
	v4 =	vld [tilespmem:s20+$0x20]  }
0x7ef: {  	v7 =	vld [tilespmem:s8+$0x70];
	[tilespmem:s16+$0xAC30] =	vst v5  }
0x7f0: {  	(v2sf) =	vpush v1, $0xD;
	[tilespmem:s25+$0xA990] =	vst v6;
	v5 =	vld [tilespmem:s14+$0x40]  }
0x7f1: {  	v6 =	vld [tilespmem:s4+$0x20];
	[tilespmem:s22+$0xAEE0] =	vst v8  }
0x7f2: {  	[tilespmem:s23+$0xAE50] =	vst v3;
	v8 =	vld [tilespmem:s15+$0x70]  }
0x7f3: {  	[tilespmem:s18+$0xABA0] =	vst v4  }
0x7f4: {  	v3 =	vld [tilespmem:s17+$0x60];
	[tilespmem:s0+$0xA8F0] =	vst v7  }
0x7f5: {  	[tilespmem:s16+$0xAC40] =	vst v5  }
0x7f6: {  	s26 =	spop (v2sf);
	v4 =	vld [tilespmem:s20+$0x30];
	[tilespmem:s25+$0xA9A0] =	vst v6  }
0x7f7: {  	v7 =	vld [tilespmem:s26+$0x0];
	[tilespmem:s22+$0xAEF0] =	vst v8  }
0x7f8: {  	v5 =	vld [tilespmem:s14+$0x50];
	s28 =	sld [smem:$0x7F0]  }
0x7f9: {  	v6 =	vld [tilespmem:s4+$0x30];
	[tilespmem:s23+$0xAE60] =	vst v3  }
0x7fa: {  	v3 =	vld [tilespmem:s17+$0x70]  }
0x7fb: {  	[tilespmem:s18+$0xABB0] =	vst v4;
	v8 =	vld [tilespmem:s28+$0x0]  }
0x7fc: {  	[tilespmem:s0+$0xA900] =	vst v7;
	v4 =	vld [tilespmem:s20+$0x40]  }
0x7fd: {  	v7 =	vld [tilespmem:s26+$0x10];
	[tilespmem:s16+$0xAC50] =	vst v5  }
0x7fe: {  	[tilespmem:s25+$0xA9B0] =	vst v6;
	v5 =	vld [tilespmem:s14+$0x60]  }
0x7ff: {  	s30 =	spop (v2sf);
	v6 =	vld [tilespmem:s4+$0x40];
	[tilespmem:s23+$0xAE70] =	vst v3  }
0x800: {  	v3 =	vld [tilespmem:s30+$0x0];
	[tilespmem:s22+$0xAF00] =	vst v8  }
0x801: {  	[tilespmem:s18+$0xABC0] =	vst v4;
	v8 =	vld [tilespmem:s28+$0x10]  }
0x802: {  	[tilespmem:s0+$0xA910] =	vst v7;
	v4 =	vld [tilespmem:s20+$0x50]  }
0x803: {  	v7 =	vld [tilespmem:s26+$0x20];
	[tilespmem:s16+$0xAC60] =	vst v5  }
0x804: {  	(v2sf) =	vpush v0, $0x8;
	v5 =	vld [tilespmem:s14+$0x70];
	[tilespmem:s25+$0xA9C0] =	vst v6  }
0x805: {  	v6 =	vld [tilespmem:s4+$0x50];
	[tilespmem:s23+$0xAE80] =	vst v3  }
0x806: {  	v3 =	vld [tilespmem:s30+$0x10];
	[tilespmem:s22+$0xAF10] =	vst v8  }
0x807: {  	[tilespmem:s18+$0xABD0] =	vst v4;
	v8 =	vld [tilespmem:s28+$0x20]  }
0x808: {  	[tilespmem:s0+$0xA920] =	vst v7;
	v4 =	vld [tilespmem:s20+$0x60]  }
0x809: {  	v7 =	vld [tilespmem:s26+$0x30];
	[tilespmem:s16+$0xAC70] =	vst v5  }
0x80a: {  	[tilespmem:s25+$0xA9D0] =	vst v6;
	v5 =	vld [tilespmem:s5+$0x0]  }
0x80b: {  	v6 =	vld [tilespmem:s4+$0x60];
	[tilespmem:s23+$0xAE90] =	vst v3  }
0x80c: {  	v3 =	vld [tilespmem:s30+$0x20];
	[tilespmem:s22+$0xAF20] =	vst v8  }
0x80d: {  	[tilespmem:s18+$0xABE0] =	vst v4;
	v8 =	vld [tilespmem:s28+$0x30]  }
0x80e: {  	[tilespmem:s0+$0xA930] =	vst v7;
	v4 =	vld [tilespmem:s20+$0x70]  }
0x80f: {  	v7 =	vld [tilespmem:s26+$0x40];
	[tilespmem:s16+$0xAC80] =	vst v5  }
0x810: {  	[tilespmem:s25+$0xA9E0] =	vst v6;
	v5 =	vld [tilespmem:s5+$0x10]  }
0x811: {  	v6 =	vld [tilespmem:s4+$0x70];
	[tilespmem:s23+$0xAEA0] =	vst v3  }
0x812: {  	v3 =	vld [tilespmem:s30+$0x30];
	[tilespmem:s22+$0xAF30] =	vst v8  }
0x813: {  	s14 =	spop (v2sf);
	[tilespmem:s18+$0xABF0] =	vst v4;
	v8 =	vld [tilespmem:s28+$0x40]  }
0x814: {  	[tilespmem:s0+$0xA940] =	vst v7;
	v4 =	vld [tilespmem:s14+$0x0]  }
0x815: {  	v7 =	vld [tilespmem:s26+$0x50];
	[tilespmem:s16+$0xAC90] =	vst v5  }
0x816: {  	[tilespmem:s25+$0xA9F0] =	vst v6;
	v5 =	vld [tilespmem:s5+$0x20]  }
0x817: {  	(v2sf) =	vpush v2, $0x3;
	v6 =	vld [tilespmem:s9+$0x0];
	[tilespmem:s23+$0xAEB0] =	vst v3  }
0x818: {  	v3 =	vld [tilespmem:s30+$0x40];
	[tilespmem:s22+$0xAF40] =	vst v8  }
0x819: {  	[tilespmem:s18+$0xAC00] =	vst v4;
	v8 =	vld [tilespmem:s28+$0x50]  }
0x81a: {  	[tilespmem:s0+$0xA950] =	vst v7;
	v4 =	vld [tilespmem:s14+$0x10]  }
0x81b: {  	v7 =	vld [tilespmem:s26+$0x60];
	[tilespmem:s16+$0xACA0] =	vst v5  }
0x81c: {  	[tilespmem:s25+$0xAA00] =	vst v6;
	v5 =	vld [tilespmem:s5+$0x30]  }
0x81d: {  	v6 =	vld [tilespmem:s9+$0x10];
	[tilespmem:s23+$0xAEC0] =	vst v3  }
0x81e: {  	v3 =	vld [tilespmem:s30+$0x50];
	[tilespmem:s22+$0xAF50] =	vst v8  }
0x81f: {  	[tilespmem:s18+$0xAC10] =	vst v4;
	v8 =	vld [tilespmem:s28+$0x60]  }
0x820: {  	(v2sf) =	vpush v1, $0xE;
	[tilespmem:s0+$0xA960] =	vst v7;
	v4 =	vld [tilespmem:s14+$0x20]  }
0x821: {  	v7 =	vld [tilespmem:s26+$0x70];
	[tilespmem:s16+$0xACB0] =	vst v5  }
0x822: {  	[tilespmem:s25+$0xAA10] =	vst v6;
	v5 =	vld [tilespmem:s5+$0x40]  }
0x823: {  	v6 =	vld [tilespmem:s9+$0x20];
	[tilespmem:s23+$0xAED0] =	vst v3  }
0x824: {  	v3 =	vld [tilespmem:s30+$0x60];
	[tilespmem:s22+$0xAF60] =	vst v8  }
0x825: {  	[tilespmem:s18+$0xAC20] =	vst v4;
	v8 =	vld [tilespmem:s28+$0x70]  }
0x826: {  	s15 =	spop (v2sf);
	[tilespmem:s0+$0xA970] =	vst v7;
	v4 =	vld [tilespmem:s14+$0x30]  }
0x827: {  	v7 =	vld [tilespmem:s15+$0x0];
	[tilespmem:s16+$0xACC0] =	vst v5  }
0x828: {  	[tilespmem:s25+$0xAA20] =	vst v6;
	v5 =	vld [tilespmem:s5+$0x50]  }
0x829: {  	v6 =	vld [tilespmem:s9+$0x30];
	[tilespmem:s23+$0xAEE0] =	vst v3  }
0x82a: {  	v3 =	vld [tilespmem:s30+$0x70];
	[tilespmem:s22+$0xAF70] =	vst v8  }
0x82b: {  	[tilespmem:s18+$0xAC30] =	vst v4;
	v8 =	vld [tilespmem:s24+$0x0]  }
0x82c: {  	[tilespmem:s0+$0xA980] =	vst v7;
	v4 =	vld [tilespmem:s14+$0x40]  }
0x82d: {  	v7 =	vld [tilespmem:s15+$0x10];
	[tilespmem:s16+$0xACD0] =	vst v5  }
0x82e: {  	[tilespmem:s25+$0xAA30] =	vst v6;
	v5 =	vld [tilespmem:s5+$0x60]  }
0x82f: {  	s1 =	spop (v2sf);
	v6 =	vld [tilespmem:s9+$0x40];
	[tilespmem:s23+$0xAEF0] =	vst v3  }
0x830: {  	v3 =	vld [tilespmem:s1+$0x0];
	[tilespmem:s22+$0xAF80] =	vst v8  }
0x831: {  	[tilespmem:s18+$0xAC40] =	vst v4;
	v8 =	vld [tilespmem:s24+$0x10]  }
0x832: {  	[tilespmem:s0+$0xA990] =	vst v7;
	v4 =	vld [tilespmem:s14+$0x50]  }
0x833: {  	v7 =	vld [tilespmem:s15+$0x20];
	[tilespmem:s16+$0xACE0] =	vst v5  }
0x834: {  	v5 =	vld [tilespmem:s5+$0x70];
	[tilespmem:s25+$0xAA40] =	vst v6  }
0x835: {  	v9 =	vld [tilespmem:s9+$0x50];
	[tilespmem:s23+$0xAF00] =	vst v3  }
0x836: {  	v10 =	vld [tilespmem:s1+$0x10];
	[tilespmem:s22+$0xAF90] =	vst v8  }
0x837: {  	[tilespmem:s18+$0xAC50] =	vst v4;
	v8 =	vld [tilespmem:s24+$0x20]  }
0x838: {  	[tilespmem:s0+$0xA9A0] =	vst v7;
	v11 =	vld [tilespmem:s14+$0x60]  }
0x839: {  	v6 =	vld [tilespmem:s15+$0x30];
	[tilespmem:s16+$0xACF0] =	vst v5  }
0x83a: {  	[tilespmem:s25+$0xAA50] =	vst v9;
	v7 =	vld [tilespmem:s7+$0x0]  }
0x83b: {  	v4 =	vld [tilespmem:s9+$0x60];
	[tilespmem:s23+$0xAF10] =	vst v10  }
0x83c: {  	v5 =	vld [tilespmem:s1+$0x20];
	[tilespmem:s22+$0xAFA0] =	vst v8  }
0x83d: {  	s2 =	simm.s32 $0x6;
	(v2sf) =	vpush v0, $0x9;
	[tilespmem:s18+$0xAC60] =	vst v11;
	v3 =	vld [tilespmem:s24+$0x30]  }
.LBB2_5:
0x83e: {  	_ =	sdelay $0x6  }
0x83f: {  	[tilespmem:s0+$0xA9B0] =	vst v6  }
0x840: {  	v6 =	vld [tilespmem:s14+$0x70];
	[tilespmem:s16+$0xAD00] =	vst v7  }
0x841: {  	[dreg:$0x18] =	wrdreg s11;
	s3 =	sshll.u32 s2, $0x4;
	v8 =	vld [tilespmem:s15+$0x40];
	[tilespmem:s25+$0xAA60] =	vst v4  }
0x842: {  	s11 =	rddreg [dreg:$0x6];
	s4 =	sand.u32 $0x80, s3;
	v4 =	vld [tilespmem:s7+$0x10]  }
0x843: {  	s3 =	sand.u32 $0x60, s3;
	s4 =	sadd.s32 s4, s11;
	[tilespmem:s23+$0xAF20] =	vst v5;
	v7 =	vld [tilespmem:s9+$0x70]  }
0x844: {  	s3 =	sadd.s32 s3, s4;
	[tilespmem:s22+$0xAFB0] =	vst v3  }
0x845: {  	v3 =	vld [tilespmem:s3+$0x0];
	[tilespmem:s18+$0xAC70] =	vst v6  }
0x846: {  	v5 =	vld [tilespmem:s1+$0x30];
	[tilespmem:s0+$0xA9C0] =	vst v8;
	s19 =	spop (v2sf)  }
0x847: {  	[tilespmem:s16+$0xAD10] =	vst v4;
	v6 =	vld [tilespmem:s19+$0x0]  }
0x848: {  	v8 =	vld [tilespmem:s15+$0x50];
	[tilespmem:s25+$0xAA70] =	vst v7  }
0x849: {  	v4 =	vld [tilespmem:s7+$0x20]  }
0x84a: {  	v7 =	vld [tilespmem:s13+$0x0]  }
0x84b: {  	[tilespmem:s23+$0xAF30] =	vst v5  }
0x84c: {  	v9 =	vld [tilespmem:s24+$0x40];
	[tilespmem:s18+$0xAC80] =	vst v6  }
0x84d: {  	v3 =	vshll.u32 v3, $0x9;
	(v2sf) =	vpush v2, $0x4;
	v5 =	vld [tilespmem:s1+$0x40];
	[tilespmem:s0+$0xA9D0] =	vst v8  }
0x84e: {  	v3 =	vshra.s32 v3, $0x2;
	[tilespmem:s16+$0xAD20] =	vst v4;
	v6 =	vld [tilespmem:s19+$0x10]  }
0x84f: {  	(v2sf) =	vpush v3, $0x0;
	[tilespmem:s25+$0xAA80] =	vst v7;
	v8 =	vld [tilespmem:s15+$0x60]  }
0x850: {  	(v2sf) =	vpush v3, $0x1;
	v4 =	vld [tilespmem:s7+$0x30]  }
0x851: {  	(v2sf) =	vpush v3, $0x2;
	v7 =	vld [tilespmem:s13+$0x10];
	[tilespmem:s22+$0xAFC0] =	vst v9  }
0x852: {  	(v2sf) =	vpush v3, $0x3;
	[tilespmem:s23+$0xAF40] =	vst v5  }
0x853: {  	(v2sf) =	vpush v3, $0x4;
	v9 =	vld [tilespmem:s24+$0x50];
	[tilespmem:s18+$0xAC90] =	vst v6  }
0x854: {  	(v2sf) =	vpush v3, $0x5;
	v5 =	vld [tilespmem:s1+$0x50];
	[tilespmem:s0+$0xA9E0] =	vst v8  }
0x855: {  	(v2sf) =	vpush v3, $0x6;
	[tilespmem:s16+$0xAD30] =	vst v4;
	v6 =	vld [tilespmem:s19+$0x20]  }
0x856: {  	(v2sf) =	vpush v3, $0x7;
	[tilespmem:s25+$0xAA90] =	vst v7;
	v8 =	vld [tilespmem:s15+$0x70]  }
0x857: {  	(v2sf) =	vpush v1, $0xF;
	v1 =	vmov v0;
	v0 =	vmov v2;
	v2 =	vld [tilespmem:s7+$0x40]  }
0x858: {  	v4 =	vld [tilespmem:s13+$0x20];
	[tilespmem:s22+$0xAFD0] =	vst v9  }
0x859: {  	[tilespmem:s23+$0xAF50] =	vst v5  }
0x85a: {  	(v2sf) =	vpush v3, $0x8;
	v7 =	vld [tilespmem:s24+$0x60];
	[tilespmem:s18+$0xACA0] =	vst v6  }
0x85b: {  	(v2sf) =	vpush v3, $0x9;
	v5 =	vld [tilespmem:s1+$0x60];
	[tilespmem:s0+$0xA9F0] =	vst v8  }
0x85c: {  	(v2sf) =	vpush v3, $0xA;
	s10 =	spop (v2sf);
	[tilespmem:s16+$0xAD40] =	vst v2;
	v6 =	vld [tilespmem:s19+$0x30]  }
0x85d: {  	(v2sf) =	vpush v3, $0xB;
	[tilespmem:s25+$0xAAA0] =	vst v4;
	v8 =	vld [tilespmem:s10+$0x0]  }
0x85e: {  	(v2sf) =	vpush v3, $0xC;
	s5 =	spop (v2sf);
	v2 =	vld [tilespmem:s7+$0x50]  }
0x85f: {  	(v2sf) =	vpush v3, $0xD;
	v4 =	vld [tilespmem:s5+$0x0];
	[tilespmem:s22+$0xAFE0] =	vst v7  }
0x860: {  	(v2sf) =	vpush v3, $0xE;
	[tilespmem:s23+$0xAF60] =	vst v5  }
0x861: {  	s8 =	smov.u32 s31;
	s31 =	spop (v2sf);
	(v2sf) =	vpush v3, $0xF;
	v3 =	vld [tilespmem:s13+$0x30];
	[tilespmem:s18+$0xACB0] =	vst v6  }
0x862: {  	s28 =	sshll.u32 s2, $0xB;
	s17 =	spop (v2sf);
	v5 =	vld [tilespmem:s1+$0x70];
	[tilespmem:s0+$0xAA00] =	vst v8  }
0x863: {  	s3 =	sand.u32 $0x3FFFF800, s28;
	s14 =	spop (v2sf);
	[tilespmem:s16+$0xAD50] =	vst v2;
	v6 =	vld [tilespmem:s19+$0x40]  }
0x864: {  	s9 =	spop (v2sf);
	[tilespmem:s3+$0xA800] =	vst v4;
	v7 =	vld [tilespmem:s10+$0x10]  }
0x865: {  	s20 =	spop (v2sf);
	v2 =	vld [tilespmem:s7+$0x60]  }
0x866: {  	s15 =	spop (v2sf);
	v4 =	vld [tilespmem:s5+$0x10];
	[tilespmem:s25+$0xAAB0] =	vst v3  }
0x867: {  	s30 =	spop (v2sf);
	[tilespmem:s23+$0xAF70] =	vst v5  }
0x868: {  	s26 =	spop (v2sf);
	v3 =	vld [tilespmem:s13+$0x40];
	[tilespmem:s18+$0xACC0] =	vst v6  }
0x869: {  	[smem:$0x7EB] =	sst s30;
	s4 =	spop (v2sf);
	v5 =	vld [tilespmem:s26+$0x0];
	[tilespmem:s0+$0xAA10] =	vst v7  }
0x86a: {  	[dreg:$0x1e] =	wrdreg s4;
	s28 =	spop (v2sf);
	v6 =	vld [tilespmem:s19+$0x50]  }
0x86b: {  	[dreg:$0x1a] =	wrdreg s28;
	s28 =	spop (v2sf);
	v7 =	vld [tilespmem:s10+$0x20];
	[tilespmem:s16+$0xAD60] =	vst v2  }
0x86c: {  	[tilespmem:s3+$0xA810] =	vst v4  }
0x86d: {  	v2 =	vld [tilespmem:s7+$0x70]  }
0x86e: {  	v4 =	vld [tilespmem:s5+$0x20];
	[tilespmem:s25+$0xAAC0] =	vst v3  }
0x86f: {  	[tilespmem:s23+$0xAF80] =	vst v5  }
0x870: {  	s4 =	spop (v2sf);
	(v2sf) =	vpush v1, $0xA;
	v3 =	vld [tilespmem:s13+$0x50];
	[tilespmem:s18+$0xACD0] =	vst v6  }
0x871: {  	v5 =	vld [tilespmem:s26+$0x10];
	[tilespmem:s0+$0xAA20] =	vst v7  }
0x872: {  	[tilespmem:s16+$0xAD70] =	vst v2;
	v6 =	vld [tilespmem:s19+$0x60]  }
0x873: {  	v7 =	vld [tilespmem:s10+$0x30];
	[tilespmem:s3+$0xA820] =	vst v4  }
0x874: {  	v2 =	vld [tilespmem:s12+$0x0]  }
0x875: {  	v4 =	vld [tilespmem:s5+$0x30];
	[tilespmem:s25+$0xAAD0] =	vst v3  }
0x876: {  	[tilespmem:s23+$0xAF90] =	vst v5  }
0x877: {  	v3 =	vld [tilespmem:s13+$0x60];
	[tilespmem:s18+$0xACE0] =	vst v6  }
0x878: {  	v5 =	vld [tilespmem:s26+$0x20];
	[tilespmem:s0+$0xAA30] =	vst v7  }
0x879: {  	s30 =	rddreg [dreg:$0x10];
	[tilespmem:s16+$0xAD80] =	vst v2;
	v6 =	vld [tilespmem:s19+$0x70]  }
0x87a: {  	s1 =	smov.u32 s30;
	s30 =	smov.u32 s28;
	v7 =	vld [tilespmem:s10+$0x40];
	[tilespmem:s3+$0xA830] =	vst v4  }
0x87b: {  	[dreg:$0x10] =	wrdreg s30;
	s30 =	spop (v2sf);
	v2 =	vld [tilespmem:s12+$0x10]  }
0x87c: {  	s28 =	spop (v2sf);
	v4 =	vld [tilespmem:s5+$0x40];
	[tilespmem:s25+$0xAAE0] =	vst v3  }
0x87d: {  	[smem:$0x7EA] =	sst s30;
	s30 =	spop (v2sf);
	[tilespmem:s23+$0xAFA0] =	vst v5  }
0x87e: {  	[smem:$0x7EC] =	sst s28;
	s28 =	spop (v2sf);
	v3 =	vld [tilespmem:s13+$0x70];
	[tilespmem:s18+$0xACF0] =	vst v6  }
0x87f: {  	s19 =	spop (v2sf);
	v5 =	vld [tilespmem:s26+$0x30];
	[tilespmem:s0+$0xAA40] =	vst v7  }
0x880: {  	[tilespmem:s16+$0xAD90] =	vst v2;
	v6 =	vld [tilespmem:s19+$0x0]  }
0x881: {  	v7 =	vld [tilespmem:s10+$0x50];
	[tilespmem:s3+$0xA840] =	vst v4  }
0x882: {  	v2 =	vld [tilespmem:s12+$0x20]  }
0x883: {  	v4 =	vld [tilespmem:s5+$0x50];
	[tilespmem:s25+$0xAAF0] =	vst v3  }
0x884: {  	[tilespmem:s23+$0xAFB0] =	vst v5  }
0x885: {  	v3 =	vld [tilespmem:s21+$0x0];
	[tilespmem:s18+$0xAD00] =	vst v6  }
0x886: {  	v5 =	vld [tilespmem:s26+$0x40];
	[tilespmem:s0+$0xAA50] =	vst v7  }
0x887: {  	(v2sf) =	vpush v0, $0x5;
	[tilespmem:s16+$0xADA0] =	vst v2;
	v6 =	vld [tilespmem:s19+$0x10]  }
0x888: {  	v7 =	vld [tilespmem:s10+$0x60];
	[tilespmem:s3+$0xA850] =	vst v4  }
0x889: {  	v2 =	vld [tilespmem:s12+$0x30]  }
0x88a: {  	v4 =	vld [tilespmem:s5+$0x60];
	[tilespmem:s25+$0xAB00] =	vst v3  }
0x88b: {  	[tilespmem:s23+$0xAFC0] =	vst v5  }
0x88c: {  	s13 =	smov.u32 s20;
	s20 =	sor.u32 $0x1, s2;
	v3 =	vld [tilespmem:s21+$0x10];
	[tilespmem:s18+$0xAD10] =	vst v6  }
0x88d: {  	[dreg:$0x1c] =	wrdreg s30;
	s30 =	smov.u32 s21;
	s21 =	sshll.u32 s20, $0x4;
	v5 =	vld [tilespmem:s26+$0x50];
	[tilespmem:s0+$0xAA60] =	vst v7  }
0x88e: {  	s7 =	smov.u32 s6;
	s6 =	smov.u32 s24;
	s24 =	sand.u32 $0x80, s21;
	[tilespmem:s16+$0xADB0] =	vst v2;
	v6 =	vld [tilespmem:s19+$0x20]  }
0x88f: {  	s21 =	sand.u32 $0x70, s21;
	s24 =	sadd.s32 s24, s11;
	v7 =	vld [tilespmem:s10+$0x70];
	[tilespmem:s3+$0xA860] =	vst v4  }
0x890: {  	s24 =	sadd.s32 s21, s24;
	v2 =	vld [tilespmem:s12+$0x40]  }
0x891: {  	v4 =	vld [tilespmem:s24+$0x0];
	[tilespmem:s25+$0xAB10] =	vst v3  }
0x892: {  	v3 =	vld [tilespmem:s5+$0x70];
	[tilespmem:s23+$0xAFD0] =	vst v5  }
0x893: {  	[tilespmem:s18+$0xAD20] =	vst v6  }
0x894: {  	v5 =	vld [tilespmem:s26+$0x60];
	[tilespmem:s0+$0xAA70] =	vst v7  }
0x895: {  	[tilespmem:s16+$0xADC0] =	vst v2;
	v6 =	vld [tilespmem:s19+$0x30]  }
0x896: {  	s5 =	spop (v2sf);
	v2 =	vshll.u32 v4, $0x9;
	v4 =	vld [tilespmem:s30+$0x20]  }
0x897: {  	v7 =	vld [tilespmem:s5+$0x0];
	[tilespmem:s3+$0xA870] =	vst v3  }
0x898: {  	v3 =	vld [tilespmem:s12+$0x50]  }
0x899: {  	v8 =	vld [tilespmem:s31+$0x0];
	[tilespmem:s23+$0xAFE0] =	vst v5  }
0x89a: {  	[tilespmem:s18+$0xAD30] =	vst v6  }
0x89b: {  	[tilespmem:s25+$0xAB20] =	vst v4;
	v5 =	vld [tilespmem:s26+$0x70]  }
0x89c: {  	v2 =	vshra.s32 v2, $0x2;
	[tilespmem:s0+$0xAA80] =	vst v7;
	v7 =	vld [tilespmem:s30+$0x30]  }
0x89d: {  	(v2sf) =	vpush v2, $0x0;
	[tilespmem:s16+$0xADD0] =	vst v3;
	v6 =	vld [tilespmem:s19+$0x40]  }
0x89e: {  	v4 =	vld [tilespmem:s5+$0x10];
	[tilespmem:s3+$0xA880] =	vst v8  }
0x89f: {  	v3 =	vld [tilespmem:s12+$0x60]  }
0x8a0: {  	v8 =	vld [tilespmem:s31+$0x10];
	[tilespmem:s23+$0xAFF0] =	vst v5  }
0x8a1: {  	s23 =	smov.u32 s18;
	v5 =	vld [tilespmem:s6+$0x70];
	[tilespmem:s25+$0xAB30] =	vst v7  }
0x8a2: {  	s18 =	smov.u32 s0;
	[tilespmem:s23+$0xAD40] =	vst v6  }
0x8a3: {  	v7 =	vld [tilespmem:s30+$0x40];
	[tilespmem:s18+$0xAA90] =	vst v4  }
0x8a4: {  	v4 =	vld [tilespmem:s19+$0x50]  }
0x8a5: {  	[tilespmem:s16+$0xADE0] =	vst v3;
	v6 =	vld [tilespmem:s5+$0x20]  }
0x8a6: {  	[tilespmem:s3+$0xA890] =	vst v8  }
0x8a7: {  	v3 =	vld [tilespmem:s12+$0x70]  }
0x8a8: {  	v8 =	vld [tilespmem:s31+$0x20];
	[tilespmem:s22+$0xAFF0] =	vst v5  }
0x8a9: {  	(v2sf) =	vpush v1, $0xB;
	[tilespmem:s23+$0xAD50] =	vst v4  }
0x8aa: {  	s22 =	smov.u32 s16;
	s16 =	smov.u32 s25;
	[tilespmem:s18+$0xAAA0] =	vst v6  }
0x8ab: {  	[tilespmem:s16+$0xAB40] =	vst v7;
	v4 =	vld [tilespmem:s19+$0x60]  }
0x8ac: {  	s6 =	smov.u32 s28;
	s25 =	smov.u32 s3;
	s28 =	spop (v2sf);
	[tilespmem:s22+$0xADF0] =	vst v3;
	v5 =	vld [tilespmem:s5+$0x30]  }
0x8ad: {  	v6 =	vld [tilespmem:s28+$0x0];
	[tilespmem:s25+$0xA8A0] =	vst v8  }
0x8ae: {  	v3 =	vld [tilespmem:s30+$0x50]  }
0x8af: {  	s11 =	smov.u32 s7;
	v7 =	vld [tilespmem:s31+$0x30]  }
0x8b0: {  	s7 =	smov.u32 s1;
	s1 =	sshll.u32 s20, $0xB;
	s3 =	rddreg [dreg:$0x4];
	[tilespmem:s23+$0xAD60] =	vst v4  }
0x8b1: {  	s0 =	sand.u32 $0x3FFFF800, s1;
	v8 =	vld [tilespmem:s3+$0x0];
	[tilespmem:s18+$0xAAB0] =	vst v5  }
0x8b2: {  	v4 =	vld [tilespmem:s19+$0x70];
	[tilespmem:s0+$0xA800] =	vst v6  }
0x8b3: {  	[tilespmem:s16+$0xAB50] =	vst v3;
	v5 =	vld [tilespmem:s5+$0x40]  }
0x8b4: {  	[tilespmem:s25+$0xA8B0] =	vst v7;
	v6 =	vld [tilespmem:s28+$0x10]  }
0x8b5: {  	v3 =	vld [tilespmem:s30+$0x60]  }
0x8b6: {  	v7 =	vld [tilespmem:s31+$0x40];
	[tilespmem:s22+$0xAE00] =	vst v8  }
0x8b7: {  	s10 =	rddreg [dreg:$0x17];
	[tilespmem:s23+$0xAD70] =	vst v4  }
0x8b8: {  	[dreg:$0x17] =	wrdreg s11;
	s11 =	spop (v2sf);
	v8 =	vld [tilespmem:s3+$0x10];
	[tilespmem:s18+$0xAAC0] =	vst v5  }
0x8b9: {  	v4 =	vld [tilespmem:s11+$0x0];
	[tilespmem:s0+$0xA810] =	vst v6  }
0x8ba: {  	[tilespmem:s16+$0xAB60] =	vst v3;
	v5 =	vld [tilespmem:s5+$0x50]  }
0x8bb: {  	[tilespmem:s25+$0xA8C0] =	vst v7;
	v6 =	vld [tilespmem:s28+$0x20]  }
0x8bc: {  	v3 =	vld [tilespmem:s30+$0x70]  }
0x8bd: {  	v7 =	vld [tilespmem:s31+$0x50];
	[tilespmem:s22+$0xAE10] =	vst v8  }
0x8be: {  	[tilespmem:s23+$0xAD80] =	vst v4  }
0x8bf: {  	(v2sf) =	vpush v0, $0x6;
	v8 =	vld [tilespmem:s3+$0x20];
	[tilespmem:s18+$0xAAD0] =	vst v5  }
0x8c0: {  	v4 =	vld [tilespmem:s11+$0x10];
	[tilespmem:s0+$0xA820] =	vst v6  }
0x8c1: {  	s21 =	rddreg [dreg:$0xe];
	[tilespmem:s16+$0xAB70] =	vst v3;
	v5 =	vld [tilespmem:s5+$0x60]  }
0x8c2: {  	s12 =	smov.u32 s21;
	s21 =	smov.u32 s15;
	s15 =	rddreg [dreg:$0x16];
	[tilespmem:s25+$0xA8D0] =	vst v7;
	v6 =	vld [tilespmem:s28+$0x30]  }
0x8c3: {  	v3 =	vld [tilespmem:s15+$0x0]  }
0x8c4: {  	v7 =	vld [tilespmem:s31+$0x60];
	[tilespmem:s22+$0xAE20] =	vst v8  }
0x8c5: {  	[tilespmem:s23+$0xAD90] =	vst v4  }
0x8c6: {  	v8 =	vld [tilespmem:s3+$0x30];
	[tilespmem:s18+$0xAAE0] =	vst v5  }
0x8c7: {  	v4 =	vld [tilespmem:s11+$0x20];
	[tilespmem:s0+$0xA830] =	vst v6  }
0x8c8: {  	[tilespmem:s16+$0xAB80] =	vst v3;
	v5 =	vld [tilespmem:s5+$0x70]  }
0x8c9: {  	[tilespmem:s25+$0xA8E0] =	vst v7;
	v6 =	vld [tilespmem:s28+$0x40]  }
0x8ca: {  	v3 =	vld [tilespmem:s15+$0x10]  }
0x8cb: {  	v7 =	vld [tilespmem:s31+$0x70];
	[tilespmem:s22+$0xAE30] =	vst v8  }
0x8cc: {  	[tilespmem:s23+$0xADA0] =	vst v4  }
0x8cd: {  	v8 =	vld [tilespmem:s3+$0x40];
	[tilespmem:s18+$0xAAF0] =	vst v5  }
0x8ce: {  	s1 =	spop (v2sf);
	v4 =	vld [tilespmem:s11+$0x30];
	[tilespmem:s0+$0xA840] =	vst v6  }
0x8cf: {  	[tilespmem:s16+$0xAB90] =	vst v3;
	v5 =	vld [tilespmem:s1+$0x0]  }
0x8d0: {  	[tilespmem:s25+$0xA8F0] =	vst v7;
	v6 =	vld [tilespmem:s28+$0x50]  }
0x8d1: {  	v3 =	vld [tilespmem:s15+$0x20]  }
0x8d2: {  	v7 =	vld [tilespmem:s17+$0x0];
	[tilespmem:s22+$0xAE40] =	vst v8  }
0x8d3: {  	[tilespmem:s23+$0xADB0] =	vst v4  }
0x8d4: {  	v8 =	vld [tilespmem:s3+$0x50];
	[tilespmem:s18+$0xAB00] =	vst v5  }
0x8d5: {  	(v2sf) =	vpush v2, $0x1;
	v4 =	vld [tilespmem:s11+$0x40];
	[tilespmem:s0+$0xA850] =	vst v6  }
0x8d6: {  	[tilespmem:s16+$0xABA0] =	vst v3;
	v5 =	vld [tilespmem:s1+$0x10]  }
0x8d7: {  	[tilespmem:s25+$0xA900] =	vst v7;
	v6 =	vld [tilespmem:s28+$0x60]  }
0x8d8: {  	v3 =	vld [tilespmem:s15+$0x30]  }
0x8d9: {  	v7 =	vld [tilespmem:s17+$0x10];
	[tilespmem:s22+$0xAE50] =	vst v8  }
0x8da: {  	[tilespmem:s23+$0xADC0] =	vst v4  }
0x8db: {  	v8 =	vld [tilespmem:s3+$0x60];
	[tilespmem:s18+$0xAB10] =	vst v5  }
0x8dc: {  	v4 =	vld [tilespmem:s11+$0x50];
	[tilespmem:s0+$0xA860] =	vst v6  }
0x8dd: {  	[tilespmem:s16+$0xABB0] =	vst v3;
	v5 =	vld [tilespmem:s1+$0x20]  }
0x8de: {  	[tilespmem:s25+$0xA910] =	vst v7;
	v6 =	vld [tilespmem:s28+$0x70]  }
0x8df: {  	v3 =	vld [tilespmem:s15+$0x40]  }
0x8e0: {  	v7 =	vld [tilespmem:s17+$0x20];
	[tilespmem:s22+$0xAE60] =	vst v8  }
0x8e1: {  	(v2sf) =	vpush v1, $0xC;
	[tilespmem:s23+$0xADD0] =	vst v4  }
0x8e2: {  	v8 =	vld [tilespmem:s3+$0x70];
	[tilespmem:s18+$0xAB20] =	vst v5  }
0x8e3: {  	v4 =	vld [tilespmem:s11+$0x60];
	[tilespmem:s0+$0xA870] =	vst v6  }
0x8e4: {  	s30 =	spop (v2sf);
	[tilespmem:s16+$0xABC0] =	vst v3;
	v5 =	vld [tilespmem:s1+$0x30]  }
0x8e5: {  	[tilespmem:s25+$0xA920] =	vst v7;
	v6 =	vld [tilespmem:s30+$0x0]  }
0x8e6: {  	v3 =	vld [tilespmem:s15+$0x50]  }
0x8e7: {  	v7 =	vld [tilespmem:s17+$0x30];
	[tilespmem:s22+$0xAE70] =	vst v8  }
0x8e8: {  	[tilespmem:s23+$0xADE0] =	vst v4  }
0x8e9: {  	v8 =	vld [tilespmem:s8+$0x0];
	[tilespmem:s18+$0xAB30] =	vst v5  }
0x8ea: {  	v4 =	vld [tilespmem:s11+$0x70];
	[tilespmem:s0+$0xA880] =	vst v6  }
0x8eb: {  	[tilespmem:s16+$0xABD0] =	vst v3;
	v5 =	vld [tilespmem:s1+$0x40]  }
0x8ec: {  	[tilespmem:s25+$0xA930] =	vst v7;
	v6 =	vld [tilespmem:s30+$0x10]  }
0x8ed: {  	v3 =	vld [tilespmem:s15+$0x60]  }
0x8ee: {  	v7 =	vld [tilespmem:s17+$0x40];
	[tilespmem:s22+$0xAE80] =	vst v8  }
0x8ef: {  	[tilespmem:s23+$0xADF0] =	vst v4  }
0x8f0: {  	s3 =	spop (v2sf);
	v8 =	vld [tilespmem:s8+$0x10];
	[tilespmem:s18+$0xAB40] =	vst v5  }
0x8f1: {  	v4 =	vld [tilespmem:s3+$0x0];
	[tilespmem:s0+$0xA890] =	vst v6  }
0x8f2: {  	[tilespmem:s16+$0xABE0] =	vst v3;
	v5 =	vld [tilespmem:s1+$0x50]  }
0x8f3: {  	[tilespmem:s25+$0xA940] =	vst v7;
	v6 =	vld [tilespmem:s30+$0x20]  }
0x8f4: {  	v3 =	vld [tilespmem:s15+$0x70]  }
0x8f5: {  	v7 =	vld [tilespmem:s17+$0x50];
	[tilespmem:s22+$0xAE90] =	vst v8  }
0x8f6: {  	[tilespmem:s23+$0xAE00] =	vst v4  }
0x8f7: {  	(v2sf) =	vpush v0, $0x7;
	v8 =	vld [tilespmem:s8+$0x20];
	[tilespmem:s18+$0xAB50] =	vst v5  }
0x8f8: {  	v4 =	vld [tilespmem:s3+$0x10];
	[tilespmem:s0+$0xA8A0] =	vst v6  }
0x8f9: {  	s19 =	rddreg [dreg:$0xc];
	[tilespmem:s16+$0xABF0] =	vst v3;
	v5 =	vld [tilespmem:s1+$0x60]  }
0x8fa: {  	s20 =	smov.u32 s19;
	s19 =	rddreg [dreg:$0x15];
	[tilespmem:s25+$0xA950] =	vst v7;
	v6 =	vld [tilespmem:s30+$0x30]  }
0x8fb: {  	v3 =	vld [tilespmem:s19+$0x0]  }
0x8fc: {  	v7 =	vld [tilespmem:s17+$0x60];
	[tilespmem:s22+$0xAEA0] =	vst v8  }
0x8fd: {  	[tilespmem:s23+$0xAE10] =	vst v4  }
0x8fe: {  	v8 =	vld [tilespmem:s8+$0x30];
	[tilespmem:s18+$0xAB60] =	vst v5  }
0x8ff: {  	v4 =	vld [tilespmem:s3+$0x20];
	[tilespmem:s0+$0xA8B0] =	vst v6  }
0x900: {  	[tilespmem:s16+$0xAC00] =	vst v3;
	v5 =	vld [tilespmem:s1+$0x70]  }
0x901: {  	[tilespmem:s25+$0xA960] =	vst v7;
	v6 =	vld [tilespmem:s30+$0x40]  }
0x902: {  	v3 =	vld [tilespmem:s19+$0x10]  }
0x903: {  	s11 =	sld [smem:$0x7EB];
	v7 =	vld [tilespmem:s17+$0x70];
	[tilespmem:s22+$0xAEB0] =	vst v8  }
0x904: {  	[tilespmem:s23+$0xAE20] =	vst v4  }
0x905: {  	v8 =	vld [tilespmem:s8+$0x40];
	[tilespmem:s18+$0xAB70] =	vst v5  }
0x906: {  	s15 =	smov.u32 s11;
	s11 =	spop (v2sf);
	v4 =	vld [tilespmem:s3+$0x30];
	[tilespmem:s0+$0xA8C0] =	vst v6  }
0x907: {  	[tilespmem:s16+$0xAC10] =	vst v3;
	v5 =	vld [tilespmem:s11+$0x0]  }
0x908: {  	[tilespmem:s25+$0xA970] =	vst v7;
	v6 =	vld [tilespmem:s30+$0x50]  }
0x909: {  	v3 =	vld [tilespmem:s19+$0x20]  }
0x90a: {  	v7 =	vld [tilespmem:s14+$0x0];
	[tilespmem:s22+$0xAEC0] =	vst v8  }
0x90b: {  	[tilespmem:s23+$0xAE30] =	vst v4  }
0x90c: {  	v8 =	vld [tilespmem:s8+$0x50];
	[tilespmem:s18+$0xAB80] =	vst v5  }
0x90d: {  	(v2sf) =	vpush v2, $0x2;
	v4 =	vld [tilespmem:s3+$0x40];
	[tilespmem:s0+$0xA8D0] =	vst v6  }
0x90e: {  	[tilespmem:s16+$0xAC20] =	vst v3;
	v5 =	vld [tilespmem:s11+$0x10]  }
0x90f: {  	[tilespmem:s25+$0xA980] =	vst v7;
	v6 =	vld [tilespmem:s30+$0x60]  }
0x910: {  	v3 =	vld [tilespmem:s19+$0x30]  }
0x911: {  	v7 =	vld [tilespmem:s14+$0x10];
	[tilespmem:s22+$0xAED0] =	vst v8  }
0x912: {  	[tilespmem:s23+$0xAE40] =	vst v4  }
0x913: {  	v8 =	vld [tilespmem:s8+$0x60];
	[tilespmem:s18+$0xAB90] =	vst v5  }
0x914: {  	v4 =	vld [tilespmem:s3+$0x50];
	[tilespmem:s0+$0xA8E0] =	vst v6  }
0x915: {  	[tilespmem:s16+$0xAC30] =	vst v3;
	v5 =	vld [tilespmem:s11+$0x20]  }
0x916: {  	[tilespmem:s25+$0xA990] =	vst v7;
	v6 =	vld [tilespmem:s30+$0x70]  }
0x917: {  	v3 =	vld [tilespmem:s19+$0x40]  }
0x918: {  	v7 =	vld [tilespmem:s14+$0x20];
	[tilespmem:s22+$0xAEE0] =	vst v8  }
0x919: {  	(v2sf) =	vpush v1, $0xD;
	[tilespmem:s23+$0xAE50] =	vst v4  }
0x91a: {  	v8 =	vld [tilespmem:s8+$0x70];
	[tilespmem:s18+$0xABA0] =	vst v5  }
0x91b: {  	v4 =	vld [tilespmem:s3+$0x60];
	[tilespmem:s0+$0xA8F0] =	vst v6  }
0x91c: {  	s30 =	spop (v2sf);
	[tilespmem:s16+$0xAC40] =	vst v3;
	v5 =	vld [tilespmem:s11+$0x30]  }
0x91d: {  	[tilespmem:s25+$0xA9A0] =	vst v7;
	v6 =	vld [tilespmem:s30+$0x0]  }
0x91e: {  	v3 =	vld [tilespmem:s19+$0x50]  }
0x91f: {  	v7 =	vld [tilespmem:s14+$0x30];
	[tilespmem:s22+$0xAEF0] =	vst v8  }
0x920: {  	[tilespmem:s23+$0xAE60] =	vst v4  }
0x921: {  	v8 =	vld [tilespmem:s29+$0x0];
	[tilespmem:s18+$0xABB0] =	vst v5  }
0x922: {  	v4 =	vld [tilespmem:s3+$0x70];
	[tilespmem:s0+$0xA900] =	vst v6  }
0x923: {  	[tilespmem:s16+$0xAC50] =	vst v3;
	v5 =	vld [tilespmem:s11+$0x40]  }
0x924: {  	[tilespmem:s25+$0xA9B0] =	vst v7;
	v6 =	vld [tilespmem:s30+$0x10]  }
0x925: {  	v3 =	vld [tilespmem:s19+$0x60]  }
0x926: {  	v7 =	vld [tilespmem:s14+$0x40];
	[tilespmem:s22+$0xAF00] =	vst v8  }
0x927: {  	[tilespmem:s23+$0xAE70] =	vst v4  }
0x928: {  	s24 =	smov.u32 s10;
	s10 =	spop (v2sf);
	v8 =	vld [tilespmem:s29+$0x10];
	[tilespmem:s18+$0xABC0] =	vst v5  }
0x929: {  	v4 =	vld [tilespmem:s10+$0x0];
	[tilespmem:s0+$0xA910] =	vst v6  }
0x92a: {  	[tilespmem:s16+$0xAC60] =	vst v3;
	v5 =	vld [tilespmem:s11+$0x50]  }
0x92b: {  	[tilespmem:s25+$0xA9C0] =	vst v7;
	v6 =	vld [tilespmem:s30+$0x20]  }
0x92c: {  	v3 =	vld [tilespmem:s19+$0x70]  }
0x92d: {  	v7 =	vld [tilespmem:s14+$0x50];
	[tilespmem:s22+$0xAF10] =	vst v8  }
0x92e: {  	[tilespmem:s23+$0xAE80] =	vst v4  }
0x92f: {  	(v2sf) =	vpush v0, $0x8;
	v8 =	vld [tilespmem:s29+$0x20];
	[tilespmem:s18+$0xABD0] =	vst v5  }
0x930: {  	v4 =	vld [tilespmem:s10+$0x10];
	[tilespmem:s0+$0xA920] =	vst v6  }
0x931: {  	[tilespmem:s16+$0xAC70] =	vst v3;
	v5 =	vld [tilespmem:s11+$0x60]  }
0x932: {  	s19 =	rddreg [dreg:$0x13];
	[tilespmem:s25+$0xA9D0] =	vst v7;
	v6 =	vld [tilespmem:s30+$0x30]  }
0x933: {  	v3 =	vld [tilespmem:s19+$0x0]  }
0x934: {  	v7 =	vld [tilespmem:s14+$0x60];
	[tilespmem:s22+$0xAF20] =	vst v8  }
0x935: {  	[tilespmem:s23+$0xAE90] =	vst v4  }
0x936: {  	v8 =	vld [tilespmem:s29+$0x30];
	[tilespmem:s18+$0xABE0] =	vst v5  }
0x937: {  	v4 =	vld [tilespmem:s10+$0x20];
	[tilespmem:s0+$0xA930] =	vst v6  }
0x938: {  	[tilespmem:s16+$0xAC80] =	vst v3;
	v5 =	vld [tilespmem:s11+$0x70]  }
0x939: {  	[tilespmem:s25+$0xA9E0] =	vst v7;
	v6 =	vld [tilespmem:s30+$0x40]  }
0x93a: {  	v3 =	vld [tilespmem:s19+$0x10]  }
0x93b: {  	v7 =	vld [tilespmem:s14+$0x70];
	[tilespmem:s22+$0xAF30] =	vst v8  }
0x93c: {  	[tilespmem:s23+$0xAEA0] =	vst v4  }
0x93d: {  	v8 =	vld [tilespmem:s29+$0x40];
	[tilespmem:s18+$0xABF0] =	vst v5  }
0x93e: {  	s14 =	spop (v2sf);
	v4 =	vld [tilespmem:s10+$0x30];
	[tilespmem:s0+$0xA940] =	vst v6  }
0x93f: {  	[tilespmem:s16+$0xAC90] =	vst v3;
	v5 =	vld [tilespmem:s14+$0x0]  }
0x940: {  	[tilespmem:s25+$0xA9F0] =	vst v7;
	v6 =	vld [tilespmem:s30+$0x50]  }
0x941: {  	v3 =	vld [tilespmem:s19+$0x20]  }
0x942: {  	v7 =	vld [tilespmem:s9+$0x0];
	[tilespmem:s22+$0xAF40] =	vst v8  }
0x943: {  	[tilespmem:s23+$0xAEB0] =	vst v4  }
0x944: {  	v8 =	vld [tilespmem:s29+$0x50];
	[tilespmem:s18+$0xAC00] =	vst v5  }
0x945: {  	(v2sf) =	vpush v2, $0x3;
	v4 =	vld [tilespmem:s10+$0x40];
	[tilespmem:s0+$0xA950] =	vst v6  }
0x946: {  	[tilespmem:s16+$0xACA0] =	vst v3;
	v5 =	vld [tilespmem:s14+$0x10]  }
0x947: {  	[tilespmem:s25+$0xAA00] =	vst v7;
	v6 =	vld [tilespmem:s30+$0x60]  }
0x948: {  	v3 =	vld [tilespmem:s19+$0x30]  }
0x949: {  	v7 =	vld [tilespmem:s9+$0x10];
	[tilespmem:s22+$0xAF50] =	vst v8  }
0x94a: {  	[tilespmem:s23+$0xAEC0] =	vst v4  }
0x94b: {  	v8 =	vld [tilespmem:s29+$0x60];
	[tilespmem:s18+$0xAC10] =	vst v5  }
0x94c: {  	v4 =	vld [tilespmem:s10+$0x50];
	[tilespmem:s0+$0xA960] =	vst v6  }
0x94d: {  	[tilespmem:s16+$0xACB0] =	vst v3;
	v5 =	vld [tilespmem:s14+$0x20]  }
0x94e: {  	[tilespmem:s25+$0xAA10] =	vst v7;
	v6 =	vld [tilespmem:s30+$0x70]  }
0x94f: {  	v3 =	vld [tilespmem:s19+$0x40]  }
0x950: {  	v7 =	vld [tilespmem:s9+$0x20];
	[tilespmem:s22+$0xAF60] =	vst v8  }
0x951: {  	(v2sf) =	vpush v1, $0xE;
	[tilespmem:s23+$0xAED0] =	vst v4  }
0x952: {  	[dreg:$0x16] =	wrdreg s15;
	v8 =	vld [tilespmem:s29+$0x70];
	[tilespmem:s18+$0xAC20] =	vst v5  }
0x953: {  	s15 =	rddreg [dreg:$0x1e];
	v4 =	vld [tilespmem:s10+$0x60];
	[tilespmem:s0+$0xA970] =	vst v6  }
0x954: {  	s17 =	smov.u32 s15;
	s15 =	spop (v2sf);
	[tilespmem:s16+$0xACC0] =	vst v3;
	v5 =	vld [tilespmem:s14+$0x30]  }
0x955: {  	[tilespmem:s25+$0xAA20] =	vst v7;
	v6 =	vld [tilespmem:s15+$0x0]  }
0x956: {  	v3 =	vld [tilespmem:s19+$0x50]  }
0x957: {  	v7 =	vld [tilespmem:s9+$0x30];
	[tilespmem:s22+$0xAF70] =	vst v8  }
0x958: {  	[tilespmem:s23+$0xAEE0] =	vst v4  }
0x959: {  	v8 =	vld [tilespmem:s24+$0x0];
	[tilespmem:s18+$0xAC30] =	vst v5  }
0x95a: {  	v4 =	vld [tilespmem:s10+$0x70];
	[tilespmem:s0+$0xA980] =	vst v6  }
0x95b: {  	[tilespmem:s16+$0xACD0] =	vst v3;
	v5 =	vld [tilespmem:s14+$0x40]  }
0x95c: {  	[tilespmem:s25+$0xAA30] =	vst v7;
	v6 =	vld [tilespmem:s15+$0x10]  }
0x95d: {  	v3 =	vld [tilespmem:s19+$0x60]  }
0x95e: {  	v7 =	vld [tilespmem:s9+$0x40];
	[tilespmem:s22+$0xAF80] =	vst v8  }
0x95f: {  	[tilespmem:s23+$0xAEF0] =	vst v4  }
0x960: {  	s1 =	spop (v2sf);
	v8 =	vld [tilespmem:s24+$0x10];
	[tilespmem:s18+$0xAC40] =	vst v5  }
0x961: {  	v4 =	vld [tilespmem:s1+$0x0];
	[tilespmem:s0+$0xA990] =	vst v6  }
0x962: {  	[tilespmem:s16+$0xACE0] =	vst v3;
	v5 =	vld [tilespmem:s14+$0x50]  }
0x963: {  	s26 =	smov.u32 s4;
	[tilespmem:s25+$0xAA40] =	vst v7;
	v6 =	vld [tilespmem:s15+$0x20]  }
0x964: {  	[dreg:$0xe] =	wrdreg s26;
	v3 =	vld [tilespmem:s19+$0x70]  }
0x965: {  	s26 =	sld [smem:$0x7EA];
	v7 =	vld [tilespmem:s9+$0x50];
	[tilespmem:s22+$0xAF90] =	vst v8  }
0x966: {  	[dreg:$0x4] =	wrdreg s20;
	[tilespmem:s23+$0xAF00] =	vst v4  }
0x967: {  	s20 =	rddreg [dreg:$0xb];
	v8 =	vld [tilespmem:s24+$0x20];
	[tilespmem:s18+$0xAC50] =	vst v5  }
0x968: {  	s28 =	smov.u32 s26;
	s26 =	sld [smem:$0x7EC];
	v5 =	vld [tilespmem:s1+$0x10];
	[tilespmem:s0+$0xA9A0] =	vst v6  }
0x969: {  	s31 =	smov.u32 s20;
	s20 =	rddreg [dreg:$0x18];
	[tilespmem:s16+$0xACF0] =	vst v3;
	v63 =	vld [tilespmem:s14+$0x60]  }
0x96a: {  	p0 =	slt.u32 s2, $0xE;
	[dreg:$0xc] =	wrdreg s28;
	[tilespmem:s25+$0xAA50] =	vst v7  }
.Ltmp1:
0x96b: {  	s28 =	smov.u32 s26;
	s26 =	rddreg [dreg:$0x1c];
	v7 =	vld [tilespmem:s7+$0x0];
	(pc) =	sbr.rel @p0 .LBB2_5-.Ltmp1, $4  }
0x96c: {  	[dreg:$0xb] =	wrdreg s28;
	v4 =	vld [tilespmem:s9+$0x60];
	[tilespmem:s22+$0xAFA0] =	vst v8  }
0x96d: {  	s28 =	rddreg [dreg:$0x1a];
	v6 =	vld [tilespmem:s15+$0x30];
	[tilespmem:s23+$0xAF10] =	vst v5  }
0x96e: {  	s2 =	sadd.s32 $0x2, s2;
	[dreg:$0x15] =	wrdreg s17;
	s30 =	smov.u32 s28;
	v3 =	vld [tilespmem:s24+$0x30];
	[tilespmem:s18+$0xAC60] =	vst v63  }
0x96f: {  	s11 =	smov.u32 s26;
	(v2sf) =	vpush v0, $0x9;
	s29 =	smov.u32 s20;
	[dreg:$0x13] =	wrdreg s30;
	v5 =	vld [tilespmem:s1+$0x20]  }
0x970: {  	_ =	sdelay $0x4  }
0x971: {  	[tilespmem:s0+$0xA9B0] =	vst v6  }
0x972: {  	v6 =	vld [tilespmem:s15+$0x40];
	_ =	sdelay $0x4  }
0x973: {  	[tilespmem:s0+$0xA9C0] =	vst v6  }
0x974: {  	v40 =	vld [tilespmem:s15+$0x50]  }
0x975: {  	v8 =	vld [tilespmem:s14+$0x70]  }
0x976: {  	s3 =	spop (v2sf);
	(v2sf) =	vpush v2, $0x4;
	_ =	sdelay $0x2  }
0x977: {  	[tilespmem:s0+$0xA9D0] =	vst v40  }
0x978: {  	[tilespmem:s18+$0xAC70] =	vst v8;
	v43 =	vld [tilespmem:s15+$0x60]  }
0x979: {  	v39 =	vld [tilespmem:s3+$0x0];
	_ =	sdelay $0x3  }
0x97a: {  	[tilespmem:s0+$0xA9E0] =	vst v43  }
0x97b: {  	[tilespmem:s18+$0xAC80] =	vst v39;
	v6 =	vld [tilespmem:s15+$0x70]  }
0x97c: {  	v42 =	vld [tilespmem:s3+$0x10];
	_ =	sdelay $0x3  }
0x97d: {  	[tilespmem:s0+$0xA9F0] =	vst v6;
	s2 =	spop (v2sf)  }
0x97e: {  	[tilespmem:s18+$0xAC90] =	vst v42;
	v6 =	vld [tilespmem:s2+$0x0]  }
0x97f: {  	[tilespmem:s23+$0xAF20] =	vst v5;
	v5 =	vld [tilespmem:s3+$0x20]  }
0x980: {  	(v2sf) =	vpush v1, $0xF;
	_ =	sdelay $0x2  }
0x981: {  	[tilespmem:s0+$0xAA00] =	vst v6  }
0x982: {  	[tilespmem:s18+$0xACA0] =	vst v5;
	v6 =	vld [tilespmem:s2+$0x10]  }
0x983: {  	v5 =	vld [tilespmem:s3+$0x30];
	_ =	sdelay $0x1  }
0x984: {  	[tilespmem:s16+$0xAD00] =	vst v7  }
0x985: {  	v7 =	vld [tilespmem:s7+$0x10]  }
0x986: {  	[tilespmem:s0+$0xAA10] =	vst v6  }
0x987: {  	[tilespmem:s18+$0xACB0] =	vst v5;
	v6 =	vld [tilespmem:s2+$0x20]  }
0x988: {  	[tilespmem:s25+$0xAA60] =	vst v4;
	v5 =	vld [tilespmem:s3+$0x40]  }
0x989: {  	v4 =	vld [tilespmem:s9+$0x70]  }
0x98a: {  	v41 =	vld [tilespmem:s1+$0x30];
	[tilespmem:s16+$0xAD10] =	vst v7  }
0x98b: {  	v7 =	vld [tilespmem:s7+$0x20]  }
0x98c: {  	s15 =	spop (v2sf);
	(v2sf) =	vpush v0, $0xA;
	[tilespmem:s0+$0xAA20] =	vst v6  }
0x98d: {  	[tilespmem:s18+$0xACC0] =	vst v5;
	v6 =	vld [tilespmem:s2+$0x30]  }
0x98e: {  	[tilespmem:s25+$0xAA70] =	vst v4;
	v5 =	vld [tilespmem:s3+$0x50]  }
0x98f: {  	v4 =	vld [tilespmem:s13+$0x0];
	[tilespmem:s23+$0xAF30] =	vst v41  }
0x990: {  	v8 =	vld [tilespmem:s1+$0x40];
	[tilespmem:s16+$0xAD20] =	vst v7  }
0x991: {  	v7 =	vld [tilespmem:s7+$0x30]  }
0x992: {  	[tilespmem:s0+$0xAA30] =	vst v6  }
0x993: {  	[tilespmem:s18+$0xACD0] =	vst v5;
	v6 =	vld [tilespmem:s2+$0x40]  }
0x994: {  	[tilespmem:s25+$0xAA80] =	vst v4;
	v5 =	vld [tilespmem:s3+$0x60]  }
0x995: {  	v4 =	vld [tilespmem:s13+$0x10];
	[tilespmem:s23+$0xAF40] =	vst v8  }
0x996: {  	v8 =	vld [tilespmem:s1+$0x50];
	[tilespmem:s16+$0xAD30] =	vst v7  }
0x997: {  	v44 =	vld [tilespmem:s7+$0x40]  }
0x998: {  	[tilespmem:s0+$0xAA40] =	vst v6  }
0x999: {  	[tilespmem:s18+$0xACE0] =	vst v5;
	v6 =	vld [tilespmem:s2+$0x50]  }
0x99a: {  	[tilespmem:s25+$0xAA90] =	vst v4;
	v5 =	vld [tilespmem:s3+$0x70]  }
0x99b: {  	v4 =	vld [tilespmem:s13+$0x20];
	[tilespmem:s23+$0xAF50] =	vst v8;
	s8 =	spop (v2sf);
	(v2sf) =	vpush v2, $0x5  }
0x99c: {  	v45 =	vld [tilespmem:s1+$0x60];
	[tilespmem:s16+$0xAD40] =	vst v44  }
0x99d: {  	v1 =	vld [tilespmem:s7+$0x50]  }
0x99e: {  	[tilespmem:s0+$0xAA50] =	vst v6  }
0x99f: {  	[tilespmem:s18+$0xACF0] =	vst v5;
	v6 =	vld [tilespmem:s2+$0x60]  }
0x9a0: {  	[tilespmem:s25+$0xAAA0] =	vst v4;
	v5 =	vld [tilespmem:s8+$0x0]  }
0x9a1: {  	v4 =	vld [tilespmem:s13+$0x30];
	[tilespmem:s23+$0xAF60] =	vst v45  }
0x9a2: {  	v7 =	vld [tilespmem:s1+$0x70];
	[tilespmem:s16+$0xAD50] =	vst v1  }
0x9a3: {  	v1 =	vld [tilespmem:s7+$0x60]  }
0x9a4: {  	[tilespmem:s0+$0xAA60] =	vst v6  }
0x9a5: {  	[tilespmem:s18+$0xAD00] =	vst v5;
	v48 =	vld [tilespmem:s2+$0x70]  }
0x9a6: {  	[tilespmem:s25+$0xAAB0] =	vst v4;
	v5 =	vld [tilespmem:s8+$0x10]  }
0x9a7: {  	v4 =	vld [tilespmem:s13+$0x40];
	[tilespmem:s23+$0xAF70] =	vst v7  }
0x9a8: {  	v7 =	vld [tilespmem:s15+$0x0];
	[tilespmem:s16+$0xAD60] =	vst v1  }
0x9a9: {  	v1 =	vld [tilespmem:s7+$0x70]  }
0x9aa: {  	s17 =	spop (v2sf);
	[tilespmem:s0+$0xAA70] =	vst v48  }
0x9ab: {  	[tilespmem:s18+$0xAD10] =	vst v5;
	v51 =	vld [tilespmem:s17+$0x0]  }
0x9ac: {  	[tilespmem:s25+$0xAAC0] =	vst v4;
	v5 =	vld [tilespmem:s8+$0x20]  }
0x9ad: {  	v4 =	vld [tilespmem:s13+$0x50];
	[tilespmem:s23+$0xAF80] =	vst v7  }
0x9ae: {  	v7 =	vld [tilespmem:s15+$0x10];
	[tilespmem:s16+$0xAD70] =	vst v1  }
0x9af: {  	v1 =	vld [tilespmem:s12+$0x0]  }
0x9b0: {  	[tilespmem:s0+$0xAA80] =	vst v51  }
0x9b1: {  	[tilespmem:s18+$0xAD20] =	vst v5;
	v5 =	vld [tilespmem:s17+$0x10]  }
0x9b2: {  	[tilespmem:s25+$0xAAD0] =	vst v4  }
0x9b3: {  	v4 =	vld [tilespmem:s13+$0x60];
	[tilespmem:s23+$0xAF90] =	vst v7  }
0x9b4: {  	v7 =	vld [tilespmem:s15+$0x20];
	[tilespmem:s16+$0xAD80] =	vst v1  }
0x9b5: {  	v1 =	vld [tilespmem:s12+$0x10]  }
0x9b6: {  	[tilespmem:s0+$0xAA90] =	vst v5  }
0x9b7: {  	v5 =	vld [tilespmem:s17+$0x20]  }
0x9b8: {  	[tilespmem:s25+$0xAAE0] =	vst v4  }
0x9b9: {  	v4 =	vld [tilespmem:s13+$0x70];
	[tilespmem:s23+$0xAFA0] =	vst v7  }
0x9ba: {  	v7 =	vld [tilespmem:s15+$0x30];
	[tilespmem:s16+$0xAD90] =	vst v1  }
0x9bb: {  	v1 =	vld [tilespmem:s12+$0x20]  }
0x9bc: {  	[tilespmem:s0+$0xAAA0] =	vst v5  }
0x9bd: {  	[tilespmem:s22+$0xAFB0] =	vst v3;
	v5 =	vld [tilespmem:s17+$0x30]  }
0x9be: {  	v47 =	vld [tilespmem:s24+$0x40];
	[tilespmem:s25+$0xAAF0] =	vst v4  }
0x9bf: {  	v4 =	vld [tilespmem:s21+$0x0];
	[tilespmem:s23+$0xAFB0] =	vst v7  }
0x9c0: {  	v46 =	vld [tilespmem:s15+$0x40];
	[tilespmem:s16+$0xADA0] =	vst v1  }
0x9c1: {  	v1 =	vld [tilespmem:s12+$0x30]  }
0x9c2: {  	[tilespmem:s0+$0xAAB0] =	vst v5  }
0x9c3: {  	[tilespmem:s22+$0xAFC0] =	vst v47;
	v5 =	vld [tilespmem:s17+$0x40]  }
0x9c4: {  	v7 =	vld [tilespmem:s24+$0x50];
	[tilespmem:s25+$0xAB00] =	vst v4  }
0x9c5: {  	v4 =	vld [tilespmem:s21+$0x10];
	[tilespmem:s23+$0xAFC0] =	vst v46  }
0x9c6: {  	v49 =	vld [tilespmem:s15+$0x50];
	[tilespmem:s16+$0xADB0] =	vst v1  }
0x9c7: {  	v1 =	vld [tilespmem:s12+$0x40]  }
0x9c8: {  	v50 =	vld [tilespmem:s8+$0x30];
	[tilespmem:s0+$0xAAC0] =	vst v5  }
0x9c9: {  	[tilespmem:s22+$0xAFD0] =	vst v7;
	v5 =	vld [tilespmem:s17+$0x50]  }
0x9ca: {  	v7 =	vld [tilespmem:s24+$0x60];
	[tilespmem:s25+$0xAB10] =	vst v4  }
0x9cb: {  	(v2sf) =	vpush v0, $0xB;
	v52 =	vld [tilespmem:s21+$0x20];
	[tilespmem:s23+$0xAFD0] =	vst v49  }
0x9cc: {  	(v2sf) =	vpush v2, $0x6;
	v6 =	vld [tilespmem:s15+$0x60];
	[tilespmem:s16+$0xADC0] =	vst v1  }
0x9cd: {  	v53 =	vld [tilespmem:s12+$0x50];
	[tilespmem:s18+$0xAD30] =	vst v50  }
0x9ce: {  	v3 =	vld [tilespmem:s8+$0x40];
	[tilespmem:s0+$0xAAD0] =	vst v5  }
0x9cf: {  	[tilespmem:s22+$0xAFE0] =	vst v7;
	v5 =	vld [tilespmem:s17+$0x60]  }
0x9d0: {  	v7 =	vld [tilespmem:s24+$0x70];
	[tilespmem:s25+$0xAB20] =	vst v52  }
0x9d1: {  	v1 =	vld [tilespmem:s21+$0x30];
	[tilespmem:s23+$0xAFE0] =	vst v6  }
0x9d2: {  	v6 =	vld [tilespmem:s15+$0x70];
	[tilespmem:s16+$0xADD0] =	vst v53  }
0x9d3: {  	v4 =	vld [tilespmem:s12+$0x60];
	[tilespmem:s18+$0xAD40] =	vst v3  }
0x9d4: {  	v3 =	vld [tilespmem:s8+$0x50];
	[tilespmem:s0+$0xAAE0] =	vst v5  }
0x9d5: {  	[tilespmem:s22+$0xAFF0] =	vst v7;
	v5 =	vld [tilespmem:s17+$0x70]  }
0x9d6: {  	[tilespmem:s25+$0xAB30] =	vst v1  }
0x9d7: {  	[tilespmem:s23+$0xAFF0] =	vst v6  }
0x9d8: {  	v54 =	vld [tilespmem:s21+$0x40];
	[tilespmem:s16+$0xADE0] =	vst v4  }
0x9d9: {  	v55 =	vld [tilespmem:s12+$0x70];
	[tilespmem:s18+$0xAD50] =	vst v3  }
0x9da: {  	s19 =	spop (v2sf);
	v3 =	vld [tilespmem:s8+$0x60];
	[tilespmem:s0+$0xAAF0] =	vst v5  }
0x9db: {  	s20 =	spop (v2sf)  }
0x9dc: {  	v5 =	vld [tilespmem:s20+$0x0];
	_ =	sdelay $0x4  }
0x9dd: {  	[tilespmem:s0+$0xAB00] =	vst v5  }
0x9de: {  	v5 =	vld [tilespmem:s20+$0x10];
	_ =	sdelay $0x4  }
0x9df: {  	[tilespmem:s0+$0xAB10] =	vst v5  }
0x9e0: {  	v5 =	vld [tilespmem:s20+$0x20];
	_ =	sdelay $0x4  }
0x9e1: {  	[tilespmem:s0+$0xAB20] =	vst v5  }
0x9e2: {  	v5 =	vld [tilespmem:s20+$0x30];
	_ =	sdelay $0x4  }
0x9e3: {  	[tilespmem:s0+$0xAB30] =	vst v5  }
0x9e4: {  	v5 =	vld [tilespmem:s20+$0x40];
	_ =	sdelay $0x3  }
0x9e5: {  	[tilespmem:s25+$0xAB40] =	vst v54  }
0x9e6: {  	v57 =	vld [tilespmem:s21+$0x50];
	[tilespmem:s0+$0xAB40] =	vst v5  }
0x9e7: {  	v56 =	vld [tilespmem:s20+$0x50]  }
0x9e8: {  	(v2sf) =	vpush v0, $0xC  }
0x9e9: {  	(v2sf) =	vpush v2, $0x7;
	_ =	sdelay $0x1  }
0x9ea: {  	[tilespmem:s25+$0xAB50] =	vst v57  }
0x9eb: {  	v5 =	vld [tilespmem:s21+$0x60];
	[tilespmem:s0+$0xAB50] =	vst v56  }
0x9ec: {  	v4 =	vld [tilespmem:s20+$0x60];
	_ =	sdelay $0x3  }
0x9ed: {  	[tilespmem:s25+$0xAB60] =	vst v5  }
0x9ee: {  	v5 =	vld [tilespmem:s21+$0x70];
	[tilespmem:s0+$0xAB60] =	vst v4  }
0x9ef: {  	v4 =	vld [tilespmem:s20+$0x70];
	_ =	sdelay $0x3  }
0x9f0: {  	s21 =	spop (v2sf);
	[tilespmem:s25+$0xAB70] =	vst v5  }
0x9f1: {  	s22 =	spop (v2sf);
	[tilespmem:s0+$0xAB70] =	vst v4  }
0x9f2: {  	v4 =	vld [tilespmem:s22+$0x0];
	s23 =	rddreg [dreg:$0x16]  }
0x9f3: {  	v5 =	vld [tilespmem:s23+$0x0];
	_ =	sdelay $0x3  }
0x9f4: {  	[tilespmem:s0+$0xAB80] =	vst v4  }
0x9f5: {  	[tilespmem:s25+$0xAB80] =	vst v5;
	v4 =	vld [tilespmem:s22+$0x10]  }
0x9f6: {  	v5 =	vld [tilespmem:s23+$0x10];
	_ =	sdelay $0x3  }
0x9f7: {  	[tilespmem:s0+$0xAB90] =	vst v4  }
0x9f8: {  	[tilespmem:s25+$0xAB90] =	vst v5;
	v4 =	vld [tilespmem:s22+$0x20]  }
0x9f9: {  	v5 =	vld [tilespmem:s23+$0x20];
	_ =	sdelay $0x3  }
0x9fa: {  	[tilespmem:s0+$0xABA0] =	vst v4  }
0x9fb: {  	[tilespmem:s25+$0xABA0] =	vst v5;
	v4 =	vld [tilespmem:s22+$0x30]  }
0x9fc: {  	v5 =	vld [tilespmem:s23+$0x30];
	_ =	sdelay $0x3  }
0x9fd: {  	[tilespmem:s0+$0xABB0] =	vst v4  }
0x9fe: {  	[tilespmem:s25+$0xABB0] =	vst v5;
	v4 =	vld [tilespmem:s22+$0x40]  }
0x9ff: {  	v5 =	vld [tilespmem:s23+$0x40];
	_ =	sdelay $0x3  }
0xa00: {  	[tilespmem:s0+$0xABC0] =	vst v4  }
0xa01: {  	[tilespmem:s25+$0xABC0] =	vst v5;
	v4 =	vld [tilespmem:s22+$0x50]  }
0xa02: {  	v5 =	vld [tilespmem:s23+$0x50]  }
0xa03: {  	(v2sf) =	vpush v0, $0xD  }
0xa04: {  	(v2sf) =	vpush v2, $0x8;
	_ =	sdelay $0x1  }
0xa05: {  	[tilespmem:s0+$0xABD0] =	vst v4  }
0xa06: {  	[tilespmem:s25+$0xABD0] =	vst v5;
	v4 =	vld [tilespmem:s22+$0x60]  }
0xa07: {  	v5 =	vld [tilespmem:s23+$0x60];
	_ =	sdelay $0x3  }
0xa08: {  	[tilespmem:s0+$0xABE0] =	vst v4  }
0xa09: {  	[tilespmem:s25+$0xABE0] =	vst v5;
	v4 =	vld [tilespmem:s22+$0x70]  }
0xa0a: {  	v5 =	vld [tilespmem:s23+$0x70];
	_ =	sdelay $0x3  }
0xa0b: {  	s24 =	spop (v2sf);
	[tilespmem:s0+$0xABF0] =	vst v4  }
0xa0c: {  	s26 =	spop (v2sf);
	[tilespmem:s25+$0xABF0] =	vst v5  }
0xa0d: {  	v4 =	vld [tilespmem:s26+$0x0];
	s28 =	rddreg [dreg:$0x15]  }
0xa0e: {  	v5 =	vld [tilespmem:s28+$0x0];
	_ =	sdelay $0x3  }
0xa0f: {  	[tilespmem:s0+$0xAC00] =	vst v4  }
0xa10: {  	v4 =	vld [tilespmem:s26+$0x10];
	[tilespmem:s25+$0xAC00] =	vst v5  }
0xa11: {  	v5 =	vld [tilespmem:s28+$0x10];
	_ =	sdelay $0x3  }
0xa12: {  	[tilespmem:s0+$0xAC10] =	vst v4  }
0xa13: {  	v4 =	vld [tilespmem:s26+$0x20];
	[tilespmem:s25+$0xAC10] =	vst v5  }
0xa14: {  	v5 =	vld [tilespmem:s28+$0x20];
	_ =	sdelay $0x3  }
0xa15: {  	[tilespmem:s0+$0xAC20] =	vst v4  }
0xa16: {  	v4 =	vld [tilespmem:s26+$0x30];
	[tilespmem:s25+$0xAC20] =	vst v5  }
0xa17: {  	v5 =	vld [tilespmem:s28+$0x30];
	_ =	sdelay $0x3  }
0xa18: {  	[tilespmem:s0+$0xAC30] =	vst v4  }
0xa19: {  	v4 =	vld [tilespmem:s26+$0x40];
	[tilespmem:s25+$0xAC30] =	vst v5  }
0xa1a: {  	v5 =	vld [tilespmem:s28+$0x40];
	_ =	sdelay $0x3  }
0xa1b: {  	[tilespmem:s0+$0xAC40] =	vst v4  }
0xa1c: {  	v4 =	vld [tilespmem:s26+$0x50];
	[tilespmem:s25+$0xAC40] =	vst v5  }
0xa1d: {  	v5 =	vld [tilespmem:s28+$0x50]  }
0xa1e: {  	(v2sf) =	vpush v0, $0xE  }
0xa1f: {  	(v2sf) =	vpush v2, $0x9;
	_ =	sdelay $0x1  }
0xa20: {  	[tilespmem:s0+$0xAC50] =	vst v4  }
0xa21: {  	v4 =	vld [tilespmem:s26+$0x60];
	[tilespmem:s25+$0xAC50] =	vst v5  }
0xa22: {  	v5 =	vld [tilespmem:s28+$0x60];
	_ =	sdelay $0x3  }
0xa23: {  	[tilespmem:s0+$0xAC60] =	vst v4  }
0xa24: {  	v4 =	vld [tilespmem:s26+$0x70];
	[tilespmem:s25+$0xAC60] =	vst v5  }
0xa25: {  	v5 =	vld [tilespmem:s28+$0x70];
	_ =	sdelay $0x3  }
0xa26: {  	s30 =	spop (v2sf);
	[tilespmem:s0+$0xAC70] =	vst v4  }
0xa27: {  	s10 =	spop (v2sf);
	[tilespmem:s25+$0xAC70] =	vst v5  }
0xa28: {  	v4 =	vld [tilespmem:s10+$0x0];
	s4 =	rddreg [dreg:$0x13]  }
0xa29: {  	v5 =	vld [tilespmem:s4+$0x0];
	_ =	sdelay $0x3  }
0xa2a: {  	[tilespmem:s0+$0xAC80] =	vst v4  }
0xa2b: {  	v4 =	vld [tilespmem:s10+$0x10];
	[tilespmem:s25+$0xAC80] =	vst v5  }
0xa2c: {  	v5 =	vld [tilespmem:s4+$0x10];
	_ =	sdelay $0x3  }
0xa2d: {  	[tilespmem:s0+$0xAC90] =	vst v4  }
0xa2e: {  	v4 =	vld [tilespmem:s10+$0x20];
	[tilespmem:s25+$0xAC90] =	vst v5  }
0xa2f: {  	v5 =	vld [tilespmem:s4+$0x20];
	_ =	sdelay $0x3  }
0xa30: {  	[tilespmem:s0+$0xACA0] =	vst v4  }
0xa31: {  	v4 =	vld [tilespmem:s10+$0x30];
	[tilespmem:s25+$0xACA0] =	vst v5  }
0xa32: {  	v5 =	vld [tilespmem:s4+$0x30];
	_ =	sdelay $0x3  }
0xa33: {  	[tilespmem:s0+$0xACB0] =	vst v4  }
0xa34: {  	v4 =	vld [tilespmem:s10+$0x40];
	[tilespmem:s25+$0xACB0] =	vst v5  }
0xa35: {  	v5 =	vld [tilespmem:s4+$0x40];
	_ =	sdelay $0x3  }
0xa36: {  	[tilespmem:s0+$0xACC0] =	vst v4  }
0xa37: {  	v4 =	vld [tilespmem:s10+$0x50];
	[tilespmem:s25+$0xACC0] =	vst v5  }
0xa38: {  	v5 =	vld [tilespmem:s4+$0x50]  }
0xa39: {  	(v2sf) =	vpush v0, $0xF  }
0xa3a: {  	(v2sf) =	vpush v2, $0xA;
	_ =	sdelay $0x1  }
0xa3b: {  	[tilespmem:s0+$0xACD0] =	vst v4  }
0xa3c: {  	v58 =	vld [tilespmem:s10+$0x60];
	[tilespmem:s25+$0xACD0] =	vst v5  }
0xa3d: {  	v59 =	vld [tilespmem:s4+$0x60];
	_ =	sdelay $0x3  }
0xa3e: {  	[tilespmem:s0+$0xACE0] =	vst v58  }
0xa3f: {  	v0 =	vld [tilespmem:s10+$0x70];
	[tilespmem:s25+$0xACE0] =	vst v59  }
0xa40: {  	v4 =	vld [tilespmem:s4+$0x70];
	_ =	sdelay $0x3  }
0xa41: {  	s12 =	spop (v2sf);
	[tilespmem:s0+$0xACF0] =	vst v0  }
0xa42: {  	s13 =	spop (v2sf);
	[tilespmem:s25+$0xACF0] =	vst v4  }
0xa43: {  	v0 =	vld [tilespmem:s13+$0x0];
	s5 =	rddreg [dreg:$0x10]  }
0xa44: {  	v4 =	vld [tilespmem:s5+$0x0];
	_ =	sdelay $0x3  }
0xa45: {  	[tilespmem:s0+$0xAD00] =	vst v0  }
0xa46: {  	v0 =	vld [tilespmem:s13+$0x10];
	[tilespmem:s25+$0xAD00] =	vst v4  }
0xa47: {  	v4 =	vld [tilespmem:s5+$0x10];
	_ =	sdelay $0x3  }
0xa48: {  	[tilespmem:s0+$0xAD10] =	vst v0  }
0xa49: {  	v0 =	vld [tilespmem:s13+$0x20];
	[tilespmem:s25+$0xAD10] =	vst v4  }
0xa4a: {  	v4 =	vld [tilespmem:s5+$0x20];
	_ =	sdelay $0x3  }
0xa4b: {  	[tilespmem:s0+$0xAD20] =	vst v0  }
0xa4c: {  	v0 =	vld [tilespmem:s13+$0x30];
	[tilespmem:s25+$0xAD20] =	vst v4  }
0xa4d: {  	v4 =	vld [tilespmem:s5+$0x30];
	_ =	sdelay $0x3  }
0xa4e: {  	[tilespmem:s0+$0xAD30] =	vst v0  }
0xa4f: {  	v0 =	vld [tilespmem:s13+$0x40];
	[tilespmem:s25+$0xAD30] =	vst v4  }
0xa50: {  	v4 =	vld [tilespmem:s5+$0x40];
	_ =	sdelay $0x3  }
0xa51: {  	[tilespmem:s0+$0xAD40] =	vst v0  }
0xa52: {  	v0 =	vld [tilespmem:s13+$0x50];
	[tilespmem:s25+$0xAD40] =	vst v4  }
0xa53: {  	v4 =	vld [tilespmem:s5+$0x50];
	_ =	sdelay $0x1  }
0xa54: {  	(v2sf) =	vpush v2, $0xB;
	_ =	sdelay $0x1  }
0xa55: {  	[tilespmem:s0+$0xAD50] =	vst v0  }
0xa56: {  	v0 =	vld [tilespmem:s13+$0x60];
	[tilespmem:s25+$0xAD50] =	vst v4  }
0xa57: {  	v4 =	vld [tilespmem:s5+$0x60];
	_ =	sdelay $0x2  }
0xa58: {  	[tilespmem:s18+$0xAD60] =	vst v3  }
0xa59: {  	v3 =	vld [tilespmem:s8+$0x70];
	[tilespmem:s0+$0xAD60] =	vst v0  }
0xa5a: {  	v0 =	vld [tilespmem:s13+$0x70];
	[tilespmem:s25+$0xAD60] =	vst v4  }
0xa5b: {  	v4 =	vld [tilespmem:s5+$0x70];
	_ =	sdelay $0x2  }
0xa5c: {  	[tilespmem:s18+$0xAD70] =	vst v3  }
0xa5d: {  	[tilespmem:s0+$0xAD70] =	vst v0  }
0xa5e: {  	s14 =	spop (v2sf);
	v3 =	vld [tilespmem:s19+$0x0];
	[tilespmem:s25+$0xAD70] =	vst v4  }
0xa5f: {  	v0 =	vld [tilespmem:s14+$0x0];
	s15 =	rddreg [dreg:$0xe]  }
0xa60: {  	v4 =	vld [tilespmem:s15+$0x0];
	_ =	sdelay $0x2  }
0xa61: {  	[tilespmem:s18+$0xAD80] =	vst v3  }
0xa62: {  	v3 =	vld [tilespmem:s19+$0x10];
	[tilespmem:s0+$0xAD80] =	vst v0  }
0xa63: {  	v0 =	vld [tilespmem:s14+$0x10];
	[tilespmem:s25+$0xAD80] =	vst v4  }
0xa64: {  	v4 =	vld [tilespmem:s15+$0x10];
	_ =	sdelay $0x2  }
0xa65: {  	[tilespmem:s18+$0xAD90] =	vst v3  }
0xa66: {  	v3 =	vld [tilespmem:s19+$0x20];
	[tilespmem:s0+$0xAD90] =	vst v0  }
0xa67: {  	v0 =	vld [tilespmem:s14+$0x20];
	[tilespmem:s25+$0xAD90] =	vst v4  }
0xa68: {  	v4 =	vld [tilespmem:s15+$0x20];
	_ =	sdelay $0x2  }
0xa69: {  	[tilespmem:s18+$0xADA0] =	vst v3  }
0xa6a: {  	v3 =	vld [tilespmem:s19+$0x30];
	[tilespmem:s0+$0xADA0] =	vst v0  }
0xa6b: {  	v0 =	vld [tilespmem:s14+$0x30];
	[tilespmem:s25+$0xADA0] =	vst v4  }
0xa6c: {  	v4 =	vld [tilespmem:s15+$0x30];
	_ =	sdelay $0x2  }
0xa6d: {  	[tilespmem:s18+$0xADB0] =	vst v3  }
0xa6e: {  	v3 =	vld [tilespmem:s19+$0x40];
	[tilespmem:s0+$0xADB0] =	vst v0  }
0xa6f: {  	v0 =	vld [tilespmem:s14+$0x40];
	[tilespmem:s25+$0xADB0] =	vst v4  }
0xa70: {  	v4 =	vld [tilespmem:s15+$0x40];
	_ =	sdelay $0x2  }
0xa71: {  	[tilespmem:s18+$0xADC0] =	vst v3  }
0xa72: {  	v3 =	vld [tilespmem:s19+$0x50];
	[tilespmem:s0+$0xADC0] =	vst v0  }
0xa73: {  	v0 =	vld [tilespmem:s14+$0x50];
	[tilespmem:s25+$0xADC0] =	vst v4  }
0xa74: {  	v4 =	vld [tilespmem:s15+$0x50];
	_ =	sdelay $0x1  }
0xa75: {  	(v2sf) =	vpush v2, $0xC  }
0xa76: {  	[tilespmem:s18+$0xADD0] =	vst v3  }
0xa77: {  	v3 =	vld [tilespmem:s19+$0x60];
	[tilespmem:s0+$0xADD0] =	vst v0  }
0xa78: {  	v0 =	vld [tilespmem:s14+$0x60];
	[tilespmem:s25+$0xADD0] =	vst v4  }
0xa79: {  	v4 =	vld [tilespmem:s15+$0x60];
	_ =	sdelay $0x2  }
0xa7a: {  	[tilespmem:s18+$0xADE0] =	vst v3  }
0xa7b: {  	v3 =	vld [tilespmem:s19+$0x70];
	[tilespmem:s0+$0xADE0] =	vst v0  }
0xa7c: {  	v0 =	vld [tilespmem:s14+$0x70];
	[tilespmem:s25+$0xADE0] =	vst v4  }
0xa7d: {  	v4 =	vld [tilespmem:s15+$0x70];
	_ =	sdelay $0x1  }
0xa7e: {  	[tilespmem:s16+$0xADF0] =	vst v55  }
0xa7f: {  	[tilespmem:s18+$0xADF0] =	vst v3  }
0xa80: {  	v60 =	vld [tilespmem:s21+$0x0];
	s17 =	rddreg [dreg:$0x4];
	[tilespmem:s0+$0xADF0] =	vst v0  }
0xa81: {  	s19 =	spop (v2sf);
	v61 =	vld [tilespmem:s17+$0x0];
	[tilespmem:s25+$0xADF0] =	vst v4  }
0xa82: {  	v0 =	vld [tilespmem:s19+$0x0];
	s20 =	rddreg [dreg:$0xc]  }
0xa83: {  	v4 =	vld [tilespmem:s20+$0x0];
	_ =	sdelay $0x1  }
0xa84: {  	[tilespmem:s18+$0xAE00] =	vst v60  }
0xa85: {  	[tilespmem:s16+$0xAE00] =	vst v61;
	v1 =	vld [tilespmem:s21+$0x10]  }
0xa86: {  	[tilespmem:s0+$0xAE00] =	vst v0;
	v3 =	vld [tilespmem:s17+$0x10]  }
0xa87: {  	v0 =	vld [tilespmem:s19+$0x10];
	[tilespmem:s25+$0xAE00] =	vst v4  }
0xa88: {  	v4 =	vld [tilespmem:s20+$0x10];
	_ =	sdelay $0x1  }
0xa89: {  	[tilespmem:s18+$0xAE10] =	vst v1  }
0xa8a: {  	[tilespmem:s16+$0xAE10] =	vst v3;
	v1 =	vld [tilespmem:s21+$0x20]  }
0xa8b: {  	[tilespmem:s0+$0xAE10] =	vst v0;
	v3 =	vld [tilespmem:s17+$0x20]  }
0xa8c: {  	v0 =	vld [tilespmem:s19+$0x20];
	[tilespmem:s25+$0xAE10] =	vst v4  }
0xa8d: {  	v4 =	vld [tilespmem:s20+$0x20];
	_ =	sdelay $0x1  }
0xa8e: {  	[tilespmem:s18+$0xAE20] =	vst v1  }
0xa8f: {  	[tilespmem:s16+$0xAE20] =	vst v3;
	v1 =	vld [tilespmem:s21+$0x30]  }
0xa90: {  	[tilespmem:s0+$0xAE20] =	vst v0;
	v3 =	vld [tilespmem:s17+$0x30]  }
0xa91: {  	v0 =	vld [tilespmem:s19+$0x30];
	[tilespmem:s25+$0xAE20] =	vst v4  }
0xa92: {  	v4 =	vld [tilespmem:s20+$0x30];
	_ =	sdelay $0x1  }
0xa93: {  	[tilespmem:s18+$0xAE30] =	vst v1  }
0xa94: {  	[tilespmem:s16+$0xAE30] =	vst v3;
	v1 =	vld [tilespmem:s21+$0x40]  }
0xa95: {  	[tilespmem:s0+$0xAE30] =	vst v0;
	v3 =	vld [tilespmem:s17+$0x40]  }
0xa96: {  	v0 =	vld [tilespmem:s19+$0x40];
	[tilespmem:s25+$0xAE30] =	vst v4  }
0xa97: {  	v4 =	vld [tilespmem:s20+$0x40];
	_ =	sdelay $0x1  }
0xa98: {  	[tilespmem:s18+$0xAE40] =	vst v1  }
0xa99: {  	[tilespmem:s16+$0xAE40] =	vst v3;
	v1 =	vld [tilespmem:s21+$0x50]  }
0xa9a: {  	[tilespmem:s0+$0xAE40] =	vst v0;
	v3 =	vld [tilespmem:s17+$0x50]  }
0xa9b: {  	v0 =	vld [tilespmem:s19+$0x50];
	[tilespmem:s25+$0xAE40] =	vst v4  }
0xa9c: {  	v4 =	vld [tilespmem:s20+$0x50];
	_ =	sdelay $0x1  }
0xa9d: {  	(v2sf) =	vpush v2, $0xD;
	[tilespmem:s18+$0xAE50] =	vst v1  }
0xa9e: {  	[tilespmem:s16+$0xAE50] =	vst v3;
	v1 =	vld [tilespmem:s21+$0x60]  }
0xa9f: {  	[tilespmem:s0+$0xAE50] =	vst v0;
	v3 =	vld [tilespmem:s17+$0x60]  }
0xaa0: {  	v0 =	vld [tilespmem:s19+$0x60];
	[tilespmem:s25+$0xAE50] =	vst v4  }
0xaa1: {  	v4 =	vld [tilespmem:s20+$0x60];
	_ =	sdelay $0x1  }
0xaa2: {  	[tilespmem:s18+$0xAE60] =	vst v1  }
0xaa3: {  	[tilespmem:s16+$0xAE60] =	vst v3;
	v1 =	vld [tilespmem:s21+$0x70]  }
0xaa4: {  	[tilespmem:s0+$0xAE60] =	vst v0;
	v3 =	vld [tilespmem:s17+$0x70]  }
0xaa5: {  	v0 =	vld [tilespmem:s19+$0x70];
	[tilespmem:s25+$0xAE60] =	vst v4  }
0xaa6: {  	v4 =	vld [tilespmem:s20+$0x70];
	_ =	sdelay $0x1  }
0xaa7: {  	[tilespmem:s18+$0xAE70] =	vst v1  }
0xaa8: {  	[tilespmem:s16+$0xAE70] =	vst v3;
	v1 =	vld [tilespmem:s24+$0x0]  }
0xaa9: {  	[tilespmem:s0+$0xAE70] =	vst v0;
	v3 =	vld [tilespmem:s31+$0x0]  }
0xaaa: {  	s21 =	spop (v2sf);
	[tilespmem:s25+$0xAE70] =	vst v4  }
0xaab: {  	v0 =	vld [tilespmem:s21+$0x0];
	s22 =	rddreg [dreg:$0xb]  }
0xaac: {  	v4 =	vld [tilespmem:s22+$0x0]  }
0xaad: {  	[tilespmem:s18+$0xAE80] =	vst v1  }
0xaae: {  	[tilespmem:s16+$0xAE80] =	vst v3;
	v1 =	vld [tilespmem:s24+$0x10]  }
0xaaf: {  	v3 =	vld [tilespmem:s31+$0x10]  }
0xab0: {  	[tilespmem:s0+$0xAE80] =	vst v0  }
0xab1: {  	v0 =	vld [tilespmem:s21+$0x10];
	[tilespmem:s25+$0xAE80] =	vst v4  }
0xab2: {  	v4 =	vld [tilespmem:s22+$0x10]  }
0xab3: {  	[tilespmem:s18+$0xAE90] =	vst v1  }
0xab4: {  	[tilespmem:s16+$0xAE90] =	vst v3;
	v1 =	vld [tilespmem:s24+$0x20]  }
0xab5: {  	v3 =	vld [tilespmem:s31+$0x20]  }
0xab6: {  	[tilespmem:s0+$0xAE90] =	vst v0  }
0xab7: {  	v0 =	vld [tilespmem:s21+$0x20];
	[tilespmem:s25+$0xAE90] =	vst v4  }
0xab8: {  	v4 =	vld [tilespmem:s22+$0x20]  }
0xab9: {  	[tilespmem:s18+$0xAEA0] =	vst v1  }
0xaba: {  	[tilespmem:s16+$0xAEA0] =	vst v3;
	v1 =	vld [tilespmem:s24+$0x30]  }
0xabb: {  	v3 =	vld [tilespmem:s31+$0x30]  }
0xabc: {  	[tilespmem:s0+$0xAEA0] =	vst v0  }
0xabd: {  	v0 =	vld [tilespmem:s21+$0x30];
	[tilespmem:s25+$0xAEA0] =	vst v4  }
0xabe: {  	v4 =	vld [tilespmem:s22+$0x30]  }
0xabf: {  	[tilespmem:s18+$0xAEB0] =	vst v1  }
0xac0: {  	[tilespmem:s16+$0xAEB0] =	vst v3;
	v1 =	vld [tilespmem:s24+$0x40]  }
0xac1: {  	v3 =	vld [tilespmem:s31+$0x40]  }
0xac2: {  	[tilespmem:s0+$0xAEB0] =	vst v0  }
0xac3: {  	v0 =	vld [tilespmem:s21+$0x40];
	[tilespmem:s25+$0xAEB0] =	vst v4  }
0xac4: {  	v4 =	vld [tilespmem:s22+$0x40]  }
0xac5: {  	[tilespmem:s18+$0xAEC0] =	vst v1  }
0xac6: {  	[tilespmem:s16+$0xAEC0] =	vst v3;
	v1 =	vld [tilespmem:s24+$0x50]  }
0xac7: {  	v3 =	vld [tilespmem:s31+$0x50]  }
0xac8: {  	[tilespmem:s0+$0xAEC0] =	vst v0  }
0xac9: {  	v0 =	vld [tilespmem:s21+$0x50];
	[tilespmem:s25+$0xAEC0] =	vst v4  }
0xaca: {  	v4 =	vld [tilespmem:s22+$0x50]  }
0xacb: {  	(v2sf) =	vpush v2, $0xE;
	[tilespmem:s18+$0xAED0] =	vst v1  }
0xacc: {  	[tilespmem:s16+$0xAED0] =	vst v3;
	v1 =	vld [tilespmem:s24+$0x60]  }
0xacd: {  	v3 =	vld [tilespmem:s31+$0x60]  }
0xace: {  	[tilespmem:s0+$0xAED0] =	vst v0  }
0xacf: {  	v0 =	vld [tilespmem:s21+$0x60];
	[tilespmem:s25+$0xAED0] =	vst v4  }
0xad0: {  	v4 =	vld [tilespmem:s22+$0x60]  }
0xad1: {  	[tilespmem:s18+$0xAEE0] =	vst v1  }
0xad2: {  	[tilespmem:s16+$0xAEE0] =	vst v3;
	v1 =	vld [tilespmem:s24+$0x70]  }
0xad3: {  	v3 =	vld [tilespmem:s31+$0x70]  }
0xad4: {  	[tilespmem:s0+$0xAEE0] =	vst v0  }
0xad5: {  	v0 =	vld [tilespmem:s21+$0x70];
	[tilespmem:s25+$0xAEE0] =	vst v4  }
0xad6: {  	v4 =	vld [tilespmem:s22+$0x70]  }
0xad7: {  	[tilespmem:s18+$0xAEF0] =	vst v1  }
0xad8: {  	[tilespmem:s16+$0xAEF0] =	vst v3;
	v1 =	vld [tilespmem:s30+$0x0]  }
0xad9: {  	v3 =	vld [tilespmem:s29+$0x0]  }
0xada: {  	s23 =	spop (v2sf);
	[tilespmem:s0+$0xAEF0] =	vst v0  }
0xadb: {  	v0 =	vld [tilespmem:s23+$0x0];
	[tilespmem:s25+$0xAEF0] =	vst v4  }
0xadc: {  	v4 =	vld [tilespmem:s11+$0x0]  }
0xadd: {  	[tilespmem:s18+$0xAF00] =	vst v1  }
0xade: {  	[tilespmem:s16+$0xAF00] =	vst v3;
	v1 =	vld [tilespmem:s30+$0x10]  }
0xadf: {  	v3 =	vld [tilespmem:s29+$0x10]  }
0xae0: {  	[tilespmem:s0+$0xAF00] =	vst v0  }
0xae1: {  	v0 =	vld [tilespmem:s23+$0x10];
	[tilespmem:s25+$0xAF00] =	vst v4  }
0xae2: {  	v4 =	vld [tilespmem:s11+$0x10]  }
0xae3: {  	[tilespmem:s18+$0xAF10] =	vst v1  }
0xae4: {  	[tilespmem:s16+$0xAF10] =	vst v3;
	v1 =	vld [tilespmem:s30+$0x20]  }
0xae5: {  	v3 =	vld [tilespmem:s29+$0x20]  }
0xae6: {  	[tilespmem:s0+$0xAF10] =	vst v0  }
0xae7: {  	v0 =	vld [tilespmem:s23+$0x20];
	[tilespmem:s25+$0xAF10] =	vst v4  }
0xae8: {  	v4 =	vld [tilespmem:s11+$0x20]  }
0xae9: {  	[tilespmem:s18+$0xAF20] =	vst v1  }
0xaea: {  	[tilespmem:s16+$0xAF20] =	vst v3;
	v1 =	vld [tilespmem:s30+$0x30]  }
0xaeb: {  	v3 =	vld [tilespmem:s29+$0x30]  }
0xaec: {  	[tilespmem:s0+$0xAF20] =	vst v0  }
0xaed: {  	v0 =	vld [tilespmem:s23+$0x30];
	[tilespmem:s25+$0xAF20] =	vst v4  }
0xaee: {  	v4 =	vld [tilespmem:s11+$0x30]  }
0xaef: {  	[tilespmem:s18+$0xAF30] =	vst v1  }
0xaf0: {  	[tilespmem:s16+$0xAF30] =	vst v3;
	v1 =	vld [tilespmem:s30+$0x40]  }
0xaf1: {  	v3 =	vld [tilespmem:s29+$0x40]  }
0xaf2: {  	[tilespmem:s0+$0xAF30] =	vst v0  }
0xaf3: {  	v0 =	vld [tilespmem:s23+$0x40];
	[tilespmem:s25+$0xAF30] =	vst v4  }
0xaf4: {  	v4 =	vld [tilespmem:s11+$0x40]  }
0xaf5: {  	[tilespmem:s18+$0xAF40] =	vst v1  }
0xaf6: {  	[tilespmem:s16+$0xAF40] =	vst v3;
	v1 =	vld [tilespmem:s30+$0x50]  }
0xaf7: {  	v3 =	vld [tilespmem:s29+$0x50]  }
0xaf8: {  	[tilespmem:s0+$0xAF40] =	vst v0  }
0xaf9: {  	v0 =	vld [tilespmem:s23+$0x50];
	[tilespmem:s25+$0xAF40] =	vst v4  }
0xafa: {  	v4 =	vld [tilespmem:s11+$0x50]  }
0xafb: {  	(v2sf) =	vpush v2, $0xF;
	[tilespmem:s18+$0xAF50] =	vst v1  }
0xafc: {  	[tilespmem:s16+$0xAF50] =	vst v3;
	v1 =	vld [tilespmem:s30+$0x60]  }
0xafd: {  	v62 =	vld [tilespmem:s29+$0x60]  }
0xafe: {  	[tilespmem:s0+$0xAF50] =	vst v0  }
0xaff: {  	v0 =	vld [tilespmem:s23+$0x60];
	[tilespmem:s25+$0xAF50] =	vst v4  }
0xb00: {  	v63 =	vld [tilespmem:s11+$0x60]  }
0xb01: {  	[tilespmem:s18+$0xAF60] =	vst v1  }
0xb02: {  	[tilespmem:s16+$0xAF60] =	vst v62;
	v1 =	vld [tilespmem:s30+$0x70]  }
0xb03: {  	v2 =	vld [tilespmem:s29+$0x70]  }
0xb04: {  	[tilespmem:s0+$0xAF60] =	vst v0  }
0xb05: {  	v0 =	vld [tilespmem:s23+$0x70];
	[tilespmem:s25+$0xAF60] =	vst v63  }
0xb06: {  	v3 =	vld [tilespmem:s11+$0x70]  }
0xb07: {  	[tilespmem:s18+$0xAF70] =	vst v1  }
0xb08: {  	[tilespmem:s16+$0xAF70] =	vst v2  }
0xb09: {  	v1 =	vld [tilespmem:s12+$0x0];
	s24 =	rddreg [dreg:$0x17]  }
0xb0a: {  	s26 =	spop (v2sf);
	[tilespmem:s0+$0xAF70] =	vst v0;
	v2 =	vld [tilespmem:s24+$0x0]  }
0xb0b: {  	v0 =	vld [tilespmem:s26+$0x0];
	[tilespmem:s25+$0xAF70] =	vst v3  }
0xb0c: {  	v3 =	vld [tilespmem:s6+$0x0];
	_ =	sdelay $0x1  }
0xb0d: {  	[tilespmem:s18+$0xAF80] =	vst v1  }
0xb0e: {  	[tilespmem:s16+$0xAF80] =	vst v2;
	v1 =	vld [tilespmem:s12+$0x10]  }
0xb0f: {  	[tilespmem:s0+$0xAF80] =	vst v0;
	v2 =	vld [tilespmem:s24+$0x10]  }
0xb10: {  	v0 =	vld [tilespmem:s26+$0x10];
	[tilespmem:s25+$0xAF80] =	vst v3  }
0xb11: {  	v3 =	vld [tilespmem:s6+$0x10];
	_ =	sdelay $0x1  }
0xb12: {  	[tilespmem:s18+$0xAF90] =	vst v1  }
0xb13: {  	[tilespmem:s16+$0xAF90] =	vst v2;
	v1 =	vld [tilespmem:s12+$0x20]  }
0xb14: {  	[tilespmem:s0+$0xAF90] =	vst v0;
	v2 =	vld [tilespmem:s24+$0x20]  }
0xb15: {  	v0 =	vld [tilespmem:s26+$0x20];
	[tilespmem:s25+$0xAF90] =	vst v3  }
0xb16: {  	v3 =	vld [tilespmem:s6+$0x20];
	_ =	sdelay $0x1  }
0xb17: {  	[tilespmem:s18+$0xAFA0] =	vst v1  }
0xb18: {  	[tilespmem:s16+$0xAFA0] =	vst v2;
	v1 =	vld [tilespmem:s12+$0x30]  }
0xb19: {  	[tilespmem:s0+$0xAFA0] =	vst v0;
	v2 =	vld [tilespmem:s24+$0x30]  }
0xb1a: {  	v0 =	vld [tilespmem:s26+$0x30];
	[tilespmem:s25+$0xAFA0] =	vst v3  }
0xb1b: {  	v3 =	vld [tilespmem:s6+$0x30];
	_ =	sdelay $0x1  }
0xb1c: {  	[tilespmem:s18+$0xAFB0] =	vst v1  }
0xb1d: {  	[tilespmem:s16+$0xAFB0] =	vst v2;
	v1 =	vld [tilespmem:s12+$0x40]  }
0xb1e: {  	[tilespmem:s0+$0xAFB0] =	vst v0;
	v2 =	vld [tilespmem:s24+$0x40]  }
0xb1f: {  	v0 =	vld [tilespmem:s26+$0x40];
	[tilespmem:s25+$0xAFB0] =	vst v3  }
0xb20: {  	v3 =	vld [tilespmem:s6+$0x40];
	_ =	sdelay $0x1  }
0xb21: {  	[tilespmem:s18+$0xAFC0] =	vst v1  }
0xb22: {  	[tilespmem:s16+$0xAFC0] =	vst v2;
	v1 =	vld [tilespmem:s12+$0x50]  }
0xb23: {  	[tilespmem:s0+$0xAFC0] =	vst v0;
	v2 =	vld [tilespmem:s24+$0x50]  }
0xb24: {  	v0 =	vld [tilespmem:s26+$0x50];
	[tilespmem:s25+$0xAFC0] =	vst v3  }
0xb25: {  	v3 =	vld [tilespmem:s6+$0x50];
	_ =	sdelay $0x1  }
0xb26: {  	[tilespmem:s18+$0xAFD0] =	vst v1  }
0xb27: {  	[tilespmem:s16+$0xAFD0] =	vst v2;
	v1 =	vld [tilespmem:s12+$0x60]  }
0xb28: {  	[tilespmem:s0+$0xAFD0] =	vst v0;
	v2 =	vld [tilespmem:s24+$0x60]  }
0xb29: {  	v0 =	vld [tilespmem:s26+$0x60];
	[tilespmem:s25+$0xAFD0] =	vst v3  }
0xb2a: {  	v3 =	vld [tilespmem:s6+$0x60];
	_ =	sdelay $0x1  }
0xb2b: {  	[tilespmem:s18+$0xAFE0] =	vst v1  }
0xb2c: {  	v1 =	vld [tilespmem:s12+$0x70];
	[tilespmem:s16+$0xAFE0] =	vst v2  }
0xb2d: {  	[tilespmem:s0+$0xAFE0] =	vst v0;
	v2 =	vld [tilespmem:s24+$0x70]  }
0xb2e: {  	v0 =	vld [tilespmem:s26+$0x70];
	[tilespmem:s25+$0xAFE0] =	vst v3  }
0xb2f: {  	v3 =	vld [tilespmem:s6+$0x70];
	_ =	sdelay $0x1  }
0xb30: {  	[tilespmem:s18+$0xAFF0] =	vst v1  }
0xb31: {  	[tilespmem:s16+$0xAFF0] =	vst v2  }
0xb32: {  	[tilespmem:s0+$0xAFF0] =	vst v0  }
0xb33: {  	s0 =	sld [smem:$0x7ED];
	[tilespmem:s25+$0xAFF0] =	vst v3  }
0xb34: {  	s31 =	sld [smem:$0x7F6];
	_ =	sdelay $0x2  }
0xb35: {  	s21 =	sadd.s32 $0x1, s31  }
0xb36: {  	p0 =	sne.s32 s21, $0x10  }
.Ltmp2:
0xb37: {  	s28 =	sld [smem:$0x7FC];
	(pc) =	sbr.rel @p0 .LBB2_2-.Ltmp2, $4  }
0xb38: {  	_ = 	snop  }
0xb39: {  	s0 =	sshll.u32 s0, $0xC  }
0xb3a: {  	s29 =	simm.s32 $0x0;
	s30 =	simm.s32 $0xA800;
	s0 =	sadd.s32 s0, s28  }
0xb3b: {  	[hbm4b:s0+s29] =	stream.linear.scatter [tilespmem:s30], [sflag:$0x2], $0x8000, $0x38;
	[tilespmem:$0x12800] =	vst v63  }
0xb3c: {  	s0 =	simm.s32 $0x1  }
0xb3d: {  	_ =	swait.ge [sflag:s0], $0x8000  }
0xb3e: {  	[sflag:s0] =	ssyncset.done $0x0  }
0xb3f: {  	s1 =	simm.s32 $0x2;
	[sflag:s0] =	ssyncadd.s32 $0xFFFF8000  }
0xb40: {  	_ =	swait.ge [sflag:s1], $0x8000  }
0xb41: {  	s2 =	sld [smem:$0x7F9]  }
0xb42: {  	s31 =	sld [smem:$0x7FD];
	_ =	sdelay $0x1  }
0xb43: {  	s2 =	sadd.s32 $0x1, s2  }
0xb44: {  	p0 =	sne.s32 s2, s31  }
.Ltmp3:
0xb45: {  	_ = 	snop;
	(pc) =	sbr.rel @p0 .LBB2_1-.Ltmp3, $3  }
0xb46: {  	_ =	sdelay $0x1  }
0xb47: {  	[sflag:s1] =	ssyncset.done $0x0  }
0xb48: {  	[sflag:s1] =	ssyncadd.s32 $0xFFFF8000  }
0xb49: {  	_ =	sfence.sel $0x180000  }
0xb4a: {  	[bflag:$0x0] =	sbarrier.arrive $0xFFFF  }
0xb4b: {  	_ =	strace $0x90000047  }
0xb4c: {  	s0 =	stileid.u32;
	[bflag:$0x2] =	sbarrier.arrive $0xFFFF  }
0xb4d: {  	p0 =	sne.s32 s0, $0x0;
	s0 =	rddreg [dreg:$0x2]  }
0xb4e: {  	s0 =	sadd.s32 @!p0 $0x100000, s0  }
0xb4f: {  	[sflag:s0] =	ssyncadd.tile.s32 @!p0 $0x1;
	_ =	shalt  }
.Lfunc_end2:
_tile_overlayer_lowered:
.L_overlay_start_2:
0xb50: {  	(tag) =	ssettag $0x2  }
0xb51: {  	s0 =	rddreg [dreg:$0x0];
	s2 =	stileid.u32  }
0xb52: {  	s1 =	rddreg [dreg:$0x1];
	p0 =	sne.s32 s2, $0x0  }
0xb53: {  	s3 =	rddreg [dreg:$0x2];
	[bflag:$0x3] =	sbarrier.arrive $0xFFFF;
	s2 =	simm.s32 @!p0 $0x1C03  }
0xb54: {  	[timem:s3], [sflag:s2] =	dma.local @!p0 [hbm:s0], s1  }
0xb55: {  	s0 =	simm.s32 @!p0 $0x3  }
0xb56: {  	_ =	swait.ge @!p0 [sflag:s0], s1  }
0xb57: {  	s1 =	ssub.s32 @!p0 $0x0, s1;
	[sflag:s0] =	ssyncset.done @!p0 $0x0  }
0xb58: {  	[sflag:s0] =	ssyncadd.s32 @!p0 s1  }
0xb59: {  	[bflag:$0x3] =	sbarrier.arrive $0xFFFF  }
0xb5a: {  	_ =	shalt  }

</sc_bundles>
